<compile_context>
chip_gen: v7x
topology: tpu7x:2x2x1
jax: 0.10.2.dev20260603
libtpu: 0.0.44.dev20260713+nightly
codegen_flags: <defaults>
</compile_context>

<pallas_src>
import functools

import jax
import jax.numpy as jnp
from jax import lax
from jax.experimental import pallas as pl
from jax.experimental.pallas import tpu as pltpu
from jax.experimental.pallas import tpu_sc as plsc

N = 10000
E = 320000
D = 128
G = 64
C = 10
H = 768

NC = 2
NS = 16
NW = NC * NS
ET = E // NW
CHUNK = 80
NCHUNK = ET // CHUNK
NADD = N
SLAB = 640
SLAB_TAIL = N - (NS - 1) * SLAB

BLK = 1000
NBLK = N // BLK


PH_A = 63
PH_B = NCHUNK - PH_A


def _segsum_body(x_hbm, ei_hbm, out_hbm,
                 src_t, didx0, didx1, didx2, rows0, rows1, rows2, acc,
                 g0, g1, g2, s0, s1, s2, d0, d1, d2):
    c = lax.axis_index("c")
    s = lax.axis_index("s")
    w = c * NS + s
    row0 = s * SLAB
    bufs = [(didx0, rows0, d0, g0, s0),
            (didx1, rows1, d1, g1, s1),
            (didx2, rows2, d2, g2, s2)]
    pltpu.sync_copy(x_hbm.at[pl.ds(row0, SLAB_TAIL)],
                    acc.at[pl.ds(row0, SLAB_TAIL)])

    @pl.when(s < NS - 1)
    def _init_rest():
        pltpu.sync_copy(x_hbm.at[pl.ds(row0 + SLAB_TAIL, SLAB - SLAB_TAIL)],
                        acc.at[pl.ds(row0 + SLAB_TAIL, SLAB - SLAB_TAIL)])

    plsc.subcore_barrier()

    def drain(buf):
        pltpu.make_async_copy(x_hbm.at[pl.ds(0, CHUNK)], buf[1], buf[4]).wait()

    def _phase(cbase, nch, first):
        eb = w * ET + cbase * CHUNK
        pltpu.sync_copy(ei_hbm.at[pl.ds(eb, nch * CHUNK)],
                        src_t.at[pl.ds(0, nch * CHUNK)])

        def fire(j, buf):
            didx, rows, dsem, gsem, ssem = buf
            dd = pltpu.async_copy(
                ei_hbm.at[pl.ds(E + eb + j * CHUNK, CHUNK)], didx, dsem)
            cp = pltpu.async_copy(
                x_hbm.at[src_t.at[pl.ds(j * CHUNK, CHUNK)]], rows, gsem)
            return dd, cp

        def scat(buf, h):
            didx, rows, dsem, gsem, ssem = buf
            dd, cp = h
            cp.wait()
            dd.wait()
            pltpu.async_copy(rows, acc.at[didx], ssem, add=True)

        def group(i, dr):
            j = 3 * i
            if dr:
                drain(bufs[0])
            f0 = fire(j, bufs[0])
            if dr:
                drain(bufs[1])
            f1 = fire(j + 1, bufs[1])
            scat(bufs[0], f0)
            if dr:
                drain(bufs[2])
            f2 = fire(j + 2, bufs[2])
            scat(bufs[1], f1)
            scat(bufs[2], f2)

        group(0, dr=not first)
        ngr = nch // 3
        lax.fori_loop(1, ngr, lambda i, cy: (group(i, True), cy)[1], 0)
        for k in range(nch - 3 * ngr):
            j = 3 * ngr + k
            drain(bufs[k])
            f = fire(j, bufs[k])
            scat(bufs[k], f)

    _phase(0, PH_A, first=True)
    _phase(PH_A, PH_B, first=False)
    for b in bufs:
        drain(b)
    plsc.subcore_barrier()
    pltpu.sync_copy(acc.at[pl.ds(row0, SLAB_TAIL)],
                    out_hbm.at[c, pl.ds(row0, SLAB_TAIL)])

    @pl.when(s < NS - 1)
    def _write_rest():
        pltpu.sync_copy(acc.at[pl.ds(row0 + SLAB_TAIL, SLAB - SLAB_TAIL)],
                        out_hbm.at[c, pl.ds(row0 + SLAB_TAIL, SLAB - SLAB_TAIL)])


@functools.lru_cache(maxsize=1)
def _make_segsum():
  return pl.kernel(
    _segsum_body,
    out_type=jax.ShapeDtypeStruct((NC, N, D), jnp.float32),
    mesh=plsc.VectorSubcoreMesh(core_axis_name="c", subcore_axis_name="s"),
    scratch_types=[
        pltpu.VMEM((PH_A * CHUNK,), jnp.int32),
        pltpu.VMEM((CHUNK,), jnp.int32),
        pltpu.VMEM((CHUNK,), jnp.int32),
        pltpu.VMEM((CHUNK,), jnp.int32),
        pltpu.VMEM((CHUNK, D), jnp.float32),
        pltpu.VMEM((CHUNK, D), jnp.float32),
        pltpu.VMEM((CHUNK, D), jnp.float32),
        pltpu.VMEM_SHARED((NADD, D), jnp.float32),
    ] + [pltpu.SemaphoreType.DMA] * 9,
    name="segsum_sc",
  )


def _tc1_body(x_ref, p_ref, w1a_ref, b1a_ref, w1b_ref, b1b_ref,
              lng_ref, lnb_ref, o_ref):
    h0 = p_ref[0] + p_ref[1] - x_ref[...]
    t = jnp.dot(h0, w1a_ref[...], preferred_element_type=jnp.float32)
    t = jnp.maximum(t + b1a_ref[...], 0.0)
    h1 = jnp.dot(t, w1b_ref[...], preferred_element_type=jnp.float32)
    h1 = h1 + b1b_ref[...]
    m = jnp.sum(h1, axis=-1, keepdims=True) * (1.0 / D)
    d = h1 - m
    v = jnp.sum(d * d, axis=-1, keepdims=True) * (1.0 / D)
    hn = d * lax.rsqrt(v + 1e-5) * lng_ref[...] + lnb_ref[...]
    o_ref[...] = jnp.where(hn > 0, hn, 0.2 * hn)


def _tc1(x, p, w1a, b1a, w1b, b1b, lng, lnb):
    row_spec = pl.BlockSpec((BLK, D), lambda i: (i, 0))
    p_spec = pl.BlockSpec((NC, BLK, D), lambda i: (0, i, 0))
    full = lambda a: pl.BlockSpec(a.shape, lambda i: (0,) * a.ndim)
    return pl.pallas_call(
        _tc1_body,
        grid=(NBLK,),
        in_specs=[row_spec, p_spec,
                  full(w1a), full(b1a), full(w1b), full(b1b),
                  full(lng), full(lnb)],
        out_specs=row_spec,
        out_shape=jax.ShapeDtypeStruct((N, D), jnp.float32),
    )(x, p, w1a, b1a, w1b, b1b, lng, lnb)


def _tc2_body(h_ref, q_ref, w2a_ref, b2a_ref, w2b_ref, b2b_ref, bt_ref,
              sw1_ref, sb1_ref, slng_ref, slnb_ref, sw2_ref, sb2_ref,
              o_ref, pool_ref):
    i = pl.program_id(0)

    @pl.when(i == 0)
    def _init():
        pool_ref[...] = jnp.full((G, D), -jnp.inf, jnp.float32)

    h0 = q_ref[0] + q_ref[1] - h_ref[...]
    t = jnp.dot(h0, w2a_ref[...], preferred_element_type=jnp.float32)
    t = jnp.maximum(t + b2a_ref[...], 0.0)
    h2 = jnp.dot(t, w2b_ref[...], preferred_element_type=jnp.float32)
    h2 = h2 + b2b_ref[...]
    h2 = jnp.where(h2 > 0, h2, 0.2 * h2)
    bt = bt_ref[...]
    g_lo = bt[0, 0]
    g_hi = bt[BLK - 1, 0]
    for g in range(G):
        @pl.when((g_lo <= g) & (g <= g_hi))
        def _upd(g=g):
            mg = jnp.max(jnp.where(bt == g, h2, -jnp.inf), axis=0,
                         keepdims=True)
            pool_ref[pl.ds(g, 1), :] = jnp.maximum(pool_ref[pl.ds(g, 1), :],
                                                   mg)

    @pl.when(i == NBLK - 1)
    def _head():
        z = jnp.dot(pool_ref[...], sw1_ref[...],
                    preferred_element_type=jnp.float32)
        z = z + sb1_ref[...]
        m = jnp.sum(z, axis=-1, keepdims=True) * (1.0 / H)
        d = z - m
        v = jnp.sum(d * d, axis=-1, keepdims=True) * (1.0 / H)
        z = d * lax.rsqrt(v + 1e-5) * slng_ref[...] + slnb_ref[...]
        z = jnp.where(z > 0, z, 0.2 * z)
        logits = jnp.dot(z, sw2_ref[...], preferred_element_type=jnp.float32)
        logits = logits + sb2_ref[...]
        mx = jnp.max(logits, axis=-1, keepdims=True)
        e = jnp.exp(logits - mx)
        o_ref[...] = e / jnp.sum(e, axis=-1, keepdims=True)


def _tc2(h, q, w2a, b2a, w2b, b2b, batch2d, sw1, sb1, slng, slnb, sw2, sb2):
    row_spec = pl.BlockSpec((BLK, D), lambda i: (i, 0))
    q_spec = pl.BlockSpec((NC, BLK, D), lambda i: (0, i, 0))
    full = lambda a: pl.BlockSpec(a.shape, lambda i: (0,) * a.ndim)
    return pl.pallas_call(
        _tc2_body,
        grid=(NBLK,),
        in_specs=[row_spec, q_spec,
                  full(w2a), full(b2a), full(w2b), full(b2b),
                  pl.BlockSpec((BLK, 1), lambda i: (i, 0)),
                  full(sw1), full(sb1), full(slng), full(slnb),
                  full(sw2), full(sb2)],
        out_specs=pl.BlockSpec((G, C), lambda i: (0, 0)),
        out_shape=jax.ShapeDtypeStruct((G, C), jnp.float32),
        scratch_shapes=[pltpu.VMEM((G, D), jnp.float32)],
    )(h, q, w2a, b2a, w2b, b2b, batch2d, sw1, sb1, slng, slnb, sw2, sb2)


def kernel(x, edge_index, batch, W1a, b1a, W1b, b1b, lng, lnb,
           W2a, b2a, W2b, b2b, Sw1, Sb1, Slng, Slnb, Sw2, Sb2):
    ei = edge_index.reshape(2 * E)
    _segsum = _make_segsum()
    p = _segsum(x, ei)
    h = _tc1(x, p, W1a, b1a.reshape(1, D), W1b, b1b.reshape(1, D),
             lng.reshape(1, D), lnb.reshape(1, D))
    q = _segsum(h, ei)
    return _tc2(h, q, W2a, b2a.reshape(1, D), W2b, b2b.reshape(1, D),
                batch.reshape(N, 1), Sw1, Sb1.reshape(1, H),
                Slng.reshape(1, H), Slnb.reshape(1, H), Sw2,
                Sb2.reshape(1, C))

# --- scband reference (transcript-rebuilt; emitter-appended) ---
"""Pipeline reference for scband-gin-49460843381582 (READ-ONLY COPY).

The authoritative reference and input builder live on the scoring server;
editing this copy changes nothing except your own understanding.
"""

import jax, jax.numpy as jnp
import numpy as np

N = 10000; E = 320000; D = 128; G = 64; C = 10; H = 768

def _ln(v, g, b):
    m = v.mean(-1, keepdims=True)
    s = v.var(-1, keepdims=True)
    return (v - m) / jnp.sqrt(s + 1e-5) * g + b

def _lrelu(v):
    return jnp.where(v > 0, v, 0.2 * v)

def setup_inputs(seed: int = 0) -> dict:
    key = jax.random.key(seed)
    ks = jax.random.split(key, 12)
    sd = 1.0 / np.sqrt(D)
    sh = 1.0 / np.sqrt(H)
    inp = {}
    inp["x"] = jax.random.normal(ks[0], (N, D), dtype=jnp.float32)
    inp["edge_index"] = jax.random.randint(ks[1], (2, E), 0, N, dtype=jnp.int32)
    inp["batch"] = jnp.sort(jax.random.randint(ks[2], (N,), 0, G, dtype=jnp.int32))
    inp["W1a"] = jax.random.normal(ks[3], (D, D), dtype=jnp.float32) * sd
    inp["b1a"] = jnp.zeros((D,), jnp.float32)
    inp["W1b"] = jax.random.normal(ks[4], (D, D), dtype=jnp.float32) * sd
    inp["b1b"] = jnp.zeros((D,), jnp.float32)
    inp["lng"] = jnp.ones((D,), jnp.float32)
    inp["lnb"] = jnp.zeros((D,), jnp.float32)
    inp["W2a"] = jax.random.normal(ks[5], (D, D), dtype=jnp.float32) * sd
    inp["b2a"] = jnp.zeros((D,), jnp.float32)
    inp["W2b"] = jax.random.normal(ks[6], (D, D), dtype=jnp.float32) * sd
    inp["b2b"] = jnp.zeros((D,), jnp.float32)
    inp["Sw1"] = jax.random.normal(ks[7], (D, H), dtype=jnp.float32) * sd
    inp["Sb1"] = jnp.zeros((H,), jnp.float32)
    inp["Slng"] = jnp.ones((H,), jnp.float32)
    inp["Slnb"] = jnp.zeros((H,), jnp.float32)
    inp["Sw2"] = jax.random.normal(ks[8], (H, C), dtype=jnp.float32) * sh
    inp["Sb2"] = jnp.zeros((C,), jnp.float32)
    return inp

def reference(x, edge_index, batch, W1a, b1a, W1b, b1b, lng, lnb, W2a, b2a, W2b, b2b, Sw1, Sb1, Slng, Slnb, Sw2, Sb2):
    src = edge_index[0]
    dst = edge_index[1]
    # GINConv 1: h = MLP((1+eps)*x + sum_{j in N(i)} x_j), eps=0
    agg1 = jax.ops.segment_sum(x[src], dst, num_segments=N)
    h = x + agg1
    h = jnp.maximum(h @ W1a + b1a, 0.0) @ W1b + b1b
    # LayerNorm + LeakyReLU(0.2)
    h = _lrelu(_ln(h, lng, lnb))
    # GINConv 2
    agg2 = jax.ops.segment_sum(h[src], dst, num_segments=N)
    h2 = h + agg2
    h2 = jnp.maximum(h2 @ W2a + b2a, 0.0) @ W2b + b2b
    h2 = _lrelu(h2)
    # global_max_pool over graph ids (dropout is identity in eval)
    pooled = jax.ops.segment_max(h2, batch, num_segments=G)
    # seq2: Linear -> LayerNorm -> Dropout(eval) -> LeakyReLU(0.2) -> Linear -> Softmax
    z = _lrelu(_ln(pooled @ Sw1 + Sb1, Slng, Slnb))
    logits = z @ Sw2 + Sb2
    return jax.nn.softmax(logits, axis=-1)

if __name__ == "__main__":
    import jax
    _d = setup_inputs()
    print(jax.jit(kernel)(*tuple(_d.values())))

</pallas_src>

<mosaic_0001>
#map = affine_map<(d0, d1) -> (0, 0)>
#map1 = affine_map<(d0, d1) -> (0)>
#map2 = affine_map<(d0, d1) -> (0, 0, 0)>
module attributes {stable_mosaic.version = 14 : i64} {
  func.func @segsum_sc(%arg0: i32, %arg1: i32, %arg2: memref<10000x128xf32, #tpu.memory_space<hbm>>, %arg3: memref<640000xi32, #tpu.memory_space<hbm>>, %arg4: memref<2x10000x128xf32, #tpu.memory_space<hbm>>, %arg5: memref<5040xi32, #tpu.memory_space<vmem>>, %arg6: memref<80xi32, #tpu.memory_space<vmem>>, %arg7: memref<80xi32, #tpu.memory_space<vmem>>, %arg8: memref<80xi32, #tpu.memory_space<vmem>>, %arg9: memref<80x128xf32, #tpu.memory_space<vmem>>, %arg10: memref<80x128xf32, #tpu.memory_space<vmem>>, %arg11: memref<80x128xf32, #tpu.memory_space<vmem>>, %arg12: memref<10000x128xf32, #tpu.memory_space<vmem_shared>>, %arg13: memref<!tpu.dma_semaphore, #tpu.memory_space<semaphore_mem>>, %arg14: memref<!tpu.dma_semaphore, #tpu.memory_space<semaphore_mem>>, %arg15: memref<!tpu.dma_semaphore, #tpu.memory_space<semaphore_mem>>, %arg16: memref<!tpu.dma_semaphore, #tpu.memory_space<semaphore_mem>>, %arg17: memref<!tpu.dma_semaphore, #tpu.memory_space<semaphore_mem>>, %arg18: memref<!tpu.dma_semaphore, #tpu.memory_space<semaphore_mem>>, %arg19: memref<!tpu.dma_semaphore, #tpu.memory_space<semaphore_mem>>, %arg20: memref<!tpu.dma_semaphore, #tpu.memory_space<semaphore_mem>>, %arg21: memref<!tpu.dma_semaphore, #tpu.memory_space<semaphore_mem>>) attributes {dimension_semantics = [#tpu.dimension_semantics<core_parallel>, #tpu.dimension_semantics<subcore_parallel>], iteration_bounds = array<i64: 2, 16>, scalar_prefetch = 0 : i64, scratch_operands = 17 : i64, tpu.core_type = #tpu.core_type<sc_vector_subcore>, window_params = [{transform_indices = #map}, {transform_indices = #map1}, {transform_indices = #map2}]} {
    %mul3A = arith.constant 16 : i32
    %mul3A_0 = arith.muli %arg0, %mul3A : i32
    %add3A = arith.addi %mul3A_0, %arg1 : i32
    %mul3A_1 = arith.constant 640 : i32
    %mul3A_2 = arith.muli %arg1, %mul3A_1 : i32
    "tpu.region"() ({
      %run_scoped3A = tpu.sem_alloc : memref<!tpu.dma_semaphore, #tpu.memory_space<semaphore_mem>>
      %dma_start3A_244 = arith.constant 0 : i32
      %dma_start3A_245 = tpu.memref_slice %arg12[%mul3A_2, %dma_start3A_244] : memref<10000x128xf32, #tpu.memory_space<vmem_shared>> -> memref<400x128xf32, #tpu.memory_space<vmem_shared>>
      %dma_start3A_246 = arith.constant 0 : i32
      %dma_start3A_247 = tpu.memref_slice %arg2[%mul3A_2, %dma_start3A_246] : memref<10000x128xf32, #tpu.memory_space<hbm>> -> memref<400x128xf32, #tpu.memory_space<hbm>>
      tpu.enqueue_dma source(%dma_start3A_247 : memref<400x128xf32, #tpu.memory_space<hbm>>) target(%dma_start3A_245 : memref<400x128xf32, #tpu.memory_space<vmem_shared>>) target_semaphore(%run_scoped3A : memref<!tpu.dma_semaphore, #tpu.memory_space<semaphore_mem>>)
      %dma_wait3A_248 = arith.constant 0 : i32
      %dma_wait3A_249 = tpu.memref_slice %arg12[%mul3A_2, %dma_wait3A_248] : memref<10000x128xf32, #tpu.memory_space<vmem_shared>> -> memref<400x128xf32, #tpu.memory_space<vmem_shared>>
      %dma_wait3A_250 = arith.constant 0 : i32
      %dma_wait3A_251 = tpu.memref_slice %arg2[%mul3A_2, %dma_wait3A_250] : memref<10000x128xf32, #tpu.memory_space<hbm>> -> memref<400x128xf32, #tpu.memory_space<hbm>>
      tpu.wait_dma2 semaphore(%run_scoped3A : memref<!tpu.dma_semaphore, #tpu.memory_space<semaphore_mem>>) src(%dma_wait3A_251 : memref<400x128xf32, #tpu.memory_space<hbm>>) dst(%dma_wait3A_249 : memref<400x128xf32, #tpu.memory_space<vmem_shared>>)
      tpu.yield
    }) : () -> ()
    %lt3A = arith.constant 15 : i32
    %lt3A_3 = arith.cmpi slt, %arg1, %lt3A : i32
    %convert_element_type3A = arith.extui %lt3A_3 : i1 to i32
    %cond3A = arith.constant 0 : i32
    %cond3A_4 = arith.cmpi ne, %convert_element_type3A, %cond3A : i32
    scf.if %cond3A_4 {
      %add3A_244 = arith.constant 400 : i32
      %add3A_245 = arith.addi %mul3A_2, %add3A_244 : i32
      %add3A_246 = arith.constant 400 : i32
      %add3A_247 = arith.addi %mul3A_2, %add3A_246 : i32
      "tpu.region"() ({
        %run_scoped3A = tpu.sem_alloc : memref<!tpu.dma_semaphore, #tpu.memory_space<semaphore_mem>>
        %dma_start3A_248 = arith.constant 0 : i32
        %dma_start3A_249 = tpu.memref_slice %arg12[%add3A_247, %dma_start3A_248] : memref<10000x128xf32, #tpu.memory_space<vmem_shared>> -> memref<240x128xf32, #tpu.memory_space<vmem_shared>>
        %dma_start3A_250 = arith.constant 0 : i32
        %dma_start3A_251 = tpu.memref_slice %arg2[%add3A_245, %dma_start3A_250] : memref<10000x128xf32, #tpu.memory_space<hbm>> -> memref<240x128xf32, #tpu.memory_space<hbm>>
        tpu.enqueue_dma source(%dma_start3A_251 : memref<240x128xf32, #tpu.memory_space<hbm>>) target(%dma_start3A_249 : memref<240x128xf32, #tpu.memory_space<vmem_shared>>) target_semaphore(%run_scoped3A : memref<!tpu.dma_semaphore, #tpu.memory_space<semaphore_mem>>)
        %dma_wait3A_252 = arith.constant 0 : i32
        %dma_wait3A_253 = tpu.memref_slice %arg12[%add3A_247, %dma_wait3A_252] : memref<10000x128xf32, #tpu.memory_space<vmem_shared>> -> memref<240x128xf32, #tpu.memory_space<vmem_shared>>
        %dma_wait3A_254 = arith.constant 0 : i32
        %dma_wait3A_255 = tpu.memref_slice %arg2[%add3A_245, %dma_wait3A_254] : memref<10000x128xf32, #tpu.memory_space<hbm>> -> memref<240x128xf32, #tpu.memory_space<hbm>>
        tpu.wait_dma2 semaphore(%run_scoped3A : memref<!tpu.dma_semaphore, #tpu.memory_space<semaphore_mem>>) src(%dma_wait3A_255 : memref<240x128xf32, #tpu.memory_space<hbm>>) dst(%dma_wait3A_253 : memref<240x128xf32, #tpu.memory_space<vmem_shared>>)
        tpu.yield
      }) : () -> ()
    } else {
    }
    %barrier3A = arith.constant 0 : index
    tpu.barrier barrier_id(%barrier3A)
    %mul3A_5 = arith.constant 10000 : i32
    %mul3A_6 = arith.muli %add3A, %mul3A_5 : i32
    %add3A_7 = arith.constant 0 : i32
    %add3A_8 = arith.addi %mul3A_6, %add3A_7 : i32
    "tpu.region"() ({
      %run_scoped3A = tpu.sem_alloc : memref<!tpu.dma_semaphore, #tpu.memory_space<semaphore_mem>>
      %dma_start3A_244 = arith.constant 0 : i32
      %dma_start3A_245 = tpu.memref_slice %arg5[%dma_start3A_244] : memref<5040xi32, #tpu.memory_space<vmem>> -> memref<5040xi32, #tpu.memory_space<vmem>>
      %dma_start3A_246 = tpu.memref_slice %arg3[%add3A_8] : memref<640000xi32, #tpu.memory_space<hbm>> -> memref<5040xi32, #tpu.memory_space<hbm>>
      %dma_start3A_247 = arith.constant 0 : i32
      %dma_start3A_248 = tpu.memref_slice %arg5[%dma_start3A_247] : memref<5040xi32, #tpu.memory_space<vmem>> -> memref<5040xi32, #tpu.memory_space<vmem>>
      %dma_start3A_249 = tpu.memref_slice %arg3[%add3A_8] : memref<640000xi32, #tpu.memory_space<hbm>> -> memref<5040xi32, #tpu.memory_space<hbm>>
      tpu.enqueue_dma source(%dma_start3A_249 : memref<5040xi32, #tpu.memory_space<hbm>>) target(%dma_start3A_248 : memref<5040xi32, #tpu.memory_space<vmem>>) target_semaphore(%run_scoped3A : memref<!tpu.dma_semaphore, #tpu.memory_space<semaphore_mem>>)
      %dma_wait3A_250 = arith.constant 0 : i32
      %dma_wait3A_251 = tpu.memref_slice %arg5[%dma_wait3A_250] : memref<5040xi32, #tpu.memory_space<vmem>> -> memref<5040xi32, #tpu.memory_space<vmem>>
      %dma_wait3A_252 = tpu.memref_slice %arg3[%add3A_8] : memref<640000xi32, #tpu.memory_space<hbm>> -> memref<5040xi32, #tpu.memory_space<hbm>>
      %dma_wait3A_253 = arith.constant 0 : i32
      %dma_wait3A_254 = tpu.memref_slice %arg5[%dma_wait3A_253] : memref<5040xi32, #tpu.memory_space<vmem>> -> memref<5040xi32, #tpu.memory_space<vmem>>
      %dma_wait3A_255 = tpu.memref_slice %arg3[%add3A_8] : memref<640000xi32, #tpu.memory_space<hbm>> -> memref<5040xi32, #tpu.memory_space<hbm>>
      tpu.wait_dma2 semaphore(%run_scoped3A : memref<!tpu.dma_semaphore, #tpu.memory_space<semaphore_mem>>) src(%dma_wait3A_255 : memref<5040xi32, #tpu.memory_space<hbm>>) dst(%dma_wait3A_254 : memref<5040xi32, #tpu.memory_space<vmem>>)
      tpu.yield
    }) : () -> ()
    %add3A_9 = arith.constant 320000 : i32
    %add3A_10 = arith.addi %add3A_9, %add3A_8 : i32
    %add3A_11 = arith.constant 0 : i32
    %add3A_12 = arith.addi %add3A_10, %add3A_11 : i32
    %dma_start3A = tpu.memref_slice %arg3[%add3A_12] : memref<640000xi32, #tpu.memory_space<hbm>> -> memref<80xi32, #tpu.memory_space<hbm>>
    %dma_start3A_13 = tpu.memref_slice %arg3[%add3A_12] : memref<640000xi32, #tpu.memory_space<hbm>> -> memref<80xi32, #tpu.memory_space<hbm>>
    tpu.enqueue_dma source(%dma_start3A_13 : memref<80xi32, #tpu.memory_space<hbm>>) target(%arg6 : memref<80xi32, #tpu.memory_space<vmem>>) target_semaphore(%arg19 : memref<!tpu.dma_semaphore, #tpu.memory_space<semaphore_mem>>)
    %dma_start3A_14 = arith.constant 0 : i32
    %dma_start3A_15 = tpu.memref_slice %arg5[%dma_start3A_14] : memref<5040xi32, #tpu.memory_space<vmem>> -> memref<80xi32, #tpu.memory_space<vmem>>
    %dma_start3A_16 = arith.constant 0 : i32
    %dma_start3A_17 = arith.constant 0 : i32
    %dma_start3A_18 = tpu.memref_slice %arg2[%dma_start3A_16, %dma_start3A_17] : memref<10000x128xf32, #tpu.memory_space<hbm>> -> memref<10000x128xf32, #tpu.memory_space<hbm>>
    tpu.enqueue_indirect_dma source(%dma_start3A_18 : memref<10000x128xf32, #tpu.memory_space<hbm>>) target(%arg9 : memref<80x128xf32, #tpu.memory_space<vmem>>) offsets(%dma_start3A_15 : memref<80xi32, #tpu.memory_space<vmem>>) semaphore(%arg13 : memref<!tpu.dma_semaphore, #tpu.memory_space<semaphore_mem>>)
    %add3A_19 = arith.constant 320000 : i32
    %add3A_20 = arith.addi %add3A_19, %add3A_8 : i32
    %add3A_21 = arith.constant 80 : i32
    %add3A_22 = arith.addi %add3A_20, %add3A_21 : i32
    %dma_start3A_23 = tpu.memref_slice %arg3[%add3A_22] : memref<640000xi32, #tpu.memory_space<hbm>> -> memref<80xi32, #tpu.memory_space<hbm>>
    %dma_start3A_24 = tpu.memref_slice %arg3[%add3A_22] : memref<640000xi32, #tpu.memory_space<hbm>> -> memref<80xi32, #tpu.memory_space<hbm>>
    tpu.enqueue_dma source(%dma_start3A_24 : memref<80xi32, #tpu.memory_space<hbm>>) target(%arg7 : memref<80xi32, #tpu.memory_space<vmem>>) target_semaphore(%arg20 : memref<!tpu.dma_semaphore, #tpu.memory_space<semaphore_mem>>)
    %dma_start3A_25 = arith.constant 80 : i32
    %dma_start3A_26 = tpu.memref_slice %arg5[%dma_start3A_25] : memref<5040xi32, #tpu.memory_space<vmem>> -> memref<80xi32, #tpu.memory_space<vmem>>
    %dma_start3A_27 = arith.constant 0 : i32
    %dma_start3A_28 = arith.constant 0 : i32
    %dma_start3A_29 = tpu.memref_slice %arg2[%dma_start3A_27, %dma_start3A_28] : memref<10000x128xf32, #tpu.memory_space<hbm>> -> memref<10000x128xf32, #tpu.memory_space<hbm>>
    tpu.enqueue_indirect_dma source(%dma_start3A_29 : memref<10000x128xf32, #tpu.memory_space<hbm>>) target(%arg10 : memref<80x128xf32, #tpu.memory_space<vmem>>) offsets(%dma_start3A_26 : memref<80xi32, #tpu.memory_space<vmem>>) semaphore(%arg14 : memref<!tpu.dma_semaphore, #tpu.memory_space<semaphore_mem>>)
    %dma_wait3A = arith.constant 0 : i32
    %dma_wait3A_30 = tpu.memref_slice %arg5[%dma_wait3A] : memref<5040xi32, #tpu.memory_space<vmem>> -> memref<80xi32, #tpu.memory_space<vmem>>
    %dma_wait3A_31 = arith.constant 0 : i32
    %dma_wait3A_32 = arith.constant 0 : i32
    %dma_wait3A_33 = tpu.memref_slice %arg2[%dma_wait3A_31, %dma_wait3A_32] : memref<10000x128xf32, #tpu.memory_space<hbm>> -> memref<10000x128xf32, #tpu.memory_space<hbm>>
    tpu.wait_indirect_dma semaphore(%arg13 : memref<!tpu.dma_semaphore, #tpu.memory_space<semaphore_mem>>) src(%dma_wait3A_33 : memref<10000x128xf32, #tpu.memory_space<hbm>>) dst(%arg9 : memref<80x128xf32, #tpu.memory_space<vmem>>)
    %dma_wait3A_34 = tpu.memref_slice %arg3[%add3A_12] : memref<640000xi32, #tpu.memory_space<hbm>> -> memref<80xi32, #tpu.memory_space<hbm>>
    %dma_wait3A_35 = tpu.memref_slice %arg3[%add3A_12] : memref<640000xi32, #tpu.memory_space<hbm>> -> memref<80xi32, #tpu.memory_space<hbm>>
    tpu.wait_dma2 semaphore(%arg19 : memref<!tpu.dma_semaphore, #tpu.memory_space<semaphore_mem>>) src(%dma_wait3A_35 : memref<80xi32, #tpu.memory_space<hbm>>) dst(%arg6 : memref<80xi32, #tpu.memory_space<vmem>>)
    %dma_start3A_36 = arith.constant 0 : i32
    %dma_start3A_37 = arith.constant 0 : i32
    %dma_start3A_38 = tpu.memref_slice %arg12[%dma_start3A_36, %dma_start3A_37] : memref<10000x128xf32, #tpu.memory_space<vmem_shared>> -> memref<10000x128xf32, #tpu.memory_space<vmem_shared>>
    tpu.enqueue_indirect_dma source(%arg9 : memref<80x128xf32, #tpu.memory_space<vmem>>) target(%dma_start3A_38 : memref<10000x128xf32, #tpu.memory_space<vmem_shared>>) offsets(%arg6 : memref<80xi32, #tpu.memory_space<vmem>>) semaphore(%arg16 : memref<!tpu.dma_semaphore, #tpu.memory_space<semaphore_mem>>) {add = true}
    %add3A_39 = arith.constant 320000 : i32
    %add3A_40 = arith.addi %add3A_39, %add3A_8 : i32
    %add3A_41 = arith.constant 160 : i32
    %add3A_42 = arith.addi %add3A_40, %add3A_41 : i32
    %dma_start3A_43 = tpu.memref_slice %arg3[%add3A_42] : memref<640000xi32, #tpu.memory_space<hbm>> -> memref<80xi32, #tpu.memory_space<hbm>>
    %dma_start3A_44 = tpu.memref_slice %arg3[%add3A_42] : memref<640000xi32, #tpu.memory_space<hbm>> -> memref<80xi32, #tpu.memory_space<hbm>>
    tpu.enqueue_dma source(%dma_start3A_44 : memref<80xi32, #tpu.memory_space<hbm>>) target(%arg8 : memref<80xi32, #tpu.memory_space<vmem>>) target_semaphore(%arg21 : memref<!tpu.dma_semaphore, #tpu.memory_space<semaphore_mem>>)
    %dma_start3A_45 = arith.constant 160 : i32
    %dma_start3A_46 = tpu.memref_slice %arg5[%dma_start3A_45] : memref<5040xi32, #tpu.memory_space<vmem>> -> memref<80xi32, #tpu.memory_space<vmem>>
    %dma_start3A_47 = arith.constant 0 : i32
    %dma_start3A_48 = arith.constant 0 : i32
    %dma_start3A_49 = tpu.memref_slice %arg2[%dma_start3A_47, %dma_start3A_48] : memref<10000x128xf32, #tpu.memory_space<hbm>> -> memref<10000x128xf32, #tpu.memory_space<hbm>>
    tpu.enqueue_indirect_dma source(%dma_start3A_49 : memref<10000x128xf32, #tpu.memory_space<hbm>>) target(%arg11 : memref<80x128xf32, #tpu.memory_space<vmem>>) offsets(%dma_start3A_46 : memref<80xi32, #tpu.memory_space<vmem>>) semaphore(%arg15 : memref<!tpu.dma_semaphore, #tpu.memory_space<semaphore_mem>>)
    %dma_wait3A_50 = arith.constant 80 : i32
    %dma_wait3A_51 = tpu.memref_slice %arg5[%dma_wait3A_50] : memref<5040xi32, #tpu.memory_space<vmem>> -> memref<80xi32, #tpu.memory_space<vmem>>
    %dma_wait3A_52 = arith.constant 0 : i32
    %dma_wait3A_53 = arith.constant 0 : i32
    %dma_wait3A_54 = tpu.memref_slice %arg2[%dma_wait3A_52, %dma_wait3A_53] : memref<10000x128xf32, #tpu.memory_space<hbm>> -> memref<10000x128xf32, #tpu.memory_space<hbm>>
    tpu.wait_indirect_dma semaphore(%arg14 : memref<!tpu.dma_semaphore, #tpu.memory_space<semaphore_mem>>) src(%dma_wait3A_54 : memref<10000x128xf32, #tpu.memory_space<hbm>>) dst(%arg10 : memref<80x128xf32, #tpu.memory_space<vmem>>)
    %dma_wait3A_55 = tpu.memref_slice %arg3[%add3A_22] : memref<640000xi32, #tpu.memory_space<hbm>> -> memref<80xi32, #tpu.memory_space<hbm>>
    %dma_wait3A_56 = tpu.memref_slice %arg3[%add3A_22] : memref<640000xi32, #tpu.memory_space<hbm>> -> memref<80xi32, #tpu.memory_space<hbm>>
    tpu.wait_dma2 semaphore(%arg20 : memref<!tpu.dma_semaphore, #tpu.memory_space<semaphore_mem>>) src(%dma_wait3A_56 : memref<80xi32, #tpu.memory_space<hbm>>) dst(%arg7 : memref<80xi32, #tpu.memory_space<vmem>>)
    %dma_start3A_57 = arith.constant 0 : i32
    %dma_start3A_58 = arith.constant 0 : i32
    %dma_start3A_59 = tpu.memref_slice %arg12[%dma_start3A_57, %dma_start3A_58] : memref<10000x128xf32, #tpu.memory_space<vmem_shared>> -> memref<10000x128xf32, #tpu.memory_space<vmem_shared>>
    tpu.enqueue_indirect_dma source(%arg10 : memref<80x128xf32, #tpu.memory_space<vmem>>) target(%dma_start3A_59 : memref<10000x128xf32, #tpu.memory_space<vmem_shared>>) offsets(%arg7 : memref<80xi32, #tpu.memory_space<vmem>>) semaphore(%arg17 : memref<!tpu.dma_semaphore, #tpu.memory_space<semaphore_mem>>) {add = true}
    %dma_wait3A_60 = arith.constant 160 : i32
    %dma_wait3A_61 = tpu.memref_slice %arg5[%dma_wait3A_60] : memref<5040xi32, #tpu.memory_space<vmem>> -> memref<80xi32, #tpu.memory_space<vmem>>
    %dma_wait3A_62 = arith.constant 0 : i32
    %dma_wait3A_63 = arith.constant 0 : i32
    %dma_wait3A_64 = tpu.memref_slice %arg2[%dma_wait3A_62, %dma_wait3A_63] : memref<10000x128xf32, #tpu.memory_space<hbm>> -> memref<10000x128xf32, #tpu.memory_space<hbm>>
    tpu.wait_indirect_dma semaphore(%arg15 : memref<!tpu.dma_semaphore, #tpu.memory_space<semaphore_mem>>) src(%dma_wait3A_64 : memref<10000x128xf32, #tpu.memory_space<hbm>>) dst(%arg11 : memref<80x128xf32, #tpu.memory_space<vmem>>)
    %dma_wait3A_65 = tpu.memref_slice %arg3[%add3A_42] : memref<640000xi32, #tpu.memory_space<hbm>> -> memref<80xi32, #tpu.memory_space<hbm>>
    %dma_wait3A_66 = tpu.memref_slice %arg3[%add3A_42] : memref<640000xi32, #tpu.memory_space<hbm>> -> memref<80xi32, #tpu.memory_space<hbm>>
    tpu.wait_dma2 semaphore(%arg21 : memref<!tpu.dma_semaphore, #tpu.memory_space<semaphore_mem>>) src(%dma_wait3A_66 : memref<80xi32, #tpu.memory_space<hbm>>) dst(%arg8 : memref<80xi32, #tpu.memory_space<vmem>>)
    %dma_start3A_67 = arith.constant 0 : i32
    %dma_start3A_68 = arith.constant 0 : i32
    %dma_start3A_69 = tpu.memref_slice %arg12[%dma_start3A_67, %dma_start3A_68] : memref<10000x128xf32, #tpu.memory_space<vmem_shared>> -> memref<10000x128xf32, #tpu.memory_space<vmem_shared>>
    tpu.enqueue_indirect_dma source(%arg11 : memref<80x128xf32, #tpu.memory_space<vmem>>) target(%dma_start3A_69 : memref<10000x128xf32, #tpu.memory_space<vmem_shared>>) offsets(%arg8 : memref<80xi32, #tpu.memory_space<vmem>>) semaphore(%arg18 : memref<!tpu.dma_semaphore, #tpu.memory_space<semaphore_mem>>) {add = true}
    %scan3A = arith.constant 0 : i32
    %scan3A_70 = arith.constant 1 : i32
    %scan3A_71 = arith.constant 20 : i32
    %scan3A_72 = arith.addi %scan3A_70, %scan3A_71 : i32
    %scan3A_73 = arith.constant 1 : i32
    scf.for %scan3A_244 = %scan3A_70 to %scan3A_72 step %scan3A_73  : i32 {
      %mul3A_245 = arith.constant 3 : i32
      %mul3A_246 = arith.muli %mul3A_245, %scan3A_244 : i32
      %dma_wait3A_247 = arith.constant 0 : i32
      %dma_wait3A_248 = arith.constant 0 : i32
      %dma_wait3A_249 = tpu.memref_slice %arg2[%dma_wait3A_247, %dma_wait3A_248] : memref<10000x128xf32, #tpu.memory_space<hbm>> -> memref<80x128xf32, #tpu.memory_space<hbm>>
      %dma_wait3A_250 = arith.constant 0 : i32
      %dma_wait3A_251 = arith.constant 0 : i32
      %dma_wait3A_252 = tpu.memref_slice %arg2[%dma_wait3A_250, %dma_wait3A_251] : memref<10000x128xf32, #tpu.memory_space<hbm>> -> memref<80x128xf32, #tpu.memory_space<hbm>>
      tpu.wait_dma2 semaphore(%arg16 : memref<!tpu.dma_semaphore, #tpu.memory_space<semaphore_mem>>) src(%dma_wait3A_252 : memref<80x128xf32, #tpu.memory_space<hbm>>) dst(%arg9 : memref<80x128xf32, #tpu.memory_space<vmem>>)
      %add3A_253 = arith.constant 320000 : i32
      %add3A_254 = arith.addi %add3A_253, %add3A_8 : i32
      %mul3A_255 = arith.constant 80 : i32
      %mul3A_256 = arith.muli %mul3A_246, %mul3A_255 : i32
      %add3A_257 = arith.addi %add3A_254, %mul3A_256 : i32
      %dma_start3A_258 = tpu.memref_slice %arg3[%add3A_257] : memref<640000xi32, #tpu.memory_space<hbm>> -> memref<80xi32, #tpu.memory_space<hbm>>
      %dma_start3A_259 = tpu.memref_slice %arg3[%add3A_257] : memref<640000xi32, #tpu.memory_space<hbm>> -> memref<80xi32, #tpu.memory_space<hbm>>
      tpu.enqueue_dma source(%dma_start3A_259 : memref<80xi32, #tpu.memory_space<hbm>>) target(%arg6 : memref<80xi32, #tpu.memory_space<vmem>>) target_semaphore(%arg19 : memref<!tpu.dma_semaphore, #tpu.memory_space<semaphore_mem>>)
      %mul3A_260 = arith.constant 80 : i32
      %mul3A_261 = arith.muli %mul3A_246, %mul3A_260 : i32
      %dma_start3A_262 = tpu.memref_slice %arg5[%mul3A_261] : memref<5040xi32, #tpu.memory_space<vmem>> -> memref<80xi32, #tpu.memory_space<vmem>>
      %dma_start3A_263 = arith.constant 0 : i32
      %dma_start3A_264 = arith.constant 0 : i32
      %dma_start3A_265 = tpu.memref_slice %arg2[%dma_start3A_263, %dma_start3A_264] : memref<10000x128xf32, #tpu.memory_space<hbm>> -> memref<10000x128xf32, #tpu.memory_space<hbm>>
      tpu.enqueue_indirect_dma source(%dma_start3A_265 : memref<10000x128xf32, #tpu.memory_space<hbm>>) target(%arg9 : memref<80x128xf32, #tpu.memory_space<vmem>>) offsets(%dma_start3A_262 : memref<80xi32, #tpu.memory_space<vmem>>) semaphore(%arg13 : memref<!tpu.dma_semaphore, #tpu.memory_space<semaphore_mem>>)
      %dma_wait3A_266 = arith.constant 0 : i32
      %dma_wait3A_267 = arith.constant 0 : i32
      %dma_wait3A_268 = tpu.memref_slice %arg2[%dma_wait3A_266, %dma_wait3A_267] : memref<10000x128xf32, #tpu.memory_space<hbm>> -> memref<80x128xf32, #tpu.memory_space<hbm>>
      %dma_wait3A_269 = arith.constant 0 : i32
      %dma_wait3A_270 = arith.constant 0 : i32
      %dma_wait3A_271 = tpu.memref_slice %arg2[%dma_wait3A_269, %dma_wait3A_270] : memref<10000x128xf32, #tpu.memory_space<hbm>> -> memref<80x128xf32, #tpu.memory_space<hbm>>
      tpu.wait_dma2 semaphore(%arg17 : memref<!tpu.dma_semaphore, #tpu.memory_space<semaphore_mem>>) src(%dma_wait3A_271 : memref<80x128xf32, #tpu.memory_space<hbm>>) dst(%arg10 : memref<80x128xf32, #tpu.memory_space<vmem>>)
      %add3A_272 = arith.constant 1 : i32
      %add3A_273 = arith.addi %mul3A_246, %add3A_272 : i32
      %add3A_274 = arith.constant 320000 : i32
      %add3A_275 = arith.addi %add3A_274, %add3A_8 : i32
      %mul3A_276 = arith.constant 80 : i32
      %mul3A_277 = arith.muli %add3A_273, %mul3A_276 : i32
      %add3A_278 = arith.addi %add3A_275, %mul3A_277 : i32
      %dma_start3A_279 = tpu.memref_slice %arg3[%add3A_278] : memref<640000xi32, #tpu.memory_space<hbm>> -> memref<80xi32, #tpu.memory_space<hbm>>
      %dma_start3A_280 = tpu.memref_slice %arg3[%add3A_278] : memref<640000xi32, #tpu.memory_space<hbm>> -> memref<80xi32, #tpu.memory_space<hbm>>
      tpu.enqueue_dma source(%dma_start3A_280 : memref<80xi32, #tpu.memory_space<hbm>>) target(%arg7 : memref<80xi32, #tpu.memory_space<vmem>>) target_semaphore(%arg20 : memref<!tpu.dma_semaphore, #tpu.memory_space<semaphore_mem>>)
      %mul3A_281 = arith.constant 80 : i32
      %mul3A_282 = arith.muli %add3A_273, %mul3A_281 : i32
      %dma_start3A_283 = tpu.memref_slice %arg5[%mul3A_282] : memref<5040xi32, #tpu.memory_space<vmem>> -> memref<80xi32, #tpu.memory_space<vmem>>
      %dma_start3A_284 = arith.constant 0 : i32
      %dma_start3A_285 = arith.constant 0 : i32
      %dma_start3A_286 = tpu.memref_slice %arg2[%dma_start3A_284, %dma_start3A_285] : memref<10000x128xf32, #tpu.memory_space<hbm>> -> memref<10000x128xf32, #tpu.memory_space<hbm>>
      tpu.enqueue_indirect_dma source(%dma_start3A_286 : memref<10000x128xf32, #tpu.memory_space<hbm>>) target(%arg10 : memref<80x128xf32, #tpu.memory_space<vmem>>) offsets(%dma_start3A_283 : memref<80xi32, #tpu.memory_space<vmem>>) semaphore(%arg14 : memref<!tpu.dma_semaphore, #tpu.memory_space<semaphore_mem>>)
      %dma_wait3A_287 = tpu.memref_slice %arg5[%mul3A_261] : memref<5040xi32, #tpu.memory_space<vmem>> -> memref<80xi32, #tpu.memory_space<vmem>>
      %dma_wait3A_288 = arith.constant 0 : i32
      %dma_wait3A_289 = arith.constant 0 : i32
      %dma_wait3A_290 = tpu.memref_slice %arg2[%dma_wait3A_288, %dma_wait3A_289] : memref<10000x128xf32, #tpu.memory_space<hbm>> -> memref<10000x128xf32, #tpu.memory_space<hbm>>
      tpu.wait_indirect_dma semaphore(%arg13 : memref<!tpu.dma_semaphore, #tpu.memory_space<semaphore_mem>>) src(%dma_wait3A_290 : memref<10000x128xf32, #tpu.memory_space<hbm>>) dst(%arg9 : memref<80x128xf32, #tpu.memory_space<vmem>>)
      %dma_wait3A_291 = tpu.memref_slice %arg3[%add3A_257] : memref<640000xi32, #tpu.memory_space<hbm>> -> memref<80xi32, #tpu.memory_space<hbm>>
      %dma_wait3A_292 = tpu.memref_slice %arg3[%add3A_257] : memref<640000xi32, #tpu.memory_space<hbm>> -> memref<80xi32, #tpu.memory_space<hbm>>
      tpu.wait_dma2 semaphore(%arg19 : memref<!tpu.dma_semaphore, #tpu.memory_space<semaphore_mem>>) src(%dma_wait3A_292 : memref<80xi32, #tpu.memory_space<hbm>>) dst(%arg6 : memref<80xi32, #tpu.memory_space<vmem>>)
      %dma_start3A_293 = arith.constant 0 : i32
      %dma_start3A_294 = arith.constant 0 : i32
      %dma_start3A_295 = tpu.memref_slice %arg12[%dma_start3A_293, %dma_start3A_294] : memref<10000x128xf32, #tpu.memory_space<vmem_shared>> -> memref<10000x128xf32, #tpu.memory_space<vmem_shared>>
      tpu.enqueue_indirect_dma source(%arg9 : memref<80x128xf32, #tpu.memory_space<vmem>>) target(%dma_start3A_295 : memref<10000x128xf32, #tpu.memory_space<vmem_shared>>) offsets(%arg6 : memref<80xi32, #tpu.memory_space<vmem>>) semaphore(%arg16 : memref<!tpu.dma_semaphore, #tpu.memory_space<semaphore_mem>>) {add = true}
      %dma_wait3A_296 = arith.constant 0 : i32
      %dma_wait3A_297 = arith.constant 0 : i32
      %dma_wait3A_298 = tpu.memref_slice %arg2[%dma_wait3A_296, %dma_wait3A_297] : memref<10000x128xf32, #tpu.memory_space<hbm>> -> memref<80x128xf32, #tpu.memory_space<hbm>>
      %dma_wait3A_299 = arith.constant 0 : i32
      %dma_wait3A_300 = arith.constant 0 : i32
      %dma_wait3A_301 = tpu.memref_slice %arg2[%dma_wait3A_299, %dma_wait3A_300] : memref<10000x128xf32, #tpu.memory_space<hbm>> -> memref<80x128xf32, #tpu.memory_space<hbm>>
      tpu.wait_dma2 semaphore(%arg18 : memref<!tpu.dma_semaphore, #tpu.memory_space<semaphore_mem>>) src(%dma_wait3A_301 : memref<80x128xf32, #tpu.memory_space<hbm>>) dst(%arg11 : memref<80x128xf32, #tpu.memory_space<vmem>>)
      %add3A_302 = arith.constant 2 : i32
      %add3A_303 = arith.addi %mul3A_246, %add3A_302 : i32
      %add3A_304 = arith.constant 320000 : i32
      %add3A_305 = arith.addi %add3A_304, %add3A_8 : i32
      %mul3A_306 = arith.constant 80 : i32
      %mul3A_307 = arith.muli %add3A_303, %mul3A_306 : i32
      %add3A_308 = arith.addi %add3A_305, %mul3A_307 : i32
      %dma_start3A_309 = tpu.memref_slice %arg3[%add3A_308] : memref<640000xi32, #tpu.memory_space<hbm>> -> memref<80xi32, #tpu.memory_space<hbm>>
      %dma_start3A_310 = tpu.memref_slice %arg3[%add3A_308] : memref<640000xi32, #tpu.memory_space<hbm>> -> memref<80xi32, #tpu.memory_space<hbm>>
      tpu.enqueue_dma source(%dma_start3A_310 : memref<80xi32, #tpu.memory_space<hbm>>) target(%arg8 : memref<80xi32, #tpu.memory_space<vmem>>) target_semaphore(%arg21 : memref<!tpu.dma_semaphore, #tpu.memory_space<semaphore_mem>>)
      %mul3A_311 = arith.constant 80 : i32
      %mul3A_312 = arith.muli %add3A_303, %mul3A_311 : i32
      %dma_start3A_313 = tpu.memref_slice %arg5[%mul3A_312] : memref<5040xi32, #tpu.memory_space<vmem>> -> memref<80xi32, #tpu.memory_space<vmem>>
      %dma_start3A_314 = arith.constant 0 : i32
      %dma_start3A_315 = arith.constant 0 : i32
      %dma_start3A_316 = tpu.memref_slice %arg2[%dma_start3A_314, %dma_start3A_315] : memref<10000x128xf32, #tpu.memory_space<hbm>> -> memref<10000x128xf32, #tpu.memory_space<hbm>>
      tpu.enqueue_indirect_dma source(%dma_start3A_316 : memref<10000x128xf32, #tpu.memory_space<hbm>>) target(%arg11 : memref<80x128xf32, #tpu.memory_space<vmem>>) offsets(%dma_start3A_313 : memref<80xi32, #tpu.memory_space<vmem>>) semaphore(%arg15 : memref<!tpu.dma_semaphore, #tpu.memory_space<semaphore_mem>>)
      %dma_wait3A_317 = tpu.memref_slice %arg5[%mul3A_282] : memref<5040xi32, #tpu.memory_space<vmem>> -> memref<80xi32, #tpu.memory_space<vmem>>
      %dma_wait3A_318 = arith.constant 0 : i32
      %dma_wait3A_319 = arith.constant 0 : i32
      %dma_wait3A_320 = tpu.memref_slice %arg2[%dma_wait3A_318, %dma_wait3A_319] : memref<10000x128xf32, #tpu.memory_space<hbm>> -> memref<10000x128xf32, #tpu.memory_space<hbm>>
      tpu.wait_indirect_dma semaphore(%arg14 : memref<!tpu.dma_semaphore, #tpu.memory_space<semaphore_mem>>) src(%dma_wait3A_320 : memref<10000x128xf32, #tpu.memory_space<hbm>>) dst(%arg10 : memref<80x128xf32, #tpu.memory_space<vmem>>)
      %dma_wait3A_321 = tpu.memref_slice %arg3[%add3A_278] : memref<640000xi32, #tpu.memory_space<hbm>> -> memref<80xi32, #tpu.memory_space<hbm>>
      %dma_wait3A_322 = tpu.memref_slice %arg3[%add3A_278] : memref<640000xi32, #tpu.memory_space<hbm>> -> memref<80xi32, #tpu.memory_space<hbm>>
      tpu.wait_dma2 semaphore(%arg20 : memref<!tpu.dma_semaphore, #tpu.memory_space<semaphore_mem>>) src(%dma_wait3A_322 : memref<80xi32, #tpu.memory_space<hbm>>) dst(%arg7 : memref<80xi32, #tpu.memory_space<vmem>>)
      %dma_start3A_323 = arith.constant 0 : i32
      %dma_start3A_324 = arith.constant 0 : i32
      %dma_start3A_325 = tpu.memref_slice %arg12[%dma_start3A_323, %dma_start3A_324] : memref<10000x128xf32, #tpu.memory_space<vmem_shared>> -> memref<10000x128xf32, #tpu.memory_space<vmem_shared>>
      tpu.enqueue_indirect_dma source(%arg10 : memref<80x128xf32, #tpu.memory_space<vmem>>) target(%dma_start3A_325 : memref<10000x128xf32, #tpu.memory_space<vmem_shared>>) offsets(%arg7 : memref<80xi32, #tpu.memory_space<vmem>>) semaphore(%arg17 : memref<!tpu.dma_semaphore, #tpu.memory_space<semaphore_mem>>) {add = true}
      %dma_wait3A_326 = tpu.memref_slice %arg5[%mul3A_312] : memref<5040xi32, #tpu.memory_space<vmem>> -> memref<80xi32, #tpu.memory_space<vmem>>
      %dma_wait3A_327 = arith.constant 0 : i32
      %dma_wait3A_328 = arith.constant 0 : i32
      %dma_wait3A_329 = tpu.memref_slice %arg2[%dma_wait3A_327, %dma_wait3A_328] : memref<10000x128xf32, #tpu.memory_space<hbm>> -> memref<10000x128xf32, #tpu.memory_space<hbm>>
      tpu.wait_indirect_dma semaphore(%arg15 : memref<!tpu.dma_semaphore, #tpu.memory_space<semaphore_mem>>) src(%dma_wait3A_329 : memref<10000x128xf32, #tpu.memory_space<hbm>>) dst(%arg11 : memref<80x128xf32, #tpu.memory_space<vmem>>)
      %dma_wait3A_330 = tpu.memref_slice %arg3[%add3A_308] : memref<640000xi32, #tpu.memory_space<hbm>> -> memref<80xi32, #tpu.memory_space<hbm>>
      %dma_wait3A_331 = tpu.memref_slice %arg3[%add3A_308] : memref<640000xi32, #tpu.memory_space<hbm>> -> memref<80xi32, #tpu.memory_space<hbm>>
      tpu.wait_dma2 semaphore(%arg21 : memref<!tpu.dma_semaphore, #tpu.memory_space<semaphore_mem>>) src(%dma_wait3A_331 : memref<80xi32, #tpu.memory_space<hbm>>) dst(%arg8 : memref<80xi32, #tpu.memory_space<vmem>>)
      %dma_start3A_332 = arith.constant 0 : i32
      %dma_start3A_333 = arith.constant 0 : i32
      %dma_start3A_334 = tpu.memref_slice %arg12[%dma_start3A_332, %dma_start3A_333] : memref<10000x128xf32, #tpu.memory_space<vmem_shared>> -> memref<10000x128xf32, #tpu.memory_space<vmem_shared>>
      tpu.enqueue_indirect_dma source(%arg11 : memref<80x128xf32, #tpu.memory_space<vmem>>) target(%dma_start3A_334 : memref<10000x128xf32, #tpu.memory_space<vmem_shared>>) offsets(%arg8 : memref<80xi32, #tpu.memory_space<vmem>>) semaphore(%arg18 : memref<!tpu.dma_semaphore, #tpu.memory_space<semaphore_mem>>) {add = true}
    }
    %scan3A_74 = arith.constant 20 : i32
    %mul3A_75 = arith.constant 10000 : i32
    %mul3A_76 = arith.muli %add3A, %mul3A_75 : i32
    %add3A_77 = arith.constant 5040 : i32
    %add3A_78 = arith.addi %mul3A_76, %add3A_77 : i32
    "tpu.region"() ({
      %run_scoped3A = tpu.sem_alloc : memref<!tpu.dma_semaphore, #tpu.memory_space<semaphore_mem>>
      %dma_start3A_244 = arith.constant 0 : i32
      %dma_start3A_245 = tpu.memref_slice %arg5[%dma_start3A_244] : memref<5040xi32, #tpu.memory_space<vmem>> -> memref<4960xi32, #tpu.memory_space<vmem>>
      %dma_start3A_246 = tpu.memref_slice %arg3[%add3A_78] : memref<640000xi32, #tpu.memory_space<hbm>> -> memref<4960xi32, #tpu.memory_space<hbm>>
      %dma_start3A_247 = arith.constant 0 : i32
      %dma_start3A_248 = tpu.memref_slice %arg5[%dma_start3A_247] : memref<5040xi32, #tpu.memory_space<vmem>> -> memref<4960xi32, #tpu.memory_space<vmem>>
      %dma_start3A_249 = tpu.memref_slice %arg3[%add3A_78] : memref<640000xi32, #tpu.memory_space<hbm>> -> memref<4960xi32, #tpu.memory_space<hbm>>
      tpu.enqueue_dma source(%dma_start3A_249 : memref<4960xi32, #tpu.memory_space<hbm>>) target(%dma_start3A_248 : memref<4960xi32, #tpu.memory_space<vmem>>) target_semaphore(%run_scoped3A : memref<!tpu.dma_semaphore, #tpu.memory_space<semaphore_mem>>)
      %dma_wait3A_250 = arith.constant 0 : i32
      %dma_wait3A_251 = tpu.memref_slice %arg5[%dma_wait3A_250] : memref<5040xi32, #tpu.memory_space<vmem>> -> memref<4960xi32, #tpu.memory_space<vmem>>
      %dma_wait3A_252 = tpu.memref_slice %arg3[%add3A_78] : memref<640000xi32, #tpu.memory_space<hbm>> -> memref<4960xi32, #tpu.memory_space<hbm>>
      %dma_wait3A_253 = arith.constant 0 : i32
      %dma_wait3A_254 = tpu.memref_slice %arg5[%dma_wait3A_253] : memref<5040xi32, #tpu.memory_space<vmem>> -> memref<4960xi32, #tpu.memory_space<vmem>>
      %dma_wait3A_255 = tpu.memref_slice %arg3[%add3A_78] : memref<640000xi32, #tpu.memory_space<hbm>> -> memref<4960xi32, #tpu.memory_space<hbm>>
      tpu.wait_dma2 semaphore(%run_scoped3A : memref<!tpu.dma_semaphore, #tpu.memory_space<semaphore_mem>>) src(%dma_wait3A_255 : memref<4960xi32, #tpu.memory_space<hbm>>) dst(%dma_wait3A_254 : memref<4960xi32, #tpu.memory_space<vmem>>)
      tpu.yield
    }) : () -> ()
    %dma_wait3A_79 = arith.constant 0 : i32
    %dma_wait3A_80 = arith.constant 0 : i32
    %dma_wait3A_81 = tpu.memref_slice %arg2[%dma_wait3A_79, %dma_wait3A_80] : memref<10000x128xf32, #tpu.memory_space<hbm>> -> memref<80x128xf32, #tpu.memory_space<hbm>>
    %dma_wait3A_82 = arith.constant 0 : i32
    %dma_wait3A_83 = arith.constant 0 : i32
    %dma_wait3A_84 = tpu.memref_slice %arg2[%dma_wait3A_82, %dma_wait3A_83] : memref<10000x128xf32, #tpu.memory_space<hbm>> -> memref<80x128xf32, #tpu.memory_space<hbm>>
    tpu.wait_dma2 semaphore(%arg16 : memref<!tpu.dma_semaphore, #tpu.memory_space<semaphore_mem>>) src(%dma_wait3A_84 : memref<80x128xf32, #tpu.memory_space<hbm>>) dst(%arg9 : memref<80x128xf32, #tpu.memory_space<vmem>>)
    %add3A_85 = arith.constant 320000 : i32
    %add3A_86 = arith.addi %add3A_85, %add3A_78 : i32
    %add3A_87 = arith.constant 0 : i32
    %add3A_88 = arith.addi %add3A_86, %add3A_87 : i32
    %dma_start3A_89 = tpu.memref_slice %arg3[%add3A_88] : memref<640000xi32, #tpu.memory_space<hbm>> -> memref<80xi32, #tpu.memory_space<hbm>>
    %dma_start3A_90 = tpu.memref_slice %arg3[%add3A_88] : memref<640000xi32, #tpu.memory_space<hbm>> -> memref<80xi32, #tpu.memory_space<hbm>>
    tpu.enqueue_dma source(%dma_start3A_90 : memref<80xi32, #tpu.memory_space<hbm>>) target(%arg6 : memref<80xi32, #tpu.memory_space<vmem>>) target_semaphore(%arg19 : memref<!tpu.dma_semaphore, #tpu.memory_space<semaphore_mem>>)
    %dma_start3A_91 = arith.constant 0 : i32
    %dma_start3A_92 = tpu.memref_slice %arg5[%dma_start3A_91] : memref<5040xi32, #tpu.memory_space<vmem>> -> memref<80xi32, #tpu.memory_space<vmem>>
    %dma_start3A_93 = arith.constant 0 : i32
    %dma_start3A_94 = arith.constant 0 : i32
    %dma_start3A_95 = tpu.memref_slice %arg2[%dma_start3A_93, %dma_start3A_94] : memref<10000x128xf32, #tpu.memory_space<hbm>> -> memref<10000x128xf32, #tpu.memory_space<hbm>>
    tpu.enqueue_indirect_dma source(%dma_start3A_95 : memref<10000x128xf32, #tpu.memory_space<hbm>>) target(%arg9 : memref<80x128xf32, #tpu.memory_space<vmem>>) offsets(%dma_start3A_92 : memref<80xi32, #tpu.memory_space<vmem>>) semaphore(%arg13 : memref<!tpu.dma_semaphore, #tpu.memory_space<semaphore_mem>>)
    %dma_wait3A_96 = arith.constant 0 : i32
    %dma_wait3A_97 = arith.constant 0 : i32
    %dma_wait3A_98 = tpu.memref_slice %arg2[%dma_wait3A_96, %dma_wait3A_97] : memref<10000x128xf32, #tpu.memory_space<hbm>> -> memref<80x128xf32, #tpu.memory_space<hbm>>
    %dma_wait3A_99 = arith.constant 0 : i32
    %dma_wait3A_100 = arith.constant 0 : i32
    %dma_wait3A_101 = tpu.memref_slice %arg2[%dma_wait3A_99, %dma_wait3A_100] : memref<10000x128xf32, #tpu.memory_space<hbm>> -> memref<80x128xf32, #tpu.memory_space<hbm>>
    tpu.wait_dma2 semaphore(%arg17 : memref<!tpu.dma_semaphore, #tpu.memory_space<semaphore_mem>>) src(%dma_wait3A_101 : memref<80x128xf32, #tpu.memory_space<hbm>>) dst(%arg10 : memref<80x128xf32, #tpu.memory_space<vmem>>)
    %add3A_102 = arith.constant 320000 : i32
    %add3A_103 = arith.addi %add3A_102, %add3A_78 : i32
    %add3A_104 = arith.constant 80 : i32
    %add3A_105 = arith.addi %add3A_103, %add3A_104 : i32
    %dma_start3A_106 = tpu.memref_slice %arg3[%add3A_105] : memref<640000xi32, #tpu.memory_space<hbm>> -> memref<80xi32, #tpu.memory_space<hbm>>
    %dma_start3A_107 = tpu.memref_slice %arg3[%add3A_105] : memref<640000xi32, #tpu.memory_space<hbm>> -> memref<80xi32, #tpu.memory_space<hbm>>
    tpu.enqueue_dma source(%dma_start3A_107 : memref<80xi32, #tpu.memory_space<hbm>>) target(%arg7 : memref<80xi32, #tpu.memory_space<vmem>>) target_semaphore(%arg20 : memref<!tpu.dma_semaphore, #tpu.memory_space<semaphore_mem>>)
    %dma_start3A_108 = arith.constant 80 : i32
    %dma_start3A_109 = tpu.memref_slice %arg5[%dma_start3A_108] : memref<5040xi32, #tpu.memory_space<vmem>> -> memref<80xi32, #tpu.memory_space<vmem>>
    %dma_start3A_110 = arith.constant 0 : i32
    %dma_start3A_111 = arith.constant 0 : i32
    %dma_start3A_112 = tpu.memref_slice %arg2[%dma_start3A_110, %dma_start3A_111] : memref<10000x128xf32, #tpu.memory_space<hbm>> -> memref<10000x128xf32, #tpu.memory_space<hbm>>
    tpu.enqueue_indirect_dma source(%dma_start3A_112 : memref<10000x128xf32, #tpu.memory_space<hbm>>) target(%arg10 : memref<80x128xf32, #tpu.memory_space<vmem>>) offsets(%dma_start3A_109 : memref<80xi32, #tpu.memory_space<vmem>>) semaphore(%arg14 : memref<!tpu.dma_semaphore, #tpu.memory_space<semaphore_mem>>)
    %dma_wait3A_113 = arith.constant 0 : i32
    %dma_wait3A_114 = tpu.memref_slice %arg5[%dma_wait3A_113] : memref<5040xi32, #tpu.memory_space<vmem>> -> memref<80xi32, #tpu.memory_space<vmem>>
    %dma_wait3A_115 = arith.constant 0 : i32
    %dma_wait3A_116 = arith.constant 0 : i32
    %dma_wait3A_117 = tpu.memref_slice %arg2[%dma_wait3A_115, %dma_wait3A_116] : memref<10000x128xf32, #tpu.memory_space<hbm>> -> memref<10000x128xf32, #tpu.memory_space<hbm>>
    tpu.wait_indirect_dma semaphore(%arg13 : memref<!tpu.dma_semaphore, #tpu.memory_space<semaphore_mem>>) src(%dma_wait3A_117 : memref<10000x128xf32, #tpu.memory_space<hbm>>) dst(%arg9 : memref<80x128xf32, #tpu.memory_space<vmem>>)
    %dma_wait3A_118 = tpu.memref_slice %arg3[%add3A_88] : memref<640000xi32, #tpu.memory_space<hbm>> -> memref<80xi32, #tpu.memory_space<hbm>>
    %dma_wait3A_119 = tpu.memref_slice %arg3[%add3A_88] : memref<640000xi32, #tpu.memory_space<hbm>> -> memref<80xi32, #tpu.memory_space<hbm>>
    tpu.wait_dma2 semaphore(%arg19 : memref<!tpu.dma_semaphore, #tpu.memory_space<semaphore_mem>>) src(%dma_wait3A_119 : memref<80xi32, #tpu.memory_space<hbm>>) dst(%arg6 : memref<80xi32, #tpu.memory_space<vmem>>)
    %dma_start3A_120 = arith.constant 0 : i32
    %dma_start3A_121 = arith.constant 0 : i32
    %dma_start3A_122 = tpu.memref_slice %arg12[%dma_start3A_120, %dma_start3A_121] : memref<10000x128xf32, #tpu.memory_space<vmem_shared>> -> memref<10000x128xf32, #tpu.memory_space<vmem_shared>>
    tpu.enqueue_indirect_dma source(%arg9 : memref<80x128xf32, #tpu.memory_space<vmem>>) target(%dma_start3A_122 : memref<10000x128xf32, #tpu.memory_space<vmem_shared>>) offsets(%arg6 : memref<80xi32, #tpu.memory_space<vmem>>) semaphore(%arg16 : memref<!tpu.dma_semaphore, #tpu.memory_space<semaphore_mem>>) {add = true}
    %dma_wait3A_123 = arith.constant 0 : i32
    %dma_wait3A_124 = arith.constant 0 : i32
    %dma_wait3A_125 = tpu.memref_slice %arg2[%dma_wait3A_123, %dma_wait3A_124] : memref<10000x128xf32, #tpu.memory_space<hbm>> -> memref<80x128xf32, #tpu.memory_space<hbm>>
    %dma_wait3A_126 = arith.constant 0 : i32
    %dma_wait3A_127 = arith.constant 0 : i32
    %dma_wait3A_128 = tpu.memref_slice %arg2[%dma_wait3A_126, %dma_wait3A_127] : memref<10000x128xf32, #tpu.memory_space<hbm>> -> memref<80x128xf32, #tpu.memory_space<hbm>>
    tpu.wait_dma2 semaphore(%arg18 : memref<!tpu.dma_semaphore, #tpu.memory_space<semaphore_mem>>) src(%dma_wait3A_128 : memref<80x128xf32, #tpu.memory_space<hbm>>) dst(%arg11 : memref<80x128xf32, #tpu.memory_space<vmem>>)
    %add3A_129 = arith.constant 320000 : i32
    %add3A_130 = arith.addi %add3A_129, %add3A_78 : i32
    %add3A_131 = arith.constant 160 : i32
    %add3A_132 = arith.addi %add3A_130, %add3A_131 : i32
    %dma_start3A_133 = tpu.memref_slice %arg3[%add3A_132] : memref<640000xi32, #tpu.memory_space<hbm>> -> memref<80xi32, #tpu.memory_space<hbm>>
    %dma_start3A_134 = tpu.memref_slice %arg3[%add3A_132] : memref<640000xi32, #tpu.memory_space<hbm>> -> memref<80xi32, #tpu.memory_space<hbm>>
    tpu.enqueue_dma source(%dma_start3A_134 : memref<80xi32, #tpu.memory_space<hbm>>) target(%arg8 : memref<80xi32, #tpu.memory_space<vmem>>) target_semaphore(%arg21 : memref<!tpu.dma_semaphore, #tpu.memory_space<semaphore_mem>>)
    %dma_start3A_135 = arith.constant 160 : i32
    %dma_start3A_136 = tpu.memref_slice %arg5[%dma_start3A_135] : memref<5040xi32, #tpu.memory_space<vmem>> -> memref<80xi32, #tpu.memory_space<vmem>>
    %dma_start3A_137 = arith.constant 0 : i32
    %dma_start3A_138 = arith.constant 0 : i32
    %dma_start3A_139 = tpu.memref_slice %arg2[%dma_start3A_137, %dma_start3A_138] : memref<10000x128xf32, #tpu.memory_space<hbm>> -> memref<10000x128xf32, #tpu.memory_space<hbm>>
    tpu.enqueue_indirect_dma source(%dma_start3A_139 : memref<10000x128xf32, #tpu.memory_space<hbm>>) target(%arg11 : memref<80x128xf32, #tpu.memory_space<vmem>>) offsets(%dma_start3A_136 : memref<80xi32, #tpu.memory_space<vmem>>) semaphore(%arg15 : memref<!tpu.dma_semaphore, #tpu.memory_space<semaphore_mem>>)
    %dma_wait3A_140 = arith.constant 80 : i32
    %dma_wait3A_141 = tpu.memref_slice %arg5[%dma_wait3A_140] : memref<5040xi32, #tpu.memory_space<vmem>> -> memref<80xi32, #tpu.memory_space<vmem>>
    %dma_wait3A_142 = arith.constant 0 : i32
    %dma_wait3A_143 = arith.constant 0 : i32
    %dma_wait3A_144 = tpu.memref_slice %arg2[%dma_wait3A_142, %dma_wait3A_143] : memref<10000x128xf32, #tpu.memory_space<hbm>> -> memref<10000x128xf32, #tpu.memory_space<hbm>>
    tpu.wait_indirect_dma semaphore(%arg14 : memref<!tpu.dma_semaphore, #tpu.memory_space<semaphore_mem>>) src(%dma_wait3A_144 : memref<10000x128xf32, #tpu.memory_space<hbm>>) dst(%arg10 : memref<80x128xf32, #tpu.memory_space<vmem>>)
    %dma_wait3A_145 = tpu.memref_slice %arg3[%add3A_105] : memref<640000xi32, #tpu.memory_space<hbm>> -> memref<80xi32, #tpu.memory_space<hbm>>
    %dma_wait3A_146 = tpu.memref_slice %arg3[%add3A_105] : memref<640000xi32, #tpu.memory_space<hbm>> -> memref<80xi32, #tpu.memory_space<hbm>>
    tpu.wait_dma2 semaphore(%arg20 : memref<!tpu.dma_semaphore, #tpu.memory_space<semaphore_mem>>) src(%dma_wait3A_146 : memref<80xi32, #tpu.memory_space<hbm>>) dst(%arg7 : memref<80xi32, #tpu.memory_space<vmem>>)
    %dma_start3A_147 = arith.constant 0 : i32
    %dma_start3A_148 = arith.constant 0 : i32
    %dma_start3A_149 = tpu.memref_slice %arg12[%dma_start3A_147, %dma_start3A_148] : memref<10000x128xf32, #tpu.memory_space<vmem_shared>> -> memref<10000x128xf32, #tpu.memory_space<vmem_shared>>
    tpu.enqueue_indirect_dma source(%arg10 : memref<80x128xf32, #tpu.memory_space<vmem>>) target(%dma_start3A_149 : memref<10000x128xf32, #tpu.memory_space<vmem_shared>>) offsets(%arg7 : memref<80xi32, #tpu.memory_space<vmem>>) semaphore(%arg17 : memref<!tpu.dma_semaphore, #tpu.memory_space<semaphore_mem>>) {add = true}
    %dma_wait3A_150 = arith.constant 160 : i32
    %dma_wait3A_151 = tpu.memref_slice %arg5[%dma_wait3A_150] : memref<5040xi32, #tpu.memory_space<vmem>> -> memref<80xi32, #tpu.memory_space<vmem>>
    %dma_wait3A_152 = arith.constant 0 : i32
    %dma_wait3A_153 = arith.constant 0 : i32
    %dma_wait3A_154 = tpu.memref_slice %arg2[%dma_wait3A_152, %dma_wait3A_153] : memref<10000x128xf32, #tpu.memory_space<hbm>> -> memref<10000x128xf32, #tpu.memory_space<hbm>>
    tpu.wait_indirect_dma semaphore(%arg15 : memref<!tpu.dma_semaphore, #tpu.memory_space<semaphore_mem>>) src(%dma_wait3A_154 : memref<10000x128xf32, #tpu.memory_space<hbm>>) dst(%arg11 : memref<80x128xf32, #tpu.memory_space<vmem>>)
    %dma_wait3A_155 = tpu.memref_slice %arg3[%add3A_132] : memref<640000xi32, #tpu.memory_space<hbm>> -> memref<80xi32, #tpu.memory_space<hbm>>
    %dma_wait3A_156 = tpu.memref_slice %arg3[%add3A_132] : memref<640000xi32, #tpu.memory_space<hbm>> -> memref<80xi32, #tpu.memory_space<hbm>>
    tpu.wait_dma2 semaphore(%arg21 : memref<!tpu.dma_semaphore, #tpu.memory_space<semaphore_mem>>) src(%dma_wait3A_156 : memref<80xi32, #tpu.memory_space<hbm>>) dst(%arg8 : memref<80xi32, #tpu.memory_space<vmem>>)
    %dma_start3A_157 = arith.constant 0 : i32
    %dma_start3A_158 = arith.constant 0 : i32
    %dma_start3A_159 = tpu.memref_slice %arg12[%dma_start3A_157, %dma_start3A_158] : memref<10000x128xf32, #tpu.memory_space<vmem_shared>> -> memref<10000x128xf32, #tpu.memory_space<vmem_shared>>
    tpu.enqueue_indirect_dma source(%arg11 : memref<80x128xf32, #tpu.memory_space<vmem>>) target(%dma_start3A_159 : memref<10000x128xf32, #tpu.memory_space<vmem_shared>>) offsets(%arg8 : memref<80xi32, #tpu.memory_space<vmem>>) semaphore(%arg18 : memref<!tpu.dma_semaphore, #tpu.memory_space<semaphore_mem>>) {add = true}
    %scan3A_160 = arith.constant 0 : i32
    %scan3A_161 = arith.constant 1 : i32
    %scan3A_162 = arith.constant 19 : i32
    %scan3A_163 = arith.addi %scan3A_161, %scan3A_162 : i32
    %scan3A_164 = arith.constant 1 : i32
    scf.for %scan3A_244 = %scan3A_161 to %scan3A_163 step %scan3A_164  : i32 {
      %mul3A_245 = arith.constant 3 : i32
      %mul3A_246 = arith.muli %mul3A_245, %scan3A_244 : i32
      %dma_wait3A_247 = arith.constant 0 : i32
      %dma_wait3A_248 = arith.constant 0 : i32
      %dma_wait3A_249 = tpu.memref_slice %arg2[%dma_wait3A_247, %dma_wait3A_248] : memref<10000x128xf32, #tpu.memory_space<hbm>> -> memref<80x128xf32, #tpu.memory_space<hbm>>
      %dma_wait3A_250 = arith.constant 0 : i32
      %dma_wait3A_251 = arith.constant 0 : i32
      %dma_wait3A_252 = tpu.memref_slice %arg2[%dma_wait3A_250, %dma_wait3A_251] : memref<10000x128xf32, #tpu.memory_space<hbm>> -> memref<80x128xf32, #tpu.memory_space<hbm>>
      tpu.wait_dma2 semaphore(%arg16 : memref<!tpu.dma_semaphore, #tpu.memory_space<semaphore_mem>>) src(%dma_wait3A_252 : memref<80x128xf32, #tpu.memory_space<hbm>>) dst(%arg9 : memref<80x128xf32, #tpu.memory_space<vmem>>)
      %add3A_253 = arith.constant 320000 : i32
      %add3A_254 = arith.addi %add3A_253, %add3A_78 : i32
      %mul3A_255 = arith.constant 80 : i32
      %mul3A_256 = arith.muli %mul3A_246, %mul3A_255 : i32
      %add3A_257 = arith.addi %add3A_254, %mul3A_256 : i32
      %dma_start3A_258 = tpu.memref_slice %arg3[%add3A_257] : memref<640000xi32, #tpu.memory_space<hbm>> -> memref<80xi32, #tpu.memory_space<hbm>>
      %dma_start3A_259 = tpu.memref_slice %arg3[%add3A_257] : memref<640000xi32, #tpu.memory_space<hbm>> -> memref<80xi32, #tpu.memory_space<hbm>>
      tpu.enqueue_dma source(%dma_start3A_259 : memref<80xi32, #tpu.memory_space<hbm>>) target(%arg6 : memref<80xi32, #tpu.memory_space<vmem>>) target_semaphore(%arg19 : memref<!tpu.dma_semaphore, #tpu.memory_space<semaphore_mem>>)
      %mul3A_260 = arith.constant 80 : i32
      %mul3A_261 = arith.muli %mul3A_246, %mul3A_260 : i32
      %dma_start3A_262 = tpu.memref_slice %arg5[%mul3A_261] : memref<5040xi32, #tpu.memory_space<vmem>> -> memref<80xi32, #tpu.memory_space<vmem>>
      %dma_start3A_263 = arith.constant 0 : i32
      %dma_start3A_264 = arith.constant 0 : i32
      %dma_start3A_265 = tpu.memref_slice %arg2[%dma_start3A_263, %dma_start3A_264] : memref<10000x128xf32, #tpu.memory_space<hbm>> -> memref<10000x128xf32, #tpu.memory_space<hbm>>
      tpu.enqueue_indirect_dma source(%dma_start3A_265 : memref<10000x128xf32, #tpu.memory_space<hbm>>) target(%arg9 : memref<80x128xf32, #tpu.memory_space<vmem>>) offsets(%dma_start3A_262 : memref<80xi32, #tpu.memory_space<vmem>>) semaphore(%arg13 : memref<!tpu.dma_semaphore, #tpu.memory_space<semaphore_mem>>)
      %dma_wait3A_266 = arith.constant 0 : i32
      %dma_wait3A_267 = arith.constant 0 : i32
      %dma_wait3A_268 = tpu.memref_slice %arg2[%dma_wait3A_266, %dma_wait3A_267] : memref<10000x128xf32, #tpu.memory_space<hbm>> -> memref<80x128xf32, #tpu.memory_space<hbm>>
      %dma_wait3A_269 = arith.constant 0 : i32
      %dma_wait3A_270 = arith.constant 0 : i32
      %dma_wait3A_271 = tpu.memref_slice %arg2[%dma_wait3A_269, %dma_wait3A_270] : memref<10000x128xf32, #tpu.memory_space<hbm>> -> memref<80x128xf32, #tpu.memory_space<hbm>>
      tpu.wait_dma2 semaphore(%arg17 : memref<!tpu.dma_semaphore, #tpu.memory_space<semaphore_mem>>) src(%dma_wait3A_271 : memref<80x128xf32, #tpu.memory_space<hbm>>) dst(%arg10 : memref<80x128xf32, #tpu.memory_space<vmem>>)
      %add3A_272 = arith.constant 1 : i32
      %add3A_273 = arith.addi %mul3A_246, %add3A_272 : i32
      %add3A_274 = arith.constant 320000 : i32
      %add3A_275 = arith.addi %add3A_274, %add3A_78 : i32
      %mul3A_276 = arith.constant 80 : i32
      %mul3A_277 = arith.muli %add3A_273, %mul3A_276 : i32
      %add3A_278 = arith.addi %add3A_275, %mul3A_277 : i32
      %dma_start3A_279 = tpu.memref_slice %arg3[%add3A_278] : memref<640000xi32, #tpu.memory_space<hbm>> -> memref<80xi32, #tpu.memory_space<hbm>>
      %dma_start3A_280 = tpu.memref_slice %arg3[%add3A_278] : memref<640000xi32, #tpu.memory_space<hbm>> -> memref<80xi32, #tpu.memory_space<hbm>>
      tpu.enqueue_dma source(%dma_start3A_280 : memref<80xi32, #tpu.memory_space<hbm>>) target(%arg7 : memref<80xi32, #tpu.memory_space<vmem>>) target_semaphore(%arg20 : memref<!tpu.dma_semaphore, #tpu.memory_space<semaphore_mem>>)
      %mul3A_281 = arith.constant 80 : i32
      %mul3A_282 = arith.muli %add3A_273, %mul3A_281 : i32
      %dma_start3A_283 = tpu.memref_slice %arg5[%mul3A_282] : memref<5040xi32, #tpu.memory_space<vmem>> -> memref<80xi32, #tpu.memory_space<vmem>>
      %dma_start3A_284 = arith.constant 0 : i32
      %dma_start3A_285 = arith.constant 0 : i32
      %dma_start3A_286 = tpu.memref_slice %arg2[%dma_start3A_284, %dma_start3A_285] : memref<10000x128xf32, #tpu.memory_space<hbm>> -> memref<10000x128xf32, #tpu.memory_space<hbm>>
      tpu.enqueue_indirect_dma source(%dma_start3A_286 : memref<10000x128xf32, #tpu.memory_space<hbm>>) target(%arg10 : memref<80x128xf32, #tpu.memory_space<vmem>>) offsets(%dma_start3A_283 : memref<80xi32, #tpu.memory_space<vmem>>) semaphore(%arg14 : memref<!tpu.dma_semaphore, #tpu.memory_space<semaphore_mem>>)
      %dma_wait3A_287 = tpu.memref_slice %arg5[%mul3A_261] : memref<5040xi32, #tpu.memory_space<vmem>> -> memref<80xi32, #tpu.memory_space<vmem>>
      %dma_wait3A_288 = arith.constant 0 : i32
      %dma_wait3A_289 = arith.constant 0 : i32
      %dma_wait3A_290 = tpu.memref_slice %arg2[%dma_wait3A_288, %dma_wait3A_289] : memref<10000x128xf32, #tpu.memory_space<hbm>> -> memref<10000x128xf32, #tpu.memory_space<hbm>>
      tpu.wait_indirect_dma semaphore(%arg13 : memref<!tpu.dma_semaphore, #tpu.memory_space<semaphore_mem>>) src(%dma_wait3A_290 : memref<10000x128xf32, #tpu.memory_space<hbm>>) dst(%arg9 : memref<80x128xf32, #tpu.memory_space<vmem>>)
      %dma_wait3A_291 = tpu.memref_slice %arg3[%add3A_257] : memref<640000xi32, #tpu.memory_space<hbm>> -> memref<80xi32, #tpu.memory_space<hbm>>
      %dma_wait3A_292 = tpu.memref_slice %arg3[%add3A_257] : memref<640000xi32, #tpu.memory_space<hbm>> -> memref<80xi32, #tpu.memory_space<hbm>>
      tpu.wait_dma2 semaphore(%arg19 : memref<!tpu.dma_semaphore, #tpu.memory_space<semaphore_mem>>) src(%dma_wait3A_292 : memref<80xi32, #tpu.memory_space<hbm>>) dst(%arg6 : memref<80xi32, #tpu.memory_space<vmem>>)
      %dma_start3A_293 = arith.constant 0 : i32
      %dma_start3A_294 = arith.constant 0 : i32
      %dma_start3A_295 = tpu.memref_slice %arg12[%dma_start3A_293, %dma_start3A_294] : memref<10000x128xf32, #tpu.memory_space<vmem_shared>> -> memref<10000x128xf32, #tpu.memory_space<vmem_shared>>
      tpu.enqueue_indirect_dma source(%arg9 : memref<80x128xf32, #tpu.memory_space<vmem>>) target(%dma_start3A_295 : memref<10000x128xf32, #tpu.memory_space<vmem_shared>>) offsets(%arg6 : memref<80xi32, #tpu.memory_space<vmem>>) semaphore(%arg16 : memref<!tpu.dma_semaphore, #tpu.memory_space<semaphore_mem>>) {add = true}
      %dma_wait3A_296 = arith.constant 0 : i32
      %dma_wait3A_297 = arith.constant 0 : i32
      %dma_wait3A_298 = tpu.memref_slice %arg2[%dma_wait3A_296, %dma_wait3A_297] : memref<10000x128xf32, #tpu.memory_space<hbm>> -> memref<80x128xf32, #tpu.memory_space<hbm>>
      %dma_wait3A_299 = arith.constant 0 : i32
      %dma_wait3A_300 = arith.constant 0 : i32
      %dma_wait3A_301 = tpu.memref_slice %arg2[%dma_wait3A_299, %dma_wait3A_300] : memref<10000x128xf32, #tpu.memory_space<hbm>> -> memref<80x128xf32, #tpu.memory_space<hbm>>
      tpu.wait_dma2 semaphore(%arg18 : memref<!tpu.dma_semaphore, #tpu.memory_space<semaphore_mem>>) src(%dma_wait3A_301 : memref<80x128xf32, #tpu.memory_space<hbm>>) dst(%arg11 : memref<80x128xf32, #tpu.memory_space<vmem>>)
      %add3A_302 = arith.constant 2 : i32
      %add3A_303 = arith.addi %mul3A_246, %add3A_302 : i32
      %add3A_304 = arith.constant 320000 : i32
      %add3A_305 = arith.addi %add3A_304, %add3A_78 : i32
      %mul3A_306 = arith.constant 80 : i32
      %mul3A_307 = arith.muli %add3A_303, %mul3A_306 : i32
      %add3A_308 = arith.addi %add3A_305, %mul3A_307 : i32
      %dma_start3A_309 = tpu.memref_slice %arg3[%add3A_308] : memref<640000xi32, #tpu.memory_space<hbm>> -> memref<80xi32, #tpu.memory_space<hbm>>
      %dma_start3A_310 = tpu.memref_slice %arg3[%add3A_308] : memref<640000xi32, #tpu.memory_space<hbm>> -> memref<80xi32, #tpu.memory_space<hbm>>
      tpu.enqueue_dma source(%dma_start3A_310 : memref<80xi32, #tpu.memory_space<hbm>>) target(%arg8 : memref<80xi32, #tpu.memory_space<vmem>>) target_semaphore(%arg21 : memref<!tpu.dma_semaphore, #tpu.memory_space<semaphore_mem>>)
      %mul3A_311 = arith.constant 80 : i32
      %mul3A_312 = arith.muli %add3A_303, %mul3A_311 : i32
      %dma_start3A_313 = tpu.memref_slice %arg5[%mul3A_312] : memref<5040xi32, #tpu.memory_space<vmem>> -> memref<80xi32, #tpu.memory_space<vmem>>
      %dma_start3A_314 = arith.constant 0 : i32
      %dma_start3A_315 = arith.constant 0 : i32
      %dma_start3A_316 = tpu.memref_slice %arg2[%dma_start3A_314, %dma_start3A_315] : memref<10000x128xf32, #tpu.memory_space<hbm>> -> memref<10000x128xf32, #tpu.memory_space<hbm>>
      tpu.enqueue_indirect_dma source(%dma_start3A_316 : memref<10000x128xf32, #tpu.memory_space<hbm>>) target(%arg11 : memref<80x128xf32, #tpu.memory_space<vmem>>) offsets(%dma_start3A_313 : memref<80xi32, #tpu.memory_space<vmem>>) semaphore(%arg15 : memref<!tpu.dma_semaphore, #tpu.memory_space<semaphore_mem>>)
      %dma_wait3A_317 = tpu.memref_slice %arg5[%mul3A_282] : memref<5040xi32, #tpu.memory_space<vmem>> -> memref<80xi32, #tpu.memory_space<vmem>>
      %dma_wait3A_318 = arith.constant 0 : i32
      %dma_wait3A_319 = arith.constant 0 : i32
      %dma_wait3A_320 = tpu.memref_slice %arg2[%dma_wait3A_318, %dma_wait3A_319] : memref<10000x128xf32, #tpu.memory_space<hbm>> -> memref<10000x128xf32, #tpu.memory_space<hbm>>
      tpu.wait_indirect_dma semaphore(%arg14 : memref<!tpu.dma_semaphore, #tpu.memory_space<semaphore_mem>>) src(%dma_wait3A_320 : memref<10000x128xf32, #tpu.memory_space<hbm>>) dst(%arg10 : memref<80x128xf32, #tpu.memory_space<vmem>>)
      %dma_wait3A_321 = tpu.memref_slice %arg3[%add3A_278] : memref<640000xi32, #tpu.memory_space<hbm>> -> memref<80xi32, #tpu.memory_space<hbm>>
      %dma_wait3A_322 = tpu.memref_slice %arg3[%add3A_278] : memref<640000xi32, #tpu.memory_space<hbm>> -> memref<80xi32, #tpu.memory_space<hbm>>
      tpu.wait_dma2 semaphore(%arg20 : memref<!tpu.dma_semaphore, #tpu.memory_space<semaphore_mem>>) src(%dma_wait3A_322 : memref<80xi32, #tpu.memory_space<hbm>>) dst(%arg7 : memref<80xi32, #tpu.memory_space<vmem>>)
      %dma_start3A_323 = arith.constant 0 : i32
      %dma_start3A_324 = arith.constant 0 : i32
      %dma_start3A_325 = tpu.memref_slice %arg12[%dma_start3A_323, %dma_start3A_324] : memref<10000x128xf32, #tpu.memory_space<vmem_shared>> -> memref<10000x128xf32, #tpu.memory_space<vmem_shared>>
      tpu.enqueue_indirect_dma source(%arg10 : memref<80x128xf32, #tpu.memory_space<vmem>>) target(%dma_start3A_325 : memref<10000x128xf32, #tpu.memory_space<vmem_shared>>) offsets(%arg7 : memref<80xi32, #tpu.memory_space<vmem>>) semaphore(%arg17 : memref<!tpu.dma_semaphore, #tpu.memory_space<semaphore_mem>>) {add = true}
      %dma_wait3A_326 = tpu.memref_slice %arg5[%mul3A_312] : memref<5040xi32, #tpu.memory_space<vmem>> -> memref<80xi32, #tpu.memory_space<vmem>>
      %dma_wait3A_327 = arith.constant 0 : i32
      %dma_wait3A_328 = arith.constant 0 : i32
      %dma_wait3A_329 = tpu.memref_slice %arg2[%dma_wait3A_327, %dma_wait3A_328] : memref<10000x128xf32, #tpu.memory_space<hbm>> -> memref<10000x128xf32, #tpu.memory_space<hbm>>
      tpu.wait_indirect_dma semaphore(%arg15 : memref<!tpu.dma_semaphore, #tpu.memory_space<semaphore_mem>>) src(%dma_wait3A_329 : memref<10000x128xf32, #tpu.memory_space<hbm>>) dst(%arg11 : memref<80x128xf32, #tpu.memory_space<vmem>>)
      %dma_wait3A_330 = tpu.memref_slice %arg3[%add3A_308] : memref<640000xi32, #tpu.memory_space<hbm>> -> memref<80xi32, #tpu.memory_space<hbm>>
      %dma_wait3A_331 = tpu.memref_slice %arg3[%add3A_308] : memref<640000xi32, #tpu.memory_space<hbm>> -> memref<80xi32, #tpu.memory_space<hbm>>
      tpu.wait_dma2 semaphore(%arg21 : memref<!tpu.dma_semaphore, #tpu.memory_space<semaphore_mem>>) src(%dma_wait3A_331 : memref<80xi32, #tpu.memory_space<hbm>>) dst(%arg8 : memref<80xi32, #tpu.memory_space<vmem>>)
      %dma_start3A_332 = arith.constant 0 : i32
      %dma_start3A_333 = arith.constant 0 : i32
      %dma_start3A_334 = tpu.memref_slice %arg12[%dma_start3A_332, %dma_start3A_333] : memref<10000x128xf32, #tpu.memory_space<vmem_shared>> -> memref<10000x128xf32, #tpu.memory_space<vmem_shared>>
      tpu.enqueue_indirect_dma source(%arg11 : memref<80x128xf32, #tpu.memory_space<vmem>>) target(%dma_start3A_334 : memref<10000x128xf32, #tpu.memory_space<vmem_shared>>) offsets(%arg8 : memref<80xi32, #tpu.memory_space<vmem>>) semaphore(%arg18 : memref<!tpu.dma_semaphore, #tpu.memory_space<semaphore_mem>>) {add = true}
    }
    %scan3A_165 = arith.constant 19 : i32
    %dma_wait3A_166 = arith.constant 0 : i32
    %dma_wait3A_167 = arith.constant 0 : i32
    %dma_wait3A_168 = tpu.memref_slice %arg2[%dma_wait3A_166, %dma_wait3A_167] : memref<10000x128xf32, #tpu.memory_space<hbm>> -> memref<80x128xf32, #tpu.memory_space<hbm>>
    %dma_wait3A_169 = arith.constant 0 : i32
    %dma_wait3A_170 = arith.constant 0 : i32
    %dma_wait3A_171 = tpu.memref_slice %arg2[%dma_wait3A_169, %dma_wait3A_170] : memref<10000x128xf32, #tpu.memory_space<hbm>> -> memref<80x128xf32, #tpu.memory_space<hbm>>
    tpu.wait_dma2 semaphore(%arg16 : memref<!tpu.dma_semaphore, #tpu.memory_space<semaphore_mem>>) src(%dma_wait3A_171 : memref<80x128xf32, #tpu.memory_space<hbm>>) dst(%arg9 : memref<80x128xf32, #tpu.memory_space<vmem>>)
    %add3A_172 = arith.constant 320000 : i32
    %add3A_173 = arith.addi %add3A_172, %add3A_78 : i32
    %add3A_174 = arith.constant 4800 : i32
    %add3A_175 = arith.addi %add3A_173, %add3A_174 : i32
    %dma_start3A_176 = tpu.memref_slice %arg3[%add3A_175] : memref<640000xi32, #tpu.memory_space<hbm>> -> memref<80xi32, #tpu.memory_space<hbm>>
    %dma_start3A_177 = tpu.memref_slice %arg3[%add3A_175] : memref<640000xi32, #tpu.memory_space<hbm>> -> memref<80xi32, #tpu.memory_space<hbm>>
    tpu.enqueue_dma source(%dma_start3A_177 : memref<80xi32, #tpu.memory_space<hbm>>) target(%arg6 : memref<80xi32, #tpu.memory_space<vmem>>) target_semaphore(%arg19 : memref<!tpu.dma_semaphore, #tpu.memory_space<semaphore_mem>>)
    %dma_start3A_178 = arith.constant 4800 : i32
    %dma_start3A_179 = tpu.memref_slice %arg5[%dma_start3A_178] : memref<5040xi32, #tpu.memory_space<vmem>> -> memref<80xi32, #tpu.memory_space<vmem>>
    %dma_start3A_180 = arith.constant 0 : i32
    %dma_start3A_181 = arith.constant 0 : i32
    %dma_start3A_182 = tpu.memref_slice %arg2[%dma_start3A_180, %dma_start3A_181] : memref<10000x128xf32, #tpu.memory_space<hbm>> -> memref<10000x128xf32, #tpu.memory_space<hbm>>
    tpu.enqueue_indirect_dma source(%dma_start3A_182 : memref<10000x128xf32, #tpu.memory_space<hbm>>) target(%arg9 : memref<80x128xf32, #tpu.memory_space<vmem>>) offsets(%dma_start3A_179 : memref<80xi32, #tpu.memory_space<vmem>>) semaphore(%arg13 : memref<!tpu.dma_semaphore, #tpu.memory_space<semaphore_mem>>)
    %dma_wait3A_183 = arith.constant 4800 : i32
    %dma_wait3A_184 = tpu.memref_slice %arg5[%dma_wait3A_183] : memref<5040xi32, #tpu.memory_space<vmem>> -> memref<80xi32, #tpu.memory_space<vmem>>
    %dma_wait3A_185 = arith.constant 0 : i32
    %dma_wait3A_186 = arith.constant 0 : i32
    %dma_wait3A_187 = tpu.memref_slice %arg2[%dma_wait3A_185, %dma_wait3A_186] : memref<10000x128xf32, #tpu.memory_space<hbm>> -> memref<10000x128xf32, #tpu.memory_space<hbm>>
    tpu.wait_indirect_dma semaphore(%arg13 : memref<!tpu.dma_semaphore, #tpu.memory_space<semaphore_mem>>) src(%dma_wait3A_187 : memref<10000x128xf32, #tpu.memory_space<hbm>>) dst(%arg9 : memref<80x128xf32, #tpu.memory_space<vmem>>)
    %dma_wait3A_188 = tpu.memref_slice %arg3[%add3A_175] : memref<640000xi32, #tpu.memory_space<hbm>> -> memref<80xi32, #tpu.memory_space<hbm>>
    %dma_wait3A_189 = tpu.memref_slice %arg3[%add3A_175] : memref<640000xi32, #tpu.memory_space<hbm>> -> memref<80xi32, #tpu.memory_space<hbm>>
    tpu.wait_dma2 semaphore(%arg19 : memref<!tpu.dma_semaphore, #tpu.memory_space<semaphore_mem>>) src(%dma_wait3A_189 : memref<80xi32, #tpu.memory_space<hbm>>) dst(%arg6 : memref<80xi32, #tpu.memory_space<vmem>>)
    %dma_start3A_190 = arith.constant 0 : i32
    %dma_start3A_191 = arith.constant 0 : i32
    %dma_start3A_192 = tpu.memref_slice %arg12[%dma_start3A_190, %dma_start3A_191] : memref<10000x128xf32, #tpu.memory_space<vmem_shared>> -> memref<10000x128xf32, #tpu.memory_space<vmem_shared>>
    tpu.enqueue_indirect_dma source(%arg9 : memref<80x128xf32, #tpu.memory_space<vmem>>) target(%dma_start3A_192 : memref<10000x128xf32, #tpu.memory_space<vmem_shared>>) offsets(%arg6 : memref<80xi32, #tpu.memory_space<vmem>>) semaphore(%arg16 : memref<!tpu.dma_semaphore, #tpu.memory_space<semaphore_mem>>) {add = true}
    %dma_wait3A_193 = arith.constant 0 : i32
    %dma_wait3A_194 = arith.constant 0 : i32
    %dma_wait3A_195 = tpu.memref_slice %arg2[%dma_wait3A_193, %dma_wait3A_194] : memref<10000x128xf32, #tpu.memory_space<hbm>> -> memref<80x128xf32, #tpu.memory_space<hbm>>
    %dma_wait3A_196 = arith.constant 0 : i32
    %dma_wait3A_197 = arith.constant 0 : i32
    %dma_wait3A_198 = tpu.memref_slice %arg2[%dma_wait3A_196, %dma_wait3A_197] : memref<10000x128xf32, #tpu.memory_space<hbm>> -> memref<80x128xf32, #tpu.memory_space<hbm>>
    tpu.wait_dma2 semaphore(%arg17 : memref<!tpu.dma_semaphore, #tpu.memory_space<semaphore_mem>>) src(%dma_wait3A_198 : memref<80x128xf32, #tpu.memory_space<hbm>>) dst(%arg10 : memref<80x128xf32, #tpu.memory_space<vmem>>)
    %add3A_199 = arith.constant 320000 : i32
    %add3A_200 = arith.addi %add3A_199, %add3A_78 : i32
    %add3A_201 = arith.constant 4880 : i32
    %add3A_202 = arith.addi %add3A_200, %add3A_201 : i32
    %dma_start3A_203 = tpu.memref_slice %arg3[%add3A_202] : memref<640000xi32, #tpu.memory_space<hbm>> -> memref<80xi32, #tpu.memory_space<hbm>>
    %dma_start3A_204 = tpu.memref_slice %arg3[%add3A_202] : memref<640000xi32, #tpu.memory_space<hbm>> -> memref<80xi32, #tpu.memory_space<hbm>>
    tpu.enqueue_dma source(%dma_start3A_204 : memref<80xi32, #tpu.memory_space<hbm>>) target(%arg7 : memref<80xi32, #tpu.memory_space<vmem>>) target_semaphore(%arg20 : memref<!tpu.dma_semaphore, #tpu.memory_space<semaphore_mem>>)
    %dma_start3A_205 = arith.constant 4880 : i32
    %dma_start3A_206 = tpu.memref_slice %arg5[%dma_start3A_205] : memref<5040xi32, #tpu.memory_space<vmem>> -> memref<80xi32, #tpu.memory_space<vmem>>
    %dma_start3A_207 = arith.constant 0 : i32
    %dma_start3A_208 = arith.constant 0 : i32
    %dma_start3A_209 = tpu.memref_slice %arg2[%dma_start3A_207, %dma_start3A_208] : memref<10000x128xf32, #tpu.memory_space<hbm>> -> memref<10000x128xf32, #tpu.memory_space<hbm>>
    tpu.enqueue_indirect_dma source(%dma_start3A_209 : memref<10000x128xf32, #tpu.memory_space<hbm>>) target(%arg10 : memref<80x128xf32, #tpu.memory_space<vmem>>) offsets(%dma_start3A_206 : memref<80xi32, #tpu.memory_space<vmem>>) semaphore(%arg14 : memref<!tpu.dma_semaphore, #tpu.memory_space<semaphore_mem>>)
    %dma_wait3A_210 = arith.constant 4880 : i32
    %dma_wait3A_211 = tpu.memref_slice %arg5[%dma_wait3A_210] : memref<5040xi32, #tpu.memory_space<vmem>> -> memref<80xi32, #tpu.memory_space<vmem>>
    %dma_wait3A_212 = arith.constant 0 : i32
    %dma_wait3A_213 = arith.constant 0 : i32
    %dma_wait3A_214 = tpu.memref_slice %arg2[%dma_wait3A_212, %dma_wait3A_213] : memref<10000x128xf32, #tpu.memory_space<hbm>> -> memref<10000x128xf32, #tpu.memory_space<hbm>>
    tpu.wait_indirect_dma semaphore(%arg14 : memref<!tpu.dma_semaphore, #tpu.memory_space<semaphore_mem>>) src(%dma_wait3A_214 : memref<10000x128xf32, #tpu.memory_space<hbm>>) dst(%arg10 : memref<80x128xf32, #tpu.memory_space<vmem>>)
    %dma_wait3A_215 = tpu.memref_slice %arg3[%add3A_202] : memref<640000xi32, #tpu.memory_space<hbm>> -> memref<80xi32, #tpu.memory_space<hbm>>
    %dma_wait3A_216 = tpu.memref_slice %arg3[%add3A_202] : memref<640000xi32, #tpu.memory_space<hbm>> -> memref<80xi32, #tpu.memory_space<hbm>>
    tpu.wait_dma2 semaphore(%arg20 : memref<!tpu.dma_semaphore, #tpu.memory_space<semaphore_mem>>) src(%dma_wait3A_216 : memref<80xi32, #tpu.memory_space<hbm>>) dst(%arg7 : memref<80xi32, #tpu.memory_space<vmem>>)
    %dma_start3A_217 = arith.constant 0 : i32
    %dma_start3A_218 = arith.constant 0 : i32
    %dma_start3A_219 = tpu.memref_slice %arg12[%dma_start3A_217, %dma_start3A_218] : memref<10000x128xf32, #tpu.memory_space<vmem_shared>> -> memref<10000x128xf32, #tpu.memory_space<vmem_shared>>
    tpu.enqueue_indirect_dma source(%arg10 : memref<80x128xf32, #tpu.memory_space<vmem>>) target(%dma_start3A_219 : memref<10000x128xf32, #tpu.memory_space<vmem_shared>>) offsets(%arg7 : memref<80xi32, #tpu.memory_space<vmem>>) semaphore(%arg17 : memref<!tpu.dma_semaphore, #tpu.memory_space<semaphore_mem>>) {add = true}
    %dma_wait3A_220 = arith.constant 0 : i32
    %dma_wait3A_221 = arith.constant 0 : i32
    %dma_wait3A_222 = tpu.memref_slice %arg2[%dma_wait3A_220, %dma_wait3A_221] : memref<10000x128xf32, #tpu.memory_space<hbm>> -> memref<80x128xf32, #tpu.memory_space<hbm>>
    %dma_wait3A_223 = arith.constant 0 : i32
    %dma_wait3A_224 = arith.constant 0 : i32
    %dma_wait3A_225 = tpu.memref_slice %arg2[%dma_wait3A_223, %dma_wait3A_224] : memref<10000x128xf32, #tpu.memory_space<hbm>> -> memref<80x128xf32, #tpu.memory_space<hbm>>
    tpu.wait_dma2 semaphore(%arg16 : memref<!tpu.dma_semaphore, #tpu.memory_space<semaphore_mem>>) src(%dma_wait3A_225 : memref<80x128xf32, #tpu.memory_space<hbm>>) dst(%arg9 : memref<80x128xf32, #tpu.memory_space<vmem>>)
    %dma_wait3A_226 = arith.constant 0 : i32
    %dma_wait3A_227 = arith.constant 0 : i32
    %dma_wait3A_228 = tpu.memref_slice %arg2[%dma_wait3A_226, %dma_wait3A_227] : memref<10000x128xf32, #tpu.memory_space<hbm>> -> memref<80x128xf32, #tpu.memory_space<hbm>>
    %dma_wait3A_229 = arith.constant 0 : i32
    %dma_wait3A_230 = arith.constant 0 : i32
    %dma_wait3A_231 = tpu.memref_slice %arg2[%dma_wait3A_229, %dma_wait3A_230] : memref<10000x128xf32, #tpu.memory_space<hbm>> -> memref<80x128xf32, #tpu.memory_space<hbm>>
    tpu.wait_dma2 semaphore(%arg17 : memref<!tpu.dma_semaphore, #tpu.memory_space<semaphore_mem>>) src(%dma_wait3A_231 : memref<80x128xf32, #tpu.memory_space<hbm>>) dst(%arg10 : memref<80x128xf32, #tpu.memory_space<vmem>>)
    %dma_wait3A_232 = arith.constant 0 : i32
    %dma_wait3A_233 = arith.constant 0 : i32
    %dma_wait3A_234 = tpu.memref_slice %arg2[%dma_wait3A_232, %dma_wait3A_233] : memref<10000x128xf32, #tpu.memory_space<hbm>> -> memref<80x128xf32, #tpu.memory_space<hbm>>
    %dma_wait3A_235 = arith.constant 0 : i32
    %dma_wait3A_236 = arith.constant 0 : i32
    %dma_wait3A_237 = tpu.memref_slice %arg2[%dma_wait3A_235, %dma_wait3A_236] : memref<10000x128xf32, #tpu.memory_space<hbm>> -> memref<80x128xf32, #tpu.memory_space<hbm>>
    tpu.wait_dma2 semaphore(%arg18 : memref<!tpu.dma_semaphore, #tpu.memory_space<semaphore_mem>>) src(%dma_wait3A_237 : memref<80x128xf32, #tpu.memory_space<hbm>>) dst(%arg11 : memref<80x128xf32, #tpu.memory_space<vmem>>)
    %barrier3A_238 = arith.constant 0 : index
    tpu.barrier barrier_id(%barrier3A_238)
    "tpu.region"() ({
      %run_scoped3A = tpu.sem_alloc : memref<!tpu.dma_semaphore, #tpu.memory_space<semaphore_mem>>
      %dma_start3A_244 = arith.constant 0 : i32
      %dma_start3A_245 = tpu.memref_slice %arg4[%arg0, %mul3A_2, %dma_start3A_244] : memref<2x10000x128xf32, #tpu.memory_space<hbm>> -> memref<1x400x128xf32, #tpu.memory_space<hbm>>
      %dma_start3A_246 = tpu.memref_squeeze %dma_start3A_245 : memref<1x400x128xf32, #tpu.memory_space<hbm>> -> memref<400x128xf32, #tpu.memory_space<hbm>>
      %dma_start3A_247 = arith.constant 0 : i32
      %dma_start3A_248 = tpu.memref_slice %arg12[%mul3A_2, %dma_start3A_247] : memref<10000x128xf32, #tpu.memory_space<vmem_shared>> -> memref<400x128xf32, #tpu.memory_space<vmem_shared>>
      tpu.enqueue_dma source(%dma_start3A_248 : memref<400x128xf32, #tpu.memory_space<vmem_shared>>) target(%dma_start3A_246 : memref<400x128xf32, #tpu.memory_space<hbm>>) target_semaphore(%run_scoped3A : memref<!tpu.dma_semaphore, #tpu.memory_space<semaphore_mem>>)
      %dma_wait3A_249 = arith.constant 0 : i32
      %dma_wait3A_250 = tpu.memref_slice %arg4[%arg0, %mul3A_2, %dma_wait3A_249] : memref<2x10000x128xf32, #tpu.memory_space<hbm>> -> memref<1x400x128xf32, #tpu.memory_space<hbm>>
      %dma_wait3A_251 = tpu.memref_squeeze %dma_wait3A_250 : memref<1x400x128xf32, #tpu.memory_space<hbm>> -> memref<400x128xf32, #tpu.memory_space<hbm>>
      %dma_wait3A_252 = arith.constant 0 : i32
      %dma_wait3A_253 = tpu.memref_slice %arg12[%mul3A_2, %dma_wait3A_252] : memref<10000x128xf32, #tpu.memory_space<vmem_shared>> -> memref<400x128xf32, #tpu.memory_space<vmem_shared>>
      tpu.wait_dma2 semaphore(%run_scoped3A : memref<!tpu.dma_semaphore, #tpu.memory_space<semaphore_mem>>) src(%dma_wait3A_253 : memref<400x128xf32, #tpu.memory_space<vmem_shared>>) dst(%dma_wait3A_251 : memref<400x128xf32, #tpu.memory_space<hbm>>)
      tpu.yield
    }) : () -> ()
    %lt3A_239 = arith.constant 15 : i32
    %lt3A_240 = arith.cmpi slt, %arg1, %lt3A_239 : i32
    %convert_element_type3A_241 = arith.extui %lt3A_240 : i1 to i32
    %cond3A_242 = arith.constant 0 : i32
    %cond3A_243 = arith.cmpi ne, %convert_element_type3A_241, %cond3A_242 : i32
    scf.if %cond3A_243 {
      %add3A_244 = arith.constant 400 : i32
      %add3A_245 = arith.addi %mul3A_2, %add3A_244 : i32
      %add3A_246 = arith.constant 400 : i32
      %add3A_247 = arith.addi %mul3A_2, %add3A_246 : i32
      "tpu.region"() ({
        %run_scoped3A = tpu.sem_alloc : memref<!tpu.dma_semaphore, #tpu.memory_space<semaphore_mem>>
        %dma_start3A_248 = arith.constant 0 : i32
        %dma_start3A_249 = tpu.memref_slice %arg4[%arg0, %add3A_247, %dma_start3A_248] : memref<2x10000x128xf32, #tpu.memory_space<hbm>> -> memref<1x240x128xf32, #tpu.memory_space<hbm>>
        %dma_start3A_250 = tpu.memref_squeeze %dma_start3A_249 : memref<1x240x128xf32, #tpu.memory_space<hbm>> -> memref<240x128xf32, #tpu.memory_space<hbm>>
        %dma_start3A_251 = arith.constant 0 : i32
        %dma_start3A_252 = tpu.memref_slice %arg12[%add3A_245, %dma_start3A_251] : memref<10000x128xf32, #tpu.memory_space<vmem_shared>> -> memref<240x128xf32, #tpu.memory_space<vmem_shared>>
        tpu.enqueue_dma source(%dma_start3A_252 : memref<240x128xf32, #tpu.memory_space<vmem_shared>>) target(%dma_start3A_250 : memref<240x128xf32, #tpu.memory_space<hbm>>) target_semaphore(%run_scoped3A : memref<!tpu.dma_semaphore, #tpu.memory_space<semaphore_mem>>)
        %dma_wait3A_253 = arith.constant 0 : i32
        %dma_wait3A_254 = tpu.memref_slice %arg4[%arg0, %add3A_247, %dma_wait3A_253] : memref<2x10000x128xf32, #tpu.memory_space<hbm>> -> memref<1x240x128xf32, #tpu.memory_space<hbm>>
        %dma_wait3A_255 = tpu.memref_squeeze %dma_wait3A_254 : memref<1x240x128xf32, #tpu.memory_space<hbm>> -> memref<240x128xf32, #tpu.memory_space<hbm>>
        %dma_wait3A_256 = arith.constant 0 : i32
        %dma_wait3A_257 = tpu.memref_slice %arg12[%add3A_245, %dma_wait3A_256] : memref<10000x128xf32, #tpu.memory_space<vmem_shared>> -> memref<240x128xf32, #tpu.memory_space<vmem_shared>>
        tpu.wait_dma2 semaphore(%run_scoped3A : memref<!tpu.dma_semaphore, #tpu.memory_space<semaphore_mem>>) src(%dma_wait3A_257 : memref<240x128xf32, #tpu.memory_space<vmem_shared>>) dst(%dma_wait3A_255 : memref<240x128xf32, #tpu.memory_space<hbm>>)
        tpu.yield
      }) : () -> ()
    } else {
    }
    return
  }
}

#map = affine_map<(d0, d1) -> (0, 0)>
#map1 = affine_map<(d0, d1) -> (0)>
#map2 = affine_map<(d0, d1) -> (0, 0, 0)>
module attributes {stable_mosaic.version = 14 : i64} {
  func.func @segsum_sc(%arg0: i32, %arg1: i32, %arg2: memref<10000x128xf32, #tpu.memory_space<hbm>>, %arg3: memref<640000xi32, #tpu.memory_space<hbm>>, %arg4: memref<2x10000x128xf32, #tpu.memory_space<hbm>>, %arg5: memref<5040xi32, #tpu.memory_space<vmem>>, %arg6: memref<80xi32, #tpu.memory_space<vmem>>, %arg7: memref<80xi32, #tpu.memory_space<vmem>>, %arg8: memref<80xi32, #tpu.memory_space<vmem>>, %arg9: memref<80x128xf32, #tpu.memory_space<vmem>>, %arg10: memref<80x128xf32, #tpu.memory_space<vmem>>, %arg11: memref<80x128xf32, #tpu.memory_space<vmem>>, %arg12: memref<10000x128xf32, #tpu.memory_space<vmem_shared>>, %arg13: memref<!tpu.dma_semaphore, #tpu.memory_space<semaphore_mem>>, %arg14: memref<!tpu.dma_semaphore, #tpu.memory_space<semaphore_mem>>, %arg15: memref<!tpu.dma_semaphore, #tpu.memory_space<semaphore_mem>>, %arg16: memref<!tpu.dma_semaphore, #tpu.memory_space<semaphore_mem>>, %arg17: memref<!tpu.dma_semaphore, #tpu.memory_space<semaphore_mem>>, %arg18: memref<!tpu.dma_semaphore, #tpu.memory_space<semaphore_mem>>, %arg19: memref<!tpu.dma_semaphore, #tpu.memory_space<semaphore_mem>>, %arg20: memref<!tpu.dma_semaphore, #tpu.memory_space<semaphore_mem>>, %arg21: memref<!tpu.dma_semaphore, #tpu.memory_space<semaphore_mem>>) attributes {dimension_semantics = [#tpu.dimension_semantics<core_parallel>, #tpu.dimension_semantics<subcore_parallel>], iteration_bounds = array<i64: 2, 16>, scalar_prefetch = 0 : i64, scratch_operands = 17 : i64, tpu.core_type = #tpu.core_type<sc_vector_subcore>, window_params = [{transform_indices = #map}, {transform_indices = #map1}, {transform_indices = #map2}]} {
    %mul3A = arith.constant 16 : i32
    %mul3A_0 = arith.muli %arg0, %mul3A : i32
    %add3A = arith.addi %mul3A_0, %arg1 : i32
    %mul3A_1 = arith.constant 640 : i32
    %mul3A_2 = arith.muli %arg1, %mul3A_1 : i32
    "tpu.region"() ({
      %run_scoped3A = tpu.sem_alloc : memref<!tpu.dma_semaphore, #tpu.memory_space<semaphore_mem>>
      %dma_start3A_244 = arith.constant 0 : i32
      %dma_start3A_245 = tpu.memref_slice %arg12[%mul3A_2, %dma_start3A_244] : memref<10000x128xf32, #tpu.memory_space<vmem_shared>> -> memref<400x128xf32, #tpu.memory_space<vmem_shared>>
      %dma_start3A_246 = arith.constant 0 : i32
      %dma_start3A_247 = tpu.memref_slice %arg2[%mul3A_2, %dma_start3A_246] : memref<10000x128xf32, #tpu.memory_space<hbm>> -> memref<400x128xf32, #tpu.memory_space<hbm>>
      tpu.enqueue_dma source(%dma_start3A_247 : memref<400x128xf32, #tpu.memory_space<hbm>>) target(%dma_start3A_245 : memref<400x128xf32, #tpu.memory_space<vmem_shared>>) target_semaphore(%run_scoped3A : memref<!tpu.dma_semaphore, #tpu.memory_space<semaphore_mem>>)
      %dma_wait3A_248 = arith.constant 0 : i32
      %dma_wait3A_249 = tpu.memref_slice %arg12[%mul3A_2, %dma_wait3A_248] : memref<10000x128xf32, #tpu.memory_space<vmem_shared>> -> memref<400x128xf32, #tpu.memory_space<vmem_shared>>
      %dma_wait3A_250 = arith.constant 0 : i32
      %dma_wait3A_251 = tpu.memref_slice %arg2[%mul3A_2, %dma_wait3A_250] : memref<10000x128xf32, #tpu.memory_space<hbm>> -> memref<400x128xf32, #tpu.memory_space<hbm>>
      tpu.wait_dma2 semaphore(%run_scoped3A : memref<!tpu.dma_semaphore, #tpu.memory_space<semaphore_mem>>) src(%dma_wait3A_251 : memref<400x128xf32, #tpu.memory_space<hbm>>) dst(%dma_wait3A_249 : memref<400x128xf32, #tpu.memory_space<vmem_shared>>)
      tpu.yield
    }) : () -> ()
    %lt3A = arith.constant 15 : i32
    %lt3A_3 = arith.cmpi slt, %arg1, %lt3A : i32
    %convert_element_type3A = arith.extui %lt3A_3 : i1 to i32
    %cond3A = arith.constant 0 : i32
    %cond3A_4 = arith.cmpi ne, %convert_element_type3A, %cond3A : i32
    scf.if %cond3A_4 {
      %add3A_244 = arith.constant 400 : i32
      %add3A_245 = arith.addi %mul3A_2, %add3A_244 : i32
      %add3A_246 = arith.constant 400 : i32
      %add3A_247 = arith.addi %mul3A_2, %add3A_246 : i32
      "tpu.region"() ({
        %run_scoped3A = tpu.sem_alloc : memref<!tpu.dma_semaphore, #tpu.memory_space<semaphore_mem>>
        %dma_start3A_248 = arith.constant 0 : i32
        %dma_start3A_249 = tpu.memref_slice %arg12[%add3A_247, %dma_start3A_248] : memref<10000x128xf32, #tpu.memory_space<vmem_shared>> -> memref<240x128xf32, #tpu.memory_space<vmem_shared>>
        %dma_start3A_250 = arith.constant 0 : i32
        %dma_start3A_251 = tpu.memref_slice %arg2[%add3A_245, %dma_start3A_250] : memref<10000x128xf32, #tpu.memory_space<hbm>> -> memref<240x128xf32, #tpu.memory_space<hbm>>
        tpu.enqueue_dma source(%dma_start3A_251 : memref<240x128xf32, #tpu.memory_space<hbm>>) target(%dma_start3A_249 : memref<240x128xf32, #tpu.memory_space<vmem_shared>>) target_semaphore(%run_scoped3A : memref<!tpu.dma_semaphore, #tpu.memory_space<semaphore_mem>>)
        %dma_wait3A_252 = arith.constant 0 : i32
        %dma_wait3A_253 = tpu.memref_slice %arg12[%add3A_247, %dma_wait3A_252] : memref<10000x128xf32, #tpu.memory_space<vmem_shared>> -> memref<240x128xf32, #tpu.memory_space<vmem_shared>>
        %dma_wait3A_254 = arith.constant 0 : i32
        %dma_wait3A_255 = tpu.memref_slice %arg2[%add3A_245, %dma_wait3A_254] : memref<10000x128xf32, #tpu.memory_space<hbm>> -> memref<240x128xf32, #tpu.memory_space<hbm>>
        tpu.wait_dma2 semaphore(%run_scoped3A : memref<!tpu.dma_semaphore, #tpu.memory_space<semaphore_mem>>) src(%dma_wait3A_255 : memref<240x128xf32, #tpu.memory_space<hbm>>) dst(%dma_wait3A_253 : memref<240x128xf32, #tpu.memory_space<vmem_shared>>)
        tpu.yield
      }) : () -> ()
    } else {
    }
    %barrier3A = arith.constant 0 : index
    tpu.barrier barrier_id(%barrier3A)
    %mul3A_5 = arith.constant 10000 : i32
    %mul3A_6 = arith.muli %add3A, %mul3A_5 : i32
    %add3A_7 = arith.constant 0 : i32
    %add3A_8 = arith.addi %mul3A_6, %add3A_7 : i32
    "tpu.region"() ({
      %run_scoped3A = tpu.sem_alloc : memref<!tpu.dma_semaphore, #tpu.memory_space<semaphore_mem>>
      %dma_start3A_244 = arith.constant 0 : i32
      %dma_start3A_245 = tpu.memref_slice %arg5[%dma_start3A_244] : memref<5040xi32, #tpu.memory_space<vmem>> -> memref<5040xi32, #tpu.memory_space<vmem>>
      %dma_start3A_246 = tpu.memref_slice %arg3[%add3A_8] : memref<640000xi32, #tpu.memory_space<hbm>> -> memref<5040xi32, #tpu.memory_space<hbm>>
      %dma_start3A_247 = arith.constant 0 : i32
      %dma_start3A_248 = tpu.memref_slice %arg5[%dma_start3A_247] : memref<5040xi32, #tpu.memory_space<vmem>> -> memref<5040xi32, #tpu.memory_space<vmem>>
      %dma_start3A_249 = tpu.memref_slice %arg3[%add3A_8] : memref<640000xi32, #tpu.memory_space<hbm>> -> memref<5040xi32, #tpu.memory_space<hbm>>
      tpu.enqueue_dma source(%dma_start3A_249 : memref<5040xi32, #tpu.memory_space<hbm>>) target(%dma_start3A_248 : memref<5040xi32, #tpu.memory_space<vmem>>) target_semaphore(%run_scoped3A : memref<!tpu.dma_semaphore, #tpu.memory_space<semaphore_mem>>)
      %dma_wait3A_250 = arith.constant 0 : i32
      %dma_wait3A_251 = tpu.memref_slice %arg5[%dma_wait3A_250] : memref<5040xi32, #tpu.memory_space<vmem>> -> memref<5040xi32, #tpu.memory_space<vmem>>
      %dma_wait3A_252 = tpu.memref_slice %arg3[%add3A_8] : memref<640000xi32, #tpu.memory_space<hbm>> -> memref<5040xi32, #tpu.memory_space<hbm>>
      %dma_wait3A_253 = arith.constant 0 : i32
      %dma_wait3A_254 = tpu.memref_slice %arg5[%dma_wait3A_253] : memref<5040xi32, #tpu.memory_space<vmem>> -> memref<5040xi32, #tpu.memory_space<vmem>>
      %dma_wait3A_255 = tpu.memref_slice %arg3[%add3A_8] : memref<640000xi32, #tpu.memory_space<hbm>> -> memref<5040xi32, #tpu.memory_space<hbm>>
      tpu.wait_dma2 semaphore(%run_scoped3A : memref<!tpu.dma_semaphore, #tpu.memory_space<semaphore_mem>>) src(%dma_wait3A_255 : memref<5040xi32, #tpu.memory_space<hbm>>) dst(%dma_wait3A_254 : memref<5040xi32, #tpu.memory_space<vmem>>)
      tpu.yield
    }) : () -> ()
    %add3A_9 = arith.constant 320000 : i32
    %add3A_10 = arith.addi %add3A_9, %add3A_8 : i32
    %add3A_11 = arith.constant 0 : i32
    %add3A_12 = arith.addi %add3A_10, %add3A_11 : i32
    %dma_start3A = tpu.memref_slice %arg3[%add3A_12] : memref<640000xi32, #tpu.memory_space<hbm>> -> memref<80xi32, #tpu.memory_space<hbm>>
    %dma_start3A_13 = tpu.memref_slice %arg3[%add3A_12] : memref<640000xi32, #tpu.memory_space<hbm>> -> memref<80xi32, #tpu.memory_space<hbm>>
    tpu.enqueue_dma source(%dma_start3A_13 : memref<80xi32, #tpu.memory_space<hbm>>) target(%arg6 : memref<80xi32, #tpu.memory_space<vmem>>) target_semaphore(%arg19 : memref<!tpu.dma_semaphore, #tpu.memory_space<semaphore_mem>>)
    %dma_start3A_14 = arith.constant 0 : i32
    %dma_start3A_15 = tpu.memref_slice %arg5[%dma_start3A_14] : memref<5040xi32, #tpu.memory_space<vmem>> -> memref<80xi32, #tpu.memory_space<vmem>>
    %dma_start3A_16 = arith.constant 0 : i32
    %dma_start3A_17 = arith.constant 0 : i32
    %dma_start3A_18 = tpu.memref_slice %arg2[%dma_start3A_16, %dma_start3A_17] : memref<10000x128xf32, #tpu.memory_space<hbm>> -> memref<10000x128xf32, #tpu.memory_space<hbm>>
    tpu.enqueue_indirect_dma source(%dma_start3A_18 : memref<10000x128xf32, #tpu.memory_space<hbm>>) target(%arg9 : memref<80x128xf32, #tpu.memory_space<vmem>>) offsets(%dma_start3A_15 : memref<80xi32, #tpu.memory_space<vmem>>) semaphore(%arg13 : memref<!tpu.dma_semaphore, #tpu.memory_space<semaphore_mem>>)
    %add3A_19 = arith.constant 320000 : i32
    %add3A_20 = arith.addi %add3A_19, %add3A_8 : i32
    %add3A_21 = arith.constant 80 : i32
    %add3A_22 = arith.addi %add3A_20, %add3A_21 : i32
    %dma_start3A_23 = tpu.memref_slice %arg3[%add3A_22] : memref<640000xi32, #tpu.memory_space<hbm>> -> memref<80xi32, #tpu.memory_space<hbm>>
    %dma_start3A_24 = tpu.memref_slice %arg3[%add3A_22] : memref<640000xi32, #tpu.memory_space<hbm>> -> memref<80xi32, #tpu.memory_space<hbm>>
    tpu.enqueue_dma source(%dma_start3A_24 : memref<80xi32, #tpu.memory_space<hbm>>) target(%arg7 : memref<80xi32, #tpu.memory_space<vmem>>) target_semaphore(%arg20 : memref<!tpu.dma_semaphore, #tpu.memory_space<semaphore_mem>>)
    %dma_start3A_25 = arith.constant 80 : i32
    %dma_start3A_26 = tpu.memref_slice %arg5[%dma_start3A_25] : memref<5040xi32, #tpu.memory_space<vmem>> -> memref<80xi32, #tpu.memory_space<vmem>>
    %dma_start3A_27 = arith.constant 0 : i32
    %dma_start3A_28 = arith.constant 0 : i32
    %dma_start3A_29 = tpu.memref_slice %arg2[%dma_start3A_27, %dma_start3A_28] : memref<10000x128xf32, #tpu.memory_space<hbm>> -> memref<10000x128xf32, #tpu.memory_space<hbm>>
    tpu.enqueue_indirect_dma source(%dma_start3A_29 : memref<10000x128xf32, #tpu.memory_space<hbm>>) target(%arg10 : memref<80x128xf32, #tpu.memory_space<vmem>>) offsets(%dma_start3A_26 : memref<80xi32, #tpu.memory_space<vmem>>) semaphore(%arg14 : memref<!tpu.dma_semaphore, #tpu.memory_space<semaphore_mem>>)
    %dma_wait3A = arith.constant 0 : i32
    %dma_wait3A_30 = tpu.memref_slice %arg5[%dma_wait3A] : memref<5040xi32, #tpu.memory_space<vmem>> -> memref<80xi32, #tpu.memory_space<vmem>>
    %dma_wait3A_31 = arith.constant 0 : i32
    %dma_wait3A_32 = arith.constant 0 : i32
    %dma_wait3A_33 = tpu.memref_slice %arg2[%dma_wait3A_31, %dma_wait3A_32] : memref<10000x128xf32, #tpu.memory_space<hbm>> -> memref<10000x128xf32, #tpu.memory_space<hbm>>
    tpu.wait_indirect_dma semaphore(%arg13 : memref<!tpu.dma_semaphore, #tpu.memory_space<semaphore_mem>>) src(%dma_wait3A_33 : memref<10000x128xf32, #tpu.memory_space<hbm>>) dst(%arg9 : memref<80x128xf32, #tpu.memory_space<vmem>>)
    %dma_wait3A_34 = tpu.memref_slice %arg3[%add3A_12] : memref<640000xi32, #tpu.memory_space<hbm>> -> memref<80xi32, #tpu.memory_space<hbm>>
    %dma_wait3A_35 = tpu.memref_slice %arg3[%add3A_12] : memref<640000xi32, #tpu.memory_space<hbm>> -> memref<80xi32, #tpu.memory_space<hbm>>
    tpu.wait_dma2 semaphore(%arg19 : memref<!tpu.dma_semaphore, #tpu.memory_space<semaphore_mem>>) src(%dma_wait3A_35 : memref<80xi32, #tpu.memory_space<hbm>>) dst(%arg6 : memref<80xi32, #tpu.memory_space<vmem>>)
    %dma_start3A_36 = arith.constant 0 : i32
    %dma_start3A_37 = arith.constant 0 : i32
    %dma_start3A_38 = tpu.memref_slice %arg12[%dma_start3A_36, %dma_start3A_37] : memref<10000x128xf32, #tpu.memory_space<vmem_shared>> -> memref<10000x128xf32, #tpu.memory_space<vmem_shared>>
    tpu.enqueue_indirect_dma source(%arg9 : memref<80x128xf32, #tpu.memory_space<vmem>>) target(%dma_start3A_38 : memref<10000x128xf32, #tpu.memory_space<vmem_shared>>) offsets(%arg6 : memref<80xi32, #tpu.memory_space<vmem>>) semaphore(%arg16 : memref<!tpu.dma_semaphore, #tpu.memory_space<semaphore_mem>>) {add = true}
    %add3A_39 = arith.constant 320000 : i32
    %add3A_40 = arith.addi %add3A_39, %add3A_8 : i32
    %add3A_41 = arith.constant 160 : i32
    %add3A_42 = arith.addi %add3A_40, %add3A_41 : i32
    %dma_start3A_43 = tpu.memref_slice %arg3[%add3A_42] : memref<640000xi32, #tpu.memory_space<hbm>> -> memref<80xi32, #tpu.memory_space<hbm>>
    %dma_start3A_44 = tpu.memref_slice %arg3[%add3A_42] : memref<640000xi32, #tpu.memory_space<hbm>> -> memref<80xi32, #tpu.memory_space<hbm>>
    tpu.enqueue_dma source(%dma_start3A_44 : memref<80xi32, #tpu.memory_space<hbm>>) target(%arg8 : memref<80xi32, #tpu.memory_space<vmem>>) target_semaphore(%arg21 : memref<!tpu.dma_semaphore, #tpu.memory_space<semaphore_mem>>)
    %dma_start3A_45 = arith.constant 160 : i32
    %dma_start3A_46 = tpu.memref_slice %arg5[%dma_start3A_45] : memref<5040xi32, #tpu.memory_space<vmem>> -> memref<80xi32, #tpu.memory_space<vmem>>
    %dma_start3A_47 = arith.constant 0 : i32
    %dma_start3A_48 = arith.constant 0 : i32
    %dma_start3A_49 = tpu.memref_slice %arg2[%dma_start3A_47, %dma_start3A_48] : memref<10000x128xf32, #tpu.memory_space<hbm>> -> memref<10000x128xf32, #tpu.memory_space<hbm>>
    tpu.enqueue_indirect_dma source(%dma_start3A_49 : memref<10000x128xf32, #tpu.memory_space<hbm>>) target(%arg11 : memref<80x128xf32, #tpu.memory_space<vmem>>) offsets(%dma_start3A_46 : memref<80xi32, #tpu.memory_space<vmem>>) semaphore(%arg15 : memref<!tpu.dma_semaphore, #tpu.memory_space<semaphore_mem>>)
    %dma_wait3A_50 = arith.constant 80 : i32
    %dma_wait3A_51 = tpu.memref_slice %arg5[%dma_wait3A_50] : memref<5040xi32, #tpu.memory_space<vmem>> -> memref<80xi32, #tpu.memory_space<vmem>>
    %dma_wait3A_52 = arith.constant 0 : i32
    %dma_wait3A_53 = arith.constant 0 : i32
    %dma_wait3A_54 = tpu.memref_slice %arg2[%dma_wait3A_52, %dma_wait3A_53] : memref<10000x128xf32, #tpu.memory_space<hbm>> -> memref<10000x128xf32, #tpu.memory_space<hbm>>
    tpu.wait_indirect_dma semaphore(%arg14 : memref<!tpu.dma_semaphore, #tpu.memory_space<semaphore_mem>>) src(%dma_wait3A_54 : memref<10000x128xf32, #tpu.memory_space<hbm>>) dst(%arg10 : memref<80x128xf32, #tpu.memory_space<vmem>>)
    %dma_wait3A_55 = tpu.memref_slice %arg3[%add3A_22] : memref<640000xi32, #tpu.memory_space<hbm>> -> memref<80xi32, #tpu.memory_space<hbm>>
    %dma_wait3A_56 = tpu.memref_slice %arg3[%add3A_22] : memref<640000xi32, #tpu.memory_space<hbm>> -> memref<80xi32, #tpu.memory_space<hbm>>
    tpu.wait_dma2 semaphore(%arg20 : memref<!tpu.dma_semaphore, #tpu.memory_space<semaphore_mem>>) src(%dma_wait3A_56 : memref<80xi32, #tpu.memory_space<hbm>>) dst(%arg7 : memref<80xi32, #tpu.memory_space<vmem>>)
    %dma_start3A_57 = arith.constant 0 : i32
    %dma_start3A_58 = arith.constant 0 : i32
    %dma_start3A_59 = tpu.memref_slice %arg12[%dma_start3A_57, %dma_start3A_58] : memref<10000x128xf32, #tpu.memory_space<vmem_shared>> -> memref<10000x128xf32, #tpu.memory_space<vmem_shared>>
    tpu.enqueue_indirect_dma source(%arg10 : memref<80x128xf32, #tpu.memory_space<vmem>>) target(%dma_start3A_59 : memref<10000x128xf32, #tpu.memory_space<vmem_shared>>) offsets(%arg7 : memref<80xi32, #tpu.memory_space<vmem>>) semaphore(%arg17 : memref<!tpu.dma_semaphore, #tpu.memory_space<semaphore_mem>>) {add = true}
    %dma_wait3A_60 = arith.constant 160 : i32
    %dma_wait3A_61 = tpu.memref_slice %arg5[%dma_wait3A_60] : memref<5040xi32, #tpu.memory_space<vmem>> -> memref<80xi32, #tpu.memory_space<vmem>>
    %dma_wait3A_62 = arith.constant 0 : i32
    %dma_wait3A_63 = arith.constant 0 : i32
    %dma_wait3A_64 = tpu.memref_slice %arg2[%dma_wait3A_62, %dma_wait3A_63] : memref<10000x128xf32, #tpu.memory_space<hbm>> -> memref<10000x128xf32, #tpu.memory_space<hbm>>
    tpu.wait_indirect_dma semaphore(%arg15 : memref<!tpu.dma_semaphore, #tpu.memory_space<semaphore_mem>>) src(%dma_wait3A_64 : memref<10000x128xf32, #tpu.memory_space<hbm>>) dst(%arg11 : memref<80x128xf32, #tpu.memory_space<vmem>>)
    %dma_wait3A_65 = tpu.memref_slice %arg3[%add3A_42] : memref<640000xi32, #tpu.memory_space<hbm>> -> memref<80xi32, #tpu.memory_space<hbm>>
    %dma_wait3A_66 = tpu.memref_slice %arg3[%add3A_42] : memref<640000xi32, #tpu.memory_space<hbm>> -> memref<80xi32, #tpu.memory_space<hbm>>
    tpu.wait_dma2 semaphore(%arg21 : memref<!tpu.dma_semaphore, #tpu.memory_space<semaphore_mem>>) src(%dma_wait3A_66 : memref<80xi32, #tpu.memory_space<hbm>>) dst(%arg8 : memref<80xi32, #tpu.memory_space<vmem>>)
    %dma_start3A_67 = arith.constant 0 : i32
    %dma_start3A_68 = arith.constant 0 : i32
    %dma_start3A_69 = tpu.memref_slice %arg12[%dma_start3A_67, %dma_start3A_68] : memref<10000x128xf32, #tpu.memory_space<vmem_shared>> -> memref<10000x128xf32, #tpu.memory_space<vmem_shared>>
    tpu.enqueue_indirect_dma source(%arg11 : memref<80x128xf32, #tpu.memory_space<vmem>>) target(%dma_start3A_69 : memref<10000x128xf32, #tpu.memory_space<vmem_shared>>) offsets(%arg8 : memref<80xi32, #tpu.memory_space<vmem>>) semaphore(%arg18 : memref<!tpu.dma_semaphore, #tpu.memory_space<semaphore_mem>>) {add = true}
    %scan3A = arith.constant 0 : i32
    %scan3A_70 = arith.constant 1 : i32
    %scan3A_71 = arith.constant 20 : i32
    %scan3A_72 = arith.addi %scan3A_70, %scan3A_71 : i32
    %scan3A_73 = arith.constant 1 : i32
    scf.for %scan3A_244 = %scan3A_70 to %scan3A_72 step %scan3A_73  : i32 {
      %mul3A_245 = arith.constant 3 : i32
      %mul3A_246 = arith.muli %mul3A_245, %scan3A_244 : i32
      %dma_wait3A_247 = arith.constant 0 : i32
      %dma_wait3A_248 = arith.constant 0 : i32
      %dma_wait3A_249 = tpu.memref_slice %arg2[%dma_wait3A_247, %dma_wait3A_248] : memref<10000x128xf32, #tpu.memory_space<hbm>> -> memref<80x128xf32, #tpu.memory_space<hbm>>
      %dma_wait3A_250 = arith.constant 0 : i32
      %dma_wait3A_251 = arith.constant 0 : i32
      %dma_wait3A_252 = tpu.memref_slice %arg2[%dma_wait3A_250, %dma_wait3A_251] : memref<10000x128xf32, #tpu.memory_space<hbm>> -> memref<80x128xf32, #tpu.memory_space<hbm>>
      tpu.wait_dma2 semaphore(%arg16 : memref<!tpu.dma_semaphore, #tpu.memory_space<semaphore_mem>>) src(%dma_wait3A_252 : memref<80x128xf32, #tpu.memory_space<hbm>>) dst(%arg9 : memref<80x128xf32, #tpu.memory_space<vmem>>)
      %add3A_253 = arith.constant 320000 : i32
      %add3A_254 = arith.addi %add3A_253, %add3A_8 : i32
      %mul3A_255 = arith.constant 80 : i32
      %mul3A_256 = arith.muli %mul3A_246, %mul3A_255 : i32
      %add3A_257 = arith.addi %add3A_254, %mul3A_256 : i32
      %dma_start3A_258 = tpu.memref_slice %arg3[%add3A_257] : memref<640000xi32, #tpu.memory_space<hbm>> -> memref<80xi32, #tpu.memory_space<hbm>>
      %dma_start3A_259 = tpu.memref_slice %arg3[%add3A_257] : memref<640000xi32, #tpu.memory_space<hbm>> -> memref<80xi32, #tpu.memory_space<hbm>>
      tpu.enqueue_dma source(%dma_start3A_259 : memref<80xi32, #tpu.memory_space<hbm>>) target(%arg6 : memref<80xi32, #tpu.memory_space<vmem>>) target_semaphore(%arg19 : memref<!tpu.dma_semaphore, #tpu.memory_space<semaphore_mem>>)
      %mul3A_260 = arith.constant 80 : i32
      %mul3A_261 = arith.muli %mul3A_246, %mul3A_260 : i32
      %dma_start3A_262 = tpu.memref_slice %arg5[%mul3A_261] : memref<5040xi32, #tpu.memory_space<vmem>> -> memref<80xi32, #tpu.memory_space<vmem>>
      %dma_start3A_263 = arith.constant 0 : i32
      %dma_start3A_264 = arith.constant 0 : i32
      %dma_start3A_265 = tpu.memref_slice %arg2[%dma_start3A_263, %dma_start3A_264] : memref<10000x128xf32, #tpu.memory_space<hbm>> -> memref<10000x128xf32, #tpu.memory_space<hbm>>
      tpu.enqueue_indirect_dma source(%dma_start3A_265 : memref<10000x128xf32, #tpu.memory_space<hbm>>) target(%arg9 : memref<80x128xf32, #tpu.memory_space<vmem>>) offsets(%dma_start3A_262 : memref<80xi32, #tpu.memory_space<vmem>>) semaphore(%arg13 : memref<!tpu.dma_semaphore, #tpu.memory_space<semaphore_mem>>)
      %dma_wait3A_266 = arith.constant 0 : i32
      %dma_wait3A_267 = arith.constant 0 : i32
      %dma_wait3A_268 = tpu.memref_slice %arg2[%dma_wait3A_266, %dma_wait3A_267] : memref<10000x128xf32, #tpu.memory_space<hbm>> -> memref<80x128xf32, #tpu.memory_space<hbm>>
      %dma_wait3A_269 = arith.constant 0 : i32
      %dma_wait3A_270 = arith.constant 0 : i32
      %dma_wait3A_271 = tpu.memref_slice %arg2[%dma_wait3A_269, %dma_wait3A_270] : memref<10000x128xf32, #tpu.memory_space<hbm>> -> memref<80x128xf32, #tpu.memory_space<hbm>>
      tpu.wait_dma2 semaphore(%arg17 : memref<!tpu.dma_semaphore, #tpu.memory_space<semaphore_mem>>) src(%dma_wait3A_271 : memref<80x128xf32, #tpu.memory_space<hbm>>) dst(%arg10 : memref<80x128xf32, #tpu.memory_space<vmem>>)
      %add3A_272 = arith.constant 1 : i32
      %add3A_273 = arith.addi %mul3A_246, %add3A_272 : i32
      %add3A_274 = arith.constant 320000 : i32
      %add3A_275 = arith.addi %add3A_274, %add3A_8 : i32
      %mul3A_276 = arith.constant 80 : i32
      %mul3A_277 = arith.muli %add3A_273, %mul3A_276 : i32
      %add3A_278 = arith.addi %add3A_275, %mul3A_277 : i32
      %dma_start3A_279 = tpu.memref_slice %arg3[%add3A_278] : memref<640000xi32, #tpu.memory_space<hbm>> -> memref<80xi32, #tpu.memory_space<hbm>>
      %dma_start3A_280 = tpu.memref_slice %arg3[%add3A_278] : memref<640000xi32, #tpu.memory_space<hbm>> -> memref<80xi32, #tpu.memory_space<hbm>>
      tpu.enqueue_dma source(%dma_start3A_280 : memref<80xi32, #tpu.memory_space<hbm>>) target(%arg7 : memref<80xi32, #tpu.memory_space<vmem>>) target_semaphore(%arg20 : memref<!tpu.dma_semaphore, #tpu.memory_space<semaphore_mem>>)
      %mul3A_281 = arith.constant 80 : i32
      %mul3A_282 = arith.muli %add3A_273, %mul3A_281 : i32
      %dma_start3A_283 = tpu.memref_slice %arg5[%mul3A_282] : memref<5040xi32, #tpu.memory_space<vmem>> -> memref<80xi32, #tpu.memory_space<vmem>>
      %dma_start3A_284 = arith.constant 0 : i32
      %dma_start3A_285 = arith.constant 0 : i32
      %dma_start3A_286 = tpu.memref_slice %arg2[%dma_start3A_284, %dma_start3A_285] : memref<10000x128xf32, #tpu.memory_space<hbm>> -> memref<10000x128xf32, #tpu.memory_space<hbm>>
      tpu.enqueue_indirect_dma source(%dma_start3A_286 : memref<10000x128xf32, #tpu.memory_space<hbm>>) target(%arg10 : memref<80x128xf32, #tpu.memory_space<vmem>>) offsets(%dma_start3A_283 : memref<80xi32, #tpu.memory_space<vmem>>) semaphore(%arg14 : memref<!tpu.dma_semaphore, #tpu.memory_space<semaphore_mem>>)
      %dma_wait3A_287 = tpu.memref_slice %arg5[%mul3A_261] : memref<5040xi32, #tpu.memory_space<vmem>> -> memref<80xi32, #tpu.memory_space<vmem>>
      %dma_wait3A_288 = arith.constant 0 : i32
      %dma_wait3A_289 = arith.constant 0 : i32
      %dma_wait3A_290 = tpu.memref_slice %arg2[%dma_wait3A_288, %dma_wait3A_289] : memref<10000x128xf32, #tpu.memory_space<hbm>> -> memref<10000x128xf32, #tpu.memory_space<hbm>>
      tpu.wait_indirect_dma semaphore(%arg13 : memref<!tpu.dma_semaphore, #tpu.memory_space<semaphore_mem>>) src(%dma_wait3A_290 : memref<10000x128xf32, #tpu.memory_space<hbm>>) dst(%arg9 : memref<80x128xf32, #tpu.memory_space<vmem>>)
      %dma_wait3A_291 = tpu.memref_slice %arg3[%add3A_257] : memref<640000xi32, #tpu.memory_space<hbm>> -> memref<80xi32, #tpu.memory_space<hbm>>
      %dma_wait3A_292 = tpu.memref_slice %arg3[%add3A_257] : memref<640000xi32, #tpu.memory_space<hbm>> -> memref<80xi32, #tpu.memory_space<hbm>>
      tpu.wait_dma2 semaphore(%arg19 : memref<!tpu.dma_semaphore, #tpu.memory_space<semaphore_mem>>) src(%dma_wait3A_292 : memref<80xi32, #tpu.memory_space<hbm>>) dst(%arg6 : memref<80xi32, #tpu.memory_space<vmem>>)
      %dma_start3A_293 = arith.constant 0 : i32
      %dma_start3A_294 = arith.constant 0 : i32
      %dma_start3A_295 = tpu.memref_slice %arg12[%dma_start3A_293, %dma_start3A_294] : memref<10000x128xf32, #tpu.memory_space<vmem_shared>> -> memref<10000x128xf32, #tpu.memory_space<vmem_shared>>
      tpu.enqueue_indirect_dma source(%arg9 : memref<80x128xf32, #tpu.memory_space<vmem>>) target(%dma_start3A_295 : memref<10000x128xf32, #tpu.memory_space<vmem_shared>>) offsets(%arg6 : memref<80xi32, #tpu.memory_space<vmem>>) semaphore(%arg16 : memref<!tpu.dma_semaphore, #tpu.memory_space<semaphore_mem>>) {add = true}
      %dma_wait3A_296 = arith.constant 0 : i32
      %dma_wait3A_297 = arith.constant 0 : i32
      %dma_wait3A_298 = tpu.memref_slice %arg2[%dma_wait3A_296, %dma_wait3A_297] : memref<10000x128xf32, #tpu.memory_space<hbm>> -> memref<80x128xf32, #tpu.memory_space<hbm>>
      %dma_wait3A_299 = arith.constant 0 : i32
      %dma_wait3A_300 = arith.constant 0 : i32
      %dma_wait3A_301 = tpu.memref_slice %arg2[%dma_wait3A_299, %dma_wait3A_300] : memref<10000x128xf32, #tpu.memory_space<hbm>> -> memref<80x128xf32, #tpu.memory_space<hbm>>
      tpu.wait_dma2 semaphore(%arg18 : memref<!tpu.dma_semaphore, #tpu.memory_space<semaphore_mem>>) src(%dma_wait3A_301 : memref<80x128xf32, #tpu.memory_space<hbm>>) dst(%arg11 : memref<80x128xf32, #tpu.memory_space<vmem>>)
      %add3A_302 = arith.constant 2 : i32
      %add3A_303 = arith.addi %mul3A_246, %add3A_302 : i32
      %add3A_304 = arith.constant 320000 : i32
      %add3A_305 = arith.addi %add3A_304, %add3A_8 : i32
      %mul3A_306 = arith.constant 80 : i32
      %mul3A_307 = arith.muli %add3A_303, %mul3A_306 : i32
      %add3A_308 = arith.addi %add3A_305, %mul3A_307 : i32
      %dma_start3A_309 = tpu.memref_slice %arg3[%add3A_308] : memref<640000xi32, #tpu.memory_space<hbm>> -> memref<80xi32, #tpu.memory_space<hbm>>
      %dma_start3A_310 = tpu.memref_slice %arg3[%add3A_308] : memref<640000xi32, #tpu.memory_space<hbm>> -> memref<80xi32, #tpu.memory_space<hbm>>
      tpu.enqueue_dma source(%dma_start3A_310 : memref<80xi32, #tpu.memory_space<hbm>>) target(%arg8 : memref<80xi32, #tpu.memory_space<vmem>>) target_semaphore(%arg21 : memref<!tpu.dma_semaphore, #tpu.memory_space<semaphore_mem>>)
      %mul3A_311 = arith.constant 80 : i32
      %mul3A_312 = arith.muli %add3A_303, %mul3A_311 : i32
      %dma_start3A_313 = tpu.memref_slice %arg5[%mul3A_312] : memref<5040xi32, #tpu.memory_space<vmem>> -> memref<80xi32, #tpu.memory_space<vmem>>
      %dma_start3A_314 = arith.constant 0 : i32
      %dma_start3A_315 = arith.constant 0 : i32
      %dma_start3A_316 = tpu.memref_slice %arg2[%dma_start3A_314, %dma_start3A_315] : memref<10000x128xf32, #tpu.memory_space<hbm>> -> memref<10000x128xf32, #tpu.memory_space<hbm>>
      tpu.enqueue_indirect_dma source(%dma_start3A_316 : memref<10000x128xf32, #tpu.memory_space<hbm>>) target(%arg11 : memref<80x128xf32, #tpu.memory_space<vmem>>) offsets(%dma_start3A_313 : memref<80xi32, #tpu.memory_space<vmem>>) semaphore(%arg15 : memref<!tpu.dma_semaphore, #tpu.memory_space<semaphore_mem>>)
      %dma_wait3A_317 = tpu.memref_slice %arg5[%mul3A_282] : memref<5040xi32, #tpu.memory_space<vmem>> -> memref<80xi32, #tpu.memory_space<vmem>>
      %dma_wait3A_318 = arith.constant 0 : i32
      %dma_wait3A_319 = arith.constant 0 : i32
      %dma_wait3A_320 = tpu.memref_slice %arg2[%dma_wait3A_318, %dma_wait3A_319] : memref<10000x128xf32, #tpu.memory_space<hbm>> -> memref<10000x128xf32, #tpu.memory_space<hbm>>
      tpu.wait_indirect_dma semaphore(%arg14 : memref<!tpu.dma_semaphore, #tpu.memory_space<semaphore_mem>>) src(%dma_wait3A_320 : memref<10000x128xf32, #tpu.memory_space<hbm>>) dst(%arg10 : memref<80x128xf32, #tpu.memory_space<vmem>>)
      %dma_wait3A_321 = tpu.memref_slice %arg3[%add3A_278] : memref<640000xi32, #tpu.memory_space<hbm>> -> memref<80xi32, #tpu.memory_space<hbm>>
      %dma_wait3A_322 = tpu.memref_slice %arg3[%add3A_278] : memref<640000xi32, #tpu.memory_space<hbm>> -> memref<80xi32, #tpu.memory_space<hbm>>
      tpu.wait_dma2 semaphore(%arg20 : memref<!tpu.dma_semaphore, #tpu.memory_space<semaphore_mem>>) src(%dma_wait3A_322 : memref<80xi32, #tpu.memory_space<hbm>>) dst(%arg7 : memref<80xi32, #tpu.memory_space<vmem>>)
      %dma_start3A_323 = arith.constant 0 : i32
      %dma_start3A_324 = arith.constant 0 : i32
      %dma_start3A_325 = tpu.memref_slice %arg12[%dma_start3A_323, %dma_start3A_324] : memref<10000x128xf32, #tpu.memory_space<vmem_shared>> -> memref<10000x128xf32, #tpu.memory_space<vmem_shared>>
      tpu.enqueue_indirect_dma source(%arg10 : memref<80x128xf32, #tpu.memory_space<vmem>>) target(%dma_start3A_325 : memref<10000x128xf32, #tpu.memory_space<vmem_shared>>) offsets(%arg7 : memref<80xi32, #tpu.memory_space<vmem>>) semaphore(%arg17 : memref<!tpu.dma_semaphore, #tpu.memory_space<semaphore_mem>>) {add = true}
      %dma_wait3A_326 = tpu.memref_slice %arg5[%mul3A_312] : memref<5040xi32, #tpu.memory_space<vmem>> -> memref<80xi32, #tpu.memory_space<vmem>>
      %dma_wait3A_327 = arith.constant 0 : i32
      %dma_wait3A_328 = arith.constant 0 : i32
      %dma_wait3A_329 = tpu.memref_slice %arg2[%dma_wait3A_327, %dma_wait3A_328] : memref<10000x128xf32, #tpu.memory_space<hbm>> -> memref<10000x128xf32, #tpu.memory_space<hbm>>
      tpu.wait_indirect_dma semaphore(%arg15 : memref<!tpu.dma_semaphore, #tpu.memory_space<semaphore_mem>>) src(%dma_wait3A_329 : memref<10000x128xf32, #tpu.memory_space<hbm>>) dst(%arg11 : memref<80x128xf32, #tpu.memory_space<vmem>>)
      %dma_wait3A_330 = tpu.memref_slice %arg3[%add3A_308] : memref<640000xi32, #tpu.memory_space<hbm>> -> memref<80xi32, #tpu.memory_space<hbm>>
      %dma_wait3A_331 = tpu.memref_slice %arg3[%add3A_308] : memref<640000xi32, #tpu.memory_space<hbm>> -> memref<80xi32, #tpu.memory_space<hbm>>
      tpu.wait_dma2 semaphore(%arg21 : memref<!tpu.dma_semaphore, #tpu.memory_space<semaphore_mem>>) src(%dma_wait3A_331 : memref<80xi32, #tpu.memory_space<hbm>>) dst(%arg8 : memref<80xi32, #tpu.memory_space<vmem>>)
      %dma_start3A_332 = arith.constant 0 : i32
      %dma_start3A_333 = arith.constant 0 : i32
      %dma_start3A_334 = tpu.memref_slice %arg12[%dma_start3A_332, %dma_start3A_333] : memref<10000x128xf32, #tpu.memory_space<vmem_shared>> -> memref<10000x128xf32, #tpu.memory_space<vmem_shared>>
      tpu.enqueue_indirect_dma source(%arg11 : memref<80x128xf32, #tpu.memory_space<vmem>>) target(%dma_start3A_334 : memref<10000x128xf32, #tpu.memory_space<vmem_shared>>) offsets(%arg8 : memref<80xi32, #tpu.memory_space<vmem>>) semaphore(%arg18 : memref<!tpu.dma_semaphore, #tpu.memory_space<semaphore_mem>>) {add = true}
    }
    %scan3A_74 = arith.constant 20 : i32
    %mul3A_75 = arith.constant 10000 : i32
    %mul3A_76 = arith.muli %add3A, %mul3A_75 : i32
    %add3A_77 = arith.constant 5040 : i32
    %add3A_78 = arith.addi %mul3A_76, %add3A_77 : i32
    "tpu.region"() ({
      %run_scoped3A = tpu.sem_alloc : memref<!tpu.dma_semaphore, #tpu.memory_space<semaphore_mem>>
      %dma_start3A_244 = arith.constant 0 : i32
      %dma_start3A_245 = tpu.memref_slice %arg5[%dma_start3A_244] : memref<5040xi32, #tpu.memory_space<vmem>> -> memref<4960xi32, #tpu.memory_space<vmem>>
      %dma_start3A_246 = tpu.memref_slice %arg3[%add3A_78] : memref<640000xi32, #tpu.memory_space<hbm>> -> memref<4960xi32, #tpu.memory_space<hbm>>
      %dma_start3A_247 = arith.constant 0 : i32
      %dma_start3A_248 = tpu.memref_slice %arg5[%dma_start3A_247] : memref<5040xi32, #tpu.memory_space<vmem>> -> memref<4960xi32, #tpu.memory_space<vmem>>
      %dma_start3A_249 = tpu.memref_slice %arg3[%add3A_78] : memref<640000xi32, #tpu.memory_space<hbm>> -> memref<4960xi32, #tpu.memory_space<hbm>>
      tpu.enqueue_dma source(%dma_start3A_249 : memref<4960xi32, #tpu.memory_space<hbm>>) target(%dma_start3A_248 : memref<4960xi32, #tpu.memory_space<vmem>>) target_semaphore(%run_scoped3A : memref<!tpu.dma_semaphore, #tpu.memory_space<semaphore_mem>>)
      %dma_wait3A_250 = arith.constant 0 : i32
      %dma_wait3A_251 = tpu.memref_slice %arg5[%dma_wait3A_250] : memref<5040xi32, #tpu.memory_space<vmem>> -> memref<4960xi32, #tpu.memory_space<vmem>>
      %dma_wait3A_252 = tpu.memref_slice %arg3[%add3A_78] : memref<640000xi32, #tpu.memory_space<hbm>> -> memref<4960xi32, #tpu.memory_space<hbm>>
      %dma_wait3A_253 = arith.constant 0 : i32
      %dma_wait3A_254 = tpu.memref_slice %arg5[%dma_wait3A_253] : memref<5040xi32, #tpu.memory_space<vmem>> -> memref<4960xi32, #tpu.memory_space<vmem>>
      %dma_wait3A_255 = tpu.memref_slice %arg3[%add3A_78] : memref<640000xi32, #tpu.memory_space<hbm>> -> memref<4960xi32, #tpu.memory_space<hbm>>
      tpu.wait_dma2 semaphore(%run_scoped3A : memref<!tpu.dma_semaphore, #tpu.memory_space<semaphore_mem>>) src(%dma_wait3A_255 : memref<4960xi32, #tpu.memory_space<hbm>>) dst(%dma_wait3A_254 : memref<4960xi32, #tpu.memory_space<vmem>>)
      tpu.yield
    }) : () -> ()
    %dma_wait3A_79 = arith.constant 0 : i32
    %dma_wait3A_80 = arith.constant 0 : i32
    %dma_wait3A_81 = tpu.memref_slice %arg2[%dma_wait3A_79, %dma_wait3A_80] : memref<10000x128xf32, #tpu.memory_space<hbm>> -> memref<80x128xf32, #tpu.memory_space<hbm>>
    %dma_wait3A_82 = arith.constant 0 : i32
    %dma_wait3A_83 = arith.constant 0 : i32
    %dma_wait3A_84 = tpu.memref_slice %arg2[%dma_wait3A_82, %dma_wait3A_83] : memref<10000x128xf32, #tpu.memory_space<hbm>> -> memref<80x128xf32, #tpu.memory_space<hbm>>
    tpu.wait_dma2 semaphore(%arg16 : memref<!tpu.dma_semaphore, #tpu.memory_space<semaphore_mem>>) src(%dma_wait3A_84 : memref<80x128xf32, #tpu.memory_space<hbm>>) dst(%arg9 : memref<80x128xf32, #tpu.memory_space<vmem>>)
    %add3A_85 = arith.constant 320000 : i32
    %add3A_86 = arith.addi %add3A_85, %add3A_78 : i32
    %add3A_87 = arith.constant 0 : i32
    %add3A_88 = arith.addi %add3A_86, %add3A_87 : i32
    %dma_start3A_89 = tpu.memref_slice %arg3[%add3A_88] : memref<640000xi32, #tpu.memory_space<hbm>> -> memref<80xi32, #tpu.memory_space<hbm>>
    %dma_start3A_90 = tpu.memref_slice %arg3[%add3A_88] : memref<640000xi32, #tpu.memory_space<hbm>> -> memref<80xi32, #tpu.memory_space<hbm>>
    tpu.enqueue_dma source(%dma_start3A_90 : memref<80xi32, #tpu.memory_space<hbm>>) target(%arg6 : memref<80xi32, #tpu.memory_space<vmem>>) target_semaphore(%arg19 : memref<!tpu.dma_semaphore, #tpu.memory_space<semaphore_mem>>)
    %dma_start3A_91 = arith.constant 0 : i32
    %dma_start3A_92 = tpu.memref_slice %arg5[%dma_start3A_91] : memref<5040xi32, #tpu.memory_space<vmem>> -> memref<80xi32, #tpu.memory_space<vmem>>
    %dma_start3A_93 = arith.constant 0 : i32
    %dma_start3A_94 = arith.constant 0 : i32
    %dma_start3A_95 = tpu.memref_slice %arg2[%dma_start3A_93, %dma_start3A_94] : memref<10000x128xf32, #tpu.memory_space<hbm>> -> memref<10000x128xf32, #tpu.memory_space<hbm>>
    tpu.enqueue_indirect_dma source(%dma_start3A_95 : memref<10000x128xf32, #tpu.memory_space<hbm>>) target(%arg9 : memref<80x128xf32, #tpu.memory_space<vmem>>) offsets(%dma_start3A_92 : memref<80xi32, #tpu.memory_space<vmem>>) semaphore(%arg13 : memref<!tpu.dma_semaphore, #tpu.memory_space<semaphore_mem>>)
    %dma_wait3A_96 = arith.constant 0 : i32
    %dma_wait3A_97 = arith.constant 0 : i32
    %dma_wait3A_98 = tpu.memref_slice %arg2[%dma_wait3A_96, %dma_wait3A_97] : memref<10000x128xf32, #tpu.memory_space<hbm>> -> memref<80x128xf32, #tpu.memory_space<hbm>>
    %dma_wait3A_99 = arith.constant 0 : i32
    %dma_wait3A_100 = arith.constant 0 : i32
    %dma_wait3A_101 = tpu.memref_slice %arg2[%dma_wait3A_99, %dma_wait3A_100] : memref<10000x128xf32, #tpu.memory_space<hbm>> -> memref<80x128xf32, #tpu.memory_space<hbm>>
    tpu.wait_dma2 semaphore(%arg17 : memref<!tpu.dma_semaphore, #tpu.memory_space<semaphore_mem>>) src(%dma_wait3A_101 : memref<80x128xf32, #tpu.memory_space<hbm>>) dst(%arg10 : memref<80x128xf32, #tpu.memory_space<vmem>>)
    %add3A_102 = arith.constant 320000 : i32
    %add3A_103 = arith.addi %add3A_102, %add3A_78 : i32
    %add3A_104 = arith.constant 80 : i32
    %add3A_105 = arith.addi %add3A_103, %add3A_104 : i32
    %dma_start3A_106 = tpu.memref_slice %arg3[%add3A_105] : memref<640000xi32, #tpu.memory_space<hbm>> -> memref<80xi32, #tpu.memory_space<hbm>>
    %dma_start3A_107 = tpu.memref_slice %arg3[%add3A_105] : memref<640000xi32, #tpu.memory_space<hbm>> -> memref<80xi32, #tpu.memory_space<hbm>>
    tpu.enqueue_dma source(%dma_start3A_107 : memref<80xi32, #tpu.memory_space<hbm>>) target(%arg7 : memref<80xi32, #tpu.memory_space<vmem>>) target_semaphore(%arg20 : memref<!tpu.dma_semaphore, #tpu.memory_space<semaphore_mem>>)
    %dma_start3A_108 = arith.constant 80 : i32
    %dma_start3A_109 = tpu.memref_slice %arg5[%dma_start3A_108] : memref<5040xi32, #tpu.memory_space<vmem>> -> memref<80xi32, #tpu.memory_space<vmem>>
    %dma_start3A_110 = arith.constant 0 : i32
    %dma_start3A_111 = arith.constant 0 : i32
    %dma_start3A_112 = tpu.memref_slice %arg2[%dma_start3A_110, %dma_start3A_111] : memref<10000x128xf32, #tpu.memory_space<hbm>> -> memref<10000x128xf32, #tpu.memory_space<hbm>>
    tpu.enqueue_indirect_dma source(%dma_start3A_112 : memref<10000x128xf32, #tpu.memory_space<hbm>>) target(%arg10 : memref<80x128xf32, #tpu.memory_space<vmem>>) offsets(%dma_start3A_109 : memref<80xi32, #tpu.memory_space<vmem>>) semaphore(%arg14 : memref<!tpu.dma_semaphore, #tpu.memory_space<semaphore_mem>>)
    %dma_wait3A_113 = arith.constant 0 : i32
    %dma_wait3A_114 = tpu.memref_slice %arg5[%dma_wait3A_113] : memref<5040xi32, #tpu.memory_space<vmem>> -> memref<80xi32, #tpu.memory_space<vmem>>
    %dma_wait3A_115 = arith.constant 0 : i32
    %dma_wait3A_116 = arith.constant 0 : i32
    %dma_wait3A_117 = tpu.memref_slice %arg2[%dma_wait3A_115, %dma_wait3A_116] : memref<10000x128xf32, #tpu.memory_space<hbm>> -> memref<10000x128xf32, #tpu.memory_space<hbm>>
    tpu.wait_indirect_dma semaphore(%arg13 : memref<!tpu.dma_semaphore, #tpu.memory_space<semaphore_mem>>) src(%dma_wait3A_117 : memref<10000x128xf32, #tpu.memory_space<hbm>>) dst(%arg9 : memref<80x128xf32, #tpu.memory_space<vmem>>)
    %dma_wait3A_118 = tpu.memref_slice %arg3[%add3A_88] : memref<640000xi32, #tpu.memory_space<hbm>> -> memref<80xi32, #tpu.memory_space<hbm>>
    %dma_wait3A_119 = tpu.memref_slice %arg3[%add3A_88] : memref<640000xi32, #tpu.memory_space<hbm>> -> memref<80xi32, #tpu.memory_space<hbm>>
    tpu.wait_dma2 semaphore(%arg19 : memref<!tpu.dma_semaphore, #tpu.memory_space<semaphore_mem>>) src(%dma_wait3A_119 : memref<80xi32, #tpu.memory_space<hbm>>) dst(%arg6 : memref<80xi32, #tpu.memory_space<vmem>>)
    %dma_start3A_120 = arith.constant 0 : i32
    %dma_start3A_121 = arith.constant 0 : i32
    %dma_start3A_122 = tpu.memref_slice %arg12[%dma_start3A_120, %dma_start3A_121] : memref<10000x128xf32, #tpu.memory_space<vmem_shared>> -> memref<10000x128xf32, #tpu.memory_space<vmem_shared>>
    tpu.enqueue_indirect_dma source(%arg9 : memref<80x128xf32, #tpu.memory_space<vmem>>) target(%dma_start3A_122 : memref<10000x128xf32, #tpu.memory_space<vmem_shared>>) offsets(%arg6 : memref<80xi32, #tpu.memory_space<vmem>>) semaphore(%arg16 : memref<!tpu.dma_semaphore, #tpu.memory_space<semaphore_mem>>) {add = true}
    %dma_wait3A_123 = arith.constant 0 : i32
    %dma_wait3A_124 = arith.constant 0 : i32
    %dma_wait3A_125 = tpu.memref_slice %arg2[%dma_wait3A_123, %dma_wait3A_124] : memref<10000x128xf32, #tpu.memory_space<hbm>> -> memref<80x128xf32, #tpu.memory_space<hbm>>
    %dma_wait3A_126 = arith.constant 0 : i32
    %dma_wait3A_127 = arith.constant 0 : i32
    %dma_wait3A_128 = tpu.memref_slice %arg2[%dma_wait3A_126, %dma_wait3A_127] : memref<10000x128xf32, #tpu.memory_space<hbm>> -> memref<80x128xf32, #tpu.memory_space<hbm>>
    tpu.wait_dma2 semaphore(%arg18 : memref<!tpu.dma_semaphore, #tpu.memory_space<semaphore_mem>>) src(%dma_wait3A_128 : memref<80x128xf32, #tpu.memory_space<hbm>>) dst(%arg11 : memref<80x128xf32, #tpu.memory_space<vmem>>)
    %add3A_129 = arith.constant 320000 : i32
    %add3A_130 = arith.addi %add3A_129, %add3A_78 : i32
    %add3A_131 = arith.constant 160 : i32
    %add3A_132 = arith.addi %add3A_130, %add3A_131 : i32
    %dma_start3A_133 = tpu.memref_slice %arg3[%add3A_132] : memref<640000xi32, #tpu.memory_space<hbm>> -> memref<80xi32, #tpu.memory_space<hbm>>
    %dma_start3A_134 = tpu.memref_slice %arg3[%add3A_132] : memref<640000xi32, #tpu.memory_space<hbm>> -> memref<80xi32, #tpu.memory_space<hbm>>
    tpu.enqueue_dma source(%dma_start3A_134 : memref<80xi32, #tpu.memory_space<hbm>>) target(%arg8 : memref<80xi32, #tpu.memory_space<vmem>>) target_semaphore(%arg21 : memref<!tpu.dma_semaphore, #tpu.memory_space<semaphore_mem>>)
    %dma_start3A_135 = arith.constant 160 : i32
    %dma_start3A_136 = tpu.memref_slice %arg5[%dma_start3A_135] : memref<5040xi32, #tpu.memory_space<vmem>> -> memref<80xi32, #tpu.memory_space<vmem>>
    %dma_start3A_137 = arith.constant 0 : i32
    %dma_start3A_138 = arith.constant 0 : i32
    %dma_start3A_139 = tpu.memref_slice %arg2[%dma_start3A_137, %dma_start3A_138] : memref<10000x128xf32, #tpu.memory_space<hbm>> -> memref<10000x128xf32, #tpu.memory_space<hbm>>
    tpu.enqueue_indirect_dma source(%dma_start3A_139 : memref<10000x128xf32, #tpu.memory_space<hbm>>) target(%arg11 : memref<80x128xf32, #tpu.memory_space<vmem>>) offsets(%dma_start3A_136 : memref<80xi32, #tpu.memory_space<vmem>>) semaphore(%arg15 : memref<!tpu.dma_semaphore, #tpu.memory_space<semaphore_mem>>)
    %dma_wait3A_140 = arith.constant 80 : i32
    %dma_wait3A_141 = tpu.memref_slice %arg5[%dma_wait3A_140] : memref<5040xi32, #tpu.memory_space<vmem>> -> memref<80xi32, #tpu.memory_space<vmem>>
    %dma_wait3A_142 = arith.constant 0 : i32
    %dma_wait3A_143 = arith.constant 0 : i32
    %dma_wait3A_144 = tpu.memref_slice %arg2[%dma_wait3A_142, %dma_wait3A_143] : memref<10000x128xf32, #tpu.memory_space<hbm>> -> memref<10000x128xf32, #tpu.memory_space<hbm>>
    tpu.wait_indirect_dma semaphore(%arg14 : memref<!tpu.dma_semaphore, #tpu.memory_space<semaphore_mem>>) src(%dma_wait3A_144 : memref<10000x128xf32, #tpu.memory_space<hbm>>) dst(%arg10 : memref<80x128xf32, #tpu.memory_space<vmem>>)
    %dma_wait3A_145 = tpu.memref_slice %arg3[%add3A_105] : memref<640000xi32, #tpu.memory_space<hbm>> -> memref<80xi32, #tpu.memory_space<hbm>>
    %dma_wait3A_146 = tpu.memref_slice %arg3[%add3A_105] : memref<640000xi32, #tpu.memory_space<hbm>> -> memref<80xi32, #tpu.memory_space<hbm>>
    tpu.wait_dma2 semaphore(%arg20 : memref<!tpu.dma_semaphore, #tpu.memory_space<semaphore_mem>>) src(%dma_wait3A_146 : memref<80xi32, #tpu.memory_space<hbm>>) dst(%arg7 : memref<80xi32, #tpu.memory_space<vmem>>)
    %dma_start3A_147 = arith.constant 0 : i32
    %dma_start3A_148 = arith.constant 0 : i32
    %dma_start3A_149 = tpu.memref_slice %arg12[%dma_start3A_147, %dma_start3A_148] : memref<10000x128xf32, #tpu.memory_space<vmem_shared>> -> memref<10000x128xf32, #tpu.memory_space<vmem_shared>>
    tpu.enqueue_indirect_dma source(%arg10 : memref<80x128xf32, #tpu.memory_space<vmem>>) target(%dma_start3A_149 : memref<10000x128xf32, #tpu.memory_space<vmem_shared>>) offsets(%arg7 : memref<80xi32, #tpu.memory_space<vmem>>) semaphore(%arg17 : memref<!tpu.dma_semaphore, #tpu.memory_space<semaphore_mem>>) {add = true}
    %dma_wait3A_150 = arith.constant 160 : i32
    %dma_wait3A_151 = tpu.memref_slice %arg5[%dma_wait3A_150] : memref<5040xi32, #tpu.memory_space<vmem>> -> memref<80xi32, #tpu.memory_space<vmem>>
    %dma_wait3A_152 = arith.constant 0 : i32
    %dma_wait3A_153 = arith.constant 0 : i32
    %dma_wait3A_154 = tpu.memref_slice %arg2[%dma_wait3A_152, %dma_wait3A_153] : memref<10000x128xf32, #tpu.memory_space<hbm>> -> memref<10000x128xf32, #tpu.memory_space<hbm>>
    tpu.wait_indirect_dma semaphore(%arg15 : memref<!tpu.dma_semaphore, #tpu.memory_space<semaphore_mem>>) src(%dma_wait3A_154 : memref<10000x128xf32, #tpu.memory_space<hbm>>) dst(%arg11 : memref<80x128xf32, #tpu.memory_space<vmem>>)
    %dma_wait3A_155 = tpu.memref_slice %arg3[%add3A_132] : memref<640000xi32, #tpu.memory_space<hbm>> -> memref<80xi32, #tpu.memory_space<hbm>>
    %dma_wait3A_156 = tpu.memref_slice %arg3[%add3A_132] : memref<640000xi32, #tpu.memory_space<hbm>> -> memref<80xi32, #tpu.memory_space<hbm>>
    tpu.wait_dma2 semaphore(%arg21 : memref<!tpu.dma_semaphore, #tpu.memory_space<semaphore_mem>>) src(%dma_wait3A_156 : memref<80xi32, #tpu.memory_space<hbm>>) dst(%arg8 : memref<80xi32, #tpu.memory_space<vmem>>)
    %dma_start3A_157 = arith.constant 0 : i32
    %dma_start3A_158 = arith.constant 0 : i32
    %dma_start3A_159 = tpu.memref_slice %arg12[%dma_start3A_157, %dma_start3A_158] : memref<10000x128xf32, #tpu.memory_space<vmem_shared>> -> memref<10000x128xf32, #tpu.memory_space<vmem_shared>>
    tpu.enqueue_indirect_dma source(%arg11 : memref<80x128xf32, #tpu.memory_space<vmem>>) target(%dma_start3A_159 : memref<10000x128xf32, #tpu.memory_space<vmem_shared>>) offsets(%arg8 : memref<80xi32, #tpu.memory_space<vmem>>) semaphore(%arg18 : memref<!tpu.dma_semaphore, #tpu.memory_space<semaphore_mem>>) {add = true}
    %scan3A_160 = arith.constant 0 : i32
    %scan3A_161 = arith.constant 1 : i32
    %scan3A_162 = arith.constant 19 : i32
    %scan3A_163 = arith.addi %scan3A_161, %scan3A_162 : i32
    %scan3A_164 = arith.constant 1 : i32
    scf.for %scan3A_244 = %scan3A_161 to %scan3A_163 step %scan3A_164  : i32 {
      %mul3A_245 = arith.constant 3 : i32
      %mul3A_246 = arith.muli %mul3A_245, %scan3A_244 : i32
      %dma_wait3A_247 = arith.constant 0 : i32
      %dma_wait3A_248 = arith.constant 0 : i32
      %dma_wait3A_249 = tpu.memref_slice %arg2[%dma_wait3A_247, %dma_wait3A_248] : memref<10000x128xf32, #tpu.memory_space<hbm>> -> memref<80x128xf32, #tpu.memory_space<hbm>>
      %dma_wait3A_250 = arith.constant 0 : i32
      %dma_wait3A_251 = arith.constant 0 : i32
      %dma_wait3A_252 = tpu.memref_slice %arg2[%dma_wait3A_250, %dma_wait3A_251] : memref<10000x128xf32, #tpu.memory_space<hbm>> -> memref<80x128xf32, #tpu.memory_space<hbm>>
      tpu.wait_dma2 semaphore(%arg16 : memref<!tpu.dma_semaphore, #tpu.memory_space<semaphore_mem>>) src(%dma_wait3A_252 : memref<80x128xf32, #tpu.memory_space<hbm>>) dst(%arg9 : memref<80x128xf32, #tpu.memory_space<vmem>>)
      %add3A_253 = arith.constant 320000 : i32
      %add3A_254 = arith.addi %add3A_253, %add3A_78 : i32
      %mul3A_255 = arith.constant 80 : i32
      %mul3A_256 = arith.muli %mul3A_246, %mul3A_255 : i32
      %add3A_257 = arith.addi %add3A_254, %mul3A_256 : i32
      %dma_start3A_258 = tpu.memref_slice %arg3[%add3A_257] : memref<640000xi32, #tpu.memory_space<hbm>> -> memref<80xi32, #tpu.memory_space<hbm>>
      %dma_start3A_259 = tpu.memref_slice %arg3[%add3A_257] : memref<640000xi32, #tpu.memory_space<hbm>> -> memref<80xi32, #tpu.memory_space<hbm>>
      tpu.enqueue_dma source(%dma_start3A_259 : memref<80xi32, #tpu.memory_space<hbm>>) target(%arg6 : memref<80xi32, #tpu.memory_space<vmem>>) target_semaphore(%arg19 : memref<!tpu.dma_semaphore, #tpu.memory_space<semaphore_mem>>)
      %mul3A_260 = arith.constant 80 : i32
      %mul3A_261 = arith.muli %mul3A_246, %mul3A_260 : i32
      %dma_start3A_262 = tpu.memref_slice %arg5[%mul3A_261] : memref<5040xi32, #tpu.memory_space<vmem>> -> memref<80xi32, #tpu.memory_space<vmem>>
      %dma_start3A_263 = arith.constant 0 : i32
      %dma_start3A_264 = arith.constant 0 : i32
      %dma_start3A_265 = tpu.memref_slice %arg2[%dma_start3A_263, %dma_start3A_264] : memref<10000x128xf32, #tpu.memory_space<hbm>> -> memref<10000x128xf32, #tpu.memory_space<hbm>>
      tpu.enqueue_indirect_dma source(%dma_start3A_265 : memref<10000x128xf32, #tpu.memory_space<hbm>>) target(%arg9 : memref<80x128xf32, #tpu.memory_space<vmem>>) offsets(%dma_start3A_262 : memref<80xi32, #tpu.memory_space<vmem>>) semaphore(%arg13 : memref<!tpu.dma_semaphore, #tpu.memory_space<semaphore_mem>>)
      %dma_wait3A_266 = arith.constant 0 : i32
      %dma_wait3A_267 = arith.constant 0 : i32
      %dma_wait3A_268 = tpu.memref_slice %arg2[%dma_wait3A_266, %dma_wait3A_267] : memref<10000x128xf32, #tpu.memory_space<hbm>> -> memref<80x128xf32, #tpu.memory_space<hbm>>
      %dma_wait3A_269 = arith.constant 0 : i32
      %dma_wait3A_270 = arith.constant 0 : i32
      %dma_wait3A_271 = tpu.memref_slice %arg2[%dma_wait3A_269, %dma_wait3A_270] : memref<10000x128xf32, #tpu.memory_space<hbm>> -> memref<80x128xf32, #tpu.memory_space<hbm>>
      tpu.wait_dma2 semaphore(%arg17 : memref<!tpu.dma_semaphore, #tpu.memory_space<semaphore_mem>>) src(%dma_wait3A_271 : memref<80x128xf32, #tpu.memory_space<hbm>>) dst(%arg10 : memref<80x128xf32, #tpu.memory_space<vmem>>)
      %add3A_272 = arith.constant 1 : i32
      %add3A_273 = arith.addi %mul3A_246, %add3A_272 : i32
      %add3A_274 = arith.constant 320000 : i32
      %add3A_275 = arith.addi %add3A_274, %add3A_78 : i32
      %mul3A_276 = arith.constant 80 : i32
      %mul3A_277 = arith.muli %add3A_273, %mul3A_276 : i32
      %add3A_278 = arith.addi %add3A_275, %mul3A_277 : i32
      %dma_start3A_279 = tpu.memref_slice %arg3[%add3A_278] : memref<640000xi32, #tpu.memory_space<hbm>> -> memref<80xi32, #tpu.memory_space<hbm>>
      %dma_start3A_280 = tpu.memref_slice %arg3[%add3A_278] : memref<640000xi32, #tpu.memory_space<hbm>> -> memref<80xi32, #tpu.memory_space<hbm>>
      tpu.enqueue_dma source(%dma_start3A_280 : memref<80xi32, #tpu.memory_space<hbm>>) target(%arg7 : memref<80xi32, #tpu.memory_space<vmem>>) target_semaphore(%arg20 : memref<!tpu.dma_semaphore, #tpu.memory_space<semaphore_mem>>)
      %mul3A_281 = arith.constant 80 : i32
      %mul3A_282 = arith.muli %add3A_273, %mul3A_281 : i32
      %dma_start3A_283 = tpu.memref_slice %arg5[%mul3A_282] : memref<5040xi32, #tpu.memory_space<vmem>> -> memref<80xi32, #tpu.memory_space<vmem>>
      %dma_start3A_284 = arith.constant 0 : i32
      %dma_start3A_285 = arith.constant 0 : i32
      %dma_start3A_286 = tpu.memref_slice %arg2[%dma_start3A_284, %dma_start3A_285] : memref<10000x128xf32, #tpu.memory_space<hbm>> -> memref<10000x128xf32, #tpu.memory_space<hbm>>
      tpu.enqueue_indirect_dma source(%dma_start3A_286 : memref<10000x128xf32, #tpu.memory_space<hbm>>) target(%arg10 : memref<80x128xf32, #tpu.memory_space<vmem>>) offsets(%dma_start3A_283 : memref<80xi32, #tpu.memory_space<vmem>>) semaphore(%arg14 : memref<!tpu.dma_semaphore, #tpu.memory_space<semaphore_mem>>)
      %dma_wait3A_287 = tpu.memref_slice %arg5[%mul3A_261] : memref<5040xi32, #tpu.memory_space<vmem>> -> memref<80xi32, #tpu.memory_space<vmem>>
      %dma_wait3A_288 = arith.constant 0 : i32
      %dma_wait3A_289 = arith.constant 0 : i32
      %dma_wait3A_290 = tpu.memref_slice %arg2[%dma_wait3A_288, %dma_wait3A_289] : memref<10000x128xf32, #tpu.memory_space<hbm>> -> memref<10000x128xf32, #tpu.memory_space<hbm>>
      tpu.wait_indirect_dma semaphore(%arg13 : memref<!tpu.dma_semaphore, #tpu.memory_space<semaphore_mem>>) src(%dma_wait3A_290 : memref<10000x128xf32, #tpu.memory_space<hbm>>) dst(%arg9 : memref<80x128xf32, #tpu.memory_space<vmem>>)
      %dma_wait3A_291 = tpu.memref_slice %arg3[%add3A_257] : memref<640000xi32, #tpu.memory_space<hbm>> -> memref<80xi32, #tpu.memory_space<hbm>>
      %dma_wait3A_292 = tpu.memref_slice %arg3[%add3A_257] : memref<640000xi32, #tpu.memory_space<hbm>> -> memref<80xi32, #tpu.memory_space<hbm>>
      tpu.wait_dma2 semaphore(%arg19 : memref<!tpu.dma_semaphore, #tpu.memory_space<semaphore_mem>>) src(%dma_wait3A_292 : memref<80xi32, #tpu.memory_space<hbm>>) dst(%arg6 : memref<80xi32, #tpu.memory_space<vmem>>)
      %dma_start3A_293 = arith.constant 0 : i32
      %dma_start3A_294 = arith.constant 0 : i32
      %dma_start3A_295 = tpu.memref_slice %arg12[%dma_start3A_293, %dma_start3A_294] : memref<10000x128xf32, #tpu.memory_space<vmem_shared>> -> memref<10000x128xf32, #tpu.memory_space<vmem_shared>>
      tpu.enqueue_indirect_dma source(%arg9 : memref<80x128xf32, #tpu.memory_space<vmem>>) target(%dma_start3A_295 : memref<10000x128xf32, #tpu.memory_space<vmem_shared>>) offsets(%arg6 : memref<80xi32, #tpu.memory_space<vmem>>) semaphore(%arg16 : memref<!tpu.dma_semaphore, #tpu.memory_space<semaphore_mem>>) {add = true}
      %dma_wait3A_296 = arith.constant 0 : i32
      %dma_wait3A_297 = arith.constant 0 : i32
      %dma_wait3A_298 = tpu.memref_slice %arg2[%dma_wait3A_296, %dma_wait3A_297] : memref<10000x128xf32, #tpu.memory_space<hbm>> -> memref<80x128xf32, #tpu.memory_space<hbm>>
      %dma_wait3A_299 = arith.constant 0 : i32
      %dma_wait3A_300 = arith.constant 0 : i32
      %dma_wait3A_301 = tpu.memref_slice %arg2[%dma_wait3A_299, %dma_wait3A_300] : memref<10000x128xf32, #tpu.memory_space<hbm>> -> memref<80x128xf32, #tpu.memory_space<hbm>>
      tpu.wait_dma2 semaphore(%arg18 : memref<!tpu.dma_semaphore, #tpu.memory_space<semaphore_mem>>) src(%dma_wait3A_301 : memref<80x128xf32, #tpu.memory_space<hbm>>) dst(%arg11 : memref<80x128xf32, #tpu.memory_space<vmem>>)
      %add3A_302 = arith.constant 2 : i32
      %add3A_303 = arith.addi %mul3A_246, %add3A_302 : i32
      %add3A_304 = arith.constant 320000 : i32
      %add3A_305 = arith.addi %add3A_304, %add3A_78 : i32
      %mul3A_306 = arith.constant 80 : i32
      %mul3A_307 = arith.muli %add3A_303, %mul3A_306 : i32
      %add3A_308 = arith.addi %add3A_305, %mul3A_307 : i32
      %dma_start3A_309 = tpu.memref_slice %arg3[%add3A_308] : memref<640000xi32, #tpu.memory_space<hbm>> -> memref<80xi32, #tpu.memory_space<hbm>>
      %dma_start3A_310 = tpu.memref_slice %arg3[%add3A_308] : memref<640000xi32, #tpu.memory_space<hbm>> -> memref<80xi32, #tpu.memory_space<hbm>>
      tpu.enqueue_dma source(%dma_start3A_310 : memref<80xi32, #tpu.memory_space<hbm>>) target(%arg8 : memref<80xi32, #tpu.memory_space<vmem>>) target_semaphore(%arg21 : memref<!tpu.dma_semaphore, #tpu.memory_space<semaphore_mem>>)
      %mul3A_311 = arith.constant 80 : i32
      %mul3A_312 = arith.muli %add3A_303, %mul3A_311 : i32
      %dma_start3A_313 = tpu.memref_slice %arg5[%mul3A_312] : memref<5040xi32, #tpu.memory_space<vmem>> -> memref<80xi32, #tpu.memory_space<vmem>>
      %dma_start3A_314 = arith.constant 0 : i32
      %dma_start3A_315 = arith.constant 0 : i32
      %dma_start3A_316 = tpu.memref_slice %arg2[%dma_start3A_314, %dma_start3A_315] : memref<10000x128xf32, #tpu.memory_space<hbm>> -> memref<10000x128xf32, #tpu.memory_space<hbm>>
      tpu.enqueue_indirect_dma source(%dma_start3A_316 : memref<10000x128xf32, #tpu.memory_space<hbm>>) target(%arg11 : memref<80x128xf32, #tpu.memory_space<vmem>>) offsets(%dma_start3A_313 : memref<80xi32, #tpu.memory_space<vmem>>) semaphore(%arg15 : memref<!tpu.dma_semaphore, #tpu.memory_space<semaphore_mem>>)
      %dma_wait3A_317 = tpu.memref_slice %arg5[%mul3A_282] : memref<5040xi32, #tpu.memory_space<vmem>> -> memref<80xi32, #tpu.memory_space<vmem>>
      %dma_wait3A_318 = arith.constant 0 : i32
      %dma_wait3A_319 = arith.constant 0 : i32
      %dma_wait3A_320 = tpu.memref_slice %arg2[%dma_wait3A_318, %dma_wait3A_319] : memref<10000x128xf32, #tpu.memory_space<hbm>> -> memref<10000x128xf32, #tpu.memory_space<hbm>>
      tpu.wait_indirect_dma semaphore(%arg14 : memref<!tpu.dma_semaphore, #tpu.memory_space<semaphore_mem>>) src(%dma_wait3A_320 : memref<10000x128xf32, #tpu.memory_space<hbm>>) dst(%arg10 : memref<80x128xf32, #tpu.memory_space<vmem>>)
      %dma_wait3A_321 = tpu.memref_slice %arg3[%add3A_278] : memref<640000xi32, #tpu.memory_space<hbm>> -> memref<80xi32, #tpu.memory_space<hbm>>
      %dma_wait3A_322 = tpu.memref_slice %arg3[%add3A_278] : memref<640000xi32, #tpu.memory_space<hbm>> -> memref<80xi32, #tpu.memory_space<hbm>>
      tpu.wait_dma2 semaphore(%arg20 : memref<!tpu.dma_semaphore, #tpu.memory_space<semaphore_mem>>) src(%dma_wait3A_322 : memref<80xi32, #tpu.memory_space<hbm>>) dst(%arg7 : memref<80xi32, #tpu.memory_space<vmem>>)
      %dma_start3A_323 = arith.constant 0 : i32
      %dma_start3A_324 = arith.constant 0 : i32
      %dma_start3A_325 = tpu.memref_slice %arg12[%dma_start3A_323, %dma_start3A_324] : memref<10000x128xf32, #tpu.memory_space<vmem_shared>> -> memref<10000x128xf32, #tpu.memory_space<vmem_shared>>
      tpu.enqueue_indirect_dma source(%arg10 : memref<80x128xf32, #tpu.memory_space<vmem>>) target(%dma_start3A_325 : memref<10000x128xf32, #tpu.memory_space<vmem_shared>>) offsets(%arg7 : memref<80xi32, #tpu.memory_space<vmem>>) semaphore(%arg17 : memref<!tpu.dma_semaphore, #tpu.memory_space<semaphore_mem>>) {add = true}
      %dma_wait3A_326 = tpu.memref_slice %arg5[%mul3A_312] : memref<5040xi32, #tpu.memory_space<vmem>> -> memref<80xi32, #tpu.memory_space<vmem>>
      %dma_wait3A_327 = arith.constant 0 : i32
      %dma_wait3A_328 = arith.constant 0 : i32
      %dma_wait3A_329 = tpu.memref_slice %arg2[%dma_wait3A_327, %dma_wait3A_328] : memref<10000x128xf32, #tpu.memory_space<hbm>> -> memref<10000x128xf32, #tpu.memory_space<hbm>>
      tpu.wait_indirect_dma semaphore(%arg15 : memref<!tpu.dma_semaphore, #tpu.memory_space<semaphore_mem>>) src(%dma_wait3A_329 : memref<10000x128xf32, #tpu.memory_space<hbm>>) dst(%arg11 : memref<80x128xf32, #tpu.memory_space<vmem>>)
      %dma_wait3A_330 = tpu.memref_slice %arg3[%add3A_308] : memref<640000xi32, #tpu.memory_space<hbm>> -> memref<80xi32, #tpu.memory_space<hbm>>
      %dma_wait3A_331 = tpu.memref_slice %arg3[%add3A_308] : memref<640000xi32, #tpu.memory_space<hbm>> -> memref<80xi32, #tpu.memory_space<hbm>>
      tpu.wait_dma2 semaphore(%arg21 : memref<!tpu.dma_semaphore, #tpu.memory_space<semaphore_mem>>) src(%dma_wait3A_331 : memref<80xi32, #tpu.memory_space<hbm>>) dst(%arg8 : memref<80xi32, #tpu.memory_space<vmem>>)
      %dma_start3A_332 = arith.constant 0 : i32
      %dma_start3A_333 = arith.constant 0 : i32
      %dma_start3A_334 = tpu.memref_slice %arg12[%dma_start3A_332, %dma_start3A_333] : memref<10000x128xf32, #tpu.memory_space<vmem_shared>> -> memref<10000x128xf32, #tpu.memory_space<vmem_shared>>
      tpu.enqueue_indirect_dma source(%arg11 : memref<80x128xf32, #tpu.memory_space<vmem>>) target(%dma_start3A_334 : memref<10000x128xf32, #tpu.memory_space<vmem_shared>>) offsets(%arg8 : memref<80xi32, #tpu.memory_space<vmem>>) semaphore(%arg18 : memref<!tpu.dma_semaphore, #tpu.memory_space<semaphore_mem>>) {add = true}
    }
    %scan3A_165 = arith.constant 19 : i32
    %dma_wait3A_166 = arith.constant 0 : i32
    %dma_wait3A_167 = arith.constant 0 : i32
    %dma_wait3A_168 = tpu.memref_slice %arg2[%dma_wait3A_166, %dma_wait3A_167] : memref<10000x128xf32, #tpu.memory_space<hbm>> -> memref<80x128xf32, #tpu.memory_space<hbm>>
    %dma_wait3A_169 = arith.constant 0 : i32
    %dma_wait3A_170 = arith.constant 0 : i32
    %dma_wait3A_171 = tpu.memref_slice %arg2[%dma_wait3A_169, %dma_wait3A_170] : memref<10000x128xf32, #tpu.memory_space<hbm>> -> memref<80x128xf32, #tpu.memory_space<hbm>>
    tpu.wait_dma2 semaphore(%arg16 : memref<!tpu.dma_semaphore, #tpu.memory_space<semaphore_mem>>) src(%dma_wait3A_171 : memref<80x128xf32, #tpu.memory_space<hbm>>) dst(%arg9 : memref<80x128xf32, #tpu.memory_space<vmem>>)
    %add3A_172 = arith.constant 320000 : i32
    %add3A_173 = arith.addi %add3A_172, %add3A_78 : i32
    %add3A_174 = arith.constant 4800 : i32
    %add3A_175 = arith.addi %add3A_173, %add3A_174 : i32
    %dma_start3A_176 = tpu.memref_slice %arg3[%add3A_175] : memref<640000xi32, #tpu.memory_space<hbm>> -> memref<80xi32, #tpu.memory_space<hbm>>
    %dma_start3A_177 = tpu.memref_slice %arg3[%add3A_175] : memref<640000xi32, #tpu.memory_space<hbm>> -> memref<80xi32, #tpu.memory_space<hbm>>
    tpu.enqueue_dma source(%dma_start3A_177 : memref<80xi32, #tpu.memory_space<hbm>>) target(%arg6 : memref<80xi32, #tpu.memory_space<vmem>>) target_semaphore(%arg19 : memref<!tpu.dma_semaphore, #tpu.memory_space<semaphore_mem>>)
    %dma_start3A_178 = arith.constant 4800 : i32
    %dma_start3A_179 = tpu.memref_slice %arg5[%dma_start3A_178] : memref<5040xi32, #tpu.memory_space<vmem>> -> memref<80xi32, #tpu.memory_space<vmem>>
    %dma_start3A_180 = arith.constant 0 : i32
    %dma_start3A_181 = arith.constant 0 : i32
    %dma_start3A_182 = tpu.memref_slice %arg2[%dma_start3A_180, %dma_start3A_181] : memref<10000x128xf32, #tpu.memory_space<hbm>> -> memref<10000x128xf32, #tpu.memory_space<hbm>>
    tpu.enqueue_indirect_dma source(%dma_start3A_182 : memref<10000x128xf32, #tpu.memory_space<hbm>>) target(%arg9 : memref<80x128xf32, #tpu.memory_space<vmem>>) offsets(%dma_start3A_179 : memref<80xi32, #tpu.memory_space<vmem>>) semaphore(%arg13 : memref<!tpu.dma_semaphore, #tpu.memory_space<semaphore_mem>>)
    %dma_wait3A_183 = arith.constant 4800 : i32
    %dma_wait3A_184 = tpu.memref_slice %arg5[%dma_wait3A_183] : memref<5040xi32, #tpu.memory_space<vmem>> -> memref<80xi32, #tpu.memory_space<vmem>>
    %dma_wait3A_185 = arith.constant 0 : i32
    %dma_wait3A_186 = arith.constant 0 : i32
    %dma_wait3A_187 = tpu.memref_slice %arg2[%dma_wait3A_185, %dma_wait3A_186] : memref<10000x128xf32, #tpu.memory_space<hbm>> -> memref<10000x128xf32, #tpu.memory_space<hbm>>
    tpu.wait_indirect_dma semaphore(%arg13 : memref<!tpu.dma_semaphore, #tpu.memory_space<semaphore_mem>>) src(%dma_wait3A_187 : memref<10000x128xf32, #tpu.memory_space<hbm>>) dst(%arg9 : memref<80x128xf32, #tpu.memory_space<vmem>>)
    %dma_wait3A_188 = tpu.memref_slice %arg3[%add3A_175] : memref<640000xi32, #tpu.memory_space<hbm>> -> memref<80xi32, #tpu.memory_space<hbm>>
    %dma_wait3A_189 = tpu.memref_slice %arg3[%add3A_175] : memref<640000xi32, #tpu.memory_space<hbm>> -> memref<80xi32, #tpu.memory_space<hbm>>
    tpu.wait_dma2 semaphore(%arg19 : memref<!tpu.dma_semaphore, #tpu.memory_space<semaphore_mem>>) src(%dma_wait3A_189 : memref<80xi32, #tpu.memory_space<hbm>>) dst(%arg6 : memref<80xi32, #tpu.memory_space<vmem>>)
    %dma_start3A_190 = arith.constant 0 : i32
    %dma_start3A_191 = arith.constant 0 : i32
    %dma_start3A_192 = tpu.memref_slice %arg12[%dma_start3A_190, %dma_start3A_191] : memref<10000x128xf32, #tpu.memory_space<vmem_shared>> -> memref<10000x128xf32, #tpu.memory_space<vmem_shared>>
    tpu.enqueue_indirect_dma source(%arg9 : memref<80x128xf32, #tpu.memory_space<vmem>>) target(%dma_start3A_192 : memref<10000x128xf32, #tpu.memory_space<vmem_shared>>) offsets(%arg6 : memref<80xi32, #tpu.memory_space<vmem>>) semaphore(%arg16 : memref<!tpu.dma_semaphore, #tpu.memory_space<semaphore_mem>>) {add = true}
    %dma_wait3A_193 = arith.constant 0 : i32
    %dma_wait3A_194 = arith.constant 0 : i32
    %dma_wait3A_195 = tpu.memref_slice %arg2[%dma_wait3A_193, %dma_wait3A_194] : memref<10000x128xf32, #tpu.memory_space<hbm>> -> memref<80x128xf32, #tpu.memory_space<hbm>>
    %dma_wait3A_196 = arith.constant 0 : i32
    %dma_wait3A_197 = arith.constant 0 : i32
    %dma_wait3A_198 = tpu.memref_slice %arg2[%dma_wait3A_196, %dma_wait3A_197] : memref<10000x128xf32, #tpu.memory_space<hbm>> -> memref<80x128xf32, #tpu.memory_space<hbm>>
    tpu.wait_dma2 semaphore(%arg17 : memref<!tpu.dma_semaphore, #tpu.memory_space<semaphore_mem>>) src(%dma_wait3A_198 : memref<80x128xf32, #tpu.memory_space<hbm>>) dst(%arg10 : memref<80x128xf32, #tpu.memory_space<vmem>>)
    %add3A_199 = arith.constant 320000 : i32
    %add3A_200 = arith.addi %add3A_199, %add3A_78 : i32
    %add3A_201 = arith.constant 4880 : i32
    %add3A_202 = arith.addi %add3A_200, %add3A_201 : i32
    %dma_start3A_203 = tpu.memref_slice %arg3[%add3A_202] : memref<640000xi32, #tpu.memory_space<hbm>> -> memref<80xi32, #tpu.memory_space<hbm>>
    %dma_start3A_204 = tpu.memref_slice %arg3[%add3A_202] : memref<640000xi32, #tpu.memory_space<hbm>> -> memref<80xi32, #tpu.memory_space<hbm>>
    tpu.enqueue_dma source(%dma_start3A_204 : memref<80xi32, #tpu.memory_space<hbm>>) target(%arg7 : memref<80xi32, #tpu.memory_space<vmem>>) target_semaphore(%arg20 : memref<!tpu.dma_semaphore, #tpu.memory_space<semaphore_mem>>)
    %dma_start3A_205 = arith.constant 4880 : i32
    %dma_start3A_206 = tpu.memref_slice %arg5[%dma_start3A_205] : memref<5040xi32, #tpu.memory_space<vmem>> -> memref<80xi32, #tpu.memory_space<vmem>>
    %dma_start3A_207 = arith.constant 0 : i32
    %dma_start3A_208 = arith.constant 0 : i32
    %dma_start3A_209 = tpu.memref_slice %arg2[%dma_start3A_207, %dma_start3A_208] : memref<10000x128xf32, #tpu.memory_space<hbm>> -> memref<10000x128xf32, #tpu.memory_space<hbm>>
    tpu.enqueue_indirect_dma source(%dma_start3A_209 : memref<10000x128xf32, #tpu.memory_space<hbm>>) target(%arg10 : memref<80x128xf32, #tpu.memory_space<vmem>>) offsets(%dma_start3A_206 : memref<80xi32, #tpu.memory_space<vmem>>) semaphore(%arg14 : memref<!tpu.dma_semaphore, #tpu.memory_space<semaphore_mem>>)
    %dma_wait3A_210 = arith.constant 4880 : i32
    %dma_wait3A_211 = tpu.memref_slice %arg5[%dma_wait3A_210] : memref<5040xi32, #tpu.memory_space<vmem>> -> memref<80xi32, #tpu.memory_space<vmem>>
    %dma_wait3A_212 = arith.constant 0 : i32
    %dma_wait3A_213 = arith.constant 0 : i32
    %dma_wait3A_214 = tpu.memref_slice %arg2[%dma_wait3A_212, %dma_wait3A_213] : memref<10000x128xf32, #tpu.memory_space<hbm>> -> memref<10000x128xf32, #tpu.memory_space<hbm>>
    tpu.wait_indirect_dma semaphore(%arg14 : memref<!tpu.dma_semaphore, #tpu.memory_space<semaphore_mem>>) src(%dma_wait3A_214 : memref<10000x128xf32, #tpu.memory_space<hbm>>) dst(%arg10 : memref<80x128xf32, #tpu.memory_space<vmem>>)
    %dma_wait3A_215 = tpu.memref_slice %arg3[%add3A_202] : memref<640000xi32, #tpu.memory_space<hbm>> -> memref<80xi32, #tpu.memory_space<hbm>>
    %dma_wait3A_216 = tpu.memref_slice %arg3[%add3A_202] : memref<640000xi32, #tpu.memory_space<hbm>> -> memref<80xi32, #tpu.memory_space<hbm>>
    tpu.wait_dma2 semaphore(%arg20 : memref<!tpu.dma_semaphore, #tpu.memory_space<semaphore_mem>>) src(%dma_wait3A_216 : memref<80xi32, #tpu.memory_space<hbm>>) dst(%arg7 : memref<80xi32, #tpu.memory_space<vmem>>)
    %dma_start3A_217 = arith.constant 0 : i32
    %dma_start3A_218 = arith.constant 0 : i32
    %dma_start3A_219 = tpu.memref_slice %arg12[%dma_start3A_217, %dma_start3A_218] : memref<10000x128xf32, #tpu.memory_space<vmem_shared>> -> memref<10000x128xf32, #tpu.memory_space<vmem_shared>>
    tpu.enqueue_indirect_dma source(%arg10 : memref<80x128xf32, #tpu.memory_space<vmem>>) target(%dma_start3A_219 : memref<10000x128xf32, #tpu.memory_space<vmem_shared>>) offsets(%arg7 : memref<80xi32, #tpu.memory_space<vmem>>) semaphore(%arg17 : memref<!tpu.dma_semaphore, #tpu.memory_space<semaphore_mem>>) {add = true}
    %dma_wait3A_220 = arith.constant 0 : i32
    %dma_wait3A_221 = arith.constant 0 : i32
    %dma_wait3A_222 = tpu.memref_slice %arg2[%dma_wait3A_220, %dma_wait3A_221] : memref<10000x128xf32, #tpu.memory_space<hbm>> -> memref<80x128xf32, #tpu.memory_space<hbm>>
    %dma_wait3A_223 = arith.constant 0 : i32
    %dma_wait3A_224 = arith.constant 0 : i32
    %dma_wait3A_225 = tpu.memref_slice %arg2[%dma_wait3A_223, %dma_wait3A_224] : memref<10000x128xf32, #tpu.memory_space<hbm>> -> memref<80x128xf32, #tpu.memory_space<hbm>>
    tpu.wait_dma2 semaphore(%arg16 : memref<!tpu.dma_semaphore, #tpu.memory_space<semaphore_mem>>) src(%dma_wait3A_225 : memref<80x128xf32, #tpu.memory_space<hbm>>) dst(%arg9 : memref<80x128xf32, #tpu.memory_space<vmem>>)
    %dma_wait3A_226 = arith.constant 0 : i32
    %dma_wait3A_227 = arith.constant 0 : i32
    %dma_wait3A_228 = tpu.memref_slice %arg2[%dma_wait3A_226, %dma_wait3A_227] : memref<10000x128xf32, #tpu.memory_space<hbm>> -> memref<80x128xf32, #tpu.memory_space<hbm>>
    %dma_wait3A_229 = arith.constant 0 : i32
    %dma_wait3A_230 = arith.constant 0 : i32
    %dma_wait3A_231 = tpu.memref_slice %arg2[%dma_wait3A_229, %dma_wait3A_230] : memref<10000x128xf32, #tpu.memory_space<hbm>> -> memref<80x128xf32, #tpu.memory_space<hbm>>
    tpu.wait_dma2 semaphore(%arg17 : memref<!tpu.dma_semaphore, #tpu.memory_space<semaphore_mem>>) src(%dma_wait3A_231 : memref<80x128xf32, #tpu.memory_space<hbm>>) dst(%arg10 : memref<80x128xf32, #tpu.memory_space<vmem>>)
    %dma_wait3A_232 = arith.constant 0 : i32
    %dma_wait3A_233 = arith.constant 0 : i32
    %dma_wait3A_234 = tpu.memref_slice %arg2[%dma_wait3A_232, %dma_wait3A_233] : memref<10000x128xf32, #tpu.memory_space<hbm>> -> memref<80x128xf32, #tpu.memory_space<hbm>>
    %dma_wait3A_235 = arith.constant 0 : i32
    %dma_wait3A_236 = arith.constant 0 : i32
    %dma_wait3A_237 = tpu.memref_slice %arg2[%dma_wait3A_235, %dma_wait3A_236] : memref<10000x128xf32, #tpu.memory_space<hbm>> -> memref<80x128xf32, #tpu.memory_space<hbm>>
    tpu.wait_dma2 semaphore(%arg18 : memref<!tpu.dma_semaphore, #tpu.memory_space<semaphore_mem>>) src(%dma_wait3A_237 : memref<80x128xf32, #tpu.memory_space<hbm>>) dst(%arg11 : memref<80x128xf32, #tpu.memory_space<vmem>>)
    %barrier3A_238 = arith.constant 0 : index
    tpu.barrier barrier_id(%barrier3A_238)
    "tpu.region"() ({
      %run_scoped3A = tpu.sem_alloc : memref<!tpu.dma_semaphore, #tpu.memory_space<semaphore_mem>>
      %dma_start3A_244 = arith.constant 0 : i32
      %dma_start3A_245 = tpu.memref_slice %arg4[%arg0, %mul3A_2, %dma_start3A_244] : memref<2x10000x128xf32, #tpu.memory_space<hbm>> -> memref<1x400x128xf32, #tpu.memory_space<hbm>>
      %dma_start3A_246 = tpu.memref_squeeze %dma_start3A_245 : memref<1x400x128xf32, #tpu.memory_space<hbm>> -> memref<400x128xf32, #tpu.memory_space<hbm>>
      %dma_start3A_247 = arith.constant 0 : i32
      %dma_start3A_248 = tpu.memref_slice %arg12[%mul3A_2, %dma_start3A_247] : memref<10000x128xf32, #tpu.memory_space<vmem_shared>> -> memref<400x128xf32, #tpu.memory_space<vmem_shared>>
      tpu.enqueue_dma source(%dma_start3A_248 : memref<400x128xf32, #tpu.memory_space<vmem_shared>>) target(%dma_start3A_246 : memref<400x128xf32, #tpu.memory_space<hbm>>) target_semaphore(%run_scoped3A : memref<!tpu.dma_semaphore, #tpu.memory_space<semaphore_mem>>)
      %dma_wait3A_249 = arith.constant 0 : i32
      %dma_wait3A_250 = tpu.memref_slice %arg4[%arg0, %mul3A_2, %dma_wait3A_249] : memref<2x10000x128xf32, #tpu.memory_space<hbm>> -> memref<1x400x128xf32, #tpu.memory_space<hbm>>
      %dma_wait3A_251 = tpu.memref_squeeze %dma_wait3A_250 : memref<1x400x128xf32, #tpu.memory_space<hbm>> -> memref<400x128xf32, #tpu.memory_space<hbm>>
      %dma_wait3A_252 = arith.constant 0 : i32
      %dma_wait3A_253 = tpu.memref_slice %arg12[%mul3A_2, %dma_wait3A_252] : memref<10000x128xf32, #tpu.memory_space<vmem_shared>> -> memref<400x128xf32, #tpu.memory_space<vmem_shared>>
      tpu.wait_dma2 semaphore(%run_scoped3A : memref<!tpu.dma_semaphore, #tpu.memory_space<semaphore_mem>>) src(%dma_wait3A_253 : memref<400x128xf32, #tpu.memory_space<vmem_shared>>) dst(%dma_wait3A_251 : memref<400x128xf32, #tpu.memory_space<hbm>>)
      tpu.yield
    }) : () -> ()
    %lt3A_239 = arith.constant 15 : i32
    %lt3A_240 = arith.cmpi slt, %arg1, %lt3A_239 : i32
    %convert_element_type3A_241 = arith.extui %lt3A_240 : i1 to i32
    %cond3A_242 = arith.constant 0 : i32
    %cond3A_243 = arith.cmpi ne, %convert_element_type3A_241, %cond3A_242 : i32
    scf.if %cond3A_243 {
      %add3A_244 = arith.constant 400 : i32
      %add3A_245 = arith.addi %mul3A_2, %add3A_244 : i32
      %add3A_246 = arith.constant 400 : i32
      %add3A_247 = arith.addi %mul3A_2, %add3A_246 : i32
      "tpu.region"() ({
        %run_scoped3A = tpu.sem_alloc : memref<!tpu.dma_semaphore, #tpu.memory_space<semaphore_mem>>
        %dma_start3A_248 = arith.constant 0 : i32
        %dma_start3A_249 = tpu.memref_slice %arg4[%arg0, %add3A_247, %dma_start3A_248] : memref<2x10000x128xf32, #tpu.memory_space<hbm>> -> memref<1x240x128xf32, #tpu.memory_space<hbm>>
        %dma_start3A_250 = tpu.memref_squeeze %dma_start3A_249 : memref<1x240x128xf32, #tpu.memory_space<hbm>> -> memref<240x128xf32, #tpu.memory_space<hbm>>
        %dma_start3A_251 = arith.constant 0 : i32
        %dma_start3A_252 = tpu.memref_slice %arg12[%add3A_245, %dma_start3A_251] : memref<10000x128xf32, #tpu.memory_space<vmem_shared>> -> memref<240x128xf32, #tpu.memory_space<vmem_shared>>
        tpu.enqueue_dma source(%dma_start3A_252 : memref<240x128xf32, #tpu.memory_space<vmem_shared>>) target(%dma_start3A_250 : memref<240x128xf32, #tpu.memory_space<hbm>>) target_semaphore(%run_scoped3A : memref<!tpu.dma_semaphore, #tpu.memory_space<semaphore_mem>>)
        %dma_wait3A_253 = arith.constant 0 : i32
        %dma_wait3A_254 = tpu.memref_slice %arg4[%arg0, %add3A_247, %dma_wait3A_253] : memref<2x10000x128xf32, #tpu.memory_space<hbm>> -> memref<1x240x128xf32, #tpu.memory_space<hbm>>
        %dma_wait3A_255 = tpu.memref_squeeze %dma_wait3A_254 : memref<1x240x128xf32, #tpu.memory_space<hbm>> -> memref<240x128xf32, #tpu.memory_space<hbm>>
        %dma_wait3A_256 = arith.constant 0 : i32
        %dma_wait3A_257 = tpu.memref_slice %arg12[%add3A_245, %dma_wait3A_256] : memref<10000x128xf32, #tpu.memory_space<vmem_shared>> -> memref<240x128xf32, #tpu.memory_space<vmem_shared>>
        tpu.wait_dma2 semaphore(%run_scoped3A : memref<!tpu.dma_semaphore, #tpu.memory_space<semaphore_mem>>) src(%dma_wait3A_257 : memref<240x128xf32, #tpu.memory_space<vmem_shared>>) dst(%dma_wait3A_255 : memref<240x128xf32, #tpu.memory_space<hbm>>)
        tpu.yield
      }) : () -> ()
    } else {
    }
    return
  }
}

module attributes {stable_mosaic.version = 14 : i64} {
  func.func @_tc1_body(%arg0: i32, %arg1: memref<1000x128xf32, #tpu.memory_space<vmem>>, %arg2: memref<2x1000x128xf32, #tpu.memory_space<vmem>>, %arg3: memref<128x128xf32, #tpu.memory_space<vmem>>, %arg4: memref<1x128xf32, #tpu.memory_space<vmem>>, %arg5: memref<128x128xf32, #tpu.memory_space<vmem>>, %arg6: memref<1x128xf32, #tpu.memory_space<vmem>>, %arg7: memref<1x128xf32, #tpu.memory_space<vmem>>, %arg8: memref<1x128xf32, #tpu.memory_space<vmem>>, %arg9: memref<1000x128xf32, #tpu.memory_space<vmem>>) attributes {dimension_semantics = [#tpu.dimension_semantics<arbitrary>], iteration_bounds = array<i64: 10>, scalar_prefetch = 0 : i64, scratch_operands = 0 : i64, tpu.core_type = #tpu.core_type<tc>, window_params = [{transform_indices = @transform_0, window_bounds = array<i64: 1000, 128>}, {transform_indices = @transform_1, window_bounds = array<i64: 2, 1000, 128>}, {pipeline_mode = #tpu.pipeline_mode<synchronous>, transform_indices = @transform_2, window_bounds = array<i64: 128, 128>}, {pipeline_mode = #tpu.pipeline_mode<synchronous>, transform_indices = @transform_3, window_bounds = array<i64: 1, 128>}, {pipeline_mode = #tpu.pipeline_mode<synchronous>, transform_indices = @transform_4, window_bounds = array<i64: 128, 128>}, {pipeline_mode = #tpu.pipeline_mode<synchronous>, transform_indices = @transform_5, window_bounds = array<i64: 1, 128>}, {pipeline_mode = #tpu.pipeline_mode<synchronous>, transform_indices = @transform_6, window_bounds = array<i64: 1, 128>}, {pipeline_mode = #tpu.pipeline_mode<synchronous>, transform_indices = @transform_7, window_bounds = array<i64: 1, 128>}, {transform_indices = @transform_8, window_bounds = array<i64: 1000, 128>}]} {
    %get3A = arith.constant 0 : index
    %get3A_0 = arith.constant 0 : index
    %get3A_1 = arith.constant 0 : index
    %get3A_2 = vector.load %arg2[%get3A, %get3A_0, %get3A_1] : memref<2x1000x128xf32, #tpu.memory_space<vmem>>, vector<1x1000x128xf32>
    %get3A_3 = vector.shape_cast %get3A_2 : vector<1x1000x128xf32> to vector<1000x128xf32>
    %get3A_4 = arith.constant 1 : index
    %get3A_5 = arith.constant 0 : index
    %get3A_6 = arith.constant 0 : index
    %get3A_7 = vector.load %arg2[%get3A_4, %get3A_5, %get3A_6] : memref<2x1000x128xf32, #tpu.memory_space<vmem>>, vector<1x1000x128xf32>
    %get3A_8 = vector.shape_cast %get3A_7 : vector<1x1000x128xf32> to vector<1000x128xf32>
    %add3A = arith.addf %get3A_3, %get3A_8 : vector<1000x128xf32>
    %get3A_9 = arith.constant 0 : index
    %get3A_10 = arith.constant 0 : index
    %get3A_11 = vector.load %arg1[%get3A_9, %get3A_10] : memref<1000x128xf32, #tpu.memory_space<vmem>>, vector<1000x128xf32>
    %sub3A = arith.subf %add3A, %get3A_11 : vector<1000x128xf32>
    %get3A_12 = arith.constant 0 : index
    %get3A_13 = arith.constant 0 : index
    %get3A_14 = vector.load %arg3[%get3A_12, %get3A_13] : memref<128x128xf32, #tpu.memory_space<vmem>>, vector<128x128xf32>
    %dot_general3A = arith.constant dense<0.000000e+00> : vector<1000x128xf32>
    %dot_general3A_15 = tpu.matmul %sub3A, %get3A_14, %dot_general3A {dimension_numbers = #tpu.dot_dimension_numbers<[1], [0], [0], [1], [0, 0, 1, 1], [], []>, transpose_lhs_hint = false} : vector<1000x128xf32>, vector<128x128xf32>, vector<1000x128xf32> -> vector<1000x128xf32>
    %get3A_16 = arith.constant 0 : index
    %get3A_17 = arith.constant 0 : index
    %get3A_18 = vector.load %arg4[%get3A_16, %get3A_17] : memref<1x128xf32, #tpu.memory_space<vmem>>, vector<1x128xf32>
    %add3A_19 = vector.broadcast %get3A_18 : vector<1x128xf32> to vector<1000x128xf32>
    %add3A_20 = arith.addf %dot_general3A_15, %add3A_19 : vector<1000x128xf32>
    %max3A = arith.constant 0.000000e+00 : f32
    %max3A_21 = vector.broadcast %max3A : f32 to vector<1000x128xf32>
    %max3A_22 = arith.maximumf %add3A_20, %max3A_21 : vector<1000x128xf32>
    %get3A_23 = arith.constant 0 : index
    %get3A_24 = arith.constant 0 : index
    %get3A_25 = vector.load %arg5[%get3A_23, %get3A_24] : memref<128x128xf32, #tpu.memory_space<vmem>>, vector<128x128xf32>
    %dot_general3A_26 = arith.constant dense<0.000000e+00> : vector<1000x128xf32>
    %dot_general3A_27 = tpu.matmul %max3A_22, %get3A_25, %dot_general3A_26 {dimension_numbers = #tpu.dot_dimension_numbers<[1], [0], [0], [1], [0, 0, 1, 1], [], []>, transpose_lhs_hint = false} : vector<1000x128xf32>, vector<128x128xf32>, vector<1000x128xf32> -> vector<1000x128xf32>
    %get3A_28 = arith.constant 0 : index
    %get3A_29 = arith.constant 0 : index
    %get3A_30 = vector.load %arg6[%get3A_28, %get3A_29] : memref<1x128xf32, #tpu.memory_space<vmem>>, vector<1x128xf32>
    %add3A_31 = vector.broadcast %get3A_30 : vector<1x128xf32> to vector<1000x128xf32>
    %add3A_32 = arith.addf %dot_general3A_27, %add3A_31 : vector<1000x128xf32>
    %reduce_sum3A = arith.constant dense<0.000000e+00> : vector<1000xf32>
    %reduce_sum3A_33 = vector.multi_reduction <add>, %add3A_32, %reduce_sum3A [1] : vector<1000x128xf32> to vector<1000xf32>
    %broadcast_in_dim3A = vector.shape_cast %reduce_sum3A_33 : vector<1000xf32> to vector<1000x1xf32>
    %mul3A = arith.constant 7.812500e-03 : f32
    %mul3A_34 = vector.broadcast %mul3A : f32 to vector<1000x1xf32>
    %mul3A_35 = arith.mulf %broadcast_in_dim3A, %mul3A_34 : vector<1000x1xf32>
    %sub3A_36 = vector.broadcast %mul3A_35 : vector<1000x1xf32> to vector<1000x128xf32>
    %sub3A_37 = arith.subf %add3A_32, %sub3A_36 : vector<1000x128xf32>
    %mul3A_38 = arith.mulf %sub3A_37, %sub3A_37 : vector<1000x128xf32>
    %reduce_sum3A_39 = arith.constant dense<0.000000e+00> : vector<1000xf32>
    %reduce_sum3A_40 = vector.multi_reduction <add>, %mul3A_38, %reduce_sum3A_39 [1] : vector<1000x128xf32> to vector<1000xf32>
    %broadcast_in_dim3A_41 = vector.shape_cast %reduce_sum3A_40 : vector<1000xf32> to vector<1000x1xf32>
    %mul3A_42 = arith.constant 7.812500e-03 : f32
    %mul3A_43 = vector.broadcast %mul3A_42 : f32 to vector<1000x1xf32>
    %mul3A_44 = arith.mulf %broadcast_in_dim3A_41, %mul3A_43 : vector<1000x1xf32>
    %add3A_45 = arith.constant 9.99999974E-6 : f32
    %add3A_46 = vector.broadcast %add3A_45 : f32 to vector<1000x1xf32>
    %add3A_47 = arith.addf %mul3A_44, %add3A_46 : vector<1000x1xf32>
    %rsqrt3A = math.rsqrt %add3A_47 : vector<1000x1xf32>
    %mul3A_48 = vector.broadcast %rsqrt3A : vector<1000x1xf32> to vector<1000x128xf32>
    %mul3A_49 = arith.mulf %sub3A_37, %mul3A_48 : vector<1000x128xf32>
    %get3A_50 = arith.constant 0 : index
    %get3A_51 = arith.constant 0 : index
    %get3A_52 = vector.load %arg7[%get3A_50, %get3A_51] : memref<1x128xf32, #tpu.memory_space<vmem>>, vector<1x128xf32>
    %mul3A_53 = vector.broadcast %get3A_52 : vector<1x128xf32> to vector<1000x128xf32>
    %mul3A_54 = arith.mulf %mul3A_49, %mul3A_53 : vector<1000x128xf32>
    %get3A_55 = arith.constant 0 : index
    %get3A_56 = arith.constant 0 : index
    %get3A_57 = vector.load %arg8[%get3A_55, %get3A_56] : memref<1x128xf32, #tpu.memory_space<vmem>>, vector<1x128xf32>
    %add3A_58 = vector.broadcast %get3A_57 : vector<1x128xf32> to vector<1000x128xf32>
    %add3A_59 = arith.addf %mul3A_54, %add3A_58 : vector<1000x128xf32>
    %gt3A = arith.constant 0.000000e+00 : f32
    %gt3A_60 = vector.broadcast %gt3A : f32 to vector<1000x128xf32>
    %gt3A_61 = arith.cmpf ogt, %add3A_59, %gt3A_60 : vector<1000x128xf32>
    %mul3A_62 = arith.constant 2.000000e-01 : f32
    %mul3A_63 = vector.broadcast %mul3A_62 : f32 to vector<1000x128xf32>
    %mul3A_64 = arith.mulf %mul3A_63, %add3A_59 : vector<1000x128xf32>
    %select_n3A = arith.select %gt3A_61, %add3A_59, %mul3A_64 : vector<1000x128xi1>, vector<1000x128xf32>
    %swap3A = arith.constant 0 : index
    %swap3A_65 = arith.constant 0 : index
    %swap3A_66 = vector.load %arg9[%swap3A, %swap3A_65] : memref<1000x128xf32, #tpu.memory_space<vmem>>, vector<1000x128xf32>
    tpu.vector_store %arg9[%swap3A, %swap3A_65], %select_n3A {strides = array<i32>} : memref<1000x128xf32, #tpu.memory_space<vmem>>, vector<1000x128xf32>,
    return
  }
  func.func @transform_0(%arg0: i32) -> (i32, i32) {
    %c0_i32 = arith.constant 0 : i32
    %c0_i32_0 = arith.constant 0 : i32
    return %arg0, %c0_i32 : i32, i32
  }
  func.func @transform_1(%arg0: i32) -> (i32, i32, i32) {
    %c0_i32 = arith.constant 0 : i32
    %c0_i32_0 = arith.constant 0 : i32
    %c0_i32_1 = arith.constant 0 : i32
    return %c0_i32, %arg0, %c0_i32_0 : i32, i32, i32
  }
  func.func @transform_2(%arg0: i32) -> (i32, i32) {
    %c0_i32 = arith.constant 0 : i32
    %c0_i32_0 = arith.constant 0 : i32
    %c0_i32_1 = arith.constant 0 : i32
    return %c0_i32, %c0_i32_0 : i32, i32
  }
  func.func @transform_3(%arg0: i32) -> (i32, i32) {
    %c0_i32 = arith.constant 0 : i32
    %c0_i32_0 = arith.constant 0 : i32
    %c0_i32_1 = arith.constant 0 : i32
    return %c0_i32, %c0_i32_0 : i32, i32
  }
  func.func @transform_4(%arg0: i32) -> (i32, i32) {
    %c0_i32 = arith.constant 0 : i32
    %c0_i32_0 = arith.constant 0 : i32
    %c0_i32_1 = arith.constant 0 : i32
    return %c0_i32, %c0_i32_0 : i32, i32
  }
  func.func @transform_5(%arg0: i32) -> (i32, i32) {
    %c0_i32 = arith.constant 0 : i32
    %c0_i32_0 = arith.constant 0 : i32
    %c0_i32_1 = arith.constant 0 : i32
    return %c0_i32, %c0_i32_0 : i32, i32
  }
  func.func @transform_6(%arg0: i32) -> (i32, i32) {
    %c0_i32 = arith.constant 0 : i32
    %c0_i32_0 = arith.constant 0 : i32
    %c0_i32_1 = arith.constant 0 : i32
    return %c0_i32, %c0_i32_0 : i32, i32
  }
  func.func @transform_7(%arg0: i32) -> (i32, i32) {
    %c0_i32 = arith.constant 0 : i32
    %c0_i32_0 = arith.constant 0 : i32
    %c0_i32_1 = arith.constant 0 : i32
    return %c0_i32, %c0_i32_0 : i32, i32
  }
  func.func @transform_8(%arg0: i32) -> (i32, i32) {
    %c0_i32 = arith.constant 0 : i32
    %c0_i32_0 = arith.constant 0 : i32
    return %arg0, %c0_i32 : i32, i32
  }
}

module attributes {stable_mosaic.version = 14 : i64} {
  func.func @_tc2_body(%arg0: i32, %arg1: memref<1000x128xf32, #tpu.memory_space<vmem>>, %arg2: memref<2x1000x128xf32, #tpu.memory_space<vmem>>, %arg3: memref<128x128xf32, #tpu.memory_space<vmem>>, %arg4: memref<1x128xf32, #tpu.memory_space<vmem>>, %arg5: memref<128x128xf32, #tpu.memory_space<vmem>>, %arg6: memref<1x128xf32, #tpu.memory_space<vmem>>, %arg7: memref<1000x1xi32, #tpu.memory_space<vmem>>, %arg8: memref<128x768xf32, #tpu.memory_space<vmem>>, %arg9: memref<1x768xf32, #tpu.memory_space<vmem>>, %arg10: memref<1x768xf32, #tpu.memory_space<vmem>>, %arg11: memref<1x768xf32, #tpu.memory_space<vmem>>, %arg12: memref<768x10xf32, #tpu.memory_space<vmem>>, %arg13: memref<1x10xf32, #tpu.memory_space<vmem>>, %arg14: memref<64x10xf32, #tpu.memory_space<vmem>>, %arg15: memref<64x128xf32, #tpu.memory_space<vmem>>) attributes {dimension_semantics = [#tpu.dimension_semantics<arbitrary>], iteration_bounds = array<i64: 10>, scalar_prefetch = 0 : i64, scratch_operands = 1 : i64, tpu.core_type = #tpu.core_type<tc>, window_params = [{transform_indices = @transform_0, window_bounds = array<i64: 1000, 128>}, {transform_indices = @transform_1, window_bounds = array<i64: 2, 1000, 128>}, {pipeline_mode = #tpu.pipeline_mode<synchronous>, transform_indices = @transform_2, window_bounds = array<i64: 128, 128>}, {pipeline_mode = #tpu.pipeline_mode<synchronous>, transform_indices = @transform_3, window_bounds = array<i64: 1, 128>}, {pipeline_mode = #tpu.pipeline_mode<synchronous>, transform_indices = @transform_4, window_bounds = array<i64: 128, 128>}, {pipeline_mode = #tpu.pipeline_mode<synchronous>, transform_indices = @transform_5, window_bounds = array<i64: 1, 128>}, {transform_indices = @transform_6, window_bounds = array<i64: 1000, 1>}, {pipeline_mode = #tpu.pipeline_mode<synchronous>, transform_indices = @transform_7, window_bounds = array<i64: 128, 768>}, {pipeline_mode = #tpu.pipeline_mode<synchronous>, transform_indices = @transform_8, window_bounds = array<i64: 1, 768>}, {pipeline_mode = #tpu.pipeline_mode<synchronous>, transform_indices = @transform_9, window_bounds = array<i64: 1, 768>}, {pipeline_mode = #tpu.pipeline_mode<synchronous>, transform_indices = @transform_10, window_bounds = array<i64: 1, 768>}, {pipeline_mode = #tpu.pipeline_mode<synchronous>, transform_indices = @transform_11, window_bounds = array<i64: 768, 10>}, {pipeline_mode = #tpu.pipeline_mode<synchronous>, transform_indices = @transform_12, window_bounds = array<i64: 1, 10>}, {pipeline_mode = #tpu.pipeline_mode<synchronous>, transform_indices = @transform_13, window_bounds = array<i64: 64, 10>}]} {
    %eq3A = arith.constant 0 : i32
    %eq3A_0 = arith.cmpi eq, %arg0, %eq3A : i32
    %convert_element_type3A = arith.extui %eq3A_0 : i1 to i32
    %cond3A = arith.constant 0 : i32
    %cond3A_1 = arith.cmpi ne, %convert_element_type3A, %cond3A : i32
    scf.if %cond3A_1 {
      %broadcast_in_dim3A = arith.constant 0xFF800000 : f32
      %broadcast_in_dim3A_558 = vector.broadcast %broadcast_in_dim3A : f32 to vector<64x128xf32>
      %swap3A = arith.constant 0 : index
      %swap3A_559 = arith.constant 0 : index
      %swap3A_560 = vector.load %arg15[%swap3A, %swap3A_559] : memref<64x128xf32, #tpu.memory_space<vmem>>, vector<64x128xf32>
      tpu.vector_store %arg15[%swap3A, %swap3A_559], %broadcast_in_dim3A_558 {strides = array<i32>} : memref<64x128xf32, #tpu.memory_space<vmem>>, vector<64x128xf32>,
    } else {
    }
    %get3A = arith.constant 0 : index
    %get3A_2 = arith.constant 0 : index
    %get3A_3 = arith.constant 0 : index
    %get3A_4 = vector.load %arg2[%get3A, %get3A_2, %get3A_3] : memref<2x1000x128xf32, #tpu.memory_space<vmem>>, vector<1x1000x128xf32>
    %get3A_5 = vector.shape_cast %get3A_4 : vector<1x1000x128xf32> to vector<1000x128xf32>
    %get3A_6 = arith.constant 1 : index
    %get3A_7 = arith.constant 0 : index
    %get3A_8 = arith.constant 0 : index
    %get3A_9 = vector.load %arg2[%get3A_6, %get3A_7, %get3A_8] : memref<2x1000x128xf32, #tpu.memory_space<vmem>>, vector<1x1000x128xf32>
    %get3A_10 = vector.shape_cast %get3A_9 : vector<1x1000x128xf32> to vector<1000x128xf32>
    %add3A = arith.addf %get3A_5, %get3A_10 : vector<1000x128xf32>
    %get3A_11 = arith.constant 0 : index
    %get3A_12 = arith.constant 0 : index
    %get3A_13 = vector.load %arg1[%get3A_11, %get3A_12] : memref<1000x128xf32, #tpu.memory_space<vmem>>, vector<1000x128xf32>
    %sub3A = arith.subf %add3A, %get3A_13 : vector<1000x128xf32>
    %get3A_14 = arith.constant 0 : index
    %get3A_15 = arith.constant 0 : index
    %get3A_16 = vector.load %arg3[%get3A_14, %get3A_15] : memref<128x128xf32, #tpu.memory_space<vmem>>, vector<128x128xf32>
    %dot_general3A = arith.constant dense<0.000000e+00> : vector<1000x128xf32>
    %dot_general3A_17 = tpu.matmul %sub3A, %get3A_16, %dot_general3A {dimension_numbers = #tpu.dot_dimension_numbers<[1], [0], [0], [1], [0, 0, 1, 1], [], []>, transpose_lhs_hint = false} : vector<1000x128xf32>, vector<128x128xf32>, vector<1000x128xf32> -> vector<1000x128xf32>
    %get3A_18 = arith.constant 0 : index
    %get3A_19 = arith.constant 0 : index
    %get3A_20 = vector.load %arg4[%get3A_18, %get3A_19] : memref<1x128xf32, #tpu.memory_space<vmem>>, vector<1x128xf32>
    %add3A_21 = vector.broadcast %get3A_20 : vector<1x128xf32> to vector<1000x128xf32>
    %add3A_22 = arith.addf %dot_general3A_17, %add3A_21 : vector<1000x128xf32>
    %max3A = arith.constant 0.000000e+00 : f32
    %max3A_23 = vector.broadcast %max3A : f32 to vector<1000x128xf32>
    %max3A_24 = arith.maximumf %add3A_22, %max3A_23 : vector<1000x128xf32>
    %get3A_25 = arith.constant 0 : index
    %get3A_26 = arith.constant 0 : index
    %get3A_27 = vector.load %arg5[%get3A_25, %get3A_26] : memref<128x128xf32, #tpu.memory_space<vmem>>, vector<128x128xf32>
    %dot_general3A_28 = arith.constant dense<0.000000e+00> : vector<1000x128xf32>
    %dot_general3A_29 = tpu.matmul %max3A_24, %get3A_27, %dot_general3A_28 {dimension_numbers = #tpu.dot_dimension_numbers<[1], [0], [0], [1], [0, 0, 1, 1], [], []>, transpose_lhs_hint = false} : vector<1000x128xf32>, vector<128x128xf32>, vector<1000x128xf32> -> vector<1000x128xf32>
    %get3A_30 = arith.constant 0 : index
    %get3A_31 = arith.constant 0 : index
    %get3A_32 = vector.load %arg6[%get3A_30, %get3A_31] : memref<1x128xf32, #tpu.memory_space<vmem>>, vector<1x128xf32>
    %add3A_33 = vector.broadcast %get3A_32 : vector<1x128xf32> to vector<1000x128xf32>
    %add3A_34 = arith.addf %dot_general3A_29, %add3A_33 : vector<1000x128xf32>
    %gt3A = arith.constant 0.000000e+00 : f32
    %gt3A_35 = vector.broadcast %gt3A : f32 to vector<1000x128xf32>
    %gt3A_36 = arith.cmpf ogt, %add3A_34, %gt3A_35 : vector<1000x128xf32>
    %mul3A = arith.constant 2.000000e-01 : f32
    %mul3A_37 = vector.broadcast %mul3A : f32 to vector<1000x128xf32>
    %mul3A_38 = arith.mulf %mul3A_37, %add3A_34 : vector<1000x128xf32>
    %select_n3A = arith.select %gt3A_36, %add3A_34, %mul3A_38 : vector<1000x128xi1>, vector<1000x128xf32>
    %get3A_39 = arith.constant 0 : index
    %get3A_40 = arith.constant 0 : index
    %get3A_41 = vector.load %arg7[%get3A_39, %get3A_40] : memref<1000x1xi32, #tpu.memory_space<vmem>>, vector<1000x1xi32>
    %slice3A = vector.extract_strided_slice %get3A_41 {offsets = [0, 0], sizes = [1, 1], strides = [1, 1]} : vector<1000x1xi32> to vector<1x1xi32>
    %squeeze3A = vector.extract %slice3A[0, 0] : i32 from vector<1x1xi32>
    %slice3A_42 = vector.extract_strided_slice %get3A_41 {offsets = [999, 0], sizes = [1, 1], strides = [1, 1]} : vector<1000x1xi32> to vector<1x1xi32>
    %squeeze3A_43 = vector.extract %slice3A_42[0, 0] : i32 from vector<1x1xi32>
    %le3A = arith.constant 0 : i32
    %le3A_44 = arith.cmpi sle, %squeeze3A, %le3A : i32
    %ge3A = arith.constant 0 : i32
    %ge3A_45 = arith.cmpi sge, %squeeze3A_43, %ge3A : i32
    %and3A = arith.andi %le3A_44, %ge3A_45 : i1
    %convert_element_type3A_46 = arith.extui %and3A : i1 to i32
    %cond3A_47 = arith.constant 0 : i32
    %cond3A_48 = arith.cmpi ne, %convert_element_type3A_46, %cond3A_47 : i32
    scf.if %cond3A_48 {
      %eq3A_558 = arith.constant 0 : i32
      %eq3A_559 = vector.broadcast %eq3A_558 : i32 to vector<1000x1xi32>
      %eq3A_560 = arith.cmpi eq, %get3A_41, %eq3A_559 : vector<1000x1xi32>
      %jit3A = arith.constant 0xFF800000 : f32
      %broadcast_in_dim3A = vector.shape_cast %eq3A_560 : vector<1000x1xi1> to vector<1000x1xi1>
      %broadcast_in_dim3A_561 = vector.broadcast %broadcast_in_dim3A : vector<1000x1xi1> to vector<1000x128xi1>
      %broadcast_in_dim3A_562 = vector.broadcast %jit3A : f32 to vector<1000x128xf32>
      %select_n3A_563 = arith.select %broadcast_in_dim3A_561, %select_n3A, %broadcast_in_dim3A_562 : vector<1000x128xi1>, vector<1000x128xf32>
      %reduce_max3A = arith.constant dense<0xFF800000> : vector<128xf32>
      %reduce_max3A_564 = vector.multi_reduction <maximumf>, %select_n3A_563, %reduce_max3A [0] : vector<1000x128xf32> to vector<128xf32>
      %broadcast_in_dim3A_565 = vector.shape_cast %reduce_max3A_564 : vector<128xf32> to vector<1x128xf32>
      %get3A_566 = arith.constant 0 : index
      %get3A_567 = arith.constant 0 : index
      %get3A_568 = vector.load %arg15[%get3A_566, %get3A_567] : memref<64x128xf32, #tpu.memory_space<vmem>>, vector<1x128xf32>
      %max3A_569 = arith.maximumf %get3A_568, %broadcast_in_dim3A_565 : vector<1x128xf32>
      %swap3A = arith.constant 0 : index
      %swap3A_570 = arith.constant 0 : index
      %swap3A_571 = vector.load %arg15[%swap3A, %swap3A_570] : memref<64x128xf32, #tpu.memory_space<vmem>>, vector<1x128xf32>
      tpu.vector_store %arg15[%swap3A, %swap3A_570], %max3A_569 {strides = array<i32>} : memref<64x128xf32, #tpu.memory_space<vmem>>, vector<1x128xf32>,
    } else {
    }
    %le3A_49 = arith.constant 1 : i32
    %le3A_50 = arith.cmpi sle, %squeeze3A, %le3A_49 : i32
    %ge3A_51 = arith.constant 1 : i32
    %ge3A_52 = arith.cmpi sge, %squeeze3A_43, %ge3A_51 : i32
    %and3A_53 = arith.andi %le3A_50, %ge3A_52 : i1
    %convert_element_type3A_54 = arith.extui %and3A_53 : i1 to i32
    %cond3A_55 = arith.constant 0 : i32
    %cond3A_56 = arith.cmpi ne, %convert_element_type3A_54, %cond3A_55 : i32
    scf.if %cond3A_56 {
      %eq3A_558 = arith.constant 1 : i32
      %eq3A_559 = vector.broadcast %eq3A_558 : i32 to vector<1000x1xi32>
      %eq3A_560 = arith.cmpi eq, %get3A_41, %eq3A_559 : vector<1000x1xi32>
      %jit3A = arith.constant 0xFF800000 : f32
      %broadcast_in_dim3A = vector.shape_cast %eq3A_560 : vector<1000x1xi1> to vector<1000x1xi1>
      %broadcast_in_dim3A_561 = vector.broadcast %broadcast_in_dim3A : vector<1000x1xi1> to vector<1000x128xi1>
      %broadcast_in_dim3A_562 = vector.broadcast %jit3A : f32 to vector<1000x128xf32>
      %select_n3A_563 = arith.select %broadcast_in_dim3A_561, %select_n3A, %broadcast_in_dim3A_562 : vector<1000x128xi1>, vector<1000x128xf32>
      %reduce_max3A = arith.constant dense<0xFF800000> : vector<128xf32>
      %reduce_max3A_564 = vector.multi_reduction <maximumf>, %select_n3A_563, %reduce_max3A [0] : vector<1000x128xf32> to vector<128xf32>
      %broadcast_in_dim3A_565 = vector.shape_cast %reduce_max3A_564 : vector<128xf32> to vector<1x128xf32>
      %get3A_566 = arith.constant 1 : index
      %get3A_567 = arith.constant 0 : index
      %get3A_568 = vector.load %arg15[%get3A_566, %get3A_567] : memref<64x128xf32, #tpu.memory_space<vmem>>, vector<1x128xf32>
      %max3A_569 = arith.maximumf %get3A_568, %broadcast_in_dim3A_565 : vector<1x128xf32>
      %swap3A = arith.constant 1 : index
      %swap3A_570 = arith.constant 0 : index
      %swap3A_571 = vector.load %arg15[%swap3A, %swap3A_570] : memref<64x128xf32, #tpu.memory_space<vmem>>, vector<1x128xf32>
      tpu.vector_store %arg15[%swap3A, %swap3A_570], %max3A_569 {strides = array<i32>} : memref<64x128xf32, #tpu.memory_space<vmem>>, vector<1x128xf32>,
    } else {
    }
    %le3A_57 = arith.constant 2 : i32
    %le3A_58 = arith.cmpi sle, %squeeze3A, %le3A_57 : i32
    %ge3A_59 = arith.constant 2 : i32
    %ge3A_60 = arith.cmpi sge, %squeeze3A_43, %ge3A_59 : i32
    %and3A_61 = arith.andi %le3A_58, %ge3A_60 : i1
    %convert_element_type3A_62 = arith.extui %and3A_61 : i1 to i32
    %cond3A_63 = arith.constant 0 : i32
    %cond3A_64 = arith.cmpi ne, %convert_element_type3A_62, %cond3A_63 : i32
    scf.if %cond3A_64 {
      %eq3A_558 = arith.constant 2 : i32
      %eq3A_559 = vector.broadcast %eq3A_558 : i32 to vector<1000x1xi32>
      %eq3A_560 = arith.cmpi eq, %get3A_41, %eq3A_559 : vector<1000x1xi32>
      %jit3A = arith.constant 0xFF800000 : f32
      %broadcast_in_dim3A = vector.shape_cast %eq3A_560 : vector<1000x1xi1> to vector<1000x1xi1>
      %broadcast_in_dim3A_561 = vector.broadcast %broadcast_in_dim3A : vector<1000x1xi1> to vector<1000x128xi1>
      %broadcast_in_dim3A_562 = vector.broadcast %jit3A : f32 to vector<1000x128xf32>
      %select_n3A_563 = arith.select %broadcast_in_dim3A_561, %select_n3A, %broadcast_in_dim3A_562 : vector<1000x128xi1>, vector<1000x128xf32>
      %reduce_max3A = arith.constant dense<0xFF800000> : vector<128xf32>
      %reduce_max3A_564 = vector.multi_reduction <maximumf>, %select_n3A_563, %reduce_max3A [0] : vector<1000x128xf32> to vector<128xf32>
      %broadcast_in_dim3A_565 = vector.shape_cast %reduce_max3A_564 : vector<128xf32> to vector<1x128xf32>
      %get3A_566 = arith.constant 2 : index
      %get3A_567 = arith.constant 0 : index
      %get3A_568 = vector.load %arg15[%get3A_566, %get3A_567] : memref<64x128xf32, #tpu.memory_space<vmem>>, vector<1x128xf32>
      %max3A_569 = arith.maximumf %get3A_568, %broadcast_in_dim3A_565 : vector<1x128xf32>
      %swap3A = arith.constant 2 : index
      %swap3A_570 = arith.constant 0 : index
      %swap3A_571 = vector.load %arg15[%swap3A, %swap3A_570] : memref<64x128xf32, #tpu.memory_space<vmem>>, vector<1x128xf32>
      tpu.vector_store %arg15[%swap3A, %swap3A_570], %max3A_569 {strides = array<i32>} : memref<64x128xf32, #tpu.memory_space<vmem>>, vector<1x128xf32>,
    } else {
    }
    %le3A_65 = arith.constant 3 : i32
    %le3A_66 = arith.cmpi sle, %squeeze3A, %le3A_65 : i32
    %ge3A_67 = arith.constant 3 : i32
    %ge3A_68 = arith.cmpi sge, %squeeze3A_43, %ge3A_67 : i32
    %and3A_69 = arith.andi %le3A_66, %ge3A_68 : i1
    %convert_element_type3A_70 = arith.extui %and3A_69 : i1 to i32
    %cond3A_71 = arith.constant 0 : i32
    %cond3A_72 = arith.cmpi ne, %convert_element_type3A_70, %cond3A_71 : i32
    scf.if %cond3A_72 {
      %eq3A_558 = arith.constant 3 : i32
      %eq3A_559 = vector.broadcast %eq3A_558 : i32 to vector<1000x1xi32>
      %eq3A_560 = arith.cmpi eq, %get3A_41, %eq3A_559 : vector<1000x1xi32>
      %jit3A = arith.constant 0xFF800000 : f32
      %broadcast_in_dim3A = vector.shape_cast %eq3A_560 : vector<1000x1xi1> to vector<1000x1xi1>
      %broadcast_in_dim3A_561 = vector.broadcast %broadcast_in_dim3A : vector<1000x1xi1> to vector<1000x128xi1>
      %broadcast_in_dim3A_562 = vector.broadcast %jit3A : f32 to vector<1000x128xf32>
      %select_n3A_563 = arith.select %broadcast_in_dim3A_561, %select_n3A, %broadcast_in_dim3A_562 : vector<1000x128xi1>, vector<1000x128xf32>
      %reduce_max3A = arith.constant dense<0xFF800000> : vector<128xf32>
      %reduce_max3A_564 = vector.multi_reduction <maximumf>, %select_n3A_563, %reduce_max3A [0] : vector<1000x128xf32> to vector<128xf32>
      %broadcast_in_dim3A_565 = vector.shape_cast %reduce_max3A_564 : vector<128xf32> to vector<1x128xf32>
      %get3A_566 = arith.constant 3 : index
      %get3A_567 = arith.constant 0 : index
      %get3A_568 = vector.load %arg15[%get3A_566, %get3A_567] : memref<64x128xf32, #tpu.memory_space<vmem>>, vector<1x128xf32>
      %max3A_569 = arith.maximumf %get3A_568, %broadcast_in_dim3A_565 : vector<1x128xf32>
      %swap3A = arith.constant 3 : index
      %swap3A_570 = arith.constant 0 : index
      %swap3A_571 = vector.load %arg15[%swap3A, %swap3A_570] : memref<64x128xf32, #tpu.memory_space<vmem>>, vector<1x128xf32>
      tpu.vector_store %arg15[%swap3A, %swap3A_570], %max3A_569 {strides = array<i32>} : memref<64x128xf32, #tpu.memory_space<vmem>>, vector<1x128xf32>,
    } else {
    }
    %le3A_73 = arith.constant 4 : i32
    %le3A_74 = arith.cmpi sle, %squeeze3A, %le3A_73 : i32
    %ge3A_75 = arith.constant 4 : i32
    %ge3A_76 = arith.cmpi sge, %squeeze3A_43, %ge3A_75 : i32
    %and3A_77 = arith.andi %le3A_74, %ge3A_76 : i1
    %convert_element_type3A_78 = arith.extui %and3A_77 : i1 to i32
    %cond3A_79 = arith.constant 0 : i32
    %cond3A_80 = arith.cmpi ne, %convert_element_type3A_78, %cond3A_79 : i32
    scf.if %cond3A_80 {
      %eq3A_558 = arith.constant 4 : i32
      %eq3A_559 = vector.broadcast %eq3A_558 : i32 to vector<1000x1xi32>
      %eq3A_560 = arith.cmpi eq, %get3A_41, %eq3A_559 : vector<1000x1xi32>
      %jit3A = arith.constant 0xFF800000 : f32
      %broadcast_in_dim3A = vector.shape_cast %eq3A_560 : vector<1000x1xi1> to vector<1000x1xi1>
      %broadcast_in_dim3A_561 = vector.broadcast %broadcast_in_dim3A : vector<1000x1xi1> to vector<1000x128xi1>
      %broadcast_in_dim3A_562 = vector.broadcast %jit3A : f32 to vector<1000x128xf32>
      %select_n3A_563 = arith.select %broadcast_in_dim3A_561, %select_n3A, %broadcast_in_dim3A_562 : vector<1000x128xi1>, vector<1000x128xf32>
      %reduce_max3A = arith.constant dense<0xFF800000> : vector<128xf32>
      %reduce_max3A_564 = vector.multi_reduction <maximumf>, %select_n3A_563, %reduce_max3A [0] : vector<1000x128xf32> to vector<128xf32>
      %broadcast_in_dim3A_565 = vector.shape_cast %reduce_max3A_564 : vector<128xf32> to vector<1x128xf32>
      %get3A_566 = arith.constant 4 : index
      %get3A_567 = arith.constant 0 : index
      %get3A_568 = vector.load %arg15[%get3A_566, %get3A_567] : memref<64x128xf32, #tpu.memory_space<vmem>>, vector<1x128xf32>
      %max3A_569 = arith.maximumf %get3A_568, %broadcast_in_dim3A_565 : vector<1x128xf32>
      %swap3A = arith.constant 4 : index
      %swap3A_570 = arith.constant 0 : index
      %swap3A_571 = vector.load %arg15[%swap3A, %swap3A_570] : memref<64x128xf32, #tpu.memory_space<vmem>>, vector<1x128xf32>
      tpu.vector_store %arg15[%swap3A, %swap3A_570], %max3A_569 {strides = array<i32>} : memref<64x128xf32, #tpu.memory_space<vmem>>, vector<1x128xf32>,
    } else {
    }
    %le3A_81 = arith.constant 5 : i32
    %le3A_82 = arith.cmpi sle, %squeeze3A, %le3A_81 : i32
    %ge3A_83 = arith.constant 5 : i32
    %ge3A_84 = arith.cmpi sge, %squeeze3A_43, %ge3A_83 : i32
    %and3A_85 = arith.andi %le3A_82, %ge3A_84 : i1
    %convert_element_type3A_86 = arith.extui %and3A_85 : i1 to i32
    %cond3A_87 = arith.constant 0 : i32
    %cond3A_88 = arith.cmpi ne, %convert_element_type3A_86, %cond3A_87 : i32
    scf.if %cond3A_88 {
      %eq3A_558 = arith.constant 5 : i32
      %eq3A_559 = vector.broadcast %eq3A_558 : i32 to vector<1000x1xi32>
      %eq3A_560 = arith.cmpi eq, %get3A_41, %eq3A_559 : vector<1000x1xi32>
      %jit3A = arith.constant 0xFF800000 : f32
      %broadcast_in_dim3A = vector.shape_cast %eq3A_560 : vector<1000x1xi1> to vector<1000x1xi1>
      %broadcast_in_dim3A_561 = vector.broadcast %broadcast_in_dim3A : vector<1000x1xi1> to vector<1000x128xi1>
      %broadcast_in_dim3A_562 = vector.broadcast %jit3A : f32 to vector<1000x128xf32>
      %select_n3A_563 = arith.select %broadcast_in_dim3A_561, %select_n3A, %broadcast_in_dim3A_562 : vector<1000x128xi1>, vector<1000x128xf32>
      %reduce_max3A = arith.constant dense<0xFF800000> : vector<128xf32>
      %reduce_max3A_564 = vector.multi_reduction <maximumf>, %select_n3A_563, %reduce_max3A [0] : vector<1000x128xf32> to vector<128xf32>
      %broadcast_in_dim3A_565 = vector.shape_cast %reduce_max3A_564 : vector<128xf32> to vector<1x128xf32>
      %get3A_566 = arith.constant 5 : index
      %get3A_567 = arith.constant 0 : index
      %get3A_568 = vector.load %arg15[%get3A_566, %get3A_567] : memref<64x128xf32, #tpu.memory_space<vmem>>, vector<1x128xf32>
      %max3A_569 = arith.maximumf %get3A_568, %broadcast_in_dim3A_565 : vector<1x128xf32>
      %swap3A = arith.constant 5 : index
      %swap3A_570 = arith.constant 0 : index
      %swap3A_571 = vector.load %arg15[%swap3A, %swap3A_570] : memref<64x128xf32, #tpu.memory_space<vmem>>, vector<1x128xf32>
      tpu.vector_store %arg15[%swap3A, %swap3A_570], %max3A_569 {strides = array<i32>} : memref<64x128xf32, #tpu.memory_space<vmem>>, vector<1x128xf32>,
    } else {
    }
    %le3A_89 = arith.constant 6 : i32
    %le3A_90 = arith.cmpi sle, %squeeze3A, %le3A_89 : i32
    %ge3A_91 = arith.constant 6 : i32
    %ge3A_92 = arith.cmpi sge, %squeeze3A_43, %ge3A_91 : i32
    %and3A_93 = arith.andi %le3A_90, %ge3A_92 : i1
    %convert_element_type3A_94 = arith.extui %and3A_93 : i1 to i32
    %cond3A_95 = arith.constant 0 : i32
    %cond3A_96 = arith.cmpi ne, %convert_element_type3A_94, %cond3A_95 : i32
    scf.if %cond3A_96 {
      %eq3A_558 = arith.constant 6 : i32
      %eq3A_559 = vector.broadcast %eq3A_558 : i32 to vector<1000x1xi32>
      %eq3A_560 = arith.cmpi eq, %get3A_41, %eq3A_559 : vector<1000x1xi32>
      %jit3A = arith.constant 0xFF800000 : f32
      %broadcast_in_dim3A = vector.shape_cast %eq3A_560 : vector<1000x1xi1> to vector<1000x1xi1>
      %broadcast_in_dim3A_561 = vector.broadcast %broadcast_in_dim3A : vector<1000x1xi1> to vector<1000x128xi1>
      %broadcast_in_dim3A_562 = vector.broadcast %jit3A : f32 to vector<1000x128xf32>
      %select_n3A_563 = arith.select %broadcast_in_dim3A_561, %select_n3A, %broadcast_in_dim3A_562 : vector<1000x128xi1>, vector<1000x128xf32>
      %reduce_max3A = arith.constant dense<0xFF800000> : vector<128xf32>
      %reduce_max3A_564 = vector.multi_reduction <maximumf>, %select_n3A_563, %reduce_max3A [0] : vector<1000x128xf32> to vector<128xf32>
      %broadcast_in_dim3A_565 = vector.shape_cast %reduce_max3A_564 : vector<128xf32> to vector<1x128xf32>
      %get3A_566 = arith.constant 6 : index
      %get3A_567 = arith.constant 0 : index
      %get3A_568 = vector.load %arg15[%get3A_566, %get3A_567] : memref<64x128xf32, #tpu.memory_space<vmem>>, vector<1x128xf32>
      %max3A_569 = arith.maximumf %get3A_568, %broadcast_in_dim3A_565 : vector<1x128xf32>
      %swap3A = arith.constant 6 : index
      %swap3A_570 = arith.constant 0 : index
      %swap3A_571 = vector.load %arg15[%swap3A, %swap3A_570] : memref<64x128xf32, #tpu.memory_space<vmem>>, vector<1x128xf32>
      tpu.vector_store %arg15[%swap3A, %swap3A_570], %max3A_569 {strides = array<i32>} : memref<64x128xf32, #tpu.memory_space<vmem>>, vector<1x128xf32>,
    } else {
    }
    %le3A_97 = arith.constant 7 : i32
    %le3A_98 = arith.cmpi sle, %squeeze3A, %le3A_97 : i32
    %ge3A_99 = arith.constant 7 : i32
    %ge3A_100 = arith.cmpi sge, %squeeze3A_43, %ge3A_99 : i32
    %and3A_101 = arith.andi %le3A_98, %ge3A_100 : i1
    %convert_element_type3A_102 = arith.extui %and3A_101 : i1 to i32
    %cond3A_103 = arith.constant 0 : i32
    %cond3A_104 = arith.cmpi ne, %convert_element_type3A_102, %cond3A_103 : i32
    scf.if %cond3A_104 {
      %eq3A_558 = arith.constant 7 : i32
      %eq3A_559 = vector.broadcast %eq3A_558 : i32 to vector<1000x1xi32>
      %eq3A_560 = arith.cmpi eq, %get3A_41, %eq3A_559 : vector<1000x1xi32>
      %jit3A = arith.constant 0xFF800000 : f32
      %broadcast_in_dim3A = vector.shape_cast %eq3A_560 : vector<1000x1xi1> to vector<1000x1xi1>
      %broadcast_in_dim3A_561 = vector.broadcast %broadcast_in_dim3A : vector<1000x1xi1> to vector<1000x128xi1>
      %broadcast_in_dim3A_562 = vector.broadcast %jit3A : f32 to vector<1000x128xf32>
      %select_n3A_563 = arith.select %broadcast_in_dim3A_561, %select_n3A, %broadcast_in_dim3A_562 : vector<1000x128xi1>, vector<1000x128xf32>
      %reduce_max3A = arith.constant dense<0xFF800000> : vector<128xf32>
      %reduce_max3A_564 = vector.multi_reduction <maximumf>, %select_n3A_563, %reduce_max3A [0] : vector<1000x128xf32> to vector<128xf32>
      %broadcast_in_dim3A_565 = vector.shape_cast %reduce_max3A_564 : vector<128xf32> to vector<1x128xf32>
      %get3A_566 = arith.constant 7 : index
      %get3A_567 = arith.constant 0 : index
      %get3A_568 = vector.load %arg15[%get3A_566, %get3A_567] : memref<64x128xf32, #tpu.memory_space<vmem>>, vector<1x128xf32>
      %max3A_569 = arith.maximumf %get3A_568, %broadcast_in_dim3A_565 : vector<1x128xf32>
      %swap3A = arith.constant 7 : index
      %swap3A_570 = arith.constant 0 : index
      %swap3A_571 = vector.load %arg15[%swap3A, %swap3A_570] : memref<64x128xf32, #tpu.memory_space<vmem>>, vector<1x128xf32>
      tpu.vector_store %arg15[%swap3A, %swap3A_570], %max3A_569 {strides = array<i32>} : memref<64x128xf32, #tpu.memory_space<vmem>>, vector<1x128xf32>,
    } else {
    }
    %le3A_105 = arith.constant 8 : i32
    %le3A_106 = arith.cmpi sle, %squeeze3A, %le3A_105 : i32
    %ge3A_107 = arith.constant 8 : i32
    %ge3A_108 = arith.cmpi sge, %squeeze3A_43, %ge3A_107 : i32
    %and3A_109 = arith.andi %le3A_106, %ge3A_108 : i1
    %convert_element_type3A_110 = arith.extui %and3A_109 : i1 to i32
    %cond3A_111 = arith.constant 0 : i32
    %cond3A_112 = arith.cmpi ne, %convert_element_type3A_110, %cond3A_111 : i32
    scf.if %cond3A_112 {
      %eq3A_558 = arith.constant 8 : i32
      %eq3A_559 = vector.broadcast %eq3A_558 : i32 to vector<1000x1xi32>
      %eq3A_560 = arith.cmpi eq, %get3A_41, %eq3A_559 : vector<1000x1xi32>
      %jit3A = arith.constant 0xFF800000 : f32
      %broadcast_in_dim3A = vector.shape_cast %eq3A_560 : vector<1000x1xi1> to vector<1000x1xi1>
      %broadcast_in_dim3A_561 = vector.broadcast %broadcast_in_dim3A : vector<1000x1xi1> to vector<1000x128xi1>
      %broadcast_in_dim3A_562 = vector.broadcast %jit3A : f32 to vector<1000x128xf32>
      %select_n3A_563 = arith.select %broadcast_in_dim3A_561, %select_n3A, %broadcast_in_dim3A_562 : vector<1000x128xi1>, vector<1000x128xf32>
      %reduce_max3A = arith.constant dense<0xFF800000> : vector<128xf32>
      %reduce_max3A_564 = vector.multi_reduction <maximumf>, %select_n3A_563, %reduce_max3A [0] : vector<1000x128xf32> to vector<128xf32>
      %broadcast_in_dim3A_565 = vector.shape_cast %reduce_max3A_564 : vector<128xf32> to vector<1x128xf32>
      %get3A_566 = arith.constant 8 : index
      %get3A_567 = arith.constant 0 : index
      %get3A_568 = vector.load %arg15[%get3A_566, %get3A_567] : memref<64x128xf32, #tpu.memory_space<vmem>>, vector<1x128xf32>
      %max3A_569 = arith.maximumf %get3A_568, %broadcast_in_dim3A_565 : vector<1x128xf32>
      %swap3A = arith.constant 8 : index
      %swap3A_570 = arith.constant 0 : index
      %swap3A_571 = vector.load %arg15[%swap3A, %swap3A_570] : memref<64x128xf32, #tpu.memory_space<vmem>>, vector<1x128xf32>
      tpu.vector_store %arg15[%swap3A, %swap3A_570], %max3A_569 {strides = array<i32>} : memref<64x128xf32, #tpu.memory_space<vmem>>, vector<1x128xf32>,
    } else {
    }
    %le3A_113 = arith.constant 9 : i32
    %le3A_114 = arith.cmpi sle, %squeeze3A, %le3A_113 : i32
    %ge3A_115 = arith.constant 9 : i32
    %ge3A_116 = arith.cmpi sge, %squeeze3A_43, %ge3A_115 : i32
    %and3A_117 = arith.andi %le3A_114, %ge3A_116 : i1
    %convert_element_type3A_118 = arith.extui %and3A_117 : i1 to i32
    %cond3A_119 = arith.constant 0 : i32
    %cond3A_120 = arith.cmpi ne, %convert_element_type3A_118, %cond3A_119 : i32
    scf.if %cond3A_120 {
      %eq3A_558 = arith.constant 9 : i32
      %eq3A_559 = vector.broadcast %eq3A_558 : i32 to vector<1000x1xi32>
      %eq3A_560 = arith.cmpi eq, %get3A_41, %eq3A_559 : vector<1000x1xi32>
      %jit3A = arith.constant 0xFF800000 : f32
      %broadcast_in_dim3A = vector.shape_cast %eq3A_560 : vector<1000x1xi1> to vector<1000x1xi1>
      %broadcast_in_dim3A_561 = vector.broadcast %broadcast_in_dim3A : vector<1000x1xi1> to vector<1000x128xi1>
      %broadcast_in_dim3A_562 = vector.broadcast %jit3A : f32 to vector<1000x128xf32>
      %select_n3A_563 = arith.select %broadcast_in_dim3A_561, %select_n3A, %broadcast_in_dim3A_562 : vector<1000x128xi1>, vector<1000x128xf32>
      %reduce_max3A = arith.constant dense<0xFF800000> : vector<128xf32>
      %reduce_max3A_564 = vector.multi_reduction <maximumf>, %select_n3A_563, %reduce_max3A [0] : vector<1000x128xf32> to vector<128xf32>
      %broadcast_in_dim3A_565 = vector.shape_cast %reduce_max3A_564 : vector<128xf32> to vector<1x128xf32>
      %get3A_566 = arith.constant 9 : index
      %get3A_567 = arith.constant 0 : index
      %get3A_568 = vector.load %arg15[%get3A_566, %get3A_567] : memref<64x128xf32, #tpu.memory_space<vmem>>, vector<1x128xf32>
      %max3A_569 = arith.maximumf %get3A_568, %broadcast_in_dim3A_565 : vector<1x128xf32>
      %swap3A = arith.constant 9 : index
      %swap3A_570 = arith.constant 0 : index
      %swap3A_571 = vector.load %arg15[%swap3A, %swap3A_570] : memref<64x128xf32, #tpu.memory_space<vmem>>, vector<1x128xf32>
      tpu.vector_store %arg15[%swap3A, %swap3A_570], %max3A_569 {strides = array<i32>} : memref<64x128xf32, #tpu.memory_space<vmem>>, vector<1x128xf32>,
    } else {
    }
    %le3A_121 = arith.constant 10 : i32
    %le3A_122 = arith.cmpi sle, %squeeze3A, %le3A_121 : i32
    %ge3A_123 = arith.constant 10 : i32
    %ge3A_124 = arith.cmpi sge, %squeeze3A_43, %ge3A_123 : i32
    %and3A_125 = arith.andi %le3A_122, %ge3A_124 : i1
    %convert_element_type3A_126 = arith.extui %and3A_125 : i1 to i32
    %cond3A_127 = arith.constant 0 : i32
    %cond3A_128 = arith.cmpi ne, %convert_element_type3A_126, %cond3A_127 : i32
    scf.if %cond3A_128 {
      %eq3A_558 = arith.constant 10 : i32
      %eq3A_559 = vector.broadcast %eq3A_558 : i32 to vector<1000x1xi32>
      %eq3A_560 = arith.cmpi eq, %get3A_41, %eq3A_559 : vector<1000x1xi32>
      %jit3A = arith.constant 0xFF800000 : f32
      %broadcast_in_dim3A = vector.shape_cast %eq3A_560 : vector<1000x1xi1> to vector<1000x1xi1>
      %broadcast_in_dim3A_561 = vector.broadcast %broadcast_in_dim3A : vector<1000x1xi1> to vector<1000x128xi1>
      %broadcast_in_dim3A_562 = vector.broadcast %jit3A : f32 to vector<1000x128xf32>
      %select_n3A_563 = arith.select %broadcast_in_dim3A_561, %select_n3A, %broadcast_in_dim3A_562 : vector<1000x128xi1>, vector<1000x128xf32>
      %reduce_max3A = arith.constant dense<0xFF800000> : vector<128xf32>
      %reduce_max3A_564 = vector.multi_reduction <maximumf>, %select_n3A_563, %reduce_max3A [0] : vector<1000x128xf32> to vector<128xf32>
      %broadcast_in_dim3A_565 = vector.shape_cast %reduce_max3A_564 : vector<128xf32> to vector<1x128xf32>
      %get3A_566 = arith.constant 10 : index
      %get3A_567 = arith.constant 0 : index
      %get3A_568 = vector.load %arg15[%get3A_566, %get3A_567] : memref<64x128xf32, #tpu.memory_space<vmem>>, vector<1x128xf32>
      %max3A_569 = arith.maximumf %get3A_568, %broadcast_in_dim3A_565 : vector<1x128xf32>
      %swap3A = arith.constant 10 : index
      %swap3A_570 = arith.constant 0 : index
      %swap3A_571 = vector.load %arg15[%swap3A, %swap3A_570] : memref<64x128xf32, #tpu.memory_space<vmem>>, vector<1x128xf32>
      tpu.vector_store %arg15[%swap3A, %swap3A_570], %max3A_569 {strides = array<i32>} : memref<64x128xf32, #tpu.memory_space<vmem>>, vector<1x128xf32>,
    } else {
    }
    %le3A_129 = arith.constant 11 : i32
    %le3A_130 = arith.cmpi sle, %squeeze3A, %le3A_129 : i32
    %ge3A_131 = arith.constant 11 : i32
    %ge3A_132 = arith.cmpi sge, %squeeze3A_43, %ge3A_131 : i32
    %and3A_133 = arith.andi %le3A_130, %ge3A_132 : i1
    %convert_element_type3A_134 = arith.extui %and3A_133 : i1 to i32
    %cond3A_135 = arith.constant 0 : i32
    %cond3A_136 = arith.cmpi ne, %convert_element_type3A_134, %cond3A_135 : i32
    scf.if %cond3A_136 {
      %eq3A_558 = arith.constant 11 : i32
      %eq3A_559 = vector.broadcast %eq3A_558 : i32 to vector<1000x1xi32>
      %eq3A_560 = arith.cmpi eq, %get3A_41, %eq3A_559 : vector<1000x1xi32>
      %jit3A = arith.constant 0xFF800000 : f32
      %broadcast_in_dim3A = vector.shape_cast %eq3A_560 : vector<1000x1xi1> to vector<1000x1xi1>
      %broadcast_in_dim3A_561 = vector.broadcast %broadcast_in_dim3A : vector<1000x1xi1> to vector<1000x128xi1>
      %broadcast_in_dim3A_562 = vector.broadcast %jit3A : f32 to vector<1000x128xf32>
      %select_n3A_563 = arith.select %broadcast_in_dim3A_561, %select_n3A, %broadcast_in_dim3A_562 : vector<1000x128xi1>, vector<1000x128xf32>
      %reduce_max3A = arith.constant dense<0xFF800000> : vector<128xf32>
      %reduce_max3A_564 = vector.multi_reduction <maximumf>, %select_n3A_563, %reduce_max3A [0] : vector<1000x128xf32> to vector<128xf32>
      %broadcast_in_dim3A_565 = vector.shape_cast %reduce_max3A_564 : vector<128xf32> to vector<1x128xf32>
      %get3A_566 = arith.constant 11 : index
      %get3A_567 = arith.constant 0 : index
      %get3A_568 = vector.load %arg15[%get3A_566, %get3A_567] : memref<64x128xf32, #tpu.memory_space<vmem>>, vector<1x128xf32>
      %max3A_569 = arith.maximumf %get3A_568, %broadcast_in_dim3A_565 : vector<1x128xf32>
      %swap3A = arith.constant 11 : index
      %swap3A_570 = arith.constant 0 : index
      %swap3A_571 = vector.load %arg15[%swap3A, %swap3A_570] : memref<64x128xf32, #tpu.memory_space<vmem>>, vector<1x128xf32>
      tpu.vector_store %arg15[%swap3A, %swap3A_570], %max3A_569 {strides = array<i32>} : memref<64x128xf32, #tpu.memory_space<vmem>>, vector<1x128xf32>,
    } else {
    }
    %le3A_137 = arith.constant 12 : i32
    %le3A_138 = arith.cmpi sle, %squeeze3A, %le3A_137 : i32
    %ge3A_139 = arith.constant 12 : i32
    %ge3A_140 = arith.cmpi sge, %squeeze3A_43, %ge3A_139 : i32
    %and3A_141 = arith.andi %le3A_138, %ge3A_140 : i1
    %convert_element_type3A_142 = arith.extui %and3A_141 : i1 to i32
    %cond3A_143 = arith.constant 0 : i32
    %cond3A_144 = arith.cmpi ne, %convert_element_type3A_142, %cond3A_143 : i32
    scf.if %cond3A_144 {
      %eq3A_558 = arith.constant 12 : i32
      %eq3A_559 = vector.broadcast %eq3A_558 : i32 to vector<1000x1xi32>
      %eq3A_560 = arith.cmpi eq, %get3A_41, %eq3A_559 : vector<1000x1xi32>
      %jit3A = arith.constant 0xFF800000 : f32
      %broadcast_in_dim3A = vector.shape_cast %eq3A_560 : vector<1000x1xi1> to vector<1000x1xi1>
      %broadcast_in_dim3A_561 = vector.broadcast %broadcast_in_dim3A : vector<1000x1xi1> to vector<1000x128xi1>
      %broadcast_in_dim3A_562 = vector.broadcast %jit3A : f32 to vector<1000x128xf32>
      %select_n3A_563 = arith.select %broadcast_in_dim3A_561, %select_n3A, %broadcast_in_dim3A_562 : vector<1000x128xi1>, vector<1000x128xf32>
      %reduce_max3A = arith.constant dense<0xFF800000> : vector<128xf32>
      %reduce_max3A_564 = vector.multi_reduction <maximumf>, %select_n3A_563, %reduce_max3A [0] : vector<1000x128xf32> to vector<128xf32>
      %broadcast_in_dim3A_565 = vector.shape_cast %reduce_max3A_564 : vector<128xf32> to vector<1x128xf32>
      %get3A_566 = arith.constant 12 : index
      %get3A_567 = arith.constant 0 : index
      %get3A_568 = vector.load %arg15[%get3A_566, %get3A_567] : memref<64x128xf32, #tpu.memory_space<vmem>>, vector<1x128xf32>
      %max3A_569 = arith.maximumf %get3A_568, %broadcast_in_dim3A_565 : vector<1x128xf32>
      %swap3A = arith.constant 12 : index
      %swap3A_570 = arith.constant 0 : index
      %swap3A_571 = vector.load %arg15[%swap3A, %swap3A_570] : memref<64x128xf32, #tpu.memory_space<vmem>>, vector<1x128xf32>
      tpu.vector_store %arg15[%swap3A, %swap3A_570], %max3A_569 {strides = array<i32>} : memref<64x128xf32, #tpu.memory_space<vmem>>, vector<1x128xf32>,
    } else {
    }
    %le3A_145 = arith.constant 13 : i32
    %le3A_146 = arith.cmpi sle, %squeeze3A, %le3A_145 : i32
    %ge3A_147 = arith.constant 13 : i32
    %ge3A_148 = arith.cmpi sge, %squeeze3A_43, %ge3A_147 : i32
    %and3A_149 = arith.andi %le3A_146, %ge3A_148 : i1
    %convert_element_type3A_150 = arith.extui %and3A_149 : i1 to i32
    %cond3A_151 = arith.constant 0 : i32
    %cond3A_152 = arith.cmpi ne, %convert_element_type3A_150, %cond3A_151 : i32
    scf.if %cond3A_152 {
      %eq3A_558 = arith.constant 13 : i32
      %eq3A_559 = vector.broadcast %eq3A_558 : i32 to vector<1000x1xi32>
      %eq3A_560 = arith.cmpi eq, %get3A_41, %eq3A_559 : vector<1000x1xi32>
      %jit3A = arith.constant 0xFF800000 : f32
      %broadcast_in_dim3A = vector.shape_cast %eq3A_560 : vector<1000x1xi1> to vector<1000x1xi1>
      %broadcast_in_dim3A_561 = vector.broadcast %broadcast_in_dim3A : vector<1000x1xi1> to vector<1000x128xi1>
      %broadcast_in_dim3A_562 = vector.broadcast %jit3A : f32 to vector<1000x128xf32>
      %select_n3A_563 = arith.select %broadcast_in_dim3A_561, %select_n3A, %broadcast_in_dim3A_562 : vector<1000x128xi1>, vector<1000x128xf32>
      %reduce_max3A = arith.constant dense<0xFF800000> : vector<128xf32>
      %reduce_max3A_564 = vector.multi_reduction <maximumf>, %select_n3A_563, %reduce_max3A [0] : vector<1000x128xf32> to vector<128xf32>
      %broadcast_in_dim3A_565 = vector.shape_cast %reduce_max3A_564 : vector<128xf32> to vector<1x128xf32>
      %get3A_566 = arith.constant 13 : index
      %get3A_567 = arith.constant 0 : index
      %get3A_568 = vector.load %arg15[%get3A_566, %get3A_567] : memref<64x128xf32, #tpu.memory_space<vmem>>, vector<1x128xf32>
      %max3A_569 = arith.maximumf %get3A_568, %broadcast_in_dim3A_565 : vector<1x128xf32>
      %swap3A = arith.constant 13 : index
      %swap3A_570 = arith.constant 0 : index
      %swap3A_571 = vector.load %arg15[%swap3A, %swap3A_570] : memref<64x128xf32, #tpu.memory_space<vmem>>, vector<1x128xf32>
      tpu.vector_store %arg15[%swap3A, %swap3A_570], %max3A_569 {strides = array<i32>} : memref<64x128xf32, #tpu.memory_space<vmem>>, vector<1x128xf32>,
    } else {
    }
    %le3A_153 = arith.constant 14 : i32
    %le3A_154 = arith.cmpi sle, %squeeze3A, %le3A_153 : i32
    %ge3A_155 = arith.constant 14 : i32
    %ge3A_156 = arith.cmpi sge, %squeeze3A_43, %ge3A_155 : i32
    %and3A_157 = arith.andi %le3A_154, %ge3A_156 : i1
    %convert_element_type3A_158 = arith.extui %and3A_157 : i1 to i32
    %cond3A_159 = arith.constant 0 : i32
    %cond3A_160 = arith.cmpi ne, %convert_element_type3A_158, %cond3A_159 : i32
    scf.if %cond3A_160 {
      %eq3A_558 = arith.constant 14 : i32
      %eq3A_559 = vector.broadcast %eq3A_558 : i32 to vector<1000x1xi32>
      %eq3A_560 = arith.cmpi eq, %get3A_41, %eq3A_559 : vector<1000x1xi32>
      %jit3A = arith.constant 0xFF800000 : f32
      %broadcast_in_dim3A = vector.shape_cast %eq3A_560 : vector<1000x1xi1> to vector<1000x1xi1>
      %broadcast_in_dim3A_561 = vector.broadcast %broadcast_in_dim3A : vector<1000x1xi1> to vector<1000x128xi1>
      %broadcast_in_dim3A_562 = vector.broadcast %jit3A : f32 to vector<1000x128xf32>
      %select_n3A_563 = arith.select %broadcast_in_dim3A_561, %select_n3A, %broadcast_in_dim3A_562 : vector<1000x128xi1>, vector<1000x128xf32>
      %reduce_max3A = arith.constant dense<0xFF800000> : vector<128xf32>
      %reduce_max3A_564 = vector.multi_reduction <maximumf>, %select_n3A_563, %reduce_max3A [0] : vector<1000x128xf32> to vector<128xf32>
      %broadcast_in_dim3A_565 = vector.shape_cast %reduce_max3A_564 : vector<128xf32> to vector<1x128xf32>
      %get3A_566 = arith.constant 14 : index
      %get3A_567 = arith.constant 0 : index
      %get3A_568 = vector.load %arg15[%get3A_566, %get3A_567] : memref<64x128xf32, #tpu.memory_space<vmem>>, vector<1x128xf32>
      %max3A_569 = arith.maximumf %get3A_568, %broadcast_in_dim3A_565 : vector<1x128xf32>
      %swap3A = arith.constant 14 : index
      %swap3A_570 = arith.constant 0 : index
      %swap3A_571 = vector.load %arg15[%swap3A, %swap3A_570] : memref<64x128xf32, #tpu.memory_space<vmem>>, vector<1x128xf32>
      tpu.vector_store %arg15[%swap3A, %swap3A_570], %max3A_569 {strides = array<i32>} : memref<64x128xf32, #tpu.memory_space<vmem>>, vector<1x128xf32>,
    } else {
    }
    %le3A_161 = arith.constant 15 : i32
    %le3A_162 = arith.cmpi sle, %squeeze3A, %le3A_161 : i32
    %ge3A_163 = arith.constant 15 : i32
    %ge3A_164 = arith.cmpi sge, %squeeze3A_43, %ge3A_163 : i32
    %and3A_165 = arith.andi %le3A_162, %ge3A_164 : i1
    %convert_element_type3A_166 = arith.extui %and3A_165 : i1 to i32
    %cond3A_167 = arith.constant 0 : i32
    %cond3A_168 = arith.cmpi ne, %convert_element_type3A_166, %cond3A_167 : i32
    scf.if %cond3A_168 {
      %eq3A_558 = arith.constant 15 : i32
      %eq3A_559 = vector.broadcast %eq3A_558 : i32 to vector<1000x1xi32>
      %eq3A_560 = arith.cmpi eq, %get3A_41, %eq3A_559 : vector<1000x1xi32>
      %jit3A = arith.constant 0xFF800000 : f32
      %broadcast_in_dim3A = vector.shape_cast %eq3A_560 : vector<1000x1xi1> to vector<1000x1xi1>
      %broadcast_in_dim3A_561 = vector.broadcast %broadcast_in_dim3A : vector<1000x1xi1> to vector<1000x128xi1>
      %broadcast_in_dim3A_562 = vector.broadcast %jit3A : f32 to vector<1000x128xf32>
      %select_n3A_563 = arith.select %broadcast_in_dim3A_561, %select_n3A, %broadcast_in_dim3A_562 : vector<1000x128xi1>, vector<1000x128xf32>
      %reduce_max3A = arith.constant dense<0xFF800000> : vector<128xf32>
      %reduce_max3A_564 = vector.multi_reduction <maximumf>, %select_n3A_563, %reduce_max3A [0] : vector<1000x128xf32> to vector<128xf32>
      %broadcast_in_dim3A_565 = vector.shape_cast %reduce_max3A_564 : vector<128xf32> to vector<1x128xf32>
      %get3A_566 = arith.constant 15 : index
      %get3A_567 = arith.constant 0 : index
      %get3A_568 = vector.load %arg15[%get3A_566, %get3A_567] : memref<64x128xf32, #tpu.memory_space<vmem>>, vector<1x128xf32>
      %max3A_569 = arith.maximumf %get3A_568, %broadcast_in_dim3A_565 : vector<1x128xf32>
      %swap3A = arith.constant 15 : index
      %swap3A_570 = arith.constant 0 : index
      %swap3A_571 = vector.load %arg15[%swap3A, %swap3A_570] : memref<64x128xf32, #tpu.memory_space<vmem>>, vector<1x128xf32>
      tpu.vector_store %arg15[%swap3A, %swap3A_570], %max3A_569 {strides = array<i32>} : memref<64x128xf32, #tpu.memory_space<vmem>>, vector<1x128xf32>,
    } else {
    }
    %le3A_169 = arith.constant 16 : i32
    %le3A_170 = arith.cmpi sle, %squeeze3A, %le3A_169 : i32
    %ge3A_171 = arith.constant 16 : i32
    %ge3A_172 = arith.cmpi sge, %squeeze3A_43, %ge3A_171 : i32
    %and3A_173 = arith.andi %le3A_170, %ge3A_172 : i1
    %convert_element_type3A_174 = arith.extui %and3A_173 : i1 to i32
    %cond3A_175 = arith.constant 0 : i32
    %cond3A_176 = arith.cmpi ne, %convert_element_type3A_174, %cond3A_175 : i32
    scf.if %cond3A_176 {
      %eq3A_558 = arith.constant 16 : i32
      %eq3A_559 = vector.broadcast %eq3A_558 : i32 to vector<1000x1xi32>
      %eq3A_560 = arith.cmpi eq, %get3A_41, %eq3A_559 : vector<1000x1xi32>
      %jit3A = arith.constant 0xFF800000 : f32
      %broadcast_in_dim3A = vector.shape_cast %eq3A_560 : vector<1000x1xi1> to vector<1000x1xi1>
      %broadcast_in_dim3A_561 = vector.broadcast %broadcast_in_dim3A : vector<1000x1xi1> to vector<1000x128xi1>
      %broadcast_in_dim3A_562 = vector.broadcast %jit3A : f32 to vector<1000x128xf32>
      %select_n3A_563 = arith.select %broadcast_in_dim3A_561, %select_n3A, %broadcast_in_dim3A_562 : vector<1000x128xi1>, vector<1000x128xf32>
      %reduce_max3A = arith.constant dense<0xFF800000> : vector<128xf32>
      %reduce_max3A_564 = vector.multi_reduction <maximumf>, %select_n3A_563, %reduce_max3A [0] : vector<1000x128xf32> to vector<128xf32>
      %broadcast_in_dim3A_565 = vector.shape_cast %reduce_max3A_564 : vector<128xf32> to vector<1x128xf32>
      %get3A_566 = arith.constant 16 : index
      %get3A_567 = arith.constant 0 : index
      %get3A_568 = vector.load %arg15[%get3A_566, %get3A_567] : memref<64x128xf32, #tpu.memory_space<vmem>>, vector<1x128xf32>
      %max3A_569 = arith.maximumf %get3A_568, %broadcast_in_dim3A_565 : vector<1x128xf32>
      %swap3A = arith.constant 16 : index
      %swap3A_570 = arith.constant 0 : index
      %swap3A_571 = vector.load %arg15[%swap3A, %swap3A_570] : memref<64x128xf32, #tpu.memory_space<vmem>>, vector<1x128xf32>
      tpu.vector_store %arg15[%swap3A, %swap3A_570], %max3A_569 {strides = array<i32>} : memref<64x128xf32, #tpu.memory_space<vmem>>, vector<1x128xf32>,
    } else {
    }
    %le3A_177 = arith.constant 17 : i32
    %le3A_178 = arith.cmpi sle, %squeeze3A, %le3A_177 : i32
    %ge3A_179 = arith.constant 17 : i32
    %ge3A_180 = arith.cmpi sge, %squeeze3A_43, %ge3A_179 : i32
    %and3A_181 = arith.andi %le3A_178, %ge3A_180 : i1
    %convert_element_type3A_182 = arith.extui %and3A_181 : i1 to i32
    %cond3A_183 = arith.constant 0 : i32
    %cond3A_184 = arith.cmpi ne, %convert_element_type3A_182, %cond3A_183 : i32
    scf.if %cond3A_184 {
      %eq3A_558 = arith.constant 17 : i32
      %eq3A_559 = vector.broadcast %eq3A_558 : i32 to vector<1000x1xi32>
      %eq3A_560 = arith.cmpi eq, %get3A_41, %eq3A_559 : vector<1000x1xi32>
      %jit3A = arith.constant 0xFF800000 : f32
      %broadcast_in_dim3A = vector.shape_cast %eq3A_560 : vector<1000x1xi1> to vector<1000x1xi1>
      %broadcast_in_dim3A_561 = vector.broadcast %broadcast_in_dim3A : vector<1000x1xi1> to vector<1000x128xi1>
      %broadcast_in_dim3A_562 = vector.broadcast %jit3A : f32 to vector<1000x128xf32>
      %select_n3A_563 = arith.select %broadcast_in_dim3A_561, %select_n3A, %broadcast_in_dim3A_562 : vector<1000x128xi1>, vector<1000x128xf32>
      %reduce_max3A = arith.constant dense<0xFF800000> : vector<128xf32>
      %reduce_max3A_564 = vector.multi_reduction <maximumf>, %select_n3A_563, %reduce_max3A [0] : vector<1000x128xf32> to vector<128xf32>
      %broadcast_in_dim3A_565 = vector.shape_cast %reduce_max3A_564 : vector<128xf32> to vector<1x128xf32>
      %get3A_566 = arith.constant 17 : index
      %get3A_567 = arith.constant 0 : index
      %get3A_568 = vector.load %arg15[%get3A_566, %get3A_567] : memref<64x128xf32, #tpu.memory_space<vmem>>, vector<1x128xf32>
      %max3A_569 = arith.maximumf %get3A_568, %broadcast_in_dim3A_565 : vector<1x128xf32>
      %swap3A = arith.constant 17 : index
      %swap3A_570 = arith.constant 0 : index
      %swap3A_571 = vector.load %arg15[%swap3A, %swap3A_570] : memref<64x128xf32, #tpu.memory_space<vmem>>, vector<1x128xf32>
      tpu.vector_store %arg15[%swap3A, %swap3A_570], %max3A_569 {strides = array<i32>} : memref<64x128xf32, #tpu.memory_space<vmem>>, vector<1x128xf32>,
    } else {
    }
    %le3A_185 = arith.constant 18 : i32
    %le3A_186 = arith.cmpi sle, %squeeze3A, %le3A_185 : i32
    %ge3A_187 = arith.constant 18 : i32
    %ge3A_188 = arith.cmpi sge, %squeeze3A_43, %ge3A_187 : i32
    %and3A_189 = arith.andi %le3A_186, %ge3A_188 : i1
    %convert_element_type3A_190 = arith.extui %and3A_189 : i1 to i32
    %cond3A_191 = arith.constant 0 : i32
    %cond3A_192 = arith.cmpi ne, %convert_element_type3A_190, %cond3A_191 : i32
    scf.if %cond3A_192 {
      %eq3A_558 = arith.constant 18 : i32
      %eq3A_559 = vector.broadcast %eq3A_558 : i32 to vector<1000x1xi32>
      %eq3A_560 = arith.cmpi eq, %get3A_41, %eq3A_559 : vector<1000x1xi32>
      %jit3A = arith.constant 0xFF800000 : f32
      %broadcast_in_dim3A = vector.shape_cast %eq3A_560 : vector<1000x1xi1> to vector<1000x1xi1>
      %broadcast_in_dim3A_561 = vector.broadcast %broadcast_in_dim3A : vector<1000x1xi1> to vector<1000x128xi1>
      %broadcast_in_dim3A_562 = vector.broadcast %jit3A : f32 to vector<1000x128xf32>
      %select_n3A_563 = arith.select %broadcast_in_dim3A_561, %select_n3A, %broadcast_in_dim3A_562 : vector<1000x128xi1>, vector<1000x128xf32>
      %reduce_max3A = arith.constant dense<0xFF800000> : vector<128xf32>
      %reduce_max3A_564 = vector.multi_reduction <maximumf>, %select_n3A_563, %reduce_max3A [0] : vector<1000x128xf32> to vector<128xf32>
      %broadcast_in_dim3A_565 = vector.shape_cast %reduce_max3A_564 : vector<128xf32> to vector<1x128xf32>
      %get3A_566 = arith.constant 18 : index
      %get3A_567 = arith.constant 0 : index
      %get3A_568 = vector.load %arg15[%get3A_566, %get3A_567] : memref<64x128xf32, #tpu.memory_space<vmem>>, vector<1x128xf32>
      %max3A_569 = arith.maximumf %get3A_568, %broadcast_in_dim3A_565 : vector<1x128xf32>
      %swap3A = arith.constant 18 : index
      %swap3A_570 = arith.constant 0 : index
      %swap3A_571 = vector.load %arg15[%swap3A, %swap3A_570] : memref<64x128xf32, #tpu.memory_space<vmem>>, vector<1x128xf32>
      tpu.vector_store %arg15[%swap3A, %swap3A_570], %max3A_569 {strides = array<i32>} : memref<64x128xf32, #tpu.memory_space<vmem>>, vector<1x128xf32>,
    } else {
    }
    %le3A_193 = arith.constant 19 : i32
    %le3A_194 = arith.cmpi sle, %squeeze3A, %le3A_193 : i32
    %ge3A_195 = arith.constant 19 : i32
    %ge3A_196 = arith.cmpi sge, %squeeze3A_43, %ge3A_195 : i32
    %and3A_197 = arith.andi %le3A_194, %ge3A_196 : i1
    %convert_element_type3A_198 = arith.extui %and3A_197 : i1 to i32
    %cond3A_199 = arith.constant 0 : i32
    %cond3A_200 = arith.cmpi ne, %convert_element_type3A_198, %cond3A_199 : i32
    scf.if %cond3A_200 {
      %eq3A_558 = arith.constant 19 : i32
      %eq3A_559 = vector.broadcast %eq3A_558 : i32 to vector<1000x1xi32>
      %eq3A_560 = arith.cmpi eq, %get3A_41, %eq3A_559 : vector<1000x1xi32>
      %jit3A = arith.constant 0xFF800000 : f32
      %broadcast_in_dim3A = vector.shape_cast %eq3A_560 : vector<1000x1xi1> to vector<1000x1xi1>
      %broadcast_in_dim3A_561 = vector.broadcast %broadcast_in_dim3A : vector<1000x1xi1> to vector<1000x128xi1>
      %broadcast_in_dim3A_562 = vector.broadcast %jit3A : f32 to vector<1000x128xf32>
      %select_n3A_563 = arith.select %broadcast_in_dim3A_561, %select_n3A, %broadcast_in_dim3A_562 : vector<1000x128xi1>, vector<1000x128xf32>
      %reduce_max3A = arith.constant dense<0xFF800000> : vector<128xf32>
      %reduce_max3A_564 = vector.multi_reduction <maximumf>, %select_n3A_563, %reduce_max3A [0] : vector<1000x128xf32> to vector<128xf32>
      %broadcast_in_dim3A_565 = vector.shape_cast %reduce_max3A_564 : vector<128xf32> to vector<1x128xf32>
      %get3A_566 = arith.constant 19 : index
      %get3A_567 = arith.constant 0 : index
      %get3A_568 = vector.load %arg15[%get3A_566, %get3A_567] : memref<64x128xf32, #tpu.memory_space<vmem>>, vector<1x128xf32>
      %max3A_569 = arith.maximumf %get3A_568, %broadcast_in_dim3A_565 : vector<1x128xf32>
      %swap3A = arith.constant 19 : index
      %swap3A_570 = arith.constant 0 : index
      %swap3A_571 = vector.load %arg15[%swap3A, %swap3A_570] : memref<64x128xf32, #tpu.memory_space<vmem>>, vector<1x128xf32>
      tpu.vector_store %arg15[%swap3A, %swap3A_570], %max3A_569 {strides = array<i32>} : memref<64x128xf32, #tpu.memory_space<vmem>>, vector<1x128xf32>,
    } else {
    }
    %le3A_201 = arith.constant 20 : i32
    %le3A_202 = arith.cmpi sle, %squeeze3A, %le3A_201 : i32
    %ge3A_203 = arith.constant 20 : i32
    %ge3A_204 = arith.cmpi sge, %squeeze3A_43, %ge3A_203 : i32
    %and3A_205 = arith.andi %le3A_202, %ge3A_204 : i1
    %convert_element_type3A_206 = arith.extui %and3A_205 : i1 to i32
    %cond3A_207 = arith.constant 0 : i32
    %cond3A_208 = arith.cmpi ne, %convert_element_type3A_206, %cond3A_207 : i32
    scf.if %cond3A_208 {
      %eq3A_558 = arith.constant 20 : i32
      %eq3A_559 = vector.broadcast %eq3A_558 : i32 to vector<1000x1xi32>
      %eq3A_560 = arith.cmpi eq, %get3A_41, %eq3A_559 : vector<1000x1xi32>
      %jit3A = arith.constant 0xFF800000 : f32
      %broadcast_in_dim3A = vector.shape_cast %eq3A_560 : vector<1000x1xi1> to vector<1000x1xi1>
      %broadcast_in_dim3A_561 = vector.broadcast %broadcast_in_dim3A : vector<1000x1xi1> to vector<1000x128xi1>
      %broadcast_in_dim3A_562 = vector.broadcast %jit3A : f32 to vector<1000x128xf32>
      %select_n3A_563 = arith.select %broadcast_in_dim3A_561, %select_n3A, %broadcast_in_dim3A_562 : vector<1000x128xi1>, vector<1000x128xf32>
      %reduce_max3A = arith.constant dense<0xFF800000> : vector<128xf32>
      %reduce_max3A_564 = vector.multi_reduction <maximumf>, %select_n3A_563, %reduce_max3A [0] : vector<1000x128xf32> to vector<128xf32>
      %broadcast_in_dim3A_565 = vector.shape_cast %reduce_max3A_564 : vector<128xf32> to vector<1x128xf32>
      %get3A_566 = arith.constant 20 : index
      %get3A_567 = arith.constant 0 : index
      %get3A_568 = vector.load %arg15[%get3A_566, %get3A_567] : memref<64x128xf32, #tpu.memory_space<vmem>>, vector<1x128xf32>
      %max3A_569 = arith.maximumf %get3A_568, %broadcast_in_dim3A_565 : vector<1x128xf32>
      %swap3A = arith.constant 20 : index
      %swap3A_570 = arith.constant 0 : index
      %swap3A_571 = vector.load %arg15[%swap3A, %swap3A_570] : memref<64x128xf32, #tpu.memory_space<vmem>>, vector<1x128xf32>
      tpu.vector_store %arg15[%swap3A, %swap3A_570], %max3A_569 {strides = array<i32>} : memref<64x128xf32, #tpu.memory_space<vmem>>, vector<1x128xf32>,
    } else {
    }
    %le3A_209 = arith.constant 21 : i32
    %le3A_210 = arith.cmpi sle, %squeeze3A, %le3A_209 : i32
    %ge3A_211 = arith.constant 21 : i32
    %ge3A_212 = arith.cmpi sge, %squeeze3A_43, %ge3A_211 : i32
    %and3A_213 = arith.andi %le3A_210, %ge3A_212 : i1
    %convert_element_type3A_214 = arith.extui %and3A_213 : i1 to i32
    %cond3A_215 = arith.constant 0 : i32
    %cond3A_216 = arith.cmpi ne, %convert_element_type3A_214, %cond3A_215 : i32
    scf.if %cond3A_216 {
      %eq3A_558 = arith.constant 21 : i32
      %eq3A_559 = vector.broadcast %eq3A_558 : i32 to vector<1000x1xi32>
      %eq3A_560 = arith.cmpi eq, %get3A_41, %eq3A_559 : vector<1000x1xi32>
      %jit3A = arith.constant 0xFF800000 : f32
      %broadcast_in_dim3A = vector.shape_cast %eq3A_560 : vector<1000x1xi1> to vector<1000x1xi1>
      %broadcast_in_dim3A_561 = vector.broadcast %broadcast_in_dim3A : vector<1000x1xi1> to vector<1000x128xi1>
      %broadcast_in_dim3A_562 = vector.broadcast %jit3A : f32 to vector<1000x128xf32>
      %select_n3A_563 = arith.select %broadcast_in_dim3A_561, %select_n3A, %broadcast_in_dim3A_562 : vector<1000x128xi1>, vector<1000x128xf32>
      %reduce_max3A = arith.constant dense<0xFF800000> : vector<128xf32>
      %reduce_max3A_564 = vector.multi_reduction <maximumf>, %select_n3A_563, %reduce_max3A [0] : vector<1000x128xf32> to vector<128xf32>
      %broadcast_in_dim3A_565 = vector.shape_cast %reduce_max3A_564 : vector<128xf32> to vector<1x128xf32>
      %get3A_566 = arith.constant 21 : index
      %get3A_567 = arith.constant 0 : index
      %get3A_568 = vector.load %arg15[%get3A_566, %get3A_567] : memref<64x128xf32, #tpu.memory_space<vmem>>, vector<1x128xf32>
      %max3A_569 = arith.maximumf %get3A_568, %broadcast_in_dim3A_565 : vector<1x128xf32>
      %swap3A = arith.constant 21 : index
      %swap3A_570 = arith.constant 0 : index
      %swap3A_571 = vector.load %arg15[%swap3A, %swap3A_570] : memref<64x128xf32, #tpu.memory_space<vmem>>, vector<1x128xf32>
      tpu.vector_store %arg15[%swap3A, %swap3A_570], %max3A_569 {strides = array<i32>} : memref<64x128xf32, #tpu.memory_space<vmem>>, vector<1x128xf32>,
    } else {
    }
    %le3A_217 = arith.constant 22 : i32
    %le3A_218 = arith.cmpi sle, %squeeze3A, %le3A_217 : i32
    %ge3A_219 = arith.constant 22 : i32
    %ge3A_220 = arith.cmpi sge, %squeeze3A_43, %ge3A_219 : i32
    %and3A_221 = arith.andi %le3A_218, %ge3A_220 : i1
    %convert_element_type3A_222 = arith.extui %and3A_221 : i1 to i32
    %cond3A_223 = arith.constant 0 : i32
    %cond3A_224 = arith.cmpi ne, %convert_element_type3A_222, %cond3A_223 : i32
    scf.if %cond3A_224 {
      %eq3A_558 = arith.constant 22 : i32
      %eq3A_559 = vector.broadcast %eq3A_558 : i32 to vector<1000x1xi32>
      %eq3A_560 = arith.cmpi eq, %get3A_41, %eq3A_559 : vector<1000x1xi32>
      %jit3A = arith.constant 0xFF800000 : f32
      %broadcast_in_dim3A = vector.shape_cast %eq3A_560 : vector<1000x1xi1> to vector<1000x1xi1>
      %broadcast_in_dim3A_561 = vector.broadcast %broadcast_in_dim3A : vector<1000x1xi1> to vector<1000x128xi1>
      %broadcast_in_dim3A_562 = vector.broadcast %jit3A : f32 to vector<1000x128xf32>
      %select_n3A_563 = arith.select %broadcast_in_dim3A_561, %select_n3A, %broadcast_in_dim3A_562 : vector<1000x128xi1>, vector<1000x128xf32>
      %reduce_max3A = arith.constant dense<0xFF800000> : vector<128xf32>
      %reduce_max3A_564 = vector.multi_reduction <maximumf>, %select_n3A_563, %reduce_max3A [0] : vector<1000x128xf32> to vector<128xf32>
      %broadcast_in_dim3A_565 = vector.shape_cast %reduce_max3A_564 : vector<128xf32> to vector<1x128xf32>
      %get3A_566 = arith.constant 22 : index
      %get3A_567 = arith.constant 0 : index
      %get3A_568 = vector.load %arg15[%get3A_566, %get3A_567] : memref<64x128xf32, #tpu.memory_space<vmem>>, vector<1x128xf32>
      %max3A_569 = arith.maximumf %get3A_568, %broadcast_in_dim3A_565 : vector<1x128xf32>
      %swap3A = arith.constant 22 : index
      %swap3A_570 = arith.constant 0 : index
      %swap3A_571 = vector.load %arg15[%swap3A, %swap3A_570] : memref<64x128xf32, #tpu.memory_space<vmem>>, vector<1x128xf32>
      tpu.vector_store %arg15[%swap3A, %swap3A_570], %max3A_569 {strides = array<i32>} : memref<64x128xf32, #tpu.memory_space<vmem>>, vector<1x128xf32>,
    } else {
    }
    %le3A_225 = arith.constant 23 : i32
    %le3A_226 = arith.cmpi sle, %squeeze3A, %le3A_225 : i32
    %ge3A_227 = arith.constant 23 : i32
    %ge3A_228 = arith.cmpi sge, %squeeze3A_43, %ge3A_227 : i32
    %and3A_229 = arith.andi %le3A_226, %ge3A_228 : i1
    %convert_element_type3A_230 = arith.extui %and3A_229 : i1 to i32
    %cond3A_231 = arith.constant 0 : i32
    %cond3A_232 = arith.cmpi ne, %convert_element_type3A_230, %cond3A_231 : i32
    scf.if %cond3A_232 {
      %eq3A_558 = arith.constant 23 : i32
      %eq3A_559 = vector.broadcast %eq3A_558 : i32 to vector<1000x1xi32>
      %eq3A_560 = arith.cmpi eq, %get3A_41, %eq3A_559 : vector<1000x1xi32>
      %jit3A = arith.constant 0xFF800000 : f32
      %broadcast_in_dim3A = vector.shape_cast %eq3A_560 : vector<1000x1xi1> to vector<1000x1xi1>
      %broadcast_in_dim3A_561 = vector.broadcast %broadcast_in_dim3A : vector<1000x1xi1> to vector<1000x128xi1>
      %broadcast_in_dim3A_562 = vector.broadcast %jit3A : f32 to vector<1000x128xf32>
      %select_n3A_563 = arith.select %broadcast_in_dim3A_561, %select_n3A, %broadcast_in_dim3A_562 : vector<1000x128xi1>, vector<1000x128xf32>
      %reduce_max3A = arith.constant dense<0xFF800000> : vector<128xf32>
      %reduce_max3A_564 = vector.multi_reduction <maximumf>, %select_n3A_563, %reduce_max3A [0] : vector<1000x128xf32> to vector<128xf32>
      %broadcast_in_dim3A_565 = vector.shape_cast %reduce_max3A_564 : vector<128xf32> to vector<1x128xf32>
      %get3A_566 = arith.constant 23 : index
      %get3A_567 = arith.constant 0 : index
      %get3A_568 = vector.load %arg15[%get3A_566, %get3A_567] : memref<64x128xf32, #tpu.memory_space<vmem>>, vector<1x128xf32>
      %max3A_569 = arith.maximumf %get3A_568, %broadcast_in_dim3A_565 : vector<1x128xf32>
      %swap3A = arith.constant 23 : index
      %swap3A_570 = arith.constant 0 : index
      %swap3A_571 = vector.load %arg15[%swap3A, %swap3A_570] : memref<64x128xf32, #tpu.memory_space<vmem>>, vector<1x128xf32>
      tpu.vector_store %arg15[%swap3A, %swap3A_570], %max3A_569 {strides = array<i32>} : memref<64x128xf32, #tpu.memory_space<vmem>>, vector<1x128xf32>,
    } else {
    }
    %le3A_233 = arith.constant 24 : i32
    %le3A_234 = arith.cmpi sle, %squeeze3A, %le3A_233 : i32
    %ge3A_235 = arith.constant 24 : i32
    %ge3A_236 = arith.cmpi sge, %squeeze3A_43, %ge3A_235 : i32
    %and3A_237 = arith.andi %le3A_234, %ge3A_236 : i1
    %convert_element_type3A_238 = arith.extui %and3A_237 : i1 to i32
    %cond3A_239 = arith.constant 0 : i32
    %cond3A_240 = arith.cmpi ne, %convert_element_type3A_238, %cond3A_239 : i32
    scf.if %cond3A_240 {
      %eq3A_558 = arith.constant 24 : i32
      %eq3A_559 = vector.broadcast %eq3A_558 : i32 to vector<1000x1xi32>
      %eq3A_560 = arith.cmpi eq, %get3A_41, %eq3A_559 : vector<1000x1xi32>
      %jit3A = arith.constant 0xFF800000 : f32
      %broadcast_in_dim3A = vector.shape_cast %eq3A_560 : vector<1000x1xi1> to vector<1000x1xi1>
      %broadcast_in_dim3A_561 = vector.broadcast %broadcast_in_dim3A : vector<1000x1xi1> to vector<1000x128xi1>
      %broadcast_in_dim3A_562 = vector.broadcast %jit3A : f32 to vector<1000x128xf32>
      %select_n3A_563 = arith.select %broadcast_in_dim3A_561, %select_n3A, %broadcast_in_dim3A_562 : vector<1000x128xi1>, vector<1000x128xf32>
      %reduce_max3A = arith.constant dense<0xFF800000> : vector<128xf32>
      %reduce_max3A_564 = vector.multi_reduction <maximumf>, %select_n3A_563, %reduce_max3A [0] : vector<1000x128xf32> to vector<128xf32>
      %broadcast_in_dim3A_565 = vector.shape_cast %reduce_max3A_564 : vector<128xf32> to vector<1x128xf32>
      %get3A_566 = arith.constant 24 : index
      %get3A_567 = arith.constant 0 : index
      %get3A_568 = vector.load %arg15[%get3A_566, %get3A_567] : memref<64x128xf32, #tpu.memory_space<vmem>>, vector<1x128xf32>
      %max3A_569 = arith.maximumf %get3A_568, %broadcast_in_dim3A_565 : vector<1x128xf32>
      %swap3A = arith.constant 24 : index
      %swap3A_570 = arith.constant 0 : index
      %swap3A_571 = vector.load %arg15[%swap3A, %swap3A_570] : memref<64x128xf32, #tpu.memory_space<vmem>>, vector<1x128xf32>
      tpu.vector_store %arg15[%swap3A, %swap3A_570], %max3A_569 {strides = array<i32>} : memref<64x128xf32, #tpu.memory_space<vmem>>, vector<1x128xf32>,
    } else {
    }
    %le3A_241 = arith.constant 25 : i32
    %le3A_242 = arith.cmpi sle, %squeeze3A, %le3A_241 : i32
    %ge3A_243 = arith.constant 25 : i32
    %ge3A_244 = arith.cmpi sge, %squeeze3A_43, %ge3A_243 : i32
    %and3A_245 = arith.andi %le3A_242, %ge3A_244 : i1
    %convert_element_type3A_246 = arith.extui %and3A_245 : i1 to i32
    %cond3A_247 = arith.constant 0 : i32
    %cond3A_248 = arith.cmpi ne, %convert_element_type3A_246, %cond3A_247 : i32
    scf.if %cond3A_248 {
      %eq3A_558 = arith.constant 25 : i32
      %eq3A_559 = vector.broadcast %eq3A_558 : i32 to vector<1000x1xi32>
      %eq3A_560 = arith.cmpi eq, %get3A_41, %eq3A_559 : vector<1000x1xi32>
      %jit3A = arith.constant 0xFF800000 : f32
      %broadcast_in_dim3A = vector.shape_cast %eq3A_560 : vector<1000x1xi1> to vector<1000x1xi1>
      %broadcast_in_dim3A_561 = vector.broadcast %broadcast_in_dim3A : vector<1000x1xi1> to vector<1000x128xi1>
      %broadcast_in_dim3A_562 = vector.broadcast %jit3A : f32 to vector<1000x128xf32>
      %select_n3A_563 = arith.select %broadcast_in_dim3A_561, %select_n3A, %broadcast_in_dim3A_562 : vector<1000x128xi1>, vector<1000x128xf32>
      %reduce_max3A = arith.constant dense<0xFF800000> : vector<128xf32>
      %reduce_max3A_564 = vector.multi_reduction <maximumf>, %select_n3A_563, %reduce_max3A [0] : vector<1000x128xf32> to vector<128xf32>
      %broadcast_in_dim3A_565 = vector.shape_cast %reduce_max3A_564 : vector<128xf32> to vector<1x128xf32>
      %get3A_566 = arith.constant 25 : index
      %get3A_567 = arith.constant 0 : index
      %get3A_568 = vector.load %arg15[%get3A_566, %get3A_567] : memref<64x128xf32, #tpu.memory_space<vmem>>, vector<1x128xf32>
      %max3A_569 = arith.maximumf %get3A_568, %broadcast_in_dim3A_565 : vector<1x128xf32>
      %swap3A = arith.constant 25 : index
      %swap3A_570 = arith.constant 0 : index
      %swap3A_571 = vector.load %arg15[%swap3A, %swap3A_570] : memref<64x128xf32, #tpu.memory_space<vmem>>, vector<1x128xf32>
      tpu.vector_store %arg15[%swap3A, %swap3A_570], %max3A_569 {strides = array<i32>} : memref<64x128xf32, #tpu.memory_space<vmem>>, vector<1x128xf32>,
    } else {
    }
    %le3A_249 = arith.constant 26 : i32
    %le3A_250 = arith.cmpi sle, %squeeze3A, %le3A_249 : i32
    %ge3A_251 = arith.constant 26 : i32
    %ge3A_252 = arith.cmpi sge, %squeeze3A_43, %ge3A_251 : i32
    %and3A_253 = arith.andi %le3A_250, %ge3A_252 : i1
    %convert_element_type3A_254 = arith.extui %and3A_253 : i1 to i32
    %cond3A_255 = arith.constant 0 : i32
    %cond3A_256 = arith.cmpi ne, %convert_element_type3A_254, %cond3A_255 : i32
    scf.if %cond3A_256 {
      %eq3A_558 = arith.constant 26 : i32
      %eq3A_559 = vector.broadcast %eq3A_558 : i32 to vector<1000x1xi32>
      %eq3A_560 = arith.cmpi eq, %get3A_41, %eq3A_559 : vector<1000x1xi32>
      %jit3A = arith.constant 0xFF800000 : f32
      %broadcast_in_dim3A = vector.shape_cast %eq3A_560 : vector<1000x1xi1> to vector<1000x1xi1>
      %broadcast_in_dim3A_561 = vector.broadcast %broadcast_in_dim3A : vector<1000x1xi1> to vector<1000x128xi1>
      %broadcast_in_dim3A_562 = vector.broadcast %jit3A : f32 to vector<1000x128xf32>
      %select_n3A_563 = arith.select %broadcast_in_dim3A_561, %select_n3A, %broadcast_in_dim3A_562 : vector<1000x128xi1>, vector<1000x128xf32>
      %reduce_max3A = arith.constant dense<0xFF800000> : vector<128xf32>
      %reduce_max3A_564 = vector.multi_reduction <maximumf>, %select_n3A_563, %reduce_max3A [0] : vector<1000x128xf32> to vector<128xf32>
      %broadcast_in_dim3A_565 = vector.shape_cast %reduce_max3A_564 : vector<128xf32> to vector<1x128xf32>
      %get3A_566 = arith.constant 26 : index
      %get3A_567 = arith.constant 0 : index
      %get3A_568 = vector.load %arg15[%get3A_566, %get3A_567] : memref<64x128xf32, #tpu.memory_space<vmem>>, vector<1x128xf32>
      %max3A_569 = arith.maximumf %get3A_568, %broadcast_in_dim3A_565 : vector<1x128xf32>
      %swap3A = arith.constant 26 : index
      %swap3A_570 = arith.constant 0 : index
      %swap3A_571 = vector.load %arg15[%swap3A, %swap3A_570] : memref<64x128xf32, #tpu.memory_space<vmem>>, vector<1x128xf32>
      tpu.vector_store %arg15[%swap3A, %swap3A_570], %max3A_569 {strides = array<i32>} : memref<64x128xf32, #tpu.memory_space<vmem>>, vector<1x128xf32>,
    } else {
    }
    %le3A_257 = arith.constant 27 : i32
    %le3A_258 = arith.cmpi sle, %squeeze3A, %le3A_257 : i32
    %ge3A_259 = arith.constant 27 : i32
    %ge3A_260 = arith.cmpi sge, %squeeze3A_43, %ge3A_259 : i32
    %and3A_261 = arith.andi %le3A_258, %ge3A_260 : i1
    %convert_element_type3A_262 = arith.extui %and3A_261 : i1 to i32
    %cond3A_263 = arith.constant 0 : i32
    %cond3A_264 = arith.cmpi ne, %convert_element_type3A_262, %cond3A_263 : i32
    scf.if %cond3A_264 {
      %eq3A_558 = arith.constant 27 : i32
      %eq3A_559 = vector.broadcast %eq3A_558 : i32 to vector<1000x1xi32>
      %eq3A_560 = arith.cmpi eq, %get3A_41, %eq3A_559 : vector<1000x1xi32>
      %jit3A = arith.constant 0xFF800000 : f32
      %broadcast_in_dim3A = vector.shape_cast %eq3A_560 : vector<1000x1xi1> to vector<1000x1xi1>
      %broadcast_in_dim3A_561 = vector.broadcast %broadcast_in_dim3A : vector<1000x1xi1> to vector<1000x128xi1>
      %broadcast_in_dim3A_562 = vector.broadcast %jit3A : f32 to vector<1000x128xf32>
      %select_n3A_563 = arith.select %broadcast_in_dim3A_561, %select_n3A, %broadcast_in_dim3A_562 : vector<1000x128xi1>, vector<1000x128xf32>
      %reduce_max3A = arith.constant dense<0xFF800000> : vector<128xf32>
      %reduce_max3A_564 = vector.multi_reduction <maximumf>, %select_n3A_563, %reduce_max3A [0] : vector<1000x128xf32> to vector<128xf32>
      %broadcast_in_dim3A_565 = vector.shape_cast %reduce_max3A_564 : vector<128xf32> to vector<1x128xf32>
      %get3A_566 = arith.constant 27 : index
      %get3A_567 = arith.constant 0 : index
      %get3A_568 = vector.load %arg15[%get3A_566, %get3A_567] : memref<64x128xf32, #tpu.memory_space<vmem>>, vector<1x128xf32>
      %max3A_569 = arith.maximumf %get3A_568, %broadcast_in_dim3A_565 : vector<1x128xf32>
      %swap3A = arith.constant 27 : index
      %swap3A_570 = arith.constant 0 : index
      %swap3A_571 = vector.load %arg15[%swap3A, %swap3A_570] : memref<64x128xf32, #tpu.memory_space<vmem>>, vector<1x128xf32>
      tpu.vector_store %arg15[%swap3A, %swap3A_570], %max3A_569 {strides = array<i32>} : memref<64x128xf32, #tpu.memory_space<vmem>>, vector<1x128xf32>,
    } else {
    }
    %le3A_265 = arith.constant 28 : i32
    %le3A_266 = arith.cmpi sle, %squeeze3A, %le3A_265 : i32
    %ge3A_267 = arith.constant 28 : i32
    %ge3A_268 = arith.cmpi sge, %squeeze3A_43, %ge3A_267 : i32
    %and3A_269 = arith.andi %le3A_266, %ge3A_268 : i1
    %convert_element_type3A_270 = arith.extui %and3A_269 : i1 to i32
    %cond3A_271 = arith.constant 0 : i32
    %cond3A_272 = arith.cmpi ne, %convert_element_type3A_270, %cond3A_271 : i32
    scf.if %cond3A_272 {
      %eq3A_558 = arith.constant 28 : i32
      %eq3A_559 = vector.broadcast %eq3A_558 : i32 to vector<1000x1xi32>
      %eq3A_560 = arith.cmpi eq, %get3A_41, %eq3A_559 : vector<1000x1xi32>
      %jit3A = arith.constant 0xFF800000 : f32
      %broadcast_in_dim3A = vector.shape_cast %eq3A_560 : vector<1000x1xi1> to vector<1000x1xi1>
      %broadcast_in_dim3A_561 = vector.broadcast %broadcast_in_dim3A : vector<1000x1xi1> to vector<1000x128xi1>
      %broadcast_in_dim3A_562 = vector.broadcast %jit3A : f32 to vector<1000x128xf32>
      %select_n3A_563 = arith.select %broadcast_in_dim3A_561, %select_n3A, %broadcast_in_dim3A_562 : vector<1000x128xi1>, vector<1000x128xf32>
      %reduce_max3A = arith.constant dense<0xFF800000> : vector<128xf32>
      %reduce_max3A_564 = vector.multi_reduction <maximumf>, %select_n3A_563, %reduce_max3A [0] : vector<1000x128xf32> to vector<128xf32>
      %broadcast_in_dim3A_565 = vector.shape_cast %reduce_max3A_564 : vector<128xf32> to vector<1x128xf32>
      %get3A_566 = arith.constant 28 : index
      %get3A_567 = arith.constant 0 : index
      %get3A_568 = vector.load %arg15[%get3A_566, %get3A_567] : memref<64x128xf32, #tpu.memory_space<vmem>>, vector<1x128xf32>
      %max3A_569 = arith.maximumf %get3A_568, %broadcast_in_dim3A_565 : vector<1x128xf32>
      %swap3A = arith.constant 28 : index
      %swap3A_570 = arith.constant 0 : index
      %swap3A_571 = vector.load %arg15[%swap3A, %swap3A_570] : memref<64x128xf32, #tpu.memory_space<vmem>>, vector<1x128xf32>
      tpu.vector_store %arg15[%swap3A, %swap3A_570], %max3A_569 {strides = array<i32>} : memref<64x128xf32, #tpu.memory_space<vmem>>, vector<1x128xf32>,
    } else {
    }
    %le3A_273 = arith.constant 29 : i32
    %le3A_274 = arith.cmpi sle, %squeeze3A, %le3A_273 : i32
    %ge3A_275 = arith.constant 29 : i32
    %ge3A_276 = arith.cmpi sge, %squeeze3A_43, %ge3A_275 : i32
    %and3A_277 = arith.andi %le3A_274, %ge3A_276 : i1
    %convert_element_type3A_278 = arith.extui %and3A_277 : i1 to i32
    %cond3A_279 = arith.constant 0 : i32
    %cond3A_280 = arith.cmpi ne, %convert_element_type3A_278, %cond3A_279 : i32
    scf.if %cond3A_280 {
      %eq3A_558 = arith.constant 29 : i32
      %eq3A_559 = vector.broadcast %eq3A_558 : i32 to vector<1000x1xi32>
      %eq3A_560 = arith.cmpi eq, %get3A_41, %eq3A_559 : vector<1000x1xi32>
      %jit3A = arith.constant 0xFF800000 : f32
      %broadcast_in_dim3A = vector.shape_cast %eq3A_560 : vector<1000x1xi1> to vector<1000x1xi1>
      %broadcast_in_dim3A_561 = vector.broadcast %broadcast_in_dim3A : vector<1000x1xi1> to vector<1000x128xi1>
      %broadcast_in_dim3A_562 = vector.broadcast %jit3A : f32 to vector<1000x128xf32>
      %select_n3A_563 = arith.select %broadcast_in_dim3A_561, %select_n3A, %broadcast_in_dim3A_562 : vector<1000x128xi1>, vector<1000x128xf32>
      %reduce_max3A = arith.constant dense<0xFF800000> : vector<128xf32>
      %reduce_max3A_564 = vector.multi_reduction <maximumf>, %select_n3A_563, %reduce_max3A [0] : vector<1000x128xf32> to vector<128xf32>
      %broadcast_in_dim3A_565 = vector.shape_cast %reduce_max3A_564 : vector<128xf32> to vector<1x128xf32>
      %get3A_566 = arith.constant 29 : index
      %get3A_567 = arith.constant 0 : index
      %get3A_568 = vector.load %arg15[%get3A_566, %get3A_567] : memref<64x128xf32, #tpu.memory_space<vmem>>, vector<1x128xf32>
      %max3A_569 = arith.maximumf %get3A_568, %broadcast_in_dim3A_565 : vector<1x128xf32>
      %swap3A = arith.constant 29 : index
      %swap3A_570 = arith.constant 0 : index
      %swap3A_571 = vector.load %arg15[%swap3A, %swap3A_570] : memref<64x128xf32, #tpu.memory_space<vmem>>, vector<1x128xf32>
      tpu.vector_store %arg15[%swap3A, %swap3A_570], %max3A_569 {strides = array<i32>} : memref<64x128xf32, #tpu.memory_space<vmem>>, vector<1x128xf32>,
    } else {
    }
    %le3A_281 = arith.constant 30 : i32
    %le3A_282 = arith.cmpi sle, %squeeze3A, %le3A_281 : i32
    %ge3A_283 = arith.constant 30 : i32
    %ge3A_284 = arith.cmpi sge, %squeeze3A_43, %ge3A_283 : i32
    %and3A_285 = arith.andi %le3A_282, %ge3A_284 : i1
    %convert_element_type3A_286 = arith.extui %and3A_285 : i1 to i32
    %cond3A_287 = arith.constant 0 : i32
    %cond3A_288 = arith.cmpi ne, %convert_element_type3A_286, %cond3A_287 : i32
    scf.if %cond3A_288 {
      %eq3A_558 = arith.constant 30 : i32
      %eq3A_559 = vector.broadcast %eq3A_558 : i32 to vector<1000x1xi32>
      %eq3A_560 = arith.cmpi eq, %get3A_41, %eq3A_559 : vector<1000x1xi32>
      %jit3A = arith.constant 0xFF800000 : f32
      %broadcast_in_dim3A = vector.shape_cast %eq3A_560 : vector<1000x1xi1> to vector<1000x1xi1>
      %broadcast_in_dim3A_561 = vector.broadcast %broadcast_in_dim3A : vector<1000x1xi1> to vector<1000x128xi1>
      %broadcast_in_dim3A_562 = vector.broadcast %jit3A : f32 to vector<1000x128xf32>
      %select_n3A_563 = arith.select %broadcast_in_dim3A_561, %select_n3A, %broadcast_in_dim3A_562 : vector<1000x128xi1>, vector<1000x128xf32>
      %reduce_max3A = arith.constant dense<0xFF800000> : vector<128xf32>
      %reduce_max3A_564 = vector.multi_reduction <maximumf>, %select_n3A_563, %reduce_max3A [0] : vector<1000x128xf32> to vector<128xf32>
      %broadcast_in_dim3A_565 = vector.shape_cast %reduce_max3A_564 : vector<128xf32> to vector<1x128xf32>
      %get3A_566 = arith.constant 30 : index
      %get3A_567 = arith.constant 0 : index
      %get3A_568 = vector.load %arg15[%get3A_566, %get3A_567] : memref<64x128xf32, #tpu.memory_space<vmem>>, vector<1x128xf32>
      %max3A_569 = arith.maximumf %get3A_568, %broadcast_in_dim3A_565 : vector<1x128xf32>
      %swap3A = arith.constant 30 : index
      %swap3A_570 = arith.constant 0 : index
      %swap3A_571 = vector.load %arg15[%swap3A, %swap3A_570] : memref<64x128xf32, #tpu.memory_space<vmem>>, vector<1x128xf32>
      tpu.vector_store %arg15[%swap3A, %swap3A_570], %max3A_569 {strides = array<i32>} : memref<64x128xf32, #tpu.memory_space<vmem>>, vector<1x128xf32>,
    } else {
    }
    %le3A_289 = arith.constant 31 : i32
    %le3A_290 = arith.cmpi sle, %squeeze3A, %le3A_289 : i32
    %ge3A_291 = arith.constant 31 : i32
    %ge3A_292 = arith.cmpi sge, %squeeze3A_43, %ge3A_291 : i32
    %and3A_293 = arith.andi %le3A_290, %ge3A_292 : i1
    %convert_element_type3A_294 = arith.extui %and3A_293 : i1 to i32
    %cond3A_295 = arith.constant 0 : i32
    %cond3A_296 = arith.cmpi ne, %convert_element_type3A_294, %cond3A_295 : i32
    scf.if %cond3A_296 {
      %eq3A_558 = arith.constant 31 : i32
      %eq3A_559 = vector.broadcast %eq3A_558 : i32 to vector<1000x1xi32>
      %eq3A_560 = arith.cmpi eq, %get3A_41, %eq3A_559 : vector<1000x1xi32>
      %jit3A = arith.constant 0xFF800000 : f32
      %broadcast_in_dim3A = vector.shape_cast %eq3A_560 : vector<1000x1xi1> to vector<1000x1xi1>
      %broadcast_in_dim3A_561 = vector.broadcast %broadcast_in_dim3A : vector<1000x1xi1> to vector<1000x128xi1>
      %broadcast_in_dim3A_562 = vector.broadcast %jit3A : f32 to vector<1000x128xf32>
      %select_n3A_563 = arith.select %broadcast_in_dim3A_561, %select_n3A, %broadcast_in_dim3A_562 : vector<1000x128xi1>, vector<1000x128xf32>
      %reduce_max3A = arith.constant dense<0xFF800000> : vector<128xf32>
      %reduce_max3A_564 = vector.multi_reduction <maximumf>, %select_n3A_563, %reduce_max3A [0] : vector<1000x128xf32> to vector<128xf32>
      %broadcast_in_dim3A_565 = vector.shape_cast %reduce_max3A_564 : vector<128xf32> to vector<1x128xf32>
      %get3A_566 = arith.constant 31 : index
      %get3A_567 = arith.constant 0 : index
      %get3A_568 = vector.load %arg15[%get3A_566, %get3A_567] : memref<64x128xf32, #tpu.memory_space<vmem>>, vector<1x128xf32>
      %max3A_569 = arith.maximumf %get3A_568, %broadcast_in_dim3A_565 : vector<1x128xf32>
      %swap3A = arith.constant 31 : index
      %swap3A_570 = arith.constant 0 : index
      %swap3A_571 = vector.load %arg15[%swap3A, %swap3A_570] : memref<64x128xf32, #tpu.memory_space<vmem>>, vector<1x128xf32>
      tpu.vector_store %arg15[%swap3A, %swap3A_570], %max3A_569 {strides = array<i32>} : memref<64x128xf32, #tpu.memory_space<vmem>>, vector<1x128xf32>,
    } else {
    }
    %le3A_297 = arith.constant 32 : i32
    %le3A_298 = arith.cmpi sle, %squeeze3A, %le3A_297 : i32
    %ge3A_299 = arith.constant 32 : i32
    %ge3A_300 = arith.cmpi sge, %squeeze3A_43, %ge3A_299 : i32
    %and3A_301 = arith.andi %le3A_298, %ge3A_300 : i1
    %convert_element_type3A_302 = arith.extui %and3A_301 : i1 to i32
    %cond3A_303 = arith.constant 0 : i32
    %cond3A_304 = arith.cmpi ne, %convert_element_type3A_302, %cond3A_303 : i32
    scf.if %cond3A_304 {
      %eq3A_558 = arith.constant 32 : i32
      %eq3A_559 = vector.broadcast %eq3A_558 : i32 to vector<1000x1xi32>
      %eq3A_560 = arith.cmpi eq, %get3A_41, %eq3A_559 : vector<1000x1xi32>
      %jit3A = arith.constant 0xFF800000 : f32
      %broadcast_in_dim3A = vector.shape_cast %eq3A_560 : vector<1000x1xi1> to vector<1000x1xi1>
      %broadcast_in_dim3A_561 = vector.broadcast %broadcast_in_dim3A : vector<1000x1xi1> to vector<1000x128xi1>
      %broadcast_in_dim3A_562 = vector.broadcast %jit3A : f32 to vector<1000x128xf32>
      %select_n3A_563 = arith.select %broadcast_in_dim3A_561, %select_n3A, %broadcast_in_dim3A_562 : vector<1000x128xi1>, vector<1000x128xf32>
      %reduce_max3A = arith.constant dense<0xFF800000> : vector<128xf32>
      %reduce_max3A_564 = vector.multi_reduction <maximumf>, %select_n3A_563, %reduce_max3A [0] : vector<1000x128xf32> to vector<128xf32>
      %broadcast_in_dim3A_565 = vector.shape_cast %reduce_max3A_564 : vector<128xf32> to vector<1x128xf32>
      %get3A_566 = arith.constant 32 : index
      %get3A_567 = arith.constant 0 : index
      %get3A_568 = vector.load %arg15[%get3A_566, %get3A_567] : memref<64x128xf32, #tpu.memory_space<vmem>>, vector<1x128xf32>
      %max3A_569 = arith.maximumf %get3A_568, %broadcast_in_dim3A_565 : vector<1x128xf32>
      %swap3A = arith.constant 32 : index
      %swap3A_570 = arith.constant 0 : index
      %swap3A_571 = vector.load %arg15[%swap3A, %swap3A_570] : memref<64x128xf32, #tpu.memory_space<vmem>>, vector<1x128xf32>
      tpu.vector_store %arg15[%swap3A, %swap3A_570], %max3A_569 {strides = array<i32>} : memref<64x128xf32, #tpu.memory_space<vmem>>, vector<1x128xf32>,
    } else {
    }
    %le3A_305 = arith.constant 33 : i32
    %le3A_306 = arith.cmpi sle, %squeeze3A, %le3A_305 : i32
    %ge3A_307 = arith.constant 33 : i32
    %ge3A_308 = arith.cmpi sge, %squeeze3A_43, %ge3A_307 : i32
    %and3A_309 = arith.andi %le3A_306, %ge3A_308 : i1
    %convert_element_type3A_310 = arith.extui %and3A_309 : i1 to i32
    %cond3A_311 = arith.constant 0 : i32
    %cond3A_312 = arith.cmpi ne, %convert_element_type3A_310, %cond3A_311 : i32
    scf.if %cond3A_312 {
      %eq3A_558 = arith.constant 33 : i32
      %eq3A_559 = vector.broadcast %eq3A_558 : i32 to vector<1000x1xi32>
      %eq3A_560 = arith.cmpi eq, %get3A_41, %eq3A_559 : vector<1000x1xi32>
      %jit3A = arith.constant 0xFF800000 : f32
      %broadcast_in_dim3A = vector.shape_cast %eq3A_560 : vector<1000x1xi1> to vector<1000x1xi1>
      %broadcast_in_dim3A_561 = vector.broadcast %broadcast_in_dim3A : vector<1000x1xi1> to vector<1000x128xi1>
      %broadcast_in_dim3A_562 = vector.broadcast %jit3A : f32 to vector<1000x128xf32>
      %select_n3A_563 = arith.select %broadcast_in_dim3A_561, %select_n3A, %broadcast_in_dim3A_562 : vector<1000x128xi1>, vector<1000x128xf32>
      %reduce_max3A = arith.constant dense<0xFF800000> : vector<128xf32>
      %reduce_max3A_564 = vector.multi_reduction <maximumf>, %select_n3A_563, %reduce_max3A [0] : vector<1000x128xf32> to vector<128xf32>
      %broadcast_in_dim3A_565 = vector.shape_cast %reduce_max3A_564 : vector<128xf32> to vector<1x128xf32>
      %get3A_566 = arith.constant 33 : index
      %get3A_567 = arith.constant 0 : index
      %get3A_568 = vector.load %arg15[%get3A_566, %get3A_567] : memref<64x128xf32, #tpu.memory_space<vmem>>, vector<1x128xf32>
      %max3A_569 = arith.maximumf %get3A_568, %broadcast_in_dim3A_565 : vector<1x128xf32>
      %swap3A = arith.constant 33 : index
      %swap3A_570 = arith.constant 0 : index
      %swap3A_571 = vector.load %arg15[%swap3A, %swap3A_570] : memref<64x128xf32, #tpu.memory_space<vmem>>, vector<1x128xf32>
      tpu.vector_store %arg15[%swap3A, %swap3A_570], %max3A_569 {strides = array<i32>} : memref<64x128xf32, #tpu.memory_space<vmem>>, vector<1x128xf32>,
    } else {
    }
    %le3A_313 = arith.constant 34 : i32
    %le3A_314 = arith.cmpi sle, %squeeze3A, %le3A_313 : i32
    %ge3A_315 = arith.constant 34 : i32
    %ge3A_316 = arith.cmpi sge, %squeeze3A_43, %ge3A_315 : i32
    %and3A_317 = arith.andi %le3A_314, %ge3A_316 : i1
    %convert_element_type3A_318 = arith.extui %and3A_317 : i1 to i32
    %cond3A_319 = arith.constant 0 : i32
    %cond3A_320 = arith.cmpi ne, %convert_element_type3A_318, %cond3A_319 : i32
    scf.if %cond3A_320 {
      %eq3A_558 = arith.constant 34 : i32
      %eq3A_559 = vector.broadcast %eq3A_558 : i32 to vector<1000x1xi32>
      %eq3A_560 = arith.cmpi eq, %get3A_41, %eq3A_559 : vector<1000x1xi32>
      %jit3A = arith.constant 0xFF800000 : f32
      %broadcast_in_dim3A = vector.shape_cast %eq3A_560 : vector<1000x1xi1> to vector<1000x1xi1>
      %broadcast_in_dim3A_561 = vector.broadcast %broadcast_in_dim3A : vector<1000x1xi1> to vector<1000x128xi1>
      %broadcast_in_dim3A_562 = vector.broadcast %jit3A : f32 to vector<1000x128xf32>
      %select_n3A_563 = arith.select %broadcast_in_dim3A_561, %select_n3A, %broadcast_in_dim3A_562 : vector<1000x128xi1>, vector<1000x128xf32>
      %reduce_max3A = arith.constant dense<0xFF800000> : vector<128xf32>
      %reduce_max3A_564 = vector.multi_reduction <maximumf>, %select_n3A_563, %reduce_max3A [0] : vector<1000x128xf32> to vector<128xf32>
      %broadcast_in_dim3A_565 = vector.shape_cast %reduce_max3A_564 : vector<128xf32> to vector<1x128xf32>
      %get3A_566 = arith.constant 34 : index
      %get3A_567 = arith.constant 0 : index
      %get3A_568 = vector.load %arg15[%get3A_566, %get3A_567] : memref<64x128xf32, #tpu.memory_space<vmem>>, vector<1x128xf32>
      %max3A_569 = arith.maximumf %get3A_568, %broadcast_in_dim3A_565 : vector<1x128xf32>
      %swap3A = arith.constant 34 : index
      %swap3A_570 = arith.constant 0 : index
      %swap3A_571 = vector.load %arg15[%swap3A, %swap3A_570] : memref<64x128xf32, #tpu.memory_space<vmem>>, vector<1x128xf32>
      tpu.vector_store %arg15[%swap3A, %swap3A_570], %max3A_569 {strides = array<i32>} : memref<64x128xf32, #tpu.memory_space<vmem>>, vector<1x128xf32>,
    } else {
    }
    %le3A_321 = arith.constant 35 : i32
    %le3A_322 = arith.cmpi sle, %squeeze3A, %le3A_321 : i32
    %ge3A_323 = arith.constant 35 : i32
    %ge3A_324 = arith.cmpi sge, %squeeze3A_43, %ge3A_323 : i32
    %and3A_325 = arith.andi %le3A_322, %ge3A_324 : i1
    %convert_element_type3A_326 = arith.extui %and3A_325 : i1 to i32
    %cond3A_327 = arith.constant 0 : i32
    %cond3A_328 = arith.cmpi ne, %convert_element_type3A_326, %cond3A_327 : i32
    scf.if %cond3A_328 {
      %eq3A_558 = arith.constant 35 : i32
      %eq3A_559 = vector.broadcast %eq3A_558 : i32 to vector<1000x1xi32>
      %eq3A_560 = arith.cmpi eq, %get3A_41, %eq3A_559 : vector<1000x1xi32>
      %jit3A = arith.constant 0xFF800000 : f32
      %broadcast_in_dim3A = vector.shape_cast %eq3A_560 : vector<1000x1xi1> to vector<1000x1xi1>
      %broadcast_in_dim3A_561 = vector.broadcast %broadcast_in_dim3A : vector<1000x1xi1> to vector<1000x128xi1>
      %broadcast_in_dim3A_562 = vector.broadcast %jit3A : f32 to vector<1000x128xf32>
      %select_n3A_563 = arith.select %broadcast_in_dim3A_561, %select_n3A, %broadcast_in_dim3A_562 : vector<1000x128xi1>, vector<1000x128xf32>
      %reduce_max3A = arith.constant dense<0xFF800000> : vector<128xf32>
      %reduce_max3A_564 = vector.multi_reduction <maximumf>, %select_n3A_563, %reduce_max3A [0] : vector<1000x128xf32> to vector<128xf32>
      %broadcast_in_dim3A_565 = vector.shape_cast %reduce_max3A_564 : vector<128xf32> to vector<1x128xf32>
      %get3A_566 = arith.constant 35 : index
      %get3A_567 = arith.constant 0 : index
      %get3A_568 = vector.load %arg15[%get3A_566, %get3A_567] : memref<64x128xf32, #tpu.memory_space<vmem>>, vector<1x128xf32>
      %max3A_569 = arith.maximumf %get3A_568, %broadcast_in_dim3A_565 : vector<1x128xf32>
      %swap3A = arith.constant 35 : index
      %swap3A_570 = arith.constant 0 : index
      %swap3A_571 = vector.load %arg15[%swap3A, %swap3A_570] : memref<64x128xf32, #tpu.memory_space<vmem>>, vector<1x128xf32>
      tpu.vector_store %arg15[%swap3A, %swap3A_570], %max3A_569 {strides = array<i32>} : memref<64x128xf32, #tpu.memory_space<vmem>>, vector<1x128xf32>,
    } else {
    }
    %le3A_329 = arith.constant 36 : i32
    %le3A_330 = arith.cmpi sle, %squeeze3A, %le3A_329 : i32
    %ge3A_331 = arith.constant 36 : i32
    %ge3A_332 = arith.cmpi sge, %squeeze3A_43, %ge3A_331 : i32
    %and3A_333 = arith.andi %le3A_330, %ge3A_332 : i1
    %convert_element_type3A_334 = arith.extui %and3A_333 : i1 to i32
    %cond3A_335 = arith.constant 0 : i32
    %cond3A_336 = arith.cmpi ne, %convert_element_type3A_334, %cond3A_335 : i32
    scf.if %cond3A_336 {
      %eq3A_558 = arith.constant 36 : i32
      %eq3A_559 = vector.broadcast %eq3A_558 : i32 to vector<1000x1xi32>
      %eq3A_560 = arith.cmpi eq, %get3A_41, %eq3A_559 : vector<1000x1xi32>
      %jit3A = arith.constant 0xFF800000 : f32
      %broadcast_in_dim3A = vector.shape_cast %eq3A_560 : vector<1000x1xi1> to vector<1000x1xi1>
      %broadcast_in_dim3A_561 = vector.broadcast %broadcast_in_dim3A : vector<1000x1xi1> to vector<1000x128xi1>
      %broadcast_in_dim3A_562 = vector.broadcast %jit3A : f32 to vector<1000x128xf32>
      %select_n3A_563 = arith.select %broadcast_in_dim3A_561, %select_n3A, %broadcast_in_dim3A_562 : vector<1000x128xi1>, vector<1000x128xf32>
      %reduce_max3A = arith.constant dense<0xFF800000> : vector<128xf32>
      %reduce_max3A_564 = vector.multi_reduction <maximumf>, %select_n3A_563, %reduce_max3A [0] : vector<1000x128xf32> to vector<128xf32>
      %broadcast_in_dim3A_565 = vector.shape_cast %reduce_max3A_564 : vector<128xf32> to vector<1x128xf32>
      %get3A_566 = arith.constant 36 : index
      %get3A_567 = arith.constant 0 : index
      %get3A_568 = vector.load %arg15[%get3A_566, %get3A_567] : memref<64x128xf32, #tpu.memory_space<vmem>>, vector<1x128xf32>
      %max3A_569 = arith.maximumf %get3A_568, %broadcast_in_dim3A_565 : vector<1x128xf32>
      %swap3A = arith.constant 36 : index
      %swap3A_570 = arith.constant 0 : index
      %swap3A_571 = vector.load %arg15[%swap3A, %swap3A_570] : memref<64x128xf32, #tpu.memory_space<vmem>>, vector<1x128xf32>
      tpu.vector_store %arg15[%swap3A, %swap3A_570], %max3A_569 {strides = array<i32>} : memref<64x128xf32, #tpu.memory_space<vmem>>, vector<1x128xf32>,
    } else {
    }
    %le3A_337 = arith.constant 37 : i32
    %le3A_338 = arith.cmpi sle, %squeeze3A, %le3A_337 : i32
    %ge3A_339 = arith.constant 37 : i32
    %ge3A_340 = arith.cmpi sge, %squeeze3A_43, %ge3A_339 : i32
    %and3A_341 = arith.andi %le3A_338, %ge3A_340 : i1
    %convert_element_type3A_342 = arith.extui %and3A_341 : i1 to i32
    %cond3A_343 = arith.constant 0 : i32
    %cond3A_344 = arith.cmpi ne, %convert_element_type3A_342, %cond3A_343 : i32
    scf.if %cond3A_344 {
      %eq3A_558 = arith.constant 37 : i32
      %eq3A_559 = vector.broadcast %eq3A_558 : i32 to vector<1000x1xi32>
      %eq3A_560 = arith.cmpi eq, %get3A_41, %eq3A_559 : vector<1000x1xi32>
      %jit3A = arith.constant 0xFF800000 : f32
      %broadcast_in_dim3A = vector.shape_cast %eq3A_560 : vector<1000x1xi1> to vector<1000x1xi1>
      %broadcast_in_dim3A_561 = vector.broadcast %broadcast_in_dim3A : vector<1000x1xi1> to vector<1000x128xi1>
      %broadcast_in_dim3A_562 = vector.broadcast %jit3A : f32 to vector<1000x128xf32>
      %select_n3A_563 = arith.select %broadcast_in_dim3A_561, %select_n3A, %broadcast_in_dim3A_562 : vector<1000x128xi1>, vector<1000x128xf32>
      %reduce_max3A = arith.constant dense<0xFF800000> : vector<128xf32>
      %reduce_max3A_564 = vector.multi_reduction <maximumf>, %select_n3A_563, %reduce_max3A [0] : vector<1000x128xf32> to vector<128xf32>
      %broadcast_in_dim3A_565 = vector.shape_cast %reduce_max3A_564 : vector<128xf32> to vector<1x128xf32>
      %get3A_566 = arith.constant 37 : index
      %get3A_567 = arith.constant 0 : index
      %get3A_568 = vector.load %arg15[%get3A_566, %get3A_567] : memref<64x128xf32, #tpu.memory_space<vmem>>, vector<1x128xf32>
      %max3A_569 = arith.maximumf %get3A_568, %broadcast_in_dim3A_565 : vector<1x128xf32>
      %swap3A = arith.constant 37 : index
      %swap3A_570 = arith.constant 0 : index
      %swap3A_571 = vector.load %arg15[%swap3A, %swap3A_570] : memref<64x128xf32, #tpu.memory_space<vmem>>, vector<1x128xf32>
      tpu.vector_store %arg15[%swap3A, %swap3A_570], %max3A_569 {strides = array<i32>} : memref<64x128xf32, #tpu.memory_space<vmem>>, vector<1x128xf32>,
    } else {
    }
    %le3A_345 = arith.constant 38 : i32
    %le3A_346 = arith.cmpi sle, %squeeze3A, %le3A_345 : i32
    %ge3A_347 = arith.constant 38 : i32
    %ge3A_348 = arith.cmpi sge, %squeeze3A_43, %ge3A_347 : i32
    %and3A_349 = arith.andi %le3A_346, %ge3A_348 : i1
    %convert_element_type3A_350 = arith.extui %and3A_349 : i1 to i32
    %cond3A_351 = arith.constant 0 : i32
    %cond3A_352 = arith.cmpi ne, %convert_element_type3A_350, %cond3A_351 : i32
    scf.if %cond3A_352 {
      %eq3A_558 = arith.constant 38 : i32
      %eq3A_559 = vector.broadcast %eq3A_558 : i32 to vector<1000x1xi32>
      %eq3A_560 = arith.cmpi eq, %get3A_41, %eq3A_559 : vector<1000x1xi32>
      %jit3A = arith.constant 0xFF800000 : f32
      %broadcast_in_dim3A = vector.shape_cast %eq3A_560 : vector<1000x1xi1> to vector<1000x1xi1>
      %broadcast_in_dim3A_561 = vector.broadcast %broadcast_in_dim3A : vector<1000x1xi1> to vector<1000x128xi1>
      %broadcast_in_dim3A_562 = vector.broadcast %jit3A : f32 to vector<1000x128xf32>
      %select_n3A_563 = arith.select %broadcast_in_dim3A_561, %select_n3A, %broadcast_in_dim3A_562 : vector<1000x128xi1>, vector<1000x128xf32>
      %reduce_max3A = arith.constant dense<0xFF800000> : vector<128xf32>
      %reduce_max3A_564 = vector.multi_reduction <maximumf>, %select_n3A_563, %reduce_max3A [0] : vector<1000x128xf32> to vector<128xf32>
      %broadcast_in_dim3A_565 = vector.shape_cast %reduce_max3A_564 : vector<128xf32> to vector<1x128xf32>
      %get3A_566 = arith.constant 38 : index
      %get3A_567 = arith.constant 0 : index
      %get3A_568 = vector.load %arg15[%get3A_566, %get3A_567] : memref<64x128xf32, #tpu.memory_space<vmem>>, vector<1x128xf32>
      %max3A_569 = arith.maximumf %get3A_568, %broadcast_in_dim3A_565 : vector<1x128xf32>
      %swap3A = arith.constant 38 : index
      %swap3A_570 = arith.constant 0 : index
      %swap3A_571 = vector.load %arg15[%swap3A, %swap3A_570] : memref<64x128xf32, #tpu.memory_space<vmem>>, vector<1x128xf32>
      tpu.vector_store %arg15[%swap3A, %swap3A_570], %max3A_569 {strides = array<i32>} : memref<64x128xf32, #tpu.memory_space<vmem>>, vector<1x128xf32>,
    } else {
    }
    %le3A_353 = arith.constant 39 : i32
    %le3A_354 = arith.cmpi sle, %squeeze3A, %le3A_353 : i32
    %ge3A_355 = arith.constant 39 : i32
    %ge3A_356 = arith.cmpi sge, %squeeze3A_43, %ge3A_355 : i32
    %and3A_357 = arith.andi %le3A_354, %ge3A_356 : i1
    %convert_element_type3A_358 = arith.extui %and3A_357 : i1 to i32
    %cond3A_359 = arith.constant 0 : i32
    %cond3A_360 = arith.cmpi ne, %convert_element_type3A_358, %cond3A_359 : i32
    scf.if %cond3A_360 {
      %eq3A_558 = arith.constant 39 : i32
      %eq3A_559 = vector.broadcast %eq3A_558 : i32 to vector<1000x1xi32>
      %eq3A_560 = arith.cmpi eq, %get3A_41, %eq3A_559 : vector<1000x1xi32>
      %jit3A = arith.constant 0xFF800000 : f32
      %broadcast_in_dim3A = vector.shape_cast %eq3A_560 : vector<1000x1xi1> to vector<1000x1xi1>
      %broadcast_in_dim3A_561 = vector.broadcast %broadcast_in_dim3A : vector<1000x1xi1> to vector<1000x128xi1>
      %broadcast_in_dim3A_562 = vector.broadcast %jit3A : f32 to vector<1000x128xf32>
      %select_n3A_563 = arith.select %broadcast_in_dim3A_561, %select_n3A, %broadcast_in_dim3A_562 : vector<1000x128xi1>, vector<1000x128xf32>
      %reduce_max3A = arith.constant dense<0xFF800000> : vector<128xf32>
      %reduce_max3A_564 = vector.multi_reduction <maximumf>, %select_n3A_563, %reduce_max3A [0] : vector<1000x128xf32> to vector<128xf32>
      %broadcast_in_dim3A_565 = vector.shape_cast %reduce_max3A_564 : vector<128xf32> to vector<1x128xf32>
      %get3A_566 = arith.constant 39 : index
      %get3A_567 = arith.constant 0 : index
      %get3A_568 = vector.load %arg15[%get3A_566, %get3A_567] : memref<64x128xf32, #tpu.memory_space<vmem>>, vector<1x128xf32>
      %max3A_569 = arith.maximumf %get3A_568, %broadcast_in_dim3A_565 : vector<1x128xf32>
      %swap3A = arith.constant 39 : index
      %swap3A_570 = arith.constant 0 : index
      %swap3A_571 = vector.load %arg15[%swap3A, %swap3A_570] : memref<64x128xf32, #tpu.memory_space<vmem>>, vector<1x128xf32>
      tpu.vector_store %arg15[%swap3A, %swap3A_570], %max3A_569 {strides = array<i32>} : memref<64x128xf32, #tpu.memory_space<vmem>>, vector<1x128xf32>,
    } else {
    }
    %le3A_361 = arith.constant 40 : i32
    %le3A_362 = arith.cmpi sle, %squeeze3A, %le3A_361 : i32
    %ge3A_363 = arith.constant 40 : i32
    %ge3A_364 = arith.cmpi sge, %squeeze3A_43, %ge3A_363 : i32
    %and3A_365 = arith.andi %le3A_362, %ge3A_364 : i1
    %convert_element_type3A_366 = arith.extui %and3A_365 : i1 to i32
    %cond3A_367 = arith.constant 0 : i32
    %cond3A_368 = arith.cmpi ne, %convert_element_type3A_366, %cond3A_367 : i32
    scf.if %cond3A_368 {
      %eq3A_558 = arith.constant 40 : i32
      %eq3A_559 = vector.broadcast %eq3A_558 : i32 to vector<1000x1xi32>
      %eq3A_560 = arith.cmpi eq, %get3A_41, %eq3A_559 : vector<1000x1xi32>
      %jit3A = arith.constant 0xFF800000 : f32
      %broadcast_in_dim3A = vector.shape_cast %eq3A_560 : vector<1000x1xi1> to vector<1000x1xi1>
      %broadcast_in_dim3A_561 = vector.broadcast %broadcast_in_dim3A : vector<1000x1xi1> to vector<1000x128xi1>
      %broadcast_in_dim3A_562 = vector.broadcast %jit3A : f32 to vector<1000x128xf32>
      %select_n3A_563 = arith.select %broadcast_in_dim3A_561, %select_n3A, %broadcast_in_dim3A_562 : vector<1000x128xi1>, vector<1000x128xf32>
      %reduce_max3A = arith.constant dense<0xFF800000> : vector<128xf32>
      %reduce_max3A_564 = vector.multi_reduction <maximumf>, %select_n3A_563, %reduce_max3A [0] : vector<1000x128xf32> to vector<128xf32>
      %broadcast_in_dim3A_565 = vector.shape_cast %reduce_max3A_564 : vector<128xf32> to vector<1x128xf32>
      %get3A_566 = arith.constant 40 : index
      %get3A_567 = arith.constant 0 : index
      %get3A_568 = vector.load %arg15[%get3A_566, %get3A_567] : memref<64x128xf32, #tpu.memory_space<vmem>>, vector<1x128xf32>
      %max3A_569 = arith.maximumf %get3A_568, %broadcast_in_dim3A_565 : vector<1x128xf32>
      %swap3A = arith.constant 40 : index
      %swap3A_570 = arith.constant 0 : index
      %swap3A_571 = vector.load %arg15[%swap3A, %swap3A_570] : memref<64x128xf32, #tpu.memory_space<vmem>>, vector<1x128xf32>
      tpu.vector_store %arg15[%swap3A, %swap3A_570], %max3A_569 {strides = array<i32>} : memref<64x128xf32, #tpu.memory_space<vmem>>, vector<1x128xf32>,
    } else {
    }
    %le3A_369 = arith.constant 41 : i32
    %le3A_370 = arith.cmpi sle, %squeeze3A, %le3A_369 : i32
    %ge3A_371 = arith.constant 41 : i32
    %ge3A_372 = arith.cmpi sge, %squeeze3A_43, %ge3A_371 : i32
    %and3A_373 = arith.andi %le3A_370, %ge3A_372 : i1
    %convert_element_type3A_374 = arith.extui %and3A_373 : i1 to i32
    %cond3A_375 = arith.constant 0 : i32
    %cond3A_376 = arith.cmpi ne, %convert_element_type3A_374, %cond3A_375 : i32
    scf.if %cond3A_376 {
      %eq3A_558 = arith.constant 41 : i32
      %eq3A_559 = vector.broadcast %eq3A_558 : i32 to vector<1000x1xi32>
      %eq3A_560 = arith.cmpi eq, %get3A_41, %eq3A_559 : vector<1000x1xi32>
      %jit3A = arith.constant 0xFF800000 : f32
      %broadcast_in_dim3A = vector.shape_cast %eq3A_560 : vector<1000x1xi1> to vector<1000x1xi1>
      %broadcast_in_dim3A_561 = vector.broadcast %broadcast_in_dim3A : vector<1000x1xi1> to vector<1000x128xi1>
      %broadcast_in_dim3A_562 = vector.broadcast %jit3A : f32 to vector<1000x128xf32>
      %select_n3A_563 = arith.select %broadcast_in_dim3A_561, %select_n3A, %broadcast_in_dim3A_562 : vector<1000x128xi1>, vector<1000x128xf32>
      %reduce_max3A = arith.constant dense<0xFF800000> : vector<128xf32>
      %reduce_max3A_564 = vector.multi_reduction <maximumf>, %select_n3A_563, %reduce_max3A [0] : vector<1000x128xf32> to vector<128xf32>
      %broadcast_in_dim3A_565 = vector.shape_cast %reduce_max3A_564 : vector<128xf32> to vector<1x128xf32>
      %get3A_566 = arith.constant 41 : index
      %get3A_567 = arith.constant 0 : index
      %get3A_568 = vector.load %arg15[%get3A_566, %get3A_567] : memref<64x128xf32, #tpu.memory_space<vmem>>, vector<1x128xf32>
      %max3A_569 = arith.maximumf %get3A_568, %broadcast_in_dim3A_565 : vector<1x128xf32>
      %swap3A = arith.constant 41 : index
      %swap3A_570 = arith.constant 0 : index
      %swap3A_571 = vector.load %arg15[%swap3A, %swap3A_570] : memref<64x128xf32, #tpu.memory_space<vmem>>, vector<1x128xf32>
      tpu.vector_store %arg15[%swap3A, %swap3A_570], %max3A_569 {strides = array<i32>} : memref<64x128xf32, #tpu.memory_space<vmem>>, vector<1x128xf32>,
    } else {
    }
    %le3A_377 = arith.constant 42 : i32
    %le3A_378 = arith.cmpi sle, %squeeze3A, %le3A_377 : i32
    %ge3A_379 = arith.constant 42 : i32
    %ge3A_380 = arith.cmpi sge, %squeeze3A_43, %ge3A_379 : i32
    %and3A_381 = arith.andi %le3A_378, %ge3A_380 : i1
    %convert_element_type3A_382 = arith.extui %and3A_381 : i1 to i32
    %cond3A_383 = arith.constant 0 : i32
    %cond3A_384 = arith.cmpi ne, %convert_element_type3A_382, %cond3A_383 : i32
    scf.if %cond3A_384 {
      %eq3A_558 = arith.constant 42 : i32
      %eq3A_559 = vector.broadcast %eq3A_558 : i32 to vector<1000x1xi32>
      %eq3A_560 = arith.cmpi eq, %get3A_41, %eq3A_559 : vector<1000x1xi32>
      %jit3A = arith.constant 0xFF800000 : f32
      %broadcast_in_dim3A = vector.shape_cast %eq3A_560 : vector<1000x1xi1> to vector<1000x1xi1>
      %broadcast_in_dim3A_561 = vector.broadcast %broadcast_in_dim3A : vector<1000x1xi1> to vector<1000x128xi1>
      %broadcast_in_dim3A_562 = vector.broadcast %jit3A : f32 to vector<1000x128xf32>
      %select_n3A_563 = arith.select %broadcast_in_dim3A_561, %select_n3A, %broadcast_in_dim3A_562 : vector<1000x128xi1>, vector<1000x128xf32>
      %reduce_max3A = arith.constant dense<0xFF800000> : vector<128xf32>
      %reduce_max3A_564 = vector.multi_reduction <maximumf>, %select_n3A_563, %reduce_max3A [0] : vector<1000x128xf32> to vector<128xf32>
      %broadcast_in_dim3A_565 = vector.shape_cast %reduce_max3A_564 : vector<128xf32> to vector<1x128xf32>
      %get3A_566 = arith.constant 42 : index
      %get3A_567 = arith.constant 0 : index
      %get3A_568 = vector.load %arg15[%get3A_566, %get3A_567] : memref<64x128xf32, #tpu.memory_space<vmem>>, vector<1x128xf32>
      %max3A_569 = arith.maximumf %get3A_568, %broadcast_in_dim3A_565 : vector<1x128xf32>
      %swap3A = arith.constant 42 : index
      %swap3A_570 = arith.constant 0 : index
      %swap3A_571 = vector.load %arg15[%swap3A, %swap3A_570] : memref<64x128xf32, #tpu.memory_space<vmem>>, vector<1x128xf32>
      tpu.vector_store %arg15[%swap3A, %swap3A_570], %max3A_569 {strides = array<i32>} : memref<64x128xf32, #tpu.memory_space<vmem>>, vector<1x128xf32>,
    } else {
    }
    %le3A_385 = arith.constant 43 : i32
    %le3A_386 = arith.cmpi sle, %squeeze3A, %le3A_385 : i32
    %ge3A_387 = arith.constant 43 : i32
    %ge3A_388 = arith.cmpi sge, %squeeze3A_43, %ge3A_387 : i32
    %and3A_389 = arith.andi %le3A_386, %ge3A_388 : i1
    %convert_element_type3A_390 = arith.extui %and3A_389 : i1 to i32
    %cond3A_391 = arith.constant 0 : i32
    %cond3A_392 = arith.cmpi ne, %convert_element_type3A_390, %cond3A_391 : i32
    scf.if %cond3A_392 {
      %eq3A_558 = arith.constant 43 : i32
      %eq3A_559 = vector.broadcast %eq3A_558 : i32 to vector<1000x1xi32>
      %eq3A_560 = arith.cmpi eq, %get3A_41, %eq3A_559 : vector<1000x1xi32>
      %jit3A = arith.constant 0xFF800000 : f32
      %broadcast_in_dim3A = vector.shape_cast %eq3A_560 : vector<1000x1xi1> to vector<1000x1xi1>
      %broadcast_in_dim3A_561 = vector.broadcast %broadcast_in_dim3A : vector<1000x1xi1> to vector<1000x128xi1>
      %broadcast_in_dim3A_562 = vector.broadcast %jit3A : f32 to vector<1000x128xf32>
      %select_n3A_563 = arith.select %broadcast_in_dim3A_561, %select_n3A, %broadcast_in_dim3A_562 : vector<1000x128xi1>, vector<1000x128xf32>
      %reduce_max3A = arith.constant dense<0xFF800000> : vector<128xf32>
      %reduce_max3A_564 = vector.multi_reduction <maximumf>, %select_n3A_563, %reduce_max3A [0] : vector<1000x128xf32> to vector<128xf32>
      %broadcast_in_dim3A_565 = vector.shape_cast %reduce_max3A_564 : vector<128xf32> to vector<1x128xf32>
      %get3A_566 = arith.constant 43 : index
      %get3A_567 = arith.constant 0 : index
      %get3A_568 = vector.load %arg15[%get3A_566, %get3A_567] : memref<64x128xf32, #tpu.memory_space<vmem>>, vector<1x128xf32>
      %max3A_569 = arith.maximumf %get3A_568, %broadcast_in_dim3A_565 : vector<1x128xf32>
      %swap3A = arith.constant 43 : index
      %swap3A_570 = arith.constant 0 : index
      %swap3A_571 = vector.load %arg15[%swap3A, %swap3A_570] : memref<64x128xf32, #tpu.memory_space<vmem>>, vector<1x128xf32>
      tpu.vector_store %arg15[%swap3A, %swap3A_570], %max3A_569 {strides = array<i32>} : memref<64x128xf32, #tpu.memory_space<vmem>>, vector<1x128xf32>,
    } else {
    }
    %le3A_393 = arith.constant 44 : i32
    %le3A_394 = arith.cmpi sle, %squeeze3A, %le3A_393 : i32
    %ge3A_395 = arith.constant 44 : i32
    %ge3A_396 = arith.cmpi sge, %squeeze3A_43, %ge3A_395 : i32
    %and3A_397 = arith.andi %le3A_394, %ge3A_396 : i1
    %convert_element_type3A_398 = arith.extui %and3A_397 : i1 to i32
    %cond3A_399 = arith.constant 0 : i32
    %cond3A_400 = arith.cmpi ne, %convert_element_type3A_398, %cond3A_399 : i32
    scf.if %cond3A_400 {
      %eq3A_558 = arith.constant 44 : i32
      %eq3A_559 = vector.broadcast %eq3A_558 : i32 to vector<1000x1xi32>
      %eq3A_560 = arith.cmpi eq, %get3A_41, %eq3A_559 : vector<1000x1xi32>
      %jit3A = arith.constant 0xFF800000 : f32
      %broadcast_in_dim3A = vector.shape_cast %eq3A_560 : vector<1000x1xi1> to vector<1000x1xi1>
      %broadcast_in_dim3A_561 = vector.broadcast %broadcast_in_dim3A : vector<1000x1xi1> to vector<1000x128xi1>
      %broadcast_in_dim3A_562 = vector.broadcast %jit3A : f32 to vector<1000x128xf32>
      %select_n3A_563 = arith.select %broadcast_in_dim3A_561, %select_n3A, %broadcast_in_dim3A_562 : vector<1000x128xi1>, vector<1000x128xf32>
      %reduce_max3A = arith.constant dense<0xFF800000> : vector<128xf32>
      %reduce_max3A_564 = vector.multi_reduction <maximumf>, %select_n3A_563, %reduce_max3A [0] : vector<1000x128xf32> to vector<128xf32>
      %broadcast_in_dim3A_565 = vector.shape_cast %reduce_max3A_564 : vector<128xf32> to vector<1x128xf32>
      %get3A_566 = arith.constant 44 : index
      %get3A_567 = arith.constant 0 : index
      %get3A_568 = vector.load %arg15[%get3A_566, %get3A_567] : memref<64x128xf32, #tpu.memory_space<vmem>>, vector<1x128xf32>
      %max3A_569 = arith.maximumf %get3A_568, %broadcast_in_dim3A_565 : vector<1x128xf32>
      %swap3A = arith.constant 44 : index
      %swap3A_570 = arith.constant 0 : index
      %swap3A_571 = vector.load %arg15[%swap3A, %swap3A_570] : memref<64x128xf32, #tpu.memory_space<vmem>>, vector<1x128xf32>
      tpu.vector_store %arg15[%swap3A, %swap3A_570], %max3A_569 {strides = array<i32>} : memref<64x128xf32, #tpu.memory_space<vmem>>, vector<1x128xf32>,
    } else {
    }
    %le3A_401 = arith.constant 45 : i32
    %le3A_402 = arith.cmpi sle, %squeeze3A, %le3A_401 : i32
    %ge3A_403 = arith.constant 45 : i32
    %ge3A_404 = arith.cmpi sge, %squeeze3A_43, %ge3A_403 : i32
    %and3A_405 = arith.andi %le3A_402, %ge3A_404 : i1
    %convert_element_type3A_406 = arith.extui %and3A_405 : i1 to i32
    %cond3A_407 = arith.constant 0 : i32
    %cond3A_408 = arith.cmpi ne, %convert_element_type3A_406, %cond3A_407 : i32
    scf.if %cond3A_408 {
      %eq3A_558 = arith.constant 45 : i32
      %eq3A_559 = vector.broadcast %eq3A_558 : i32 to vector<1000x1xi32>
      %eq3A_560 = arith.cmpi eq, %get3A_41, %eq3A_559 : vector<1000x1xi32>
      %jit3A = arith.constant 0xFF800000 : f32
      %broadcast_in_dim3A = vector.shape_cast %eq3A_560 : vector<1000x1xi1> to vector<1000x1xi1>
      %broadcast_in_dim3A_561 = vector.broadcast %broadcast_in_dim3A : vector<1000x1xi1> to vector<1000x128xi1>
      %broadcast_in_dim3A_562 = vector.broadcast %jit3A : f32 to vector<1000x128xf32>
      %select_n3A_563 = arith.select %broadcast_in_dim3A_561, %select_n3A, %broadcast_in_dim3A_562 : vector<1000x128xi1>, vector<1000x128xf32>
      %reduce_max3A = arith.constant dense<0xFF800000> : vector<128xf32>
      %reduce_max3A_564 = vector.multi_reduction <maximumf>, %select_n3A_563, %reduce_max3A [0] : vector<1000x128xf32> to vector<128xf32>
      %broadcast_in_dim3A_565 = vector.shape_cast %reduce_max3A_564 : vector<128xf32> to vector<1x128xf32>
      %get3A_566 = arith.constant 45 : index
      %get3A_567 = arith.constant 0 : index
      %get3A_568 = vector.load %arg15[%get3A_566, %get3A_567] : memref<64x128xf32, #tpu.memory_space<vmem>>, vector<1x128xf32>
      %max3A_569 = arith.maximumf %get3A_568, %broadcast_in_dim3A_565 : vector<1x128xf32>
      %swap3A = arith.constant 45 : index
      %swap3A_570 = arith.constant 0 : index
      %swap3A_571 = vector.load %arg15[%swap3A, %swap3A_570] : memref<64x128xf32, #tpu.memory_space<vmem>>, vector<1x128xf32>
      tpu.vector_store %arg15[%swap3A, %swap3A_570], %max3A_569 {strides = array<i32>} : memref<64x128xf32, #tpu.memory_space<vmem>>, vector<1x128xf32>,
    } else {
    }
    %le3A_409 = arith.constant 46 : i32
    %le3A_410 = arith.cmpi sle, %squeeze3A, %le3A_409 : i32
    %ge3A_411 = arith.constant 46 : i32
    %ge3A_412 = arith.cmpi sge, %squeeze3A_43, %ge3A_411 : i32
    %and3A_413 = arith.andi %le3A_410, %ge3A_412 : i1
    %convert_element_type3A_414 = arith.extui %and3A_413 : i1 to i32
    %cond3A_415 = arith.constant 0 : i32
    %cond3A_416 = arith.cmpi ne, %convert_element_type3A_414, %cond3A_415 : i32
    scf.if %cond3A_416 {
      %eq3A_558 = arith.constant 46 : i32
      %eq3A_559 = vector.broadcast %eq3A_558 : i32 to vector<1000x1xi32>
      %eq3A_560 = arith.cmpi eq, %get3A_41, %eq3A_559 : vector<1000x1xi32>
      %jit3A = arith.constant 0xFF800000 : f32
      %broadcast_in_dim3A = vector.shape_cast %eq3A_560 : vector<1000x1xi1> to vector<1000x1xi1>
      %broadcast_in_dim3A_561 = vector.broadcast %broadcast_in_dim3A : vector<1000x1xi1> to vector<1000x128xi1>
      %broadcast_in_dim3A_562 = vector.broadcast %jit3A : f32 to vector<1000x128xf32>
      %select_n3A_563 = arith.select %broadcast_in_dim3A_561, %select_n3A, %broadcast_in_dim3A_562 : vector<1000x128xi1>, vector<1000x128xf32>
      %reduce_max3A = arith.constant dense<0xFF800000> : vector<128xf32>
      %reduce_max3A_564 = vector.multi_reduction <maximumf>, %select_n3A_563, %reduce_max3A [0] : vector<1000x128xf32> to vector<128xf32>
      %broadcast_in_dim3A_565 = vector.shape_cast %reduce_max3A_564 : vector<128xf32> to vector<1x128xf32>
      %get3A_566 = arith.constant 46 : index
      %get3A_567 = arith.constant 0 : index
      %get3A_568 = vector.load %arg15[%get3A_566, %get3A_567] : memref<64x128xf32, #tpu.memory_space<vmem>>, vector<1x128xf32>
      %max3A_569 = arith.maximumf %get3A_568, %broadcast_in_dim3A_565 : vector<1x128xf32>
      %swap3A = arith.constant 46 : index
      %swap3A_570 = arith.constant 0 : index
      %swap3A_571 = vector.load %arg15[%swap3A, %swap3A_570] : memref<64x128xf32, #tpu.memory_space<vmem>>, vector<1x128xf32>
      tpu.vector_store %arg15[%swap3A, %swap3A_570], %max3A_569 {strides = array<i32>} : memref<64x128xf32, #tpu.memory_space<vmem>>, vector<1x128xf32>,
    } else {
    }
    %le3A_417 = arith.constant 47 : i32
    %le3A_418 = arith.cmpi sle, %squeeze3A, %le3A_417 : i32
    %ge3A_419 = arith.constant 47 : i32
    %ge3A_420 = arith.cmpi sge, %squeeze3A_43, %ge3A_419 : i32
    %and3A_421 = arith.andi %le3A_418, %ge3A_420 : i1
    %convert_element_type3A_422 = arith.extui %and3A_421 : i1 to i32
    %cond3A_423 = arith.constant 0 : i32
    %cond3A_424 = arith.cmpi ne, %convert_element_type3A_422, %cond3A_423 : i32
    scf.if %cond3A_424 {
      %eq3A_558 = arith.constant 47 : i32
      %eq3A_559 = vector.broadcast %eq3A_558 : i32 to vector<1000x1xi32>
      %eq3A_560 = arith.cmpi eq, %get3A_41, %eq3A_559 : vector<1000x1xi32>
      %jit3A = arith.constant 0xFF800000 : f32
      %broadcast_in_dim3A = vector.shape_cast %eq3A_560 : vector<1000x1xi1> to vector<1000x1xi1>
      %broadcast_in_dim3A_561 = vector.broadcast %broadcast_in_dim3A : vector<1000x1xi1> to vector<1000x128xi1>
      %broadcast_in_dim3A_562 = vector.broadcast %jit3A : f32 to vector<1000x128xf32>
      %select_n3A_563 = arith.select %broadcast_in_dim3A_561, %select_n3A, %broadcast_in_dim3A_562 : vector<1000x128xi1>, vector<1000x128xf32>
      %reduce_max3A = arith.constant dense<0xFF800000> : vector<128xf32>
      %reduce_max3A_564 = vector.multi_reduction <maximumf>, %select_n3A_563, %reduce_max3A [0] : vector<1000x128xf32> to vector<128xf32>
      %broadcast_in_dim3A_565 = vector.shape_cast %reduce_max3A_564 : vector<128xf32> to vector<1x128xf32>
      %get3A_566 = arith.constant 47 : index
      %get3A_567 = arith.constant 0 : index
      %get3A_568 = vector.load %arg15[%get3A_566, %get3A_567] : memref<64x128xf32, #tpu.memory_space<vmem>>, vector<1x128xf32>
      %max3A_569 = arith.maximumf %get3A_568, %broadcast_in_dim3A_565 : vector<1x128xf32>
      %swap3A = arith.constant 47 : index
      %swap3A_570 = arith.constant 0 : index
      %swap3A_571 = vector.load %arg15[%swap3A, %swap3A_570] : memref<64x128xf32, #tpu.memory_space<vmem>>, vector<1x128xf32>
      tpu.vector_store %arg15[%swap3A, %swap3A_570], %max3A_569 {strides = array<i32>} : memref<64x128xf32, #tpu.memory_space<vmem>>, vector<1x128xf32>,
    } else {
    }
    %le3A_425 = arith.constant 48 : i32
    %le3A_426 = arith.cmpi sle, %squeeze3A, %le3A_425 : i32
    %ge3A_427 = arith.constant 48 : i32
    %ge3A_428 = arith.cmpi sge, %squeeze3A_43, %ge3A_427 : i32
    %and3A_429 = arith.andi %le3A_426, %ge3A_428 : i1
    %convert_element_type3A_430 = arith.extui %and3A_429 : i1 to i32
    %cond3A_431 = arith.constant 0 : i32
    %cond3A_432 = arith.cmpi ne, %convert_element_type3A_430, %cond3A_431 : i32
    scf.if %cond3A_432 {
      %eq3A_558 = arith.constant 48 : i32
      %eq3A_559 = vector.broadcast %eq3A_558 : i32 to vector<1000x1xi32>
      %eq3A_560 = arith.cmpi eq, %get3A_41, %eq3A_559 : vector<1000x1xi32>
      %jit3A = arith.constant 0xFF800000 : f32
      %broadcast_in_dim3A = vector.shape_cast %eq3A_560 : vector<1000x1xi1> to vector<1000x1xi1>
      %broadcast_in_dim3A_561 = vector.broadcast %broadcast_in_dim3A : vector<1000x1xi1> to vector<1000x128xi1>
      %broadcast_in_dim3A_562 = vector.broadcast %jit3A : f32 to vector<1000x128xf32>
      %select_n3A_563 = arith.select %broadcast_in_dim3A_561, %select_n3A, %broadcast_in_dim3A_562 : vector<1000x128xi1>, vector<1000x128xf32>
      %reduce_max3A = arith.constant dense<0xFF800000> : vector<128xf32>
      %reduce_max3A_564 = vector.multi_reduction <maximumf>, %select_n3A_563, %reduce_max3A [0] : vector<1000x128xf32> to vector<128xf32>
      %broadcast_in_dim3A_565 = vector.shape_cast %reduce_max3A_564 : vector<128xf32> to vector<1x128xf32>
      %get3A_566 = arith.constant 48 : index
      %get3A_567 = arith.constant 0 : index
      %get3A_568 = vector.load %arg15[%get3A_566, %get3A_567] : memref<64x128xf32, #tpu.memory_space<vmem>>, vector<1x128xf32>
      %max3A_569 = arith.maximumf %get3A_568, %broadcast_in_dim3A_565 : vector<1x128xf32>
      %swap3A = arith.constant 48 : index
      %swap3A_570 = arith.constant 0 : index
      %swap3A_571 = vector.load %arg15[%swap3A, %swap3A_570] : memref<64x128xf32, #tpu.memory_space<vmem>>, vector<1x128xf32>
      tpu.vector_store %arg15[%swap3A, %swap3A_570], %max3A_569 {strides = array<i32>} : memref<64x128xf32, #tpu.memory_space<vmem>>, vector<1x128xf32>,
    } else {
    }
    %le3A_433 = arith.constant 49 : i32
    %le3A_434 = arith.cmpi sle, %squeeze3A, %le3A_433 : i32
    %ge3A_435 = arith.constant 49 : i32
    %ge3A_436 = arith.cmpi sge, %squeeze3A_43, %ge3A_435 : i32
    %and3A_437 = arith.andi %le3A_434, %ge3A_436 : i1
    %convert_element_type3A_438 = arith.extui %and3A_437 : i1 to i32
    %cond3A_439 = arith.constant 0 : i32
    %cond3A_440 = arith.cmpi ne, %convert_element_type3A_438, %cond3A_439 : i32
    scf.if %cond3A_440 {
      %eq3A_558 = arith.constant 49 : i32
      %eq3A_559 = vector.broadcast %eq3A_558 : i32 to vector<1000x1xi32>
      %eq3A_560 = arith.cmpi eq, %get3A_41, %eq3A_559 : vector<1000x1xi32>
      %jit3A = arith.constant 0xFF800000 : f32
      %broadcast_in_dim3A = vector.shape_cast %eq3A_560 : vector<1000x1xi1> to vector<1000x1xi1>
      %broadcast_in_dim3A_561 = vector.broadcast %broadcast_in_dim3A : vector<1000x1xi1> to vector<1000x128xi1>
      %broadcast_in_dim3A_562 = vector.broadcast %jit3A : f32 to vector<1000x128xf32>
      %select_n3A_563 = arith.select %broadcast_in_dim3A_561, %select_n3A, %broadcast_in_dim3A_562 : vector<1000x128xi1>, vector<1000x128xf32>
      %reduce_max3A = arith.constant dense<0xFF800000> : vector<128xf32>
      %reduce_max3A_564 = vector.multi_reduction <maximumf>, %select_n3A_563, %reduce_max3A [0] : vector<1000x128xf32> to vector<128xf32>
      %broadcast_in_dim3A_565 = vector.shape_cast %reduce_max3A_564 : vector<128xf32> to vector<1x128xf32>
      %get3A_566 = arith.constant 49 : index
      %get3A_567 = arith.constant 0 : index
      %get3A_568 = vector.load %arg15[%get3A_566, %get3A_567] : memref<64x128xf32, #tpu.memory_space<vmem>>, vector<1x128xf32>
      %max3A_569 = arith.maximumf %get3A_568, %broadcast_in_dim3A_565 : vector<1x128xf32>
      %swap3A = arith.constant 49 : index
      %swap3A_570 = arith.constant 0 : index
      %swap3A_571 = vector.load %arg15[%swap3A, %swap3A_570] : memref<64x128xf32, #tpu.memory_space<vmem>>, vector<1x128xf32>
      tpu.vector_store %arg15[%swap3A, %swap3A_570], %max3A_569 {strides = array<i32>} : memref<64x128xf32, #tpu.memory_space<vmem>>, vector<1x128xf32>,
    } else {
    }
    %le3A_441 = arith.constant 50 : i32
    %le3A_442 = arith.cmpi sle, %squeeze3A, %le3A_441 : i32
    %ge3A_443 = arith.constant 50 : i32
    %ge3A_444 = arith.cmpi sge, %squeeze3A_43, %ge3A_443 : i32
    %and3A_445 = arith.andi %le3A_442, %ge3A_444 : i1
    %convert_element_type3A_446 = arith.extui %and3A_445 : i1 to i32
    %cond3A_447 = arith.constant 0 : i32
    %cond3A_448 = arith.cmpi ne, %convert_element_type3A_446, %cond3A_447 : i32
    scf.if %cond3A_448 {
      %eq3A_558 = arith.constant 50 : i32
      %eq3A_559 = vector.broadcast %eq3A_558 : i32 to vector<1000x1xi32>
      %eq3A_560 = arith.cmpi eq, %get3A_41, %eq3A_559 : vector<1000x1xi32>
      %jit3A = arith.constant 0xFF800000 : f32
      %broadcast_in_dim3A = vector.shape_cast %eq3A_560 : vector<1000x1xi1> to vector<1000x1xi1>
      %broadcast_in_dim3A_561 = vector.broadcast %broadcast_in_dim3A : vector<1000x1xi1> to vector<1000x128xi1>
      %broadcast_in_dim3A_562 = vector.broadcast %jit3A : f32 to vector<1000x128xf32>
      %select_n3A_563 = arith.select %broadcast_in_dim3A_561, %select_n3A, %broadcast_in_dim3A_562 : vector<1000x128xi1>, vector<1000x128xf32>
      %reduce_max3A = arith.constant dense<0xFF800000> : vector<128xf32>
      %reduce_max3A_564 = vector.multi_reduction <maximumf>, %select_n3A_563, %reduce_max3A [0] : vector<1000x128xf32> to vector<128xf32>
      %broadcast_in_dim3A_565 = vector.shape_cast %reduce_max3A_564 : vector<128xf32> to vector<1x128xf32>
      %get3A_566 = arith.constant 50 : index
      %get3A_567 = arith.constant 0 : index
      %get3A_568 = vector.load %arg15[%get3A_566, %get3A_567] : memref<64x128xf32, #tpu.memory_space<vmem>>, vector<1x128xf32>
      %max3A_569 = arith.maximumf %get3A_568, %broadcast_in_dim3A_565 : vector<1x128xf32>
      %swap3A = arith.constant 50 : index
      %swap3A_570 = arith.constant 0 : index
      %swap3A_571 = vector.load %arg15[%swap3A, %swap3A_570] : memref<64x128xf32, #tpu.memory_space<vmem>>, vector<1x128xf32>
      tpu.vector_store %arg15[%swap3A, %swap3A_570], %max3A_569 {strides = array<i32>} : memref<64x128xf32, #tpu.memory_space<vmem>>, vector<1x128xf32>,
    } else {
    }
    %le3A_449 = arith.constant 51 : i32
    %le3A_450 = arith.cmpi sle, %squeeze3A, %le3A_449 : i32
    %ge3A_451 = arith.constant 51 : i32
    %ge3A_452 = arith.cmpi sge, %squeeze3A_43, %ge3A_451 : i32
    %and3A_453 = arith.andi %le3A_450, %ge3A_452 : i1
    %convert_element_type3A_454 = arith.extui %and3A_453 : i1 to i32
    %cond3A_455 = arith.constant 0 : i32
    %cond3A_456 = arith.cmpi ne, %convert_element_type3A_454, %cond3A_455 : i32
    scf.if %cond3A_456 {
      %eq3A_558 = arith.constant 51 : i32
      %eq3A_559 = vector.broadcast %eq3A_558 : i32 to vector<1000x1xi32>
      %eq3A_560 = arith.cmpi eq, %get3A_41, %eq3A_559 : vector<1000x1xi32>
      %jit3A = arith.constant 0xFF800000 : f32
      %broadcast_in_dim3A = vector.shape_cast %eq3A_560 : vector<1000x1xi1> to vector<1000x1xi1>
      %broadcast_in_dim3A_561 = vector.broadcast %broadcast_in_dim3A : vector<1000x1xi1> to vector<1000x128xi1>
      %broadcast_in_dim3A_562 = vector.broadcast %jit3A : f32 to vector<1000x128xf32>
      %select_n3A_563 = arith.select %broadcast_in_dim3A_561, %select_n3A, %broadcast_in_dim3A_562 : vector<1000x128xi1>, vector<1000x128xf32>
      %reduce_max3A = arith.constant dense<0xFF800000> : vector<128xf32>
      %reduce_max3A_564 = vector.multi_reduction <maximumf>, %select_n3A_563, %reduce_max3A [0] : vector<1000x128xf32> to vector<128xf32>
      %broadcast_in_dim3A_565 = vector.shape_cast %reduce_max3A_564 : vector<128xf32> to vector<1x128xf32>
      %get3A_566 = arith.constant 51 : index
      %get3A_567 = arith.constant 0 : index
      %get3A_568 = vector.load %arg15[%get3A_566, %get3A_567] : memref<64x128xf32, #tpu.memory_space<vmem>>, vector<1x128xf32>
      %max3A_569 = arith.maximumf %get3A_568, %broadcast_in_dim3A_565 : vector<1x128xf32>
      %swap3A = arith.constant 51 : index
      %swap3A_570 = arith.constant 0 : index
      %swap3A_571 = vector.load %arg15[%swap3A, %swap3A_570] : memref<64x128xf32, #tpu.memory_space<vmem>>, vector<1x128xf32>
      tpu.vector_store %arg15[%swap3A, %swap3A_570], %max3A_569 {strides = array<i32>} : memref<64x128xf32, #tpu.memory_space<vmem>>, vector<1x128xf32>,
    } else {
    }
    %le3A_457 = arith.constant 52 : i32
    %le3A_458 = arith.cmpi sle, %squeeze3A, %le3A_457 : i32
    %ge3A_459 = arith.constant 52 : i32
    %ge3A_460 = arith.cmpi sge, %squeeze3A_43, %ge3A_459 : i32
    %and3A_461 = arith.andi %le3A_458, %ge3A_460 : i1
    %convert_element_type3A_462 = arith.extui %and3A_461 : i1 to i32
    %cond3A_463 = arith.constant 0 : i32
    %cond3A_464 = arith.cmpi ne, %convert_element_type3A_462, %cond3A_463 : i32
    scf.if %cond3A_464 {
      %eq3A_558 = arith.constant 52 : i32
      %eq3A_559 = vector.broadcast %eq3A_558 : i32 to vector<1000x1xi32>
      %eq3A_560 = arith.cmpi eq, %get3A_41, %eq3A_559 : vector<1000x1xi32>
      %jit3A = arith.constant 0xFF800000 : f32
      %broadcast_in_dim3A = vector.shape_cast %eq3A_560 : vector<1000x1xi1> to vector<1000x1xi1>
      %broadcast_in_dim3A_561 = vector.broadcast %broadcast_in_dim3A : vector<1000x1xi1> to vector<1000x128xi1>
      %broadcast_in_dim3A_562 = vector.broadcast %jit3A : f32 to vector<1000x128xf32>
      %select_n3A_563 = arith.select %broadcast_in_dim3A_561, %select_n3A, %broadcast_in_dim3A_562 : vector<1000x128xi1>, vector<1000x128xf32>
      %reduce_max3A = arith.constant dense<0xFF800000> : vector<128xf32>
      %reduce_max3A_564 = vector.multi_reduction <maximumf>, %select_n3A_563, %reduce_max3A [0] : vector<1000x128xf32> to vector<128xf32>
      %broadcast_in_dim3A_565 = vector.shape_cast %reduce_max3A_564 : vector<128xf32> to vector<1x128xf32>
      %get3A_566 = arith.constant 52 : index
      %get3A_567 = arith.constant 0 : index
      %get3A_568 = vector.load %arg15[%get3A_566, %get3A_567] : memref<64x128xf32, #tpu.memory_space<vmem>>, vector<1x128xf32>
      %max3A_569 = arith.maximumf %get3A_568, %broadcast_in_dim3A_565 : vector<1x128xf32>
      %swap3A = arith.constant 52 : index
      %swap3A_570 = arith.constant 0 : index
      %swap3A_571 = vector.load %arg15[%swap3A, %swap3A_570] : memref<64x128xf32, #tpu.memory_space<vmem>>, vector<1x128xf32>
      tpu.vector_store %arg15[%swap3A, %swap3A_570], %max3A_569 {strides = array<i32>} : memref<64x128xf32, #tpu.memory_space<vmem>>, vector<1x128xf32>,
    } else {
    }
    %le3A_465 = arith.constant 53 : i32
    %le3A_466 = arith.cmpi sle, %squeeze3A, %le3A_465 : i32
    %ge3A_467 = arith.constant 53 : i32
    %ge3A_468 = arith.cmpi sge, %squeeze3A_43, %ge3A_467 : i32
    %and3A_469 = arith.andi %le3A_466, %ge3A_468 : i1
    %convert_element_type3A_470 = arith.extui %and3A_469 : i1 to i32
    %cond3A_471 = arith.constant 0 : i32
    %cond3A_472 = arith.cmpi ne, %convert_element_type3A_470, %cond3A_471 : i32
    scf.if %cond3A_472 {
      %eq3A_558 = arith.constant 53 : i32
      %eq3A_559 = vector.broadcast %eq3A_558 : i32 to vector<1000x1xi32>
      %eq3A_560 = arith.cmpi eq, %get3A_41, %eq3A_559 : vector<1000x1xi32>
      %jit3A = arith.constant 0xFF800000 : f32
      %broadcast_in_dim3A = vector.shape_cast %eq3A_560 : vector<1000x1xi1> to vector<1000x1xi1>
      %broadcast_in_dim3A_561 = vector.broadcast %broadcast_in_dim3A : vector<1000x1xi1> to vector<1000x128xi1>
      %broadcast_in_dim3A_562 = vector.broadcast %jit3A : f32 to vector<1000x128xf32>
      %select_n3A_563 = arith.select %broadcast_in_dim3A_561, %select_n3A, %broadcast_in_dim3A_562 : vector<1000x128xi1>, vector<1000x128xf32>
      %reduce_max3A = arith.constant dense<0xFF800000> : vector<128xf32>
      %reduce_max3A_564 = vector.multi_reduction <maximumf>, %select_n3A_563, %reduce_max3A [0] : vector<1000x128xf32> to vector<128xf32>
      %broadcast_in_dim3A_565 = vector.shape_cast %reduce_max3A_564 : vector<128xf32> to vector<1x128xf32>
      %get3A_566 = arith.constant 53 : index
      %get3A_567 = arith.constant 0 : index
      %get3A_568 = vector.load %arg15[%get3A_566, %get3A_567] : memref<64x128xf32, #tpu.memory_space<vmem>>, vector<1x128xf32>
      %max3A_569 = arith.maximumf %get3A_568, %broadcast_in_dim3A_565 : vector<1x128xf32>
      %swap3A = arith.constant 53 : index
      %swap3A_570 = arith.constant 0 : index
      %swap3A_571 = vector.load %arg15[%swap3A, %swap3A_570] : memref<64x128xf32, #tpu.memory_space<vmem>>, vector<1x128xf32>
      tpu.vector_store %arg15[%swap3A, %swap3A_570], %max3A_569 {strides = array<i32>} : memref<64x128xf32, #tpu.memory_space<vmem>>, vector<1x128xf32>,
    } else {
    }
    %le3A_473 = arith.constant 54 : i32
    %le3A_474 = arith.cmpi sle, %squeeze3A, %le3A_473 : i32
    %ge3A_475 = arith.constant 54 : i32
    %ge3A_476 = arith.cmpi sge, %squeeze3A_43, %ge3A_475 : i32
    %and3A_477 = arith.andi %le3A_474, %ge3A_476 : i1
    %convert_element_type3A_478 = arith.extui %and3A_477 : i1 to i32
    %cond3A_479 = arith.constant 0 : i32
    %cond3A_480 = arith.cmpi ne, %convert_element_type3A_478, %cond3A_479 : i32
    scf.if %cond3A_480 {
      %eq3A_558 = arith.constant 54 : i32
      %eq3A_559 = vector.broadcast %eq3A_558 : i32 to vector<1000x1xi32>
      %eq3A_560 = arith.cmpi eq, %get3A_41, %eq3A_559 : vector<1000x1xi32>
      %jit3A = arith.constant 0xFF800000 : f32
      %broadcast_in_dim3A = vector.shape_cast %eq3A_560 : vector<1000x1xi1> to vector<1000x1xi1>
      %broadcast_in_dim3A_561 = vector.broadcast %broadcast_in_dim3A : vector<1000x1xi1> to vector<1000x128xi1>
      %broadcast_in_dim3A_562 = vector.broadcast %jit3A : f32 to vector<1000x128xf32>
      %select_n3A_563 = arith.select %broadcast_in_dim3A_561, %select_n3A, %broadcast_in_dim3A_562 : vector<1000x128xi1>, vector<1000x128xf32>
      %reduce_max3A = arith.constant dense<0xFF800000> : vector<128xf32>
      %reduce_max3A_564 = vector.multi_reduction <maximumf>, %select_n3A_563, %reduce_max3A [0] : vector<1000x128xf32> to vector<128xf32>
      %broadcast_in_dim3A_565 = vector.shape_cast %reduce_max3A_564 : vector<128xf32> to vector<1x128xf32>
      %get3A_566 = arith.constant 54 : index
      %get3A_567 = arith.constant 0 : index
      %get3A_568 = vector.load %arg15[%get3A_566, %get3A_567] : memref<64x128xf32, #tpu.memory_space<vmem>>, vector<1x128xf32>
      %max3A_569 = arith.maximumf %get3A_568, %broadcast_in_dim3A_565 : vector<1x128xf32>
      %swap3A = arith.constant 54 : index
      %swap3A_570 = arith.constant 0 : index
      %swap3A_571 = vector.load %arg15[%swap3A, %swap3A_570] : memref<64x128xf32, #tpu.memory_space<vmem>>, vector<1x128xf32>
      tpu.vector_store %arg15[%swap3A, %swap3A_570], %max3A_569 {strides = array<i32>} : memref<64x128xf32, #tpu.memory_space<vmem>>, vector<1x128xf32>,
    } else {
    }
    %le3A_481 = arith.constant 55 : i32
    %le3A_482 = arith.cmpi sle, %squeeze3A, %le3A_481 : i32
    %ge3A_483 = arith.constant 55 : i32
    %ge3A_484 = arith.cmpi sge, %squeeze3A_43, %ge3A_483 : i32
    %and3A_485 = arith.andi %le3A_482, %ge3A_484 : i1
    %convert_element_type3A_486 = arith.extui %and3A_485 : i1 to i32
    %cond3A_487 = arith.constant 0 : i32
    %cond3A_488 = arith.cmpi ne, %convert_element_type3A_486, %cond3A_487 : i32
    scf.if %cond3A_488 {
      %eq3A_558 = arith.constant 55 : i32
      %eq3A_559 = vector.broadcast %eq3A_558 : i32 to vector<1000x1xi32>
      %eq3A_560 = arith.cmpi eq, %get3A_41, %eq3A_559 : vector<1000x1xi32>
      %jit3A = arith.constant 0xFF800000 : f32
      %broadcast_in_dim3A = vector.shape_cast %eq3A_560 : vector<1000x1xi1> to vector<1000x1xi1>
      %broadcast_in_dim3A_561 = vector.broadcast %broadcast_in_dim3A : vector<1000x1xi1> to vector<1000x128xi1>
      %broadcast_in_dim3A_562 = vector.broadcast %jit3A : f32 to vector<1000x128xf32>
      %select_n3A_563 = arith.select %broadcast_in_dim3A_561, %select_n3A, %broadcast_in_dim3A_562 : vector<1000x128xi1>, vector<1000x128xf32>
      %reduce_max3A = arith.constant dense<0xFF800000> : vector<128xf32>
      %reduce_max3A_564 = vector.multi_reduction <maximumf>, %select_n3A_563, %reduce_max3A [0] : vector<1000x128xf32> to vector<128xf32>
      %broadcast_in_dim3A_565 = vector.shape_cast %reduce_max3A_564 : vector<128xf32> to vector<1x128xf32>
      %get3A_566 = arith.constant 55 : index
      %get3A_567 = arith.constant 0 : index
      %get3A_568 = vector.load %arg15[%get3A_566, %get3A_567] : memref<64x128xf32, #tpu.memory_space<vmem>>, vector<1x128xf32>
      %max3A_569 = arith.maximumf %get3A_568, %broadcast_in_dim3A_565 : vector<1x128xf32>
      %swap3A = arith.constant 55 : index
      %swap3A_570 = arith.constant 0 : index
      %swap3A_571 = vector.load %arg15[%swap3A, %swap3A_570] : memref<64x128xf32, #tpu.memory_space<vmem>>, vector<1x128xf32>
      tpu.vector_store %arg15[%swap3A, %swap3A_570], %max3A_569 {strides = array<i32>} : memref<64x128xf32, #tpu.memory_space<vmem>>, vector<1x128xf32>,
    } else {
    }
    %le3A_489 = arith.constant 56 : i32
    %le3A_490 = arith.cmpi sle, %squeeze3A, %le3A_489 : i32
    %ge3A_491 = arith.constant 56 : i32
    %ge3A_492 = arith.cmpi sge, %squeeze3A_43, %ge3A_491 : i32
    %and3A_493 = arith.andi %le3A_490, %ge3A_492 : i1
    %convert_element_type3A_494 = arith.extui %and3A_493 : i1 to i32
    %cond3A_495 = arith.constant 0 : i32
    %cond3A_496 = arith.cmpi ne, %convert_element_type3A_494, %cond3A_495 : i32
    scf.if %cond3A_496 {
      %eq3A_558 = arith.constant 56 : i32
      %eq3A_559 = vector.broadcast %eq3A_558 : i32 to vector<1000x1xi32>
      %eq3A_560 = arith.cmpi eq, %get3A_41, %eq3A_559 : vector<1000x1xi32>
      %jit3A = arith.constant 0xFF800000 : f32
      %broadcast_in_dim3A = vector.shape_cast %eq3A_560 : vector<1000x1xi1> to vector<1000x1xi1>
      %broadcast_in_dim3A_561 = vector.broadcast %broadcast_in_dim3A : vector<1000x1xi1> to vector<1000x128xi1>
      %broadcast_in_dim3A_562 = vector.broadcast %jit3A : f32 to vector<1000x128xf32>
      %select_n3A_563 = arith.select %broadcast_in_dim3A_561, %select_n3A, %broadcast_in_dim3A_562 : vector<1000x128xi1>, vector<1000x128xf32>
      %reduce_max3A = arith.constant dense<0xFF800000> : vector<128xf32>
      %reduce_max3A_564 = vector.multi_reduction <maximumf>, %select_n3A_563, %reduce_max3A [0] : vector<1000x128xf32> to vector<128xf32>
      %broadcast_in_dim3A_565 = vector.shape_cast %reduce_max3A_564 : vector<128xf32> to vector<1x128xf32>
      %get3A_566 = arith.constant 56 : index
      %get3A_567 = arith.constant 0 : index
      %get3A_568 = vector.load %arg15[%get3A_566, %get3A_567] : memref<64x128xf32, #tpu.memory_space<vmem>>, vector<1x128xf32>
      %max3A_569 = arith.maximumf %get3A_568, %broadcast_in_dim3A_565 : vector<1x128xf32>
      %swap3A = arith.constant 56 : index
      %swap3A_570 = arith.constant 0 : index
      %swap3A_571 = vector.load %arg15[%swap3A, %swap3A_570] : memref<64x128xf32, #tpu.memory_space<vmem>>, vector<1x128xf32>
      tpu.vector_store %arg15[%swap3A, %swap3A_570], %max3A_569 {strides = array<i32>} : memref<64x128xf32, #tpu.memory_space<vmem>>, vector<1x128xf32>,
    } else {
    }
    %le3A_497 = arith.constant 57 : i32
    %le3A_498 = arith.cmpi sle, %squeeze3A, %le3A_497 : i32
    %ge3A_499 = arith.constant 57 : i32
    %ge3A_500 = arith.cmpi sge, %squeeze3A_43, %ge3A_499 : i32
    %and3A_501 = arith.andi %le3A_498, %ge3A_500 : i1
    %convert_element_type3A_502 = arith.extui %and3A_501 : i1 to i32
    %cond3A_503 = arith.constant 0 : i32
    %cond3A_504 = arith.cmpi ne, %convert_element_type3A_502, %cond3A_503 : i32
    scf.if %cond3A_504 {
      %eq3A_558 = arith.constant 57 : i32
      %eq3A_559 = vector.broadcast %eq3A_558 : i32 to vector<1000x1xi32>
      %eq3A_560 = arith.cmpi eq, %get3A_41, %eq3A_559 : vector<1000x1xi32>
      %jit3A = arith.constant 0xFF800000 : f32
      %broadcast_in_dim3A = vector.shape_cast %eq3A_560 : vector<1000x1xi1> to vector<1000x1xi1>
      %broadcast_in_dim3A_561 = vector.broadcast %broadcast_in_dim3A : vector<1000x1xi1> to vector<1000x128xi1>
      %broadcast_in_dim3A_562 = vector.broadcast %jit3A : f32 to vector<1000x128xf32>
      %select_n3A_563 = arith.select %broadcast_in_dim3A_561, %select_n3A, %broadcast_in_dim3A_562 : vector<1000x128xi1>, vector<1000x128xf32>
      %reduce_max3A = arith.constant dense<0xFF800000> : vector<128xf32>
      %reduce_max3A_564 = vector.multi_reduction <maximumf>, %select_n3A_563, %reduce_max3A [0] : vector<1000x128xf32> to vector<128xf32>
      %broadcast_in_dim3A_565 = vector.shape_cast %reduce_max3A_564 : vector<128xf32> to vector<1x128xf32>
      %get3A_566 = arith.constant 57 : index
      %get3A_567 = arith.constant 0 : index
      %get3A_568 = vector.load %arg15[%get3A_566, %get3A_567] : memref<64x128xf32, #tpu.memory_space<vmem>>, vector<1x128xf32>
      %max3A_569 = arith.maximumf %get3A_568, %broadcast_in_dim3A_565 : vector<1x128xf32>
      %swap3A = arith.constant 57 : index
      %swap3A_570 = arith.constant 0 : index
      %swap3A_571 = vector.load %arg15[%swap3A, %swap3A_570] : memref<64x128xf32, #tpu.memory_space<vmem>>, vector<1x128xf32>
      tpu.vector_store %arg15[%swap3A, %swap3A_570], %max3A_569 {strides = array<i32>} : memref<64x128xf32, #tpu.memory_space<vmem>>, vector<1x128xf32>,
    } else {
    }
    %le3A_505 = arith.constant 58 : i32
    %le3A_506 = arith.cmpi sle, %squeeze3A, %le3A_505 : i32
    %ge3A_507 = arith.constant 58 : i32
    %ge3A_508 = arith.cmpi sge, %squeeze3A_43, %ge3A_507 : i32
    %and3A_509 = arith.andi %le3A_506, %ge3A_508 : i1
    %convert_element_type3A_510 = arith.extui %and3A_509 : i1 to i32
    %cond3A_511 = arith.constant 0 : i32
    %cond3A_512 = arith.cmpi ne, %convert_element_type3A_510, %cond3A_511 : i32
    scf.if %cond3A_512 {
      %eq3A_558 = arith.constant 58 : i32
      %eq3A_559 = vector.broadcast %eq3A_558 : i32 to vector<1000x1xi32>
      %eq3A_560 = arith.cmpi eq, %get3A_41, %eq3A_559 : vector<1000x1xi32>
      %jit3A = arith.constant 0xFF800000 : f32
      %broadcast_in_dim3A = vector.shape_cast %eq3A_560 : vector<1000x1xi1> to vector<1000x1xi1>
      %broadcast_in_dim3A_561 = vector.broadcast %broadcast_in_dim3A : vector<1000x1xi1> to vector<1000x128xi1>
      %broadcast_in_dim3A_562 = vector.broadcast %jit3A : f32 to vector<1000x128xf32>
      %select_n3A_563 = arith.select %broadcast_in_dim3A_561, %select_n3A, %broadcast_in_dim3A_562 : vector<1000x128xi1>, vector<1000x128xf32>
      %reduce_max3A = arith.constant dense<0xFF800000> : vector<128xf32>
      %reduce_max3A_564 = vector.multi_reduction <maximumf>, %select_n3A_563, %reduce_max3A [0] : vector<1000x128xf32> to vector<128xf32>
      %broadcast_in_dim3A_565 = vector.shape_cast %reduce_max3A_564 : vector<128xf32> to vector<1x128xf32>
      %get3A_566 = arith.constant 58 : index
      %get3A_567 = arith.constant 0 : index
      %get3A_568 = vector.load %arg15[%get3A_566, %get3A_567] : memref<64x128xf32, #tpu.memory_space<vmem>>, vector<1x128xf32>
      %max3A_569 = arith.maximumf %get3A_568, %broadcast_in_dim3A_565 : vector<1x128xf32>
      %swap3A = arith.constant 58 : index
      %swap3A_570 = arith.constant 0 : index
      %swap3A_571 = vector.load %arg15[%swap3A, %swap3A_570] : memref<64x128xf32, #tpu.memory_space<vmem>>, vector<1x128xf32>
      tpu.vector_store %arg15[%swap3A, %swap3A_570], %max3A_569 {strides = array<i32>} : memref<64x128xf32, #tpu.memory_space<vmem>>, vector<1x128xf32>,
    } else {
    }
    %le3A_513 = arith.constant 59 : i32
    %le3A_514 = arith.cmpi sle, %squeeze3A, %le3A_513 : i32
    %ge3A_515 = arith.constant 59 : i32
    %ge3A_516 = arith.cmpi sge, %squeeze3A_43, %ge3A_515 : i32
    %and3A_517 = arith.andi %le3A_514, %ge3A_516 : i1
    %convert_element_type3A_518 = arith.extui %and3A_517 : i1 to i32
    %cond3A_519 = arith.constant 0 : i32
    %cond3A_520 = arith.cmpi ne, %convert_element_type3A_518, %cond3A_519 : i32
    scf.if %cond3A_520 {
      %eq3A_558 = arith.constant 59 : i32
      %eq3A_559 = vector.broadcast %eq3A_558 : i32 to vector<1000x1xi32>
      %eq3A_560 = arith.cmpi eq, %get3A_41, %eq3A_559 : vector<1000x1xi32>
      %jit3A = arith.constant 0xFF800000 : f32
      %broadcast_in_dim3A = vector.shape_cast %eq3A_560 : vector<1000x1xi1> to vector<1000x1xi1>
      %broadcast_in_dim3A_561 = vector.broadcast %broadcast_in_dim3A : vector<1000x1xi1> to vector<1000x128xi1>
      %broadcast_in_dim3A_562 = vector.broadcast %jit3A : f32 to vector<1000x128xf32>
      %select_n3A_563 = arith.select %broadcast_in_dim3A_561, %select_n3A, %broadcast_in_dim3A_562 : vector<1000x128xi1>, vector<1000x128xf32>
      %reduce_max3A = arith.constant dense<0xFF800000> : vector<128xf32>
      %reduce_max3A_564 = vector.multi_reduction <maximumf>, %select_n3A_563, %reduce_max3A [0] : vector<1000x128xf32> to vector<128xf32>
      %broadcast_in_dim3A_565 = vector.shape_cast %reduce_max3A_564 : vector<128xf32> to vector<1x128xf32>
      %get3A_566 = arith.constant 59 : index
      %get3A_567 = arith.constant 0 : index
      %get3A_568 = vector.load %arg15[%get3A_566, %get3A_567] : memref<64x128xf32, #tpu.memory_space<vmem>>, vector<1x128xf32>
      %max3A_569 = arith.maximumf %get3A_568, %broadcast_in_dim3A_565 : vector<1x128xf32>
      %swap3A = arith.constant 59 : index
      %swap3A_570 = arith.constant 0 : index
      %swap3A_571 = vector.load %arg15[%swap3A, %swap3A_570] : memref<64x128xf32, #tpu.memory_space<vmem>>, vector<1x128xf32>
      tpu.vector_store %arg15[%swap3A, %swap3A_570], %max3A_569 {strides = array<i32>} : memref<64x128xf32, #tpu.memory_space<vmem>>, vector<1x128xf32>,
    } else {
    }
    %le3A_521 = arith.constant 60 : i32
    %le3A_522 = arith.cmpi sle, %squeeze3A, %le3A_521 : i32
    %ge3A_523 = arith.constant 60 : i32
    %ge3A_524 = arith.cmpi sge, %squeeze3A_43, %ge3A_523 : i32
    %and3A_525 = arith.andi %le3A_522, %ge3A_524 : i1
    %convert_element_type3A_526 = arith.extui %and3A_525 : i1 to i32
    %cond3A_527 = arith.constant 0 : i32
    %cond3A_528 = arith.cmpi ne, %convert_element_type3A_526, %cond3A_527 : i32
    scf.if %cond3A_528 {
      %eq3A_558 = arith.constant 60 : i32
      %eq3A_559 = vector.broadcast %eq3A_558 : i32 to vector<1000x1xi32>
      %eq3A_560 = arith.cmpi eq, %get3A_41, %eq3A_559 : vector<1000x1xi32>
      %jit3A = arith.constant 0xFF800000 : f32
      %broadcast_in_dim3A = vector.shape_cast %eq3A_560 : vector<1000x1xi1> to vector<1000x1xi1>
      %broadcast_in_dim3A_561 = vector.broadcast %broadcast_in_dim3A : vector<1000x1xi1> to vector<1000x128xi1>
      %broadcast_in_dim3A_562 = vector.broadcast %jit3A : f32 to vector<1000x128xf32>
      %select_n3A_563 = arith.select %broadcast_in_dim3A_561, %select_n3A, %broadcast_in_dim3A_562 : vector<1000x128xi1>, vector<1000x128xf32>
      %reduce_max3A = arith.constant dense<0xFF800000> : vector<128xf32>
      %reduce_max3A_564 = vector.multi_reduction <maximumf>, %select_n3A_563, %reduce_max3A [0] : vector<1000x128xf32> to vector<128xf32>
      %broadcast_in_dim3A_565 = vector.shape_cast %reduce_max3A_564 : vector<128xf32> to vector<1x128xf32>
      %get3A_566 = arith.constant 60 : index
      %get3A_567 = arith.constant 0 : index
      %get3A_568 = vector.load %arg15[%get3A_566, %get3A_567] : memref<64x128xf32, #tpu.memory_space<vmem>>, vector<1x128xf32>
      %max3A_569 = arith.maximumf %get3A_568, %broadcast_in_dim3A_565 : vector<1x128xf32>
      %swap3A = arith.constant 60 : index
      %swap3A_570 = arith.constant 0 : index
      %swap3A_571 = vector.load %arg15[%swap3A, %swap3A_570] : memref<64x128xf32, #tpu.memory_space<vmem>>, vector<1x128xf32>
      tpu.vector_store %arg15[%swap3A, %swap3A_570], %max3A_569 {strides = array<i32>} : memref<64x128xf32, #tpu.memory_space<vmem>>, vector<1x128xf32>,
    } else {
    }
    %le3A_529 = arith.constant 61 : i32
    %le3A_530 = arith.cmpi sle, %squeeze3A, %le3A_529 : i32
    %ge3A_531 = arith.constant 61 : i32
    %ge3A_532 = arith.cmpi sge, %squeeze3A_43, %ge3A_531 : i32
    %and3A_533 = arith.andi %le3A_530, %ge3A_532 : i1
    %convert_element_type3A_534 = arith.extui %and3A_533 : i1 to i32
    %cond3A_535 = arith.constant 0 : i32
    %cond3A_536 = arith.cmpi ne, %convert_element_type3A_534, %cond3A_535 : i32
    scf.if %cond3A_536 {
      %eq3A_558 = arith.constant 61 : i32
      %eq3A_559 = vector.broadcast %eq3A_558 : i32 to vector<1000x1xi32>
      %eq3A_560 = arith.cmpi eq, %get3A_41, %eq3A_559 : vector<1000x1xi32>
      %jit3A = arith.constant 0xFF800000 : f32
      %broadcast_in_dim3A = vector.shape_cast %eq3A_560 : vector<1000x1xi1> to vector<1000x1xi1>
      %broadcast_in_dim3A_561 = vector.broadcast %broadcast_in_dim3A : vector<1000x1xi1> to vector<1000x128xi1>
      %broadcast_in_dim3A_562 = vector.broadcast %jit3A : f32 to vector<1000x128xf32>
      %select_n3A_563 = arith.select %broadcast_in_dim3A_561, %select_n3A, %broadcast_in_dim3A_562 : vector<1000x128xi1>, vector<1000x128xf32>
      %reduce_max3A = arith.constant dense<0xFF800000> : vector<128xf32>
      %reduce_max3A_564 = vector.multi_reduction <maximumf>, %select_n3A_563, %reduce_max3A [0] : vector<1000x128xf32> to vector<128xf32>
      %broadcast_in_dim3A_565 = vector.shape_cast %reduce_max3A_564 : vector<128xf32> to vector<1x128xf32>
      %get3A_566 = arith.constant 61 : index
      %get3A_567 = arith.constant 0 : index
      %get3A_568 = vector.load %arg15[%get3A_566, %get3A_567] : memref<64x128xf32, #tpu.memory_space<vmem>>, vector<1x128xf32>
      %max3A_569 = arith.maximumf %get3A_568, %broadcast_in_dim3A_565 : vector<1x128xf32>
      %swap3A = arith.constant 61 : index
      %swap3A_570 = arith.constant 0 : index
      %swap3A_571 = vector.load %arg15[%swap3A, %swap3A_570] : memref<64x128xf32, #tpu.memory_space<vmem>>, vector<1x128xf32>
      tpu.vector_store %arg15[%swap3A, %swap3A_570], %max3A_569 {strides = array<i32>} : memref<64x128xf32, #tpu.memory_space<vmem>>, vector<1x128xf32>,
    } else {
    }
    %le3A_537 = arith.constant 62 : i32
    %le3A_538 = arith.cmpi sle, %squeeze3A, %le3A_537 : i32
    %ge3A_539 = arith.constant 62 : i32
    %ge3A_540 = arith.cmpi sge, %squeeze3A_43, %ge3A_539 : i32
    %and3A_541 = arith.andi %le3A_538, %ge3A_540 : i1
    %convert_element_type3A_542 = arith.extui %and3A_541 : i1 to i32
    %cond3A_543 = arith.constant 0 : i32
    %cond3A_544 = arith.cmpi ne, %convert_element_type3A_542, %cond3A_543 : i32
    scf.if %cond3A_544 {
      %eq3A_558 = arith.constant 62 : i32
      %eq3A_559 = vector.broadcast %eq3A_558 : i32 to vector<1000x1xi32>
      %eq3A_560 = arith.cmpi eq, %get3A_41, %eq3A_559 : vector<1000x1xi32>
      %jit3A = arith.constant 0xFF800000 : f32
      %broadcast_in_dim3A = vector.shape_cast %eq3A_560 : vector<1000x1xi1> to vector<1000x1xi1>
      %broadcast_in_dim3A_561 = vector.broadcast %broadcast_in_dim3A : vector<1000x1xi1> to vector<1000x128xi1>
      %broadcast_in_dim3A_562 = vector.broadcast %jit3A : f32 to vector<1000x128xf32>
      %select_n3A_563 = arith.select %broadcast_in_dim3A_561, %select_n3A, %broadcast_in_dim3A_562 : vector<1000x128xi1>, vector<1000x128xf32>
      %reduce_max3A = arith.constant dense<0xFF800000> : vector<128xf32>
      %reduce_max3A_564 = vector.multi_reduction <maximumf>, %select_n3A_563, %reduce_max3A [0] : vector<1000x128xf32> to vector<128xf32>
      %broadcast_in_dim3A_565 = vector.shape_cast %reduce_max3A_564 : vector<128xf32> to vector<1x128xf32>
      %get3A_566 = arith.constant 62 : index
      %get3A_567 = arith.constant 0 : index
      %get3A_568 = vector.load %arg15[%get3A_566, %get3A_567] : memref<64x128xf32, #tpu.memory_space<vmem>>, vector<1x128xf32>
      %max3A_569 = arith.maximumf %get3A_568, %broadcast_in_dim3A_565 : vector<1x128xf32>
      %swap3A = arith.constant 62 : index
      %swap3A_570 = arith.constant 0 : index
      %swap3A_571 = vector.load %arg15[%swap3A, %swap3A_570] : memref<64x128xf32, #tpu.memory_space<vmem>>, vector<1x128xf32>
      tpu.vector_store %arg15[%swap3A, %swap3A_570], %max3A_569 {strides = array<i32>} : memref<64x128xf32, #tpu.memory_space<vmem>>, vector<1x128xf32>,
    } else {
    }
    %le3A_545 = arith.constant 63 : i32
    %le3A_546 = arith.cmpi sle, %squeeze3A, %le3A_545 : i32
    %ge3A_547 = arith.constant 63 : i32
    %ge3A_548 = arith.cmpi sge, %squeeze3A_43, %ge3A_547 : i32
    %and3A_549 = arith.andi %le3A_546, %ge3A_548 : i1
    %convert_element_type3A_550 = arith.extui %and3A_549 : i1 to i32
    %cond3A_551 = arith.constant 0 : i32
    %cond3A_552 = arith.cmpi ne, %convert_element_type3A_550, %cond3A_551 : i32
    scf.if %cond3A_552 {
      %eq3A_558 = arith.constant 63 : i32
      %eq3A_559 = vector.broadcast %eq3A_558 : i32 to vector<1000x1xi32>
      %eq3A_560 = arith.cmpi eq, %get3A_41, %eq3A_559 : vector<1000x1xi32>
      %jit3A = arith.constant 0xFF800000 : f32
      %broadcast_in_dim3A = vector.shape_cast %eq3A_560 : vector<1000x1xi1> to vector<1000x1xi1>
      %broadcast_in_dim3A_561 = vector.broadcast %broadcast_in_dim3A : vector<1000x1xi1> to vector<1000x128xi1>
      %broadcast_in_dim3A_562 = vector.broadcast %jit3A : f32 to vector<1000x128xf32>
      %select_n3A_563 = arith.select %broadcast_in_dim3A_561, %select_n3A, %broadcast_in_dim3A_562 : vector<1000x128xi1>, vector<1000x128xf32>
      %reduce_max3A = arith.constant dense<0xFF800000> : vector<128xf32>
      %reduce_max3A_564 = vector.multi_reduction <maximumf>, %select_n3A_563, %reduce_max3A [0] : vector<1000x128xf32> to vector<128xf32>
      %broadcast_in_dim3A_565 = vector.shape_cast %reduce_max3A_564 : vector<128xf32> to vector<1x128xf32>
      %get3A_566 = arith.constant 63 : index
      %get3A_567 = arith.constant 0 : index
      %get3A_568 = vector.load %arg15[%get3A_566, %get3A_567] : memref<64x128xf32, #tpu.memory_space<vmem>>, vector<1x128xf32>
      %max3A_569 = arith.maximumf %get3A_568, %broadcast_in_dim3A_565 : vector<1x128xf32>
      %swap3A = arith.constant 63 : index
      %swap3A_570 = arith.constant 0 : index
      %swap3A_571 = vector.load %arg15[%swap3A, %swap3A_570] : memref<64x128xf32, #tpu.memory_space<vmem>>, vector<1x128xf32>
      tpu.vector_store %arg15[%swap3A, %swap3A_570], %max3A_569 {strides = array<i32>} : memref<64x128xf32, #tpu.memory_space<vmem>>, vector<1x128xf32>,
    } else {
    }
    %eq3A_553 = arith.constant 9 : i32
    %eq3A_554 = arith.cmpi eq, %arg0, %eq3A_553 : i32
    %convert_element_type3A_555 = arith.extui %eq3A_554 : i1 to i32
    %cond3A_556 = arith.constant 0 : i32
    %cond3A_557 = arith.cmpi ne, %convert_element_type3A_555, %cond3A_556 : i32
    scf.if %cond3A_557 {
      %get3A_558 = arith.constant 0 : index
      %get3A_559 = arith.constant 0 : index
      %get3A_560 = vector.load %arg15[%get3A_558, %get3A_559] : memref<64x128xf32, #tpu.memory_space<vmem>>, vector<64x128xf32>
      %get3A_561 = arith.constant 0 : index
      %get3A_562 = arith.constant 0 : index
      %get3A_563 = vector.load %arg8[%get3A_561, %get3A_562] : memref<128x768xf32, #tpu.memory_space<vmem>>, vector<128x768xf32>
      %dot_general3A_564 = arith.constant dense<0.000000e+00> : vector<64x768xf32>
      %dot_general3A_565 = tpu.matmul %get3A_560, %get3A_563, %dot_general3A_564 {dimension_numbers = #tpu.dot_dimension_numbers<[1], [0], [0], [1], [0, 0, 1, 1], [], []>, transpose_lhs_hint = false} : vector<64x128xf32>, vector<128x768xf32>, vector<64x768xf32> -> vector<64x768xf32>
      %get3A_566 = arith.constant 0 : index
      %get3A_567 = arith.constant 0 : index
      %get3A_568 = vector.load %arg9[%get3A_566, %get3A_567] : memref<1x768xf32, #tpu.memory_space<vmem>>, vector<1x768xf32>
      %add3A_569 = vector.broadcast %get3A_568 : vector<1x768xf32> to vector<64x768xf32>
      %add3A_570 = arith.addf %dot_general3A_565, %add3A_569 : vector<64x768xf32>
      %reduce_sum3A = arith.constant dense<0.000000e+00> : vector<64xf32>
      %reduce_sum3A_571 = vector.multi_reduction <add>, %add3A_570, %reduce_sum3A [1] : vector<64x768xf32> to vector<64xf32>
      %broadcast_in_dim3A = vector.shape_cast %reduce_sum3A_571 : vector<64xf32> to vector<64x1xf32>
      %mul3A_572 = arith.constant 0.00130208337 : f32
      %mul3A_573 = vector.broadcast %mul3A_572 : f32 to vector<64x1xf32>
      %mul3A_574 = arith.mulf %broadcast_in_dim3A, %mul3A_573 : vector<64x1xf32>
      %sub3A_575 = vector.broadcast %mul3A_574 : vector<64x1xf32> to vector<64x768xf32>
      %sub3A_576 = arith.subf %add3A_570, %sub3A_575 : vector<64x768xf32>
      %mul3A_577 = arith.mulf %sub3A_576, %sub3A_576 : vector<64x768xf32>
      %reduce_sum3A_578 = arith.constant dense<0.000000e+00> : vector<64xf32>
      %reduce_sum3A_579 = vector.multi_reduction <add>, %mul3A_577, %reduce_sum3A_578 [1] : vector<64x768xf32> to vector<64xf32>
      %broadcast_in_dim3A_580 = vector.shape_cast %reduce_sum3A_579 : vector<64xf32> to vector<64x1xf32>
      %mul3A_581 = arith.constant 0.00130208337 : f32
      %mul3A_582 = vector.broadcast %mul3A_581 : f32 to vector<64x1xf32>
      %mul3A_583 = arith.mulf %broadcast_in_dim3A_580, %mul3A_582 : vector<64x1xf32>
      %add3A_584 = arith.constant 9.99999974E-6 : f32
      %add3A_585 = vector.broadcast %add3A_584 : f32 to vector<64x1xf32>
      %add3A_586 = arith.addf %mul3A_583, %add3A_585 : vector<64x1xf32>
      %rsqrt3A = math.rsqrt %add3A_586 : vector<64x1xf32>
      %mul3A_587 = vector.broadcast %rsqrt3A : vector<64x1xf32> to vector<64x768xf32>
      %mul3A_588 = arith.mulf %sub3A_576, %mul3A_587 : vector<64x768xf32>
      %get3A_589 = arith.constant 0 : index
      %get3A_590 = arith.constant 0 : index
      %get3A_591 = vector.load %arg10[%get3A_589, %get3A_590] : memref<1x768xf32, #tpu.memory_space<vmem>>, vector<1x768xf32>
      %mul3A_592 = vector.broadcast %get3A_591 : vector<1x768xf32> to vector<64x768xf32>
      %mul3A_593 = arith.mulf %mul3A_588, %mul3A_592 : vector<64x768xf32>
      %get3A_594 = arith.constant 0 : index
      %get3A_595 = arith.constant 0 : index
      %get3A_596 = vector.load %arg11[%get3A_594, %get3A_595] : memref<1x768xf32, #tpu.memory_space<vmem>>, vector<1x768xf32>
      %add3A_597 = vector.broadcast %get3A_596 : vector<1x768xf32> to vector<64x768xf32>
      %add3A_598 = arith.addf %mul3A_593, %add3A_597 : vector<64x768xf32>
      %gt3A_599 = arith.constant 0.000000e+00 : f32
      %gt3A_600 = vector.broadcast %gt3A_599 : f32 to vector<64x768xf32>
      %gt3A_601 = arith.cmpf ogt, %add3A_598, %gt3A_600 : vector<64x768xf32>
      %mul3A_602 = arith.constant 2.000000e-01 : f32
      %mul3A_603 = vector.broadcast %mul3A_602 : f32 to vector<64x768xf32>
      %mul3A_604 = arith.mulf %mul3A_603, %add3A_598 : vector<64x768xf32>
      %select_n3A_605 = arith.select %gt3A_601, %add3A_598, %mul3A_604 : vector<64x768xi1>, vector<64x768xf32>
      %get3A_606 = arith.constant 0 : index
      %get3A_607 = arith.constant 0 : index
      %get3A_608 = vector.load %arg12[%get3A_606, %get3A_607] : memref<768x10xf32, #tpu.memory_space<vmem>>, vector<768x10xf32>
      %dot_general3A_609 = arith.constant dense<0.000000e+00> : vector<64x10xf32>
      %dot_general3A_610 = tpu.matmul %select_n3A_605, %get3A_608, %dot_general3A_609 {dimension_numbers = #tpu.dot_dimension_numbers<[1], [0], [0], [1], [0, 0, 1, 1], [], []>, transpose_lhs_hint = false} : vector<64x768xf32>, vector<768x10xf32>, vector<64x10xf32> -> vector<64x10xf32>
      %get3A_611 = arith.constant 0 : index
      %get3A_612 = arith.constant 0 : index
      %get3A_613 = vector.load %arg13[%get3A_611, %get3A_612] : memref<1x10xf32, #tpu.memory_space<vmem>>, vector<1x10xf32>
      %add3A_614 = vector.broadcast %get3A_613 : vector<1x10xf32> to vector<64x10xf32>
      %add3A_615 = arith.addf %dot_general3A_610, %add3A_614 : vector<64x10xf32>
      %reduce_max3A = arith.constant dense<0xFF800000> : vector<64xf32>
      %reduce_max3A_616 = vector.multi_reduction <maximumf>, %add3A_615, %reduce_max3A [1] : vector<64x10xf32> to vector<64xf32>
      %broadcast_in_dim3A_617 = vector.shape_cast %reduce_max3A_616 : vector<64xf32> to vector<64x1xf32>
      %sub3A_618 = vector.broadcast %broadcast_in_dim3A_617 : vector<64x1xf32> to vector<64x10xf32>
      %sub3A_619 = arith.subf %add3A_615, %sub3A_618 : vector<64x10xf32>
      %exp3A = math.exp %sub3A_619 : vector<64x10xf32>
      %reduce_sum3A_620 = arith.constant dense<0.000000e+00> : vector<64xf32>
      %reduce_sum3A_621 = vector.multi_reduction <add>, %exp3A, %reduce_sum3A_620 [1] : vector<64x10xf32> to vector<64xf32>
      %broadcast_in_dim3A_622 = vector.shape_cast %reduce_sum3A_621 : vector<64xf32> to vector<64x1xf32>
      %div3A = vector.broadcast %broadcast_in_dim3A_622 : vector<64x1xf32> to vector<64x10xf32>
      %div3A_623 = arith.divf %exp3A, %div3A : vector<64x10xf32>
      %swap3A = arith.constant 0 : index
      %swap3A_624 = arith.constant 0 : index
      %swap3A_625 = vector.load %arg14[%swap3A, %swap3A_624] : memref<64x10xf32, #tpu.memory_space<vmem>>, vector<64x10xf32>
      tpu.vector_store %arg14[%swap3A, %swap3A_624], %div3A_623 {strides = array<i32>} : memref<64x10xf32, #tpu.memory_space<vmem>>, vector<64x10xf32>,
    } else {
    }
    return
  }
  func.func @transform_0(%arg0: i32) -> (i32, i32) {
    %c0_i32 = arith.constant 0 : i32
    %c0_i32_0 = arith.constant 0 : i32
    return %arg0, %c0_i32 : i32, i32
  }
  func.func @transform_1(%arg0: i32) -> (i32, i32, i32) {
    %c0_i32 = arith.constant 0 : i32
    %c0_i32_0 = arith.constant 0 : i32
    %c0_i32_1 = arith.constant 0 : i32
    return %c0_i32, %arg0, %c0_i32_0 : i32, i32, i32
  }
  func.func @transform_2(%arg0: i32) -> (i32, i32) {
    %c0_i32 = arith.constant 0 : i32
    %c0_i32_0 = arith.constant 0 : i32
    %c0_i32_1 = arith.constant 0 : i32
    return %c0_i32, %c0_i32_0 : i32, i32
  }
  func.func @transform_3(%arg0: i32) -> (i32, i32) {
    %c0_i32 = arith.constant 0 : i32
    %c0_i32_0 = arith.constant 0 : i32
    %c0_i32_1 = arith.constant 0 : i32
    return %c0_i32, %c0_i32_0 : i32, i32
  }
  func.func @transform_4(%arg0: i32) -> (i32, i32) {
    %c0_i32 = arith.constant 0 : i32
    %c0_i32_0 = arith.constant 0 : i32
    %c0_i32_1 = arith.constant 0 : i32
    return %c0_i32, %c0_i32_0 : i32, i32
  }
  func.func @transform_5(%arg0: i32) -> (i32, i32) {
    %c0_i32 = arith.constant 0 : i32
    %c0_i32_0 = arith.constant 0 : i32
    %c0_i32_1 = arith.constant 0 : i32
    return %c0_i32, %c0_i32_0 : i32, i32
  }
  func.func @transform_6(%arg0: i32) -> (i32, i32) {
    %c0_i32 = arith.constant 0 : i32
    %c0_i32_0 = arith.constant 0 : i32
    return %arg0, %c0_i32 : i32, i32
  }
  func.func @transform_7(%arg0: i32) -> (i32, i32) {
    %c0_i32 = arith.constant 0 : i32
    %c0_i32_0 = arith.constant 0 : i32
    %c0_i32_1 = arith.constant 0 : i32
    return %c0_i32, %c0_i32_0 : i32, i32
  }
  func.func @transform_8(%arg0: i32) -> (i32, i32) {
    %c0_i32 = arith.constant 0 : i32
    %c0_i32_0 = arith.constant 0 : i32
    %c0_i32_1 = arith.constant 0 : i32
    return %c0_i32, %c0_i32_0 : i32, i32
  }
  func.func @transform_9(%arg0: i32) -> (i32, i32) {
    %c0_i32 = arith.constant 0 : i32
    %c0_i32_0 = arith.constant 0 : i32
    %c0_i32_1 = arith.constant 0 : i32
    return %c0_i32, %c0_i32_0 : i32, i32
  }
  func.func @transform_10(%arg0: i32) -> (i32, i32) {
    %c0_i32 = arith.constant 0 : i32
    %c0_i32_0 = arith.constant 0 : i32
    %c0_i32_1 = arith.constant 0 : i32
    return %c0_i32, %c0_i32_0 : i32, i32
  }
  func.func @transform_11(%arg0: i32) -> (i32, i32) {
    %c0_i32 = arith.constant 0 : i32
    %c0_i32_0 = arith.constant 0 : i32
    %c0_i32_1 = arith.constant 0 : i32
    return %c0_i32, %c0_i32_0 : i32, i32
  }
  func.func @transform_12(%arg0: i32) -> (i32, i32) {
    %c0_i32 = arith.constant 0 : i32
    %c0_i32_0 = arith.constant 0 : i32
    %c0_i32_1 = arith.constant 0 : i32
    return %c0_i32, %c0_i32_0 : i32, i32
  }
  func.func @transform_13(%arg0: i32) -> (i32, i32) {
    %c0_i32 = arith.constant 0 : i32
    %c0_i32_0 = arith.constant 0 : i32
    %c0_i32_1 = arith.constant 0 : i32
    return %c0_i32, %c0_i32_0 : i32, i32
  }
}

</mosaic_0001>

<sc_bundles>
// kernel: segsum_sc.4.cloned.1.call-start
scs
__scs_entry_jumppad:
0x0: {  	(pc) =	sbr.rel $0x88, $3  }
0x1: {  	(tag) =	ssettag $0x0;
	lr =	simm.s32 $0x1  }
0x2: {  	[smem:$0x3F8E] =	sst lr;
	_ =	strace $0xD0000000  }
0x3: {  	_ = 	snop  }
0x4: {  	_ = 	snop  }
0x5: {  	_ = 	snop  }
0x6: {  	_ = 	snop  }
0x7: {  	_ = 	snop  }
__scs_overlays_trampoline_lowered:
0x8: {  	[smem:$0x3F9D] =	sst s0  }
0x9: {  	[smem:$0x3F9E] =	sst s1  }
0xa: {  	[smem:$0x3F9F] =	sst s2  }
0xb: {  	[smem:$0x3FA0] =	sst s3  }
0xc: {  	[smem:$0x3FA1] =	sst s4  }
0xd: {  	[smem:$0x3FA2] =	sst s5  }
0xe: {  	[smem:$0x3FA3] =	sst s6  }
0xf: {  	[smem:$0x3FA4] =	sst s7  }
0x10: {  	[smem:$0x3FA5] =	sst s8  }
0x11: {  	[smem:$0x3FA6] =	sst s9;
	s0 =	simm.s32 @!p0 $0x0  }
0x12: {  	s1 =	sld [smem:$0x3F8C];
	s0 =	simm.s32 @p0 $0x1  }
0x13: {  	[smem:$0x3FA7] =	sst s0;
	s0 =	simm.s32 @!p1 $0x0  }
0x14: {  	s2 =	sld [smem:$0x3F8B];
	s0 =	simm.s32 @p1 $0x1  }
0x15: {  	[smem:$0x3FA8] =	sst s0;
	s0 =	simm.s32 @!p2 $0x0  }
0x16: {  	s3 =	sld [smem:$0x3FDB];
	s0 =	simm.s32 @p2 $0x1  }
0x17: {  	s4 =	simm.s32 $0x1BF5;
	[smem:$0x3FAA] =	sst s0  }
0x18: {  	s0 =	sld [smem:$0x3F8D];
	_ =	swait.ge [sflag:s4], $0x0  }
0x19: {  	s7 =	sld [smem:$0x3F8E]  }
0x1a: {  	s8 =	sadd.s32 $0xFFFFE003, lr  }
0x1b: {  	s9 =	sadd.s32 $0xFFFFFEF7, lr;
	s5 =	simm.s32 $0xFFFFFFFF;
	p2 =	slt.u32 s8, $0xFFFFF086  }
0x1c: {  	p1 =	slt.u32 s9, $0xF7A;
	s5 =	simm.s32 @!p2 $0x0  }
0x1d: {  	s5 =	simm.s32 @p1 $0x1;
	p0 =	seq.s32 s7, s2  }
0x1e: {  	s7 =	smul.u32 @!p0 $0xF7A, s2;
	p2 =	seq.s32 @!p0 s5, $0x0  }
0x1f: {  	s9 =	smul.u32 $0xF7A, s1;
	s8 =	simm.s32 @!p0 $0x1BF5;
	p2 =	por !p2, p0  }
0x20: {  	[sflag:s8] =	ssyncset.s32 @!p0 $0xFFFFF086;
	s6 =	sadd.s32 @!p0 s3, s7;
	s7 =	simm.s32 @!p0 $0x108  }
0x21: {  	s3 =	sadd.s32 s3, s9;
	s6 =	sadd.s32 @!p0 $0x88, s6;
	s7 =	simm.s32 @p2 $0x1082  }
0x22: {  	[simem:s7], [sflag:s8] =	dma.local @!p0 [hbm:s6], $0xF7A  }
0x23: {  	s9 =	sor.u32 $0xD0000000, s2;
	s6 =	simm.s32 $0x108;
	_ =	swait.ge @!p0 [sflag:s8], $0x0  }
0x24: {  	s3 =	sadd.s32 $0x88, s3;
	s6 =	simm.s32 @!p1 $0x1082;
	[sflag:s4] =	ssyncset.s32 $0xFFFFF086  }
0x25: {  	[simem:s6], [sflag:s4] =	dma.local [hbm:s3], $0xF7A  }
0x26: {  	[smem:$0x3F8E] =	sst s1;
	(tag) =	ssettag s2;
	_ =	strace s9  }
0x27: {  	s1 =	sld [smem:$0x3F9E]  }
0x28: {  	s2 =	sld [smem:$0x3F9F]  }
0x29: {  	s4 =	sld [smem:$0x3FA1]  }
0x2a: {  	p0 =	seq.s32 s5, $0x0;
	s5 =	sld [smem:$0x3FA2]  }
0x2b: {  	s6 =	sld [smem:$0x3FA3]  }
0x2c: {  	s7 =	sld [smem:$0x3FA4]  }
0x2d: {  	s3 =	simm.s32 $0x108;
	s8 =	sld [smem:$0x3FA5]  }
0x2e: {  	s3 =	simm.s32 @!p0 $0x1082;
	s9 =	sld [smem:$0x3FA6]  }
0x2f: {  	lr =	sadd.s32 s0, s3;
	s0 =	sld [smem:$0x3F9D]  }
0x30: {  	s3 =	sld [smem:$0x3FA0]  }
0x31: {  	[smem:$0x3FA9] =	sst s10  }
0x32: {  	s10 =	sld [smem:$0x3FA7];
	_ =	sdelay $0x3  }
0x33: {  	p0 =	seq.s32 s10, $0x1;
	s10 =	sld [smem:$0x3FA9];
	_ =	sdelay $0x3  }
0x34: {  	[smem:$0x3FA9] =	sst s10  }
0x35: {  	s10 =	sld [smem:$0x3FA8];
	_ =	sdelay $0x3  }
0x36: {  	p1 =	seq.s32 s10, $0x1;
	s10 =	sld [smem:$0x3FA9];
	_ =	sdelay $0x3  }
0x37: {  	[smem:$0x3FA9] =	sst s10  }
0x38: {  	s10 =	sld [smem:$0x3FAA]  }
0x39: {  	_ = 	snop;
	(pc) =	sbr.ind lr, $3  }
0x3a: {  	_ = 	snop  }
0x3b: {  	_ = 	snop  }
0x3c: {  	p2 =	seq.s32 s10, $0x1;
	s10 =	sld [smem:$0x3FA9]  }
0x3d: {  	_ =	shalt  }
0x3e: {  	_ =	shalt  }
0x3f: {  	_ =	shalt  }
0x40: {  	_ =	shalt  }
0x41: {  	_ =	shalt  }
0x42: {  	_ =	shalt  }
0x43: {  	_ =	shalt  }
0x44: {  	_ =	shalt  }
0x45: {  	_ =	shalt  }
0x46: {  	_ =	shalt  }
0x47: {  	_ =	shalt  }
0x48: {  	_ =	shalt  }
0x49: {  	_ =	shalt  }
0x4a: {  	_ =	shalt  }
0x4b: {  	_ =	shalt  }
0x4c: {  	_ =	shalt  }
0x4d: {  	_ =	shalt  }
0x4e: {  	_ =	shalt  }
0x4f: {  	_ =	shalt  }
0x50: {  	_ =	shalt  }
0x51: {  	_ =	shalt  }
0x52: {  	_ =	shalt  }
0x53: {  	_ =	shalt  }
0x54: {  	_ =	shalt  }
0x55: {  	_ =	shalt  }
0x56: {  	_ =	shalt  }
0x57: {  	_ =	shalt  }
0x58: {  	_ =	shalt  }
0x59: {  	_ =	shalt  }
0x5a: {  	_ =	shalt  }
0x5b: {  	_ =	shalt  }
0x5c: {  	_ =	shalt  }
0x5d: {  	_ =	shalt  }
0x5e: {  	_ =	shalt  }
0x5f: {  	_ =	shalt  }
0x60: {  	_ =	shalt  }
0x61: {  	_ =	shalt  }
0x62: {  	_ =	shalt  }
0x63: {  	_ =	shalt  }
0x64: {  	_ =	shalt  }
0x65: {  	_ =	shalt  }
0x66: {  	_ =	shalt  }
0x67: {  	_ =	shalt  }
0x68: {  	_ =	shalt  }
0x69: {  	_ =	shalt  }
0x6a: {  	_ =	shalt  }
0x6b: {  	_ =	shalt  }
0x6c: {  	_ =	shalt  }
0x6d: {  	_ =	shalt  }
0x6e: {  	_ =	shalt  }
0x6f: {  	_ =	shalt  }
0x70: {  	_ =	shalt  }
0x71: {  	_ =	shalt  }
0x72: {  	_ =	shalt  }
0x73: {  	_ =	shalt  }
0x74: {  	_ =	shalt  }
0x75: {  	_ =	shalt  }
0x76: {  	_ =	shalt  }
0x77: {  	_ =	shalt  }
0x78: {  	_ =	shalt  }
0x79: {  	_ =	shalt  }
0x7a: {  	_ =	shalt  }
0x7b: {  	_ =	shalt  }
0x7c: {  	_ =	shalt  }
0x7d: {  	_ =	shalt  }
0x7e: {  	_ =	shalt  }
0x7f: {  	_ =	shalt  }
0x80: {  	_ =	shalt  }
0x81: {  	_ =	shalt  }
0x82: {  	_ =	shalt  }
0x83: {  	_ =	shalt  }
0x84: {  	_ =	shalt  }
0x85: {  	_ =	shalt  }
0x86: {  	_ =	shalt  }
0x87: {  	_ =	shalt  }
.Lfunc_end0:
.L_simem_size_0:
called_computation_lowered:
.L_overlay_start_0:
0x88: {  	s2 =	sld [smem:$0x3FD9]  }
0x89: {  	s3 =	sld [smem:$0x3FFE];
	_ =	sdelay $0x1  }
0x8a: {  	s1 =	srdreg.scid  }
0x8b: {  	s0 =	sand.u32 $0x1, s1  }
0x8c: {  	s17 =	sshll.u32 s0, $0xA;
	s2 =	sadd.s32 s3, s2  }
0x8d: {  	s2 =	sadd.s32 s2, s17  }
0x8e: {  	[smem:$0x3FB5] =	sst s2  }
0x8f: {  	_ = 	snop  }
0x90: {  	s2 =	sld [smem:$0x3FC9];
	(tm) =	ssettm $0x1  }
0x91: {  	s18 =	sld [smem:$0x3FFB];
	_ =	sdelay $0x3  }
0x92: {  	_ =	strace s18  }
0x93: {  	s3 =	sld [smem:$0x3FFC];
	_ =	sdelay $0x3  }
0x94: {  	_ =	strace s3  }
0x95: {  	s3 =	sld [smem:$0x3FFD];
	_ =	sdelay $0x3  }
0x96: {  	_ =	strace s3  }
0x97: {  	_ =	strace $0x8FFFFFFF  }
0x98: {  	s19 =	sld [smem:$0x3FDB];
	_ =	sdelay $0x1  }
0x99: {  	s4 =	simm.s32 $_scs_section_size  }
0x9a: {  	s5 =	simm.s32 $_size__tile_overlayer_lowered;
	s6 =	simm.s32 $_tile_overlayer_lowered  }
0x9b: {  	s22 =	simm.s32 $0x1BFF;
	s21 =	sshll.u32 s6, $0x1;
	s3 =	sadd.s32 s4, s19  }
0x9c: {  	s7 =	simm.s32 $0x0;
	s20 =	sshll.u32 s5, $0x1;
	s5 =	sadd.s32 s21, s3  }
0x9d: {  	[timem:s7], [sflag:s22] =	dma.local [hbm:s5], s20  }
0x9e: {  	_ =	swait.ge [sflag:s22], s20  }
0x9f: {  	s4 =	ssub.s32 $0x0, s20;
	[sflag:s22] =	ssyncset.done $0x0  }
0xa0: {  	[sflag:s22] =	ssyncadd.s32 s4;
	_ =	sdelay $0x1  }
0xa1: {  	s23 =	simm.s32 $0x1B8B  }
0xa2: {  	_ =	swait.ge [sflag:s23], $0x1  }
0xa3: {  	[sflag:s23] =	ssyncset.done $0x0  }
0xa4: {  	s25 =	simm.s32 $0x1B8E;
	s24 =	sld [smem:$0x3FFE];
	[sflag:s23] =	ssyncadd.s32 $0xFFFFFFFF  }
0xa5: {  	s26 =	simm.s32 $execute0_lowered;
	[smem:$0x3FD2] =	sst s25  }
0xa6: {  	s5 =	sshll.u32 s26, $0x1;
	_ =	strace $0x80000046;
	[dreg:$0x1] =	wrdreg $0xFFFFFFFF  }
0xa7: {  	s28 =	simm.s32 $_size_execute0_lowered;
	s3 =	sadd.s32 s3, s5;
	[dreg:$0x0] =	wrdreg $0x0  }
0xa8: {  	s5 =	sshll.u32 s28, $0x1;
	[dreg:$0x2] =	wrdreg s3  }
0xa9: {  	[dreg:$0x3] =	wrdreg s5  }
0xaa: {  	[dreg:$0x4] =	wrdreg $0xC0  }
0xab: {  	_ =	task [dreg:s7], $0x5FFFF  }
0xac: {  	[dreg:$0x1] =	wrdreg $0xFFFFFFFF  }
0xad: {  	[dreg:$0x0] =	wrdreg $0x60  }
0xae: {  	[dreg:$0x2] =	wrdreg s2  }
0xaf: {  	[dreg:$0x3] =	wrdreg s24  }
0xb0: {  	[dreg:$0x4] =	wrdreg $0x8D800  }
0xb1: {  	[dreg:$0x5] =	wrdreg $0x9  }
0xb2: {  	_ =	task.clear_ibuf [dreg:s7], $0x6FFFF;
	_ =	strace $0x90000046  }
0xb3: {  	s29 =	simm.s32 $0x9;
	_ =	strace $0x80000048  }
0xb4: {  	_ =	swait.ge [sflag:s29], $0x1  }
0xb5: {  	[sflag:s29] =	ssyncadd.s32 $0xFFFFFFFF  }
0xb6: {  	_ =	strace $0x90000048  }
0xb7: {  	_ =	sfence  }
0xb8: {  	s30 =	sld [smem:$0x0];
	_ =	sdelay $0x2  }
0xb9: {  	s31 =	sshll.u32 s1, $0xD;
	s1 =	sshrl.u32 s1, $0x2  }
0xba: {  	s3 =	sand.u32 $0x4000, s31;
	s1 =	sadd.s32 s1, s30  }
0xbb: {  	s0 =	sor.u32 s3, s0;
	s1 =	sshll.u32 s1, $0x11  }
0xbc: {  	s0 =	sor.u32 s1, s0  }
0xbd: {  	s0 =	sadd.s32 $0x8F2B, s0  }
0xbe: {  	[sflag:s0] =	ssyncadd.remote.s32 $0x1  }
0xbf: {  	_ =	sfence.sel $0xFFFF  }
0xc0: {  	[dreg:$0x0] =	wrdreg $0xFFFFFFFF;
	(pc) =	sbr.abs _section_cstart, $3  }
0xc1: {  	[dreg:$0x1] =	wrdreg $0xFFFFFFFF  }
0xc2: {  	_ =	task.clear_ibuf [dreg:s7], $0x2FFFF;
	_ =	strace $0x9FFFFFFF  }
0xc3: {  	(tm) =	ssettm $0x7FFFFFFF  }
tec
execute0_lowered:
.L_overlay_start_1:
0x0: {  	(tag) =	ssettag $0x1  }
0x1: {  	s1 =	rddreg [dreg:$0x0]  }
0x2: {  	s0 =	rddreg [dreg:$0x1]  }
0x3: {  	s2 =	rddreg [dreg:$0x2]  }
0x4: {  	s3 =	srdreg.scid;
	s4 =	simm.s32 $0x0;
	s12 =	stileid.u32  }
0x5: {  	s30 =	simm.s32 $0xA;
	s31 =	simm.s32 $0x1400;
	s7 =	smul.u32 $0x50000, s12  }
0x6: {  	s28 =	simm.s32 $0x0;
	s3 =	sand.u32 $0x1, s3;
	s9 =	smul.u32 $0x14000, s12  }
0x7: {  	[smem:$0x7FF] =	sst s4;
	s8 =	sadd.s32 $0x3A00, s0;
	s10 =	smul.u32 $0x280, s12  }
0x8: {  	s0 =	sadd.s32 $0x17400, s0;
	s11 =	sshll.u32 s12, $0x6;
	s25 =	smul.u32 $0x2710, s12  }
0x9: {  	p0 =	seq.s32 s12, $0xF;
	s5 =	ssub.s32 $0x2, s3;
	_ =	strace $0x80000047  }
0xa: {  	s16 =	sshll.u32 s3, $0x4;
	s29 =	sor.u32 $0x1C0A, s11;
	s22 =	smul.u32 $0x138800, s3  }
0xb: {  	s3 =	smul.u32 $0x27100, s3;
	s6 =	sshrl.u32 s5, $0x1;
	s7 =	sshrl.u32 s7, $0x2  }
0xc: {  	s17 =	sshrl.u32 s9, $0x3;
	s10 =	sadd.s32 $0x190, s10;
	[dreg:$0x6] =	wrdreg s29  }
0xd: {  	s5 =	ssub.s32 s5, s6;
	s6 =	sor.u32 s12, s16;
	s7 =	sadd.s32 s7, s2  }
0xe: {  	s18 =	sshll.u32 s10, $0x7;
	s10 =	sshll.u32 s10, $0x4;
	s9 =	sadd.s32 s9, s22  }
0xf: {  	[dreg:$0x4] =	wrdreg s7;
	s6 =	smul.u32 $0x2710, s6;
	s7 =	sadd.s32 s1, s17  }
0x10: {  	s19 =	sadd.s32 s18, s2;
	s20 =	sadd.s32 s1, s10;
	[dreg:$0x5] =	wrdreg s7  }
0x11: {  	s9 =	sshrl.u32 s9, $0x3;
	s10 =	sadd.s32 s25, s3;
	[dreg:$0x7] =	wrdreg s19  }
0x12: {  	s17 =	smax.u32 s5, $0x1;
	s5 =	simm.s32 $0x1480;
	[dreg:$0x8] =	wrdreg s20  }
0x13: {  	s9 =	sadd.s32 s0, s9;
	s3 =	sadd.s32 $0x4E390, s10;
	s11 =	sadd.s32 $0x4E340, s10  }
0x14: {  	s13 =	sadd.s32 $0x4E2F0, s10;
	s14 =	sadd.s32 $0x4F740, s10;
	s15 =	sadd.s32 $0x4F6F0, s10  }
0x15: {  	[dreg:$0x12] =	wrdreg s17;
	s17 =	simm.s32 $0x9;
	s6 =	sshrl.u32 s6, $0x3  }
0x16: {  	[dreg:$0xf] =	wrdreg s9;
	s3 =	sshrl.u32 s3, $0x3;
	s7 =	sadd.s32 s8, s6  }
0x17: {  	s9 =	sshrl.u32 s13, $0x3;
	s6 =	sadd.s32 $0x9C40, s7;
	[dreg:$0x9] =	wrdreg s7  }
0x18: {  	s13 =	simm.s32 $0x6580;
	s21 =	sadd.s32 $0x9C4A, s7;
	[dreg:$0xa] =	wrdreg s6  }
0x19: {  	s20 =	sadd.s32 s9, s8;
	s23 =	sadd.s32 $0x9C54, s7;
	[dreg:$0xb] =	wrdreg s21  }
0x1a: {  	s9 =	simm.s32 $0x7;
	s24 =	sadd.s32 $0x276, s7;
	[dreg:$0xc] =	wrdreg s23  }
0x1b: {  	s26 =	sadd.s32 $0x9EB6, s7;
	s16 =	sadd.s32 $0x9EC0, s7;
	[dreg:$0xd] =	wrdreg s24  }
0x1c: {  	s25 =	sadd.s32 $0xA10E, s7;
	s6 =	sadd.s32 s22, s18;
	[dreg:$0xe] =	wrdreg s26  }
0x1d: {  	s18 =	sadd.s32 s3, s8;
	s3 =	sshrl.u32 s14, $0x3;
	[dreg:$0x11] =	wrdreg s16  }
0x1e: {  	s24 =	sadd.s32 $0x9ECA, s7;
	[dreg:$0x14] =	wrdreg s25;
	s26 =	sadd.s32 $0xA118, s7  }
0x1f: {  	s14 =	simm.s32 $0x2;
	s16 =	simm.s32 $0x3;
	s25 =	simm.s32 $0x5  }
0x20: {  	s6 =	sshrl.u32 s6, $0x3;
	s21 =	sadd.s32 s3, s8;
	[dreg:$0x13] =	wrdreg s24  }
0x21: {  	[dreg:$0x15] =	wrdreg s26;
	s3 =	simm.s32 $0x1580;
	s24 =	simm.s32 $0x4  }
0x22: {  	s26 =	simm.s32 $0x6;
	s0 =	sadd.s32 s0, s6;
	s6 =	sshrl.u32 s11, $0x3  }
0x23: {  	s11 =	simm.s32 $0x1500;
	[dreg:$0x10] =	wrdreg s0;
	s19 =	sadd.s32 s6, s8  }
0x24: {  	s0 =	sadd.s32 $0x4F6A0, s10;
	s6 =	sshrl.u32 s15, $0x3;
	s15 =	simm.s32 $0x8  }
0x25: {  	s0 =	sshrl.u32 s0, $0x3;
	s22 =	sadd.s32 s6, s8;
	s6 =	simm.s32 $0x3D80  }
0x26: {  	s23 =	sadd.s32 s0, s8;
	s0 =	simm.s32 $0x50;
	s8 =	simm.s32 $0x1  }
.LBB2_1:
0x27: {  	s7 =	rddreg [dreg:$0x4]  }
0x28: {  	s12 =	rddreg [dreg:$0x5];
	s10 =	sshrl.u32 s7, $0x3  }
0x29: {  	[dreg:$0x16] =	wrdreg s10  }
0x2a: {  	[spmem:s10], [sflag:s29] =	dma.local [hbm:s12], $0x1900  }
0x2b: {  	_ =	swait.ge [sflag:s30], $0x1900  }
0x2c: {  	s7 =	rddreg [dreg:$0x7]  }
0x2d: {  	[sflag:s30] =	ssyncset.done $0x0;
	s10 =	sshrl.u32 @!p0 s7, $0x3;
	s7 =	rddreg [dreg:$0x8]  }
0x2e: {  	[sflag:s30] =	ssyncadd.s32 $0xFFFFE700;
	[dreg:$0x17] =	wrdreg s10  }
0x2f: {  	[spmem:s10], [sflag:s29] =	dma.local @!p0 [hbm:s7], $0xF00  }
0x30: {  	s10 =	simm.s32 @!p0 $0xA  }
0x31: {  	_ =	swait.ge @!p0 [sflag:s10], $0xF00  }
0x32: {  	[sflag:s10] =	ssyncset.done @!p0 $0x0  }
0x33: {  	[sflag:s10] =	ssyncadd.s32 @!p0 $0xFFFFF100  }
0x34: {  	[bflag:$0x0] =	sbarrier.arrive $0xFFFF  }
0x35: {  	s12 =	rddreg [dreg:$0x9]  }
0x36: {  	[tilespmem:s4], [sflag:$0xA] =	stream.linear.gather [hbm4b:s12+s4], $0x13B0, $0x38;
	[tilespmem:$0x1C600] =	vst v63  }
0x37: {  	_ =	swait.ge [sflag:s30], $0x13B0  }
0x38: {  	[sflag:s30] =	ssyncset.done $0x0  }
0x39: {  	s10 =	rddreg [dreg:$0xa];
	[sflag:s30] =	ssyncadd.s32 $0xFFFFEC50  }
0x3a: {  	[tilespmem:s31], [sflag:$0x7] =	stream.linear.gather [hbm4b:s10+s4], $0x50, $0x38;
	[tilespmem:$0x1C600] =	vst v63  }
0x3b: {  	_ = 	snop  }
0x3c: {  	[tilespmem:s3], [sflag:$0x1] =	stream.indirect.gather [hbm4b:s1+s0], $0x80, s4, s0, $0xb8;
	[tilespmem:$0x1C600] =	vst v63  }
0x3d: {  	s12 =	rddreg [dreg:$0xb]  }
0x3e: {  	[tilespmem:s5], [sflag:$0x8] =	stream.linear.gather [hbm4b:s12+s4], $0x50, $0x38;
	[tilespmem:$0x1C600] =	vst v63  }
0x3f: {  	_ = 	snop  }
0x40: {  	[tilespmem:s6], [sflag:$0x2] =	stream.indirect.gather [hbm4b:s1+s0], $0x80, s0, s0, $0xb8;
	[tilespmem:$0x1C600] =	vst v63  }
0x41: {  	_ =	swait.ge [sflag:s8], $0x2800  }
0x42: {  	[sflag:s8] =	ssyncset.done $0x0  }
0x43: {  	[sflag:s8] =	ssyncadd.s32 $0xFFFFD800  }
0x44: {  	_ =	swait.ge [sflag:s9], $0x50  }
0x45: {  	[sflag:s9] =	ssyncset.done $0x0  }
0x46: {  	[sflag:s9] =	ssyncadd.s32 $0xFFFFFFB0  }
0x47: {  	[spmem:s2] =	stream.indirect.scatter.add.f32 [tilespmem:s3], [sflag:$0x4], $0x80, s31, s0, $0xb8;
	[tilespmem:$0x1C600] =	vst v63  }
0x48: {  	s10 =	rddreg [dreg:$0xc]  }
0x49: {  	[tilespmem:s11], [sflag:$0x9] =	stream.linear.gather [hbm4b:s10+s4], $0x50, $0x38;
	[tilespmem:$0x1C600] =	vst v63  }
0x4a: {  	s12 =	simm.s32 $0xA0  }
0x4b: {  	[tilespmem:s13], [sflag:$0x3] =	stream.indirect.gather [hbm4b:s1+s0], $0x80, s12, s0, $0xb8;
	[tilespmem:$0x1C600] =	vst v63  }
0x4c: {  	_ =	swait.ge [sflag:s14], $0x2800  }
0x4d: {  	[sflag:s14] =	ssyncset.done $0x0  }
0x4e: {  	[sflag:s14] =	ssyncadd.s32 $0xFFFFD800  }
0x4f: {  	_ =	swait.ge [sflag:s15], $0x50  }
0x50: {  	[sflag:s15] =	ssyncset.done $0x0  }
0x51: {  	[sflag:s15] =	ssyncadd.s32 $0xFFFFFFB0  }
0x52: {  	[spmem:s2] =	stream.indirect.scatter.add.f32 [tilespmem:s6], [sflag:$0x5], $0x80, s5, s0, $0xb8;
	[tilespmem:$0x1C600] =	vst v63  }
0x53: {  	_ =	swait.ge [sflag:s16], $0x2800  }
0x54: {  	[sflag:s16] =	ssyncset.done $0x0  }
0x55: {  	[sflag:s16] =	ssyncadd.s32 $0xFFFFD800  }
0x56: {  	_ =	swait.ge [sflag:s17], $0x50  }
0x57: {  	[sflag:s17] =	ssyncset.done $0x0  }
0x58: {  	[sflag:s17] =	ssyncadd.s32 $0xFFFFFFB0  }
0x59: {  	[spmem:s2] =	stream.indirect.scatter.add.f32 [tilespmem:s13], [sflag:$0x6], $0x80, s11, s0, $0xb8;
	[tilespmem:$0x1C600] =	vst v63  }
0x5a: {  	_ =	swait.ge [sflag:s24], $0x2800  }
0x5b: {  	[sflag:s24] =	ssyncset.done $0x0  }
0x5c: {  	s7 =	sadd.s32 $0x0, s20;
	[sflag:s24] =	ssyncadd.s32 $0xFFFFD800  }
0x5d: {  	[tilespmem:s31], [sflag:$0x7] =	stream.linear.gather [hbm4b:s7+s4], $0x50, $0x38;
	[tilespmem:$0x1C600] =	vst v63  }
0x5e: {  	s12 =	simm.s32 $0xF0  }
0x5f: {  	[tilespmem:s3], [sflag:$0x1] =	stream.indirect.gather [hbm4b:s1+s0], $0x80, s12, s0, $0xb8;
	[tilespmem:$0x1C600] =	vst v63  }
0x60: {  	_ =	swait.ge [sflag:s25], $0x2800  }
0x61: {  	[sflag:s25] =	ssyncset.done $0x0  }
0x62: {  	s7 =	sadd.s32 $0x0, s19;
	[sflag:s25] =	ssyncadd.s32 $0xFFFFD800  }
0x63: {  	[tilespmem:s5], [sflag:$0x8] =	stream.linear.gather [hbm4b:s7+s4], $0x50, $0x38;
	[tilespmem:$0x1C600] =	vst v63  }
0x64: {  	s12 =	simm.s32 $0x140  }
0x65: {  	[tilespmem:s6], [sflag:$0x2] =	stream.indirect.gather [hbm4b:s1+s0], $0x80, s12, s0, $0xb8;
	[tilespmem:$0x1C600] =	vst v63  }
0x66: {  	_ =	swait.ge [sflag:s8], $0x2800  }
0x67: {  	[sflag:s8] =	ssyncset.done $0x0  }
0x68: {  	[sflag:s8] =	ssyncadd.s32 $0xFFFFD800  }
0x69: {  	_ =	swait.ge [sflag:s9], $0x50  }
0x6a: {  	[sflag:s9] =	ssyncset.done $0x0  }
0x6b: {  	[sflag:s9] =	ssyncadd.s32 $0xFFFFFFB0  }
0x6c: {  	[spmem:s2] =	stream.indirect.scatter.add.f32 [tilespmem:s3], [sflag:$0x4], $0x80, s31, s0, $0xb8;
	[tilespmem:$0x1C600] =	vst v63  }
0x6d: {  	_ =	swait.ge [sflag:s26], $0x2800  }
0x6e: {  	[sflag:s26] =	ssyncset.done $0x0  }
0x6f: {  	s7 =	sadd.s32 $0x0, s18;
	[sflag:s26] =	ssyncadd.s32 $0xFFFFD800  }
0x70: {  	[tilespmem:s11], [sflag:$0x9] =	stream.linear.gather [hbm4b:s7+s4], $0x50, $0x38;
	[tilespmem:$0x1C600] =	vst v63  }
0x71: {  	s12 =	simm.s32 $0x190  }
0x72: {  	[tilespmem:s13], [sflag:$0x3] =	stream.indirect.gather [hbm4b:s1+s0], $0x80, s12, s0, $0xb8;
	[tilespmem:$0x1C600] =	vst v63  }
0x73: {  	_ =	swait.ge [sflag:s14], $0x2800  }
0x74: {  	[sflag:s14] =	ssyncset.done $0x0  }
0x75: {  	[sflag:s14] =	ssyncadd.s32 $0xFFFFD800  }
0x76: {  	_ =	swait.ge [sflag:s15], $0x50  }
0x77: {  	[sflag:s15] =	ssyncset.done $0x0  }
0x78: {  	[sflag:s15] =	ssyncadd.s32 $0xFFFFFFB0  }
0x79: {  	[spmem:s2] =	stream.indirect.scatter.add.f32 [tilespmem:s6], [sflag:$0x5], $0x80, s5, s0, $0xb8;
	[tilespmem:$0x1C600] =	vst v63  }
0x7a: {  	_ =	swait.ge [sflag:s16], $0x2800  }
0x7b: {  	[sflag:s16] =	ssyncset.done $0x0  }
0x7c: {  	[sflag:s16] =	ssyncadd.s32 $0xFFFFD800  }
0x7d: {  	_ =	swait.ge [sflag:s17], $0x50  }
0x7e: {  	[sflag:s17] =	ssyncset.done $0x0  }
0x7f: {  	s29 =	simm.s32 $0x280;
	s10 =	simm.s32 $0x1E;
	[sflag:s17] =	ssyncadd.s32 $0xFFFFFFB0  }
.LBB2_2:
0x80: {  	[spmem:s2] =	stream.indirect.scatter.add.f32 [tilespmem:s13], [sflag:$0x6], $0x80, s11, s0, $0xb8;
	[tilespmem:$0x1C600] =	vst v63  }
0x81: {  	s12 =	smov.u32 s10  }
0x82: {  	p1 =	sne.s32 s10, $0x23A;
	s10 =	sadd.s32 $0x1E, s10;
	_ =	swait.ge [sflag:s24], $0x2800  }
0x83: {  	[sflag:s24] =	ssyncset.done $0x0  }
0x84: {  	s7 =	sadd.s32 s12, s20;
	[sflag:s24] =	ssyncadd.s32 $0xFFFFD800  }
0x85: {  	[tilespmem:s31], [sflag:$0x7] =	stream.linear.gather [hbm4b:s7+s4], $0x50, $0x38;
	[tilespmem:$0x1C600] =	vst v63  }
0x86: {  	s7 =	sadd.s32 $0xFFFFFF60, s29  }
0x87: {  	[tilespmem:s3], [sflag:$0x1] =	stream.indirect.gather [hbm4b:s1+s0], $0x80, s7, s0, $0xb8;
	[tilespmem:$0x1C600] =	vst v63  }
0x88: {  	_ =	swait.ge [sflag:s25], $0x2800  }
0x89: {  	[sflag:s25] =	ssyncset.done $0x0  }
0x8a: {  	s7 =	sadd.s32 s12, s19;
	[sflag:s25] =	ssyncadd.s32 $0xFFFFD800  }
0x8b: {  	[tilespmem:s5], [sflag:$0x8] =	stream.linear.gather [hbm4b:s7+s4], $0x50, $0x38;
	[tilespmem:$0x1C600] =	vst v63  }
0x8c: {  	s7 =	sadd.s32 $0xFFFFFFB0, s29  }
0x8d: {  	[tilespmem:s6], [sflag:$0x2] =	stream.indirect.gather [hbm4b:s1+s0], $0x80, s7, s0, $0xb8;
	[tilespmem:$0x1C600] =	vst v63  }
0x8e: {  	_ =	swait.ge [sflag:s8], $0x2800  }
0x8f: {  	[sflag:s8] =	ssyncset.done $0x0  }
0x90: {  	[sflag:s8] =	ssyncadd.s32 $0xFFFFD800  }
0x91: {  	_ =	swait.ge [sflag:s9], $0x50  }
0x92: {  	[sflag:s9] =	ssyncset.done $0x0  }
0x93: {  	[sflag:s9] =	ssyncadd.s32 $0xFFFFFFB0  }
0x94: {  	[spmem:s2] =	stream.indirect.scatter.add.f32 [tilespmem:s3], [sflag:$0x4], $0x80, s31, s0, $0xb8;
	[tilespmem:$0x1C600] =	vst v63  }
0x95: {  	_ =	swait.ge [sflag:s26], $0x2800  }
0x96: {  	[sflag:s26] =	ssyncset.done $0x0  }
0x97: {  	s7 =	sadd.s32 s12, s18;
	[sflag:s26] =	ssyncadd.s32 $0xFFFFD800  }
0x98: {  	[tilespmem:s11], [sflag:$0x9] =	stream.linear.gather [hbm4b:s7+s4], $0x50, $0x38;
	[tilespmem:$0x1C600] =	vst v63  }
0x99: {  	_ = 	snop  }
0x9a: {  	[tilespmem:s13], [sflag:$0x3] =	stream.indirect.gather [hbm4b:s1+s0], $0x80, s29, s0, $0xb8;
	[tilespmem:$0x1C600] =	vst v63  }
0x9b: {  	_ =	swait.ge [sflag:s14], $0x2800  }
0x9c: {  	[sflag:s14] =	ssyncset.done $0x0  }
0x9d: {  	[sflag:s14] =	ssyncadd.s32 $0xFFFFD800  }
0x9e: {  	_ =	swait.ge [sflag:s15], $0x50  }
0x9f: {  	[sflag:s15] =	ssyncset.done $0x0  }
0xa0: {  	[sflag:s15] =	ssyncadd.s32 $0xFFFFFFB0  }
0xa1: {  	[spmem:s2] =	stream.indirect.scatter.add.f32 [tilespmem:s6], [sflag:$0x5], $0x80, s5, s0, $0xb8;
	[tilespmem:$0x1C600] =	vst v63  }
0xa2: {  	_ =	swait.ge [sflag:s16], $0x2800  }
.Ltmp0:
0xa3: {  	[sflag:s16] =	ssyncset.done $0x0;
	(pc) =	sbr.rel @p1 .LBB2_2-.Ltmp0, $4  }
0xa4: {  	[sflag:s16] =	ssyncadd.s32 $0xFFFFD800  }
0xa5: {  	_ =	swait.ge [sflag:s17], $0x50  }
0xa6: {  	[sflag:s17] =	ssyncset.done $0x0  }
0xa7: {  	s29 =	sadd.s32 $0xF0, s29;
	[sflag:s17] =	ssyncadd.s32 $0xFFFFFFB0  }
0xa8: {  	[spmem:s2] =	stream.indirect.scatter.add.f32 [tilespmem:s13], [sflag:$0x6], $0x80, s11, s0, $0xb8;
	[tilespmem:$0x1C600] =	vst v63  }
0xa9: {  	s7 =	simm.s32 $0x0;
	s10 =	rddreg [dreg:$0xd]  }
0xaa: {  	[tilespmem:s7], [sflag:$0xA] =	stream.linear.gather [hbm4b:s10+s7], $0x1360, $0x38;
	[tilespmem:$0x1C600] =	vst v63  }
0xab: {  	_ =	swait.ge [sflag:s30], $0x1360  }
0xac: {  	[sflag:s30] =	ssyncset.done $0x0  }
0xad: {  	[sflag:s30] =	ssyncadd.s32 $0xFFFFECA0  }
0xae: {  	_ =	swait.ge [sflag:s24], $0x2800  }
0xaf: {  	[sflag:s24] =	ssyncset.done $0x0  }
0xb0: {  	s12 =	rddreg [dreg:$0xe];
	[sflag:s24] =	ssyncadd.s32 $0xFFFFD800  }
0xb1: {  	[tilespmem:s31], [sflag:$0x7] =	stream.linear.gather [hbm4b:s12+s7], $0x50, $0x38;
	[tilespmem:$0x1C600] =	vst v63  }
0xb2: {  	_ = 	snop  }
0xb3: {  	[tilespmem:s3], [sflag:$0x1] =	stream.indirect.gather [hbm4b:s1+s0], $0x80, s7, s0, $0xb8;
	[tilespmem:$0x1C600] =	vst v63  }
0xb4: {  	_ =	swait.ge [sflag:s25], $0x2800  }
0xb5: {  	[sflag:s25] =	ssyncset.done $0x0  }
0xb6: {  	s12 =	rddreg [dreg:$0x11];
	[sflag:s25] =	ssyncadd.s32 $0xFFFFD800  }
0xb7: {  	[tilespmem:s5], [sflag:$0x8] =	stream.linear.gather [hbm4b:s12+s7], $0x50, $0x38;
	[tilespmem:$0x1C600] =	vst v63  }
0xb8: {  	_ = 	snop  }
0xb9: {  	[tilespmem:s6], [sflag:$0x2] =	stream.indirect.gather [hbm4b:s1+s0], $0x80, s0, s0, $0xb8;
	[tilespmem:$0x1C600] =	vst v63  }
0xba: {  	_ =	swait.ge [sflag:s8], $0x2800  }
0xbb: {  	[sflag:s8] =	ssyncset.done $0x0  }
0xbc: {  	[sflag:s8] =	ssyncadd.s32 $0xFFFFD800  }
0xbd: {  	_ =	swait.ge [sflag:s9], $0x50  }
0xbe: {  	[sflag:s9] =	ssyncset.done $0x0  }
0xbf: {  	[sflag:s9] =	ssyncadd.s32 $0xFFFFFFB0  }
0xc0: {  	[spmem:s2] =	stream.indirect.scatter.add.f32 [tilespmem:s3], [sflag:$0x4], $0x80, s31, s0, $0xb8;
	[tilespmem:$0x1C600] =	vst v63  }
0xc1: {  	_ =	swait.ge [sflag:s26], $0x2800  }
0xc2: {  	[sflag:s26] =	ssyncset.done $0x0  }
0xc3: {  	s12 =	rddreg [dreg:$0x13];
	[sflag:s26] =	ssyncadd.s32 $0xFFFFD800  }
0xc4: {  	[tilespmem:s11], [sflag:$0x9] =	stream.linear.gather [hbm4b:s12+s7], $0x50, $0x38;
	[tilespmem:$0x1C600] =	vst v63  }
0xc5: {  	s12 =	simm.s32 $0xA0  }
0xc6: {  	[tilespmem:s13], [sflag:$0x3] =	stream.indirect.gather [hbm4b:s1+s0], $0x80, s12, s0, $0xb8;
	[tilespmem:$0x1C600] =	vst v63  }
0xc7: {  	_ =	swait.ge [sflag:s14], $0x2800  }
0xc8: {  	[sflag:s14] =	ssyncset.done $0x0  }
0xc9: {  	[sflag:s14] =	ssyncadd.s32 $0xFFFFD800  }
0xca: {  	_ =	swait.ge [sflag:s15], $0x50  }
0xcb: {  	[sflag:s15] =	ssyncset.done $0x0  }
0xcc: {  	[sflag:s15] =	ssyncadd.s32 $0xFFFFFFB0  }
0xcd: {  	[spmem:s2] =	stream.indirect.scatter.add.f32 [tilespmem:s6], [sflag:$0x5], $0x80, s5, s0, $0xb8;
	[tilespmem:$0x1C600] =	vst v63  }
0xce: {  	_ =	swait.ge [sflag:s16], $0x2800  }
0xcf: {  	[sflag:s16] =	ssyncset.done $0x0  }
0xd0: {  	[sflag:s16] =	ssyncadd.s32 $0xFFFFD800  }
0xd1: {  	_ =	swait.ge [sflag:s17], $0x50  }
0xd2: {  	[sflag:s17] =	ssyncset.done $0x0  }
0xd3: {  	[sflag:s17] =	ssyncadd.s32 $0xFFFFFFB0  }
0xd4: {  	[spmem:s2] =	stream.indirect.scatter.add.f32 [tilespmem:s13], [sflag:$0x6], $0x80, s11, s0, $0xb8;
	[tilespmem:$0x1C600] =	vst v63  }
0xd5: {  	_ =	swait.ge [sflag:s24], $0x2800  }
0xd6: {  	[sflag:s24] =	ssyncset.done $0x0  }
0xd7: {  	s10 =	sadd.s32 $0x0, s23;
	[sflag:s24] =	ssyncadd.s32 $0xFFFFD800  }
0xd8: {  	[tilespmem:s31], [sflag:$0x7] =	stream.linear.gather [hbm4b:s10+s4], $0x50, $0x38;
	[tilespmem:$0x1C600] =	vst v63  }
0xd9: {  	s12 =	simm.s32 $0xF0  }
0xda: {  	[tilespmem:s3], [sflag:$0x1] =	stream.indirect.gather [hbm4b:s1+s0], $0x80, s12, s0, $0xb8;
	[tilespmem:$0x1C600] =	vst v63  }
0xdb: {  	_ =	swait.ge [sflag:s25], $0x2800  }
0xdc: {  	[sflag:s25] =	ssyncset.done $0x0  }
0xdd: {  	s10 =	sadd.s32 $0x0, s22;
	[sflag:s25] =	ssyncadd.s32 $0xFFFFD800  }
0xde: {  	[tilespmem:s5], [sflag:$0x8] =	stream.linear.gather [hbm4b:s10+s4], $0x50, $0x38;
	[tilespmem:$0x1C600] =	vst v63  }
0xdf: {  	s12 =	simm.s32 $0x140  }
0xe0: {  	[tilespmem:s6], [sflag:$0x2] =	stream.indirect.gather [hbm4b:s1+s0], $0x80, s12, s0, $0xb8;
	[tilespmem:$0x1C600] =	vst v63  }
0xe1: {  	_ =	swait.ge [sflag:s8], $0x2800  }
0xe2: {  	[sflag:s8] =	ssyncset.done $0x0  }
0xe3: {  	[sflag:s8] =	ssyncadd.s32 $0xFFFFD800  }
0xe4: {  	_ =	swait.ge [sflag:s9], $0x50  }
0xe5: {  	[sflag:s9] =	ssyncset.done $0x0  }
0xe6: {  	[sflag:s9] =	ssyncadd.s32 $0xFFFFFFB0  }
0xe7: {  	[spmem:s2] =	stream.indirect.scatter.add.f32 [tilespmem:s3], [sflag:$0x4], $0x80, s31, s0, $0xb8;
	[tilespmem:$0x1C600] =	vst v63  }
0xe8: {  	_ =	swait.ge [sflag:s26], $0x2800  }
0xe9: {  	[sflag:s26] =	ssyncset.done $0x0  }
0xea: {  	s10 =	sadd.s32 $0x0, s21;
	[sflag:s26] =	ssyncadd.s32 $0xFFFFD800  }
0xeb: {  	[tilespmem:s11], [sflag:$0x9] =	stream.linear.gather [hbm4b:s10+s4], $0x50, $0x38;
	[tilespmem:$0x1C600] =	vst v63  }
0xec: {  	s12 =	simm.s32 $0x190  }
0xed: {  	[tilespmem:s13], [sflag:$0x3] =	stream.indirect.gather [hbm4b:s1+s0], $0x80, s12, s0, $0xb8;
	[tilespmem:$0x1C600] =	vst v63  }
0xee: {  	_ =	swait.ge [sflag:s14], $0x2800  }
0xef: {  	[sflag:s14] =	ssyncset.done $0x0  }
0xf0: {  	[sflag:s14] =	ssyncadd.s32 $0xFFFFD800  }
0xf1: {  	_ =	swait.ge [sflag:s15], $0x50  }
0xf2: {  	[sflag:s15] =	ssyncset.done $0x0  }
0xf3: {  	[sflag:s15] =	ssyncadd.s32 $0xFFFFFFB0  }
0xf4: {  	[spmem:s2] =	stream.indirect.scatter.add.f32 [tilespmem:s6], [sflag:$0x5], $0x80, s5, s0, $0xb8;
	[tilespmem:$0x1C600] =	vst v63  }
0xf5: {  	_ =	swait.ge [sflag:s16], $0x2800  }
0xf6: {  	[sflag:s16] =	ssyncset.done $0x0  }
0xf7: {  	[sflag:s16] =	ssyncadd.s32 $0xFFFFD800  }
0xf8: {  	_ =	swait.ge [sflag:s17], $0x50  }
0xf9: {  	[sflag:s17] =	ssyncset.done $0x0  }
0xfa: {  	s29 =	simm.s32 $0x280;
	s10 =	simm.s32 $0x1E;
	[sflag:s17] =	ssyncadd.s32 $0xFFFFFFB0  }
.LBB2_4:
0xfb: {  	[spmem:s2] =	stream.indirect.scatter.add.f32 [tilespmem:s13], [sflag:$0x6], $0x80, s11, s0, $0xb8;
	[tilespmem:$0x1C600] =	vst v63  }
0xfc: {  	s7 =	smov.u32 s10  }
0xfd: {  	p1 =	sne.s32 s10, $0x21C;
	s10 =	sadd.s32 $0x1E, s10;
	_ =	swait.ge [sflag:s24], $0x2800  }
0xfe: {  	[sflag:s24] =	ssyncset.done $0x0  }
0xff: {  	s12 =	sadd.s32 s7, s23;
	[sflag:s24] =	ssyncadd.s32 $0xFFFFD800  }
0x100: {  	[tilespmem:s31], [sflag:$0x7] =	stream.linear.gather [hbm4b:s12+s4], $0x50, $0x38;
	[tilespmem:$0x1C600] =	vst v63  }
0x101: {  	s12 =	sadd.s32 $0xFFFFFF60, s29  }
0x102: {  	[tilespmem:s3], [sflag:$0x1] =	stream.indirect.gather [hbm4b:s1+s0], $0x80, s12, s0, $0xb8;
	[tilespmem:$0x1C600] =	vst v63  }
0x103: {  	_ =	swait.ge [sflag:s25], $0x2800  }
0x104: {  	[sflag:s25] =	ssyncset.done $0x0  }
0x105: {  	s12 =	sadd.s32 s7, s22;
	[sflag:s25] =	ssyncadd.s32 $0xFFFFD800  }
0x106: {  	[tilespmem:s5], [sflag:$0x8] =	stream.linear.gather [hbm4b:s12+s4], $0x50, $0x38;
	[tilespmem:$0x1C600] =	vst v63  }
0x107: {  	s12 =	sadd.s32 $0xFFFFFFB0, s29  }
0x108: {  	[tilespmem:s6], [sflag:$0x2] =	stream.indirect.gather [hbm4b:s1+s0], $0x80, s12, s0, $0xb8;
	[tilespmem:$0x1C600] =	vst v63  }
0x109: {  	_ =	swait.ge [sflag:s8], $0x2800  }
0x10a: {  	[sflag:s8] =	ssyncset.done $0x0  }
0x10b: {  	[sflag:s8] =	ssyncadd.s32 $0xFFFFD800  }
0x10c: {  	_ =	swait.ge [sflag:s9], $0x50  }
0x10d: {  	[sflag:s9] =	ssyncset.done $0x0  }
0x10e: {  	[sflag:s9] =	ssyncadd.s32 $0xFFFFFFB0  }
0x10f: {  	[spmem:s2] =	stream.indirect.scatter.add.f32 [tilespmem:s3], [sflag:$0x4], $0x80, s31, s0, $0xb8;
	[tilespmem:$0x1C600] =	vst v63  }
0x110: {  	_ =	swait.ge [sflag:s26], $0x2800  }
0x111: {  	[sflag:s26] =	ssyncset.done $0x0  }
0x112: {  	s7 =	sadd.s32 s7, s21;
	[sflag:s26] =	ssyncadd.s32 $0xFFFFD800  }
0x113: {  	[tilespmem:s11], [sflag:$0x9] =	stream.linear.gather [hbm4b:s7+s4], $0x50, $0x38;
	[tilespmem:$0x1C600] =	vst v63  }
0x114: {  	_ = 	snop  }
0x115: {  	[tilespmem:s13], [sflag:$0x3] =	stream.indirect.gather [hbm4b:s1+s0], $0x80, s29, s0, $0xb8;
	[tilespmem:$0x1C600] =	vst v63  }
0x116: {  	_ =	swait.ge [sflag:s14], $0x2800  }
0x117: {  	[sflag:s14] =	ssyncset.done $0x0  }
0x118: {  	[sflag:s14] =	ssyncadd.s32 $0xFFFFD800  }
0x119: {  	_ =	swait.ge [sflag:s15], $0x50  }
0x11a: {  	[sflag:s15] =	ssyncset.done $0x0  }
0x11b: {  	[sflag:s15] =	ssyncadd.s32 $0xFFFFFFB0  }
0x11c: {  	[spmem:s2] =	stream.indirect.scatter.add.f32 [tilespmem:s6], [sflag:$0x5], $0x80, s5, s0, $0xb8;
	[tilespmem:$0x1C600] =	vst v63  }
0x11d: {  	_ =	swait.ge [sflag:s16], $0x2800  }
.Ltmp1:
0x11e: {  	[sflag:s16] =	ssyncset.done $0x0;
	(pc) =	sbr.rel @p1 .LBB2_4-.Ltmp1, $4  }
0x11f: {  	[sflag:s16] =	ssyncadd.s32 $0xFFFFD800  }
0x120: {  	_ =	swait.ge [sflag:s17], $0x50  }
0x121: {  	[sflag:s17] =	ssyncset.done $0x0  }
0x122: {  	s29 =	sadd.s32 $0xF0, s29;
	[sflag:s17] =	ssyncadd.s32 $0xFFFFFFB0  }
0x123: {  	[spmem:s2] =	stream.indirect.scatter.add.f32 [tilespmem:s13], [sflag:$0x6], $0x80, s11, s0, $0xb8;
	[tilespmem:$0x1C600] =	vst v63  }
0x124: {  	_ =	swait.ge [sflag:s24], $0x2800  }
0x125: {  	[sflag:s24] =	ssyncset.done $0x0  }
0x126: {  	s7 =	rddreg [dreg:$0x14];
	[sflag:s24] =	ssyncadd.s32 $0xFFFFD800  }
0x127: {  	[tilespmem:s31], [sflag:$0x7] =	stream.linear.gather [hbm4b:s7+s4], $0x50, $0x38;
	[tilespmem:$0x1C600] =	vst v63  }
0x128: {  	s10 =	simm.s32 $0x12C0  }
0x129: {  	[tilespmem:s3], [sflag:$0x1] =	stream.indirect.gather [hbm4b:s1+s0], $0x80, s10, s0, $0xb8;
	[tilespmem:$0x1C600] =	vst v63  }
0x12a: {  	_ =	swait.ge [sflag:s8], $0x2800  }
0x12b: {  	[sflag:s8] =	ssyncset.done $0x0  }
0x12c: {  	[sflag:s8] =	ssyncadd.s32 $0xFFFFD800  }
0x12d: {  	_ =	swait.ge [sflag:s9], $0x50  }
0x12e: {  	[sflag:s9] =	ssyncset.done $0x0  }
0x12f: {  	[sflag:s9] =	ssyncadd.s32 $0xFFFFFFB0  }
0x130: {  	[spmem:s2] =	stream.indirect.scatter.add.f32 [tilespmem:s3], [sflag:$0x4], $0x80, s31, s0, $0xb8;
	[tilespmem:$0x1C600] =	vst v63  }
0x131: {  	_ =	swait.ge [sflag:s25], $0x2800  }
0x132: {  	[sflag:s25] =	ssyncset.done $0x0  }
0x133: {  	s12 =	rddreg [dreg:$0x15];
	[sflag:s25] =	ssyncadd.s32 $0xFFFFD800  }
0x134: {  	[tilespmem:s5], [sflag:$0x8] =	stream.linear.gather [hbm4b:s12+s4], $0x50, $0x38;
	[tilespmem:$0x1C600] =	vst v63  }
0x135: {  	s10 =	simm.s32 $0x1310  }
0x136: {  	[tilespmem:s6], [sflag:$0x2] =	stream.indirect.gather [hbm4b:s1+s0], $0x80, s10, s0, $0xb8;
	[tilespmem:$0x1C600] =	vst v63  }
0x137: {  	_ =	swait.ge [sflag:s14], $0x2800  }
0x138: {  	[sflag:s14] =	ssyncset.done $0x0  }
0x139: {  	[sflag:s14] =	ssyncadd.s32 $0xFFFFD800  }
0x13a: {  	_ =	swait.ge [sflag:s15], $0x50  }
0x13b: {  	[sflag:s15] =	ssyncset.done $0x0  }
0x13c: {  	[sflag:s15] =	ssyncadd.s32 $0xFFFFFFB0  }
0x13d: {  	[spmem:s2] =	stream.indirect.scatter.add.f32 [tilespmem:s6], [sflag:$0x5], $0x80, s5, s0, $0xb8;
	[tilespmem:$0x1C600] =	vst v63  }
0x13e: {  	_ =	swait.ge [sflag:s24], $0x2800  }
0x13f: {  	[sflag:s24] =	ssyncset.done $0x0  }
0x140: {  	[sflag:s24] =	ssyncadd.s32 $0xFFFFD800  }
0x141: {  	_ =	swait.ge [sflag:s25], $0x2800  }
0x142: {  	[sflag:s25] =	ssyncset.done $0x0  }
0x143: {  	[sflag:s25] =	ssyncadd.s32 $0xFFFFD800  }
0x144: {  	_ =	swait.ge [sflag:s26], $0x2800  }
0x145: {  	[sflag:s26] =	ssyncset.done $0x0  }
0x146: {  	[sflag:s26] =	ssyncadd.s32 $0xFFFFD800  }
0x147: {  	[bflag:$0x0] =	sbarrier.arrive $0xFFFF  }
0x148: {  	s29 =	rddreg [dreg:$0x6]  }
0x149: {  	s12 =	rddreg [dreg:$0xf]  }
0x14a: {  	s10 =	rddreg [dreg:$0x16]  }
0x14b: {  	[hbm:s12], [sflag:s29] =	dma.local [spmem:s10], $0x1900  }
0x14c: {  	_ =	swait.ge [sflag:s30], $0x1900  }
0x14d: {  	[sflag:s30] =	ssyncset.done $0x0;
	s7 =	rddreg [dreg:$0x10]  }
0x14e: {  	s10 =	rddreg [dreg:$0x17];
	[sflag:s30] =	ssyncadd.s32 $0xFFFFE700  }
0x14f: {  	[hbm:s7], [sflag:s29] =	dma.local @!p0 [spmem:s10], $0xF00  }
0x150: {  	s7 =	simm.s32 @!p0 $0xA  }
0x151: {  	_ =	swait.ge @!p0 [sflag:s7], $0xF00  }
0x152: {  	s28 =	sadd.s32 $0x1, s28;
	s12 =	rddreg [dreg:$0x12]  }
0x153: {  	p1 =	sne.s32 s28, s12  }
.Ltmp2:
0x154: {  	_ = 	snop;
	(pc) =	sbr.rel @p1 .LBB2_1-.Ltmp2, $3  }
0x155: {  	_ =	sdelay $0x1  }
0x156: {  	[sflag:s7] =	ssyncset.done @!p0 $0x0  }
0x157: {  	[sflag:s7] =	ssyncadd.s32 @!p0 $0xFFFFF100  }
0x158: {  	_ =	sfence.sel $0x180000  }
0x159: {  	[bflag:$0x0] =	sbarrier.arrive $0xFFFF  }
0x15a: {  	_ =	strace $0x90000047  }
0x15b: {  	s0 =	stileid.u32;
	[bflag:$0x2] =	sbarrier.arrive $0xFFFF  }
0x15c: {  	p0 =	sne.s32 s0, $0x0;
	s0 =	rddreg [dreg:$0x3]  }
0x15d: {  	s0 =	sadd.s32 @!p0 $0x100000, s0  }
0x15e: {  	[sflag:s0] =	ssyncadd.tile.s32 @!p0 $0x1;
	_ =	shalt  }
.Lfunc_end2:
_tile_overlayer_lowered:
.L_overlay_start_2:
0x15f: {  	(tag) =	ssettag $0x2  }
0x160: {  	s0 =	rddreg [dreg:$0x0];
	s2 =	stileid.u32  }
0x161: {  	s1 =	rddreg [dreg:$0x1];
	p0 =	sne.s32 s2, $0x0  }
0x162: {  	s3 =	rddreg [dreg:$0x2];
	[bflag:$0x3] =	sbarrier.arrive $0xFFFF;
	s2 =	simm.s32 @!p0 $0x1C0A  }
0x163: {  	[timem:s3], [sflag:s2] =	dma.local @!p0 [hbm:s0], s1  }
0x164: {  	s0 =	simm.s32 @!p0 $0xA  }
0x165: {  	_ =	swait.ge @!p0 [sflag:s0], s1  }
0x166: {  	s1 =	ssub.s32 @!p0 $0x0, s1;
	[sflag:s0] =	ssyncset.done @!p0 $0x0  }
0x167: {  	[sflag:s0] =	ssyncadd.s32 @!p0 s1  }
0x168: {  	[bflag:$0x3] =	sbarrier.arrive $0xFFFF  }
0x169: {  	_ =	shalt  }

// kernel: segsum_sc.7.cloned.1.call-start
scs
__scs_entry_jumppad:
0x0: {  	(pc) =	sbr.rel $0x88, $3  }
0x1: {  	(tag) =	ssettag $0x0;
	lr =	simm.s32 $0x1  }
0x2: {  	[smem:$0x3F8E] =	sst lr;
	_ =	strace $0xD0000000  }
0x3: {  	_ = 	snop  }
0x4: {  	_ = 	snop  }
0x5: {  	_ = 	snop  }
0x6: {  	_ = 	snop  }
0x7: {  	_ = 	snop  }
__scs_overlays_trampoline_lowered:
0x8: {  	[smem:$0x3F9D] =	sst s0  }
0x9: {  	[smem:$0x3F9E] =	sst s1  }
0xa: {  	[smem:$0x3F9F] =	sst s2  }
0xb: {  	[smem:$0x3FA0] =	sst s3  }
0xc: {  	[smem:$0x3FA1] =	sst s4  }
0xd: {  	[smem:$0x3FA2] =	sst s5  }
0xe: {  	[smem:$0x3FA3] =	sst s6  }
0xf: {  	[smem:$0x3FA4] =	sst s7  }
0x10: {  	[smem:$0x3FA5] =	sst s8  }
0x11: {  	[smem:$0x3FA6] =	sst s9;
	s0 =	simm.s32 @!p0 $0x0  }
0x12: {  	s1 =	sld [smem:$0x3F8C];
	s0 =	simm.s32 @p0 $0x1  }
0x13: {  	[smem:$0x3FA7] =	sst s0;
	s0 =	simm.s32 @!p1 $0x0  }
0x14: {  	s2 =	sld [smem:$0x3F8B];
	s0 =	simm.s32 @p1 $0x1  }
0x15: {  	[smem:$0x3FA8] =	sst s0;
	s0 =	simm.s32 @!p2 $0x0  }
0x16: {  	s3 =	sld [smem:$0x3FDB];
	s0 =	simm.s32 @p2 $0x1  }
0x17: {  	s4 =	simm.s32 $0x1BF5;
	[smem:$0x3FAA] =	sst s0  }
0x18: {  	s0 =	sld [smem:$0x3F8D];
	_ =	swait.ge [sflag:s4], $0x0  }
0x19: {  	s7 =	sld [smem:$0x3F8E]  }
0x1a: {  	s8 =	sadd.s32 $0xFFFFE003, lr  }
0x1b: {  	s9 =	sadd.s32 $0xFFFFFEF7, lr;
	s5 =	simm.s32 $0xFFFFFFFF;
	p2 =	slt.u32 s8, $0xFFFFF086  }
0x1c: {  	p1 =	slt.u32 s9, $0xF7A;
	s5 =	simm.s32 @!p2 $0x0  }
0x1d: {  	s5 =	simm.s32 @p1 $0x1;
	p0 =	seq.s32 s7, s2  }
0x1e: {  	s7 =	smul.u32 @!p0 $0xF7A, s2;
	p2 =	seq.s32 @!p0 s5, $0x0  }
0x1f: {  	s9 =	smul.u32 $0xF7A, s1;
	s8 =	simm.s32 @!p0 $0x1BF5;
	p2 =	por !p2, p0  }
0x20: {  	[sflag:s8] =	ssyncset.s32 @!p0 $0xFFFFF086;
	s6 =	sadd.s32 @!p0 s3, s7;
	s7 =	simm.s32 @!p0 $0x108  }
0x21: {  	s3 =	sadd.s32 s3, s9;
	s6 =	sadd.s32 @!p0 $0x88, s6;
	s7 =	simm.s32 @p2 $0x1082  }
0x22: {  	[simem:s7], [sflag:s8] =	dma.local @!p0 [hbm:s6], $0xF7A  }
0x23: {  	s9 =	sor.u32 $0xD0000000, s2;
	s6 =	simm.s32 $0x108;
	_ =	swait.ge @!p0 [sflag:s8], $0x0  }
0x24: {  	s3 =	sadd.s32 $0x88, s3;
	s6 =	simm.s32 @!p1 $0x1082;
	[sflag:s4] =	ssyncset.s32 $0xFFFFF086  }
0x25: {  	[simem:s6], [sflag:s4] =	dma.local [hbm:s3], $0xF7A  }
0x26: {  	[smem:$0x3F8E] =	sst s1;
	(tag) =	ssettag s2;
	_ =	strace s9  }
0x27: {  	s1 =	sld [smem:$0x3F9E]  }
0x28: {  	s2 =	sld [smem:$0x3F9F]  }
0x29: {  	s4 =	sld [smem:$0x3FA1]  }
0x2a: {  	p0 =	seq.s32 s5, $0x0;
	s5 =	sld [smem:$0x3FA2]  }
0x2b: {  	s6 =	sld [smem:$0x3FA3]  }
0x2c: {  	s7 =	sld [smem:$0x3FA4]  }
0x2d: {  	s3 =	simm.s32 $0x108;
	s8 =	sld [smem:$0x3FA5]  }
0x2e: {  	s3 =	simm.s32 @!p0 $0x1082;
	s9 =	sld [smem:$0x3FA6]  }
0x2f: {  	lr =	sadd.s32 s0, s3;
	s0 =	sld [smem:$0x3F9D]  }
0x30: {  	s3 =	sld [smem:$0x3FA0]  }
0x31: {  	[smem:$0x3FA9] =	sst s10  }
0x32: {  	s10 =	sld [smem:$0x3FA7];
	_ =	sdelay $0x3  }
0x33: {  	p0 =	seq.s32 s10, $0x1;
	s10 =	sld [smem:$0x3FA9];
	_ =	sdelay $0x3  }
0x34: {  	[smem:$0x3FA9] =	sst s10  }
0x35: {  	s10 =	sld [smem:$0x3FA8];
	_ =	sdelay $0x3  }
0x36: {  	p1 =	seq.s32 s10, $0x1;
	s10 =	sld [smem:$0x3FA9];
	_ =	sdelay $0x3  }
0x37: {  	[smem:$0x3FA9] =	sst s10  }
0x38: {  	s10 =	sld [smem:$0x3FAA]  }
0x39: {  	_ = 	snop;
	(pc) =	sbr.ind lr, $3  }
0x3a: {  	_ = 	snop  }
0x3b: {  	_ = 	snop  }
0x3c: {  	p2 =	seq.s32 s10, $0x1;
	s10 =	sld [smem:$0x3FA9]  }
0x3d: {  	_ =	shalt  }
0x3e: {  	_ =	shalt  }
0x3f: {  	_ =	shalt  }
0x40: {  	_ =	shalt  }
0x41: {  	_ =	shalt  }
0x42: {  	_ =	shalt  }
0x43: {  	_ =	shalt  }
0x44: {  	_ =	shalt  }
0x45: {  	_ =	shalt  }
0x46: {  	_ =	shalt  }
0x47: {  	_ =	shalt  }
0x48: {  	_ =	shalt  }
0x49: {  	_ =	shalt  }
0x4a: {  	_ =	shalt  }
0x4b: {  	_ =	shalt  }
0x4c: {  	_ =	shalt  }
0x4d: {  	_ =	shalt  }
0x4e: {  	_ =	shalt  }
0x4f: {  	_ =	shalt  }
0x50: {  	_ =	shalt  }
0x51: {  	_ =	shalt  }
0x52: {  	_ =	shalt  }
0x53: {  	_ =	shalt  }
0x54: {  	_ =	shalt  }
0x55: {  	_ =	shalt  }
0x56: {  	_ =	shalt  }
0x57: {  	_ =	shalt  }
0x58: {  	_ =	shalt  }
0x59: {  	_ =	shalt  }
0x5a: {  	_ =	shalt  }
0x5b: {  	_ =	shalt  }
0x5c: {  	_ =	shalt  }
0x5d: {  	_ =	shalt  }
0x5e: {  	_ =	shalt  }
0x5f: {  	_ =	shalt  }
0x60: {  	_ =	shalt  }
0x61: {  	_ =	shalt  }
0x62: {  	_ =	shalt  }
0x63: {  	_ =	shalt  }
0x64: {  	_ =	shalt  }
0x65: {  	_ =	shalt  }
0x66: {  	_ =	shalt  }
0x67: {  	_ =	shalt  }
0x68: {  	_ =	shalt  }
0x69: {  	_ =	shalt  }
0x6a: {  	_ =	shalt  }
0x6b: {  	_ =	shalt  }
0x6c: {  	_ =	shalt  }
0x6d: {  	_ =	shalt  }
0x6e: {  	_ =	shalt  }
0x6f: {  	_ =	shalt  }
0x70: {  	_ =	shalt  }
0x71: {  	_ =	shalt  }
0x72: {  	_ =	shalt  }
0x73: {  	_ =	shalt  }
0x74: {  	_ =	shalt  }
0x75: {  	_ =	shalt  }
0x76: {  	_ =	shalt  }
0x77: {  	_ =	shalt  }
0x78: {  	_ =	shalt  }
0x79: {  	_ =	shalt  }
0x7a: {  	_ =	shalt  }
0x7b: {  	_ =	shalt  }
0x7c: {  	_ =	shalt  }
0x7d: {  	_ =	shalt  }
0x7e: {  	_ =	shalt  }
0x7f: {  	_ =	shalt  }
0x80: {  	_ =	shalt  }
0x81: {  	_ =	shalt  }
0x82: {  	_ =	shalt  }
0x83: {  	_ =	shalt  }
0x84: {  	_ =	shalt  }
0x85: {  	_ =	shalt  }
0x86: {  	_ =	shalt  }
0x87: {  	_ =	shalt  }
.Lfunc_end0:
.L_simem_size_0:
called_computation.1_lowered:
.L_overlay_start_0:
0x88: {  	s2 =	sld [smem:$0x3FD9]  }
0x89: {  	s3 =	sld [smem:$0x3FFE];
	_ =	sdelay $0x1  }
0x8a: {  	s1 =	srdreg.scid  }
0x8b: {  	s0 =	sand.u32 $0x1, s1  }
0x8c: {  	s16 =	sshll.u32 s0, $0xA;
	s2 =	sadd.s32 s3, s2  }
0x8d: {  	s2 =	sadd.s32 s2, s16  }
0x8e: {  	[smem:$0x3FB5] =	sst s2  }
0x8f: {  	_ = 	snop  }
0x90: {  	(tm) =	ssettm $0x1  }
0x91: {  	s17 =	sld [smem:$0x3FFB];
	_ =	sdelay $0x3  }
0x92: {  	_ =	strace s17  }
0x93: {  	s2 =	sld [smem:$0x3FFC];
	_ =	sdelay $0x3  }
0x94: {  	_ =	strace s2  }
0x95: {  	s2 =	sld [smem:$0x3FFD];
	_ =	sdelay $0x3  }
0x96: {  	_ =	strace s2  }
0x97: {  	_ =	strace $0x8FFFFFFF  }
0x98: {  	s18 =	sld [smem:$0x3FDB];
	_ =	sdelay $0x1  }
0x99: {  	s19 =	simm.s32 $_scs_section_size  }
0x9a: {  	s4 =	simm.s32 $_size__tile_overlayer_lowered;
	s5 =	simm.s32 $_tile_overlayer_lowered  }
0x9b: {  	s22 =	simm.s32 $0x1BFF;
	s21 =	sshll.u32 s5, $0x1;
	s2 =	sadd.s32 s19, s18  }
0x9c: {  	s6 =	simm.s32 $0x0;
	s20 =	sshll.u32 s4, $0x1;
	s4 =	sadd.s32 s21, s2  }
0x9d: {  	[timem:s6], [sflag:s22] =	dma.local [hbm:s4], s20  }
0x9e: {  	_ =	swait.ge [sflag:s22], s20  }
0x9f: {  	s3 =	ssub.s32 $0x0, s20;
	[sflag:s22] =	ssyncset.done $0x0  }
0xa0: {  	[sflag:s22] =	ssyncadd.s32 s3;
	_ =	sdelay $0x1  }
0xa1: {  	s23 =	simm.s32 $0x1B8B  }
0xa2: {  	_ =	swait.ge [sflag:s23], $0x1  }
0xa3: {  	[sflag:s23] =	ssyncset.done $0x0  }
0xa4: {  	s25 =	simm.s32 $0x1B8E;
	s24 =	sld [smem:$0x3FFE];
	[sflag:s23] =	ssyncadd.s32 $0xFFFFFFFF  }
0xa5: {  	s26 =	simm.s32 $execute0_lowered;
	[smem:$0x3FD2] =	sst s25  }
0xa6: {  	s4 =	sshll.u32 s26, $0x1;
	_ =	strace $0x80000049;
	[dreg:$0x1] =	wrdreg $0xFFFFFFFF  }
0xa7: {  	s28 =	simm.s32 $_size_execute0_lowered;
	s2 =	sadd.s32 s2, s4;
	[dreg:$0x0] =	wrdreg $0x0  }
0xa8: {  	s4 =	sshll.u32 s28, $0x1;
	[dreg:$0x2] =	wrdreg s2  }
0xa9: {  	[dreg:$0x3] =	wrdreg s4  }
0xaa: {  	[dreg:$0x4] =	wrdreg $0xC0  }
0xab: {  	_ =	task [dreg:s6], $0x5FFFF  }
0xac: {  	[dreg:$0x1] =	wrdreg $0xFFFFFFFF  }
0xad: {  	[dreg:$0x0] =	wrdreg $0x60  }
0xae: {  	[dreg:$0x2] =	wrdreg s24  }
0xaf: {  	[dreg:$0x3] =	wrdreg $0x8D800  }
0xb0: {  	[dreg:$0x4] =	wrdreg $0x9  }
0xb1: {  	_ =	task.clear_ibuf [dreg:s6], $0x5FFFF;
	_ =	strace $0x90000049  }
0xb2: {  	s29 =	simm.s32 $0x9;
	_ =	strace $0x8000004B  }
0xb3: {  	_ =	swait.ge [sflag:s29], $0x1  }
0xb4: {  	[sflag:s29] =	ssyncadd.s32 $0xFFFFFFFF  }
0xb5: {  	_ =	strace $0x9000004B  }
0xb6: {  	_ =	sfence  }
0xb7: {  	s30 =	sld [smem:$0x0];
	_ =	sdelay $0x2  }
0xb8: {  	s31 =	sshll.u32 s1, $0xD;
	s1 =	sshrl.u32 s1, $0x2  }
0xb9: {  	s3 =	sand.u32 $0x4000, s31;
	s1 =	sadd.s32 s1, s30  }
0xba: {  	s0 =	sor.u32 s3, s0;
	s1 =	sshll.u32 s1, $0x11  }
0xbb: {  	s0 =	sor.u32 s1, s0  }
0xbc: {  	s0 =	sadd.s32 $0x8F2B, s0  }
0xbd: {  	[sflag:s0] =	ssyncadd.remote.s32 $0x1  }
0xbe: {  	_ =	sfence.sel $0xFFFF  }
0xbf: {  	[dreg:$0x0] =	wrdreg $0xFFFFFFFF;
	(pc) =	sbr.abs _section_cstart, $3  }
0xc0: {  	[dreg:$0x1] =	wrdreg $0xFFFFFFFF  }
0xc1: {  	_ =	task.clear_ibuf [dreg:s6], $0x2FFFF;
	_ =	strace $0x9FFFFFFF  }
0xc2: {  	(tm) =	ssettm $0x7FFFFFFF  }
0xc3: {  	_ =	shalt  }
tec
execute0_lowered:
.L_overlay_start_1:
0x0: {  	(tag) =	ssettag $0x1  }
0x1: {  	s0 =	rddreg [dreg:$0x0]  }
0x2: {  	s1 =	rddreg [dreg:$0x1];
	s2 =	simm.s32 $0x0  }
0x3: {  	s3 =	srdreg.scid;
	s12 =	stileid.u32;
	s30 =	simm.s32 $0xA  }
0x4: {  	s31 =	simm.s32 $0x1400;
	s28 =	simm.s32 $0x0;
	s7 =	smul.u32 $0x50000, s12  }
0x5: {  	[smem:$0x7FF] =	sst s2;
	s3 =	sand.u32 $0x1, s3;
	s9 =	smul.u32 $0x14000, s12  }
0x6: {  	s4 =	sadd.s32 $0x17400, s0;
	s8 =	sadd.s32 $0x3A00, s0;
	s10 =	smul.u32 $0x280, s12  }
0x7: {  	s0 =	sadd.s32 $0x3E600, s0;
	s11 =	sshll.u32 s12, $0x6;
	s25 =	smul.u32 $0x2710, s12  }
0x8: {  	p0 =	seq.s32 s12, $0xF;
	_ =	strace $0x8000004A;
	s5 =	ssub.s32 $0x2, s3  }
0x9: {  	s16 =	sshll.u32 s3, $0x4;
	s29 =	sor.u32 $0x1C0A, s11;
	s22 =	smul.u32 $0x138800, s3  }
0xa: {  	s3 =	smul.u32 $0x27100, s3;
	s6 =	sshrl.u32 s5, $0x1;
	s7 =	sshrl.u32 s7, $0x2  }
0xb: {  	s17 =	sshrl.u32 s9, $0x3;
	s10 =	sadd.s32 $0x190, s10;
	[dreg:$0x5] =	wrdreg s29  }
0xc: {  	s5 =	ssub.s32 s5, s6;
	s6 =	sor.u32 s12, s16;
	s7 =	sadd.s32 s7, s1  }
0xd: {  	s18 =	sshll.u32 s10, $0x7;
	s10 =	sshll.u32 s10, $0x4;
	s9 =	sadd.s32 s9, s22  }
0xe: {  	[dreg:$0x3] =	wrdreg s7;
	s6 =	smul.u32 $0x2710, s6;
	s7 =	sadd.s32 s4, s17  }
0xf: {  	s19 =	sadd.s32 s18, s1;
	s20 =	sadd.s32 s4, s10;
	[dreg:$0x4] =	wrdreg s7  }
0x10: {  	s9 =	sshrl.u32 s9, $0x3;
	s10 =	sadd.s32 s25, s3;
	[dreg:$0x6] =	wrdreg s19  }
0x11: {  	s17 =	smax.u32 s5, $0x1;
	s5 =	simm.s32 $0x1480;
	[dreg:$0x7] =	wrdreg s20  }
0x12: {  	s9 =	sadd.s32 s0, s9;
	s3 =	sadd.s32 $0x4E390, s10;
	s11 =	sadd.s32 $0x4E340, s10  }
0x13: {  	s13 =	sadd.s32 $0x4E2F0, s10;
	s14 =	sadd.s32 $0x4F740, s10;
	s15 =	sadd.s32 $0x4F6F0, s10  }
0x14: {  	[dreg:$0x11] =	wrdreg s17;
	s17 =	simm.s32 $0x9;
	s6 =	sshrl.u32 s6, $0x3  }
0x15: {  	[dreg:$0xe] =	wrdreg s9;
	s3 =	sshrl.u32 s3, $0x3;
	s7 =	sadd.s32 s8, s6  }
0x16: {  	s9 =	sshrl.u32 s13, $0x3;
	s6 =	sadd.s32 $0x9C40, s7;
	[dreg:$0x8] =	wrdreg s7  }
0x17: {  	s13 =	simm.s32 $0x6580;
	s21 =	sadd.s32 $0x9C4A, s7;
	[dreg:$0x9] =	wrdreg s6  }
0x18: {  	s20 =	sadd.s32 s9, s8;
	s23 =	sadd.s32 $0x9C54, s7;
	[dreg:$0xa] =	wrdreg s21  }
0x19: {  	s9 =	simm.s32 $0x7;
	s24 =	sadd.s32 $0x276, s7;
	[dreg:$0xb] =	wrdreg s23  }
0x1a: {  	s26 =	sadd.s32 $0x9EB6, s7;
	s16 =	sadd.s32 $0x9EC0, s7;
	[dreg:$0xc] =	wrdreg s24  }
0x1b: {  	s25 =	sadd.s32 $0xA10E, s7;
	s6 =	sadd.s32 s22, s18;
	[dreg:$0xd] =	wrdreg s26  }
0x1c: {  	s18 =	sadd.s32 s3, s8;
	s3 =	sshrl.u32 s14, $0x3;
	[dreg:$0x10] =	wrdreg s16  }
0x1d: {  	s24 =	sadd.s32 $0x9ECA, s7;
	[dreg:$0x13] =	wrdreg s25;
	s26 =	sadd.s32 $0xA118, s7  }
0x1e: {  	s14 =	simm.s32 $0x2;
	s16 =	simm.s32 $0x3;
	s25 =	simm.s32 $0x5  }
0x1f: {  	s6 =	sshrl.u32 s6, $0x3;
	s21 =	sadd.s32 s3, s8;
	[dreg:$0x12] =	wrdreg s24  }
0x20: {  	[dreg:$0x14] =	wrdreg s26;
	s3 =	simm.s32 $0x1580;
	s24 =	simm.s32 $0x4  }
0x21: {  	s26 =	simm.s32 $0x6;
	s0 =	sadd.s32 s0, s6;
	s6 =	sshrl.u32 s11, $0x3  }
0x22: {  	s11 =	simm.s32 $0x1500;
	[dreg:$0xf] =	wrdreg s0;
	s19 =	sadd.s32 s6, s8  }
0x23: {  	s0 =	sadd.s32 $0x4F6A0, s10;
	s6 =	sshrl.u32 s15, $0x3;
	s15 =	simm.s32 $0x8  }
0x24: {  	s0 =	sshrl.u32 s0, $0x3;
	s22 =	sadd.s32 s6, s8;
	s6 =	simm.s32 $0x3D80  }
0x25: {  	s23 =	sadd.s32 s0, s8;
	s0 =	simm.s32 $0x50;
	s8 =	simm.s32 $0x1  }
.LBB2_1:
0x26: {  	s7 =	rddreg [dreg:$0x3]  }
0x27: {  	s12 =	rddreg [dreg:$0x4];
	s10 =	sshrl.u32 s7, $0x3  }
0x28: {  	[dreg:$0x15] =	wrdreg s10  }
0x29: {  	[spmem:s10], [sflag:s29] =	dma.local [hbm:s12], $0x1900  }
0x2a: {  	_ =	swait.ge [sflag:s30], $0x1900  }
0x2b: {  	s7 =	rddreg [dreg:$0x6]  }
0x2c: {  	[sflag:s30] =	ssyncset.done $0x0;
	s10 =	sshrl.u32 @!p0 s7, $0x3;
	s7 =	rddreg [dreg:$0x7]  }
0x2d: {  	[sflag:s30] =	ssyncadd.s32 $0xFFFFE700;
	[dreg:$0x16] =	wrdreg s10  }
0x2e: {  	[spmem:s10], [sflag:s29] =	dma.local @!p0 [hbm:s7], $0xF00  }
0x2f: {  	s10 =	simm.s32 @!p0 $0xA  }
0x30: {  	_ =	swait.ge @!p0 [sflag:s10], $0xF00  }
0x31: {  	[sflag:s10] =	ssyncset.done @!p0 $0x0  }
0x32: {  	[sflag:s10] =	ssyncadd.s32 @!p0 $0xFFFFF100  }
0x33: {  	[bflag:$0x0] =	sbarrier.arrive $0xFFFF  }
0x34: {  	s12 =	rddreg [dreg:$0x8]  }
0x35: {  	[tilespmem:s2], [sflag:$0xA] =	stream.linear.gather [hbm4b:s12+s2], $0x13B0, $0x38;
	[tilespmem:$0x1C600] =	vst v63  }
0x36: {  	_ =	swait.ge [sflag:s30], $0x13B0  }
0x37: {  	[sflag:s30] =	ssyncset.done $0x0  }
0x38: {  	s10 =	rddreg [dreg:$0x9];
	[sflag:s30] =	ssyncadd.s32 $0xFFFFEC50  }
0x39: {  	[tilespmem:s31], [sflag:$0x7] =	stream.linear.gather [hbm4b:s10+s2], $0x50, $0x38;
	[tilespmem:$0x1C600] =	vst v63  }
0x3a: {  	_ = 	snop  }
0x3b: {  	[tilespmem:s3], [sflag:$0x1] =	stream.indirect.gather [hbm4b:s4+s0], $0x80, s2, s0, $0xb8;
	[tilespmem:$0x1C600] =	vst v63  }
0x3c: {  	s12 =	rddreg [dreg:$0xa]  }
0x3d: {  	[tilespmem:s5], [sflag:$0x8] =	stream.linear.gather [hbm4b:s12+s2], $0x50, $0x38;
	[tilespmem:$0x1C600] =	vst v63  }
0x3e: {  	_ = 	snop  }
0x3f: {  	[tilespmem:s6], [sflag:$0x2] =	stream.indirect.gather [hbm4b:s4+s0], $0x80, s0, s0, $0xb8;
	[tilespmem:$0x1C600] =	vst v63  }
0x40: {  	_ =	swait.ge [sflag:s8], $0x2800  }
0x41: {  	[sflag:s8] =	ssyncset.done $0x0  }
0x42: {  	[sflag:s8] =	ssyncadd.s32 $0xFFFFD800  }
0x43: {  	_ =	swait.ge [sflag:s9], $0x50  }
0x44: {  	[sflag:s9] =	ssyncset.done $0x0  }
0x45: {  	[sflag:s9] =	ssyncadd.s32 $0xFFFFFFB0  }
0x46: {  	[spmem:s1] =	stream.indirect.scatter.add.f32 [tilespmem:s3], [sflag:$0x4], $0x80, s31, s0, $0xb8;
	[tilespmem:$0x1C600] =	vst v63  }
0x47: {  	s10 =	rddreg [dreg:$0xb]  }
0x48: {  	[tilespmem:s11], [sflag:$0x9] =	stream.linear.gather [hbm4b:s10+s2], $0x50, $0x38;
	[tilespmem:$0x1C600] =	vst v63  }
0x49: {  	s12 =	simm.s32 $0xA0  }
0x4a: {  	[tilespmem:s13], [sflag:$0x3] =	stream.indirect.gather [hbm4b:s4+s0], $0x80, s12, s0, $0xb8;
	[tilespmem:$0x1C600] =	vst v63  }
0x4b: {  	_ =	swait.ge [sflag:s14], $0x2800  }
0x4c: {  	[sflag:s14] =	ssyncset.done $0x0  }
0x4d: {  	[sflag:s14] =	ssyncadd.s32 $0xFFFFD800  }
0x4e: {  	_ =	swait.ge [sflag:s15], $0x50  }
0x4f: {  	[sflag:s15] =	ssyncset.done $0x0  }
0x50: {  	[sflag:s15] =	ssyncadd.s32 $0xFFFFFFB0  }
0x51: {  	[spmem:s1] =	stream.indirect.scatter.add.f32 [tilespmem:s6], [sflag:$0x5], $0x80, s5, s0, $0xb8;
	[tilespmem:$0x1C600] =	vst v63  }
0x52: {  	_ =	swait.ge [sflag:s16], $0x2800  }
0x53: {  	[sflag:s16] =	ssyncset.done $0x0  }
0x54: {  	[sflag:s16] =	ssyncadd.s32 $0xFFFFD800  }
0x55: {  	_ =	swait.ge [sflag:s17], $0x50  }
0x56: {  	[sflag:s17] =	ssyncset.done $0x0  }
0x57: {  	[sflag:s17] =	ssyncadd.s32 $0xFFFFFFB0  }
0x58: {  	[spmem:s1] =	stream.indirect.scatter.add.f32 [tilespmem:s13], [sflag:$0x6], $0x80, s11, s0, $0xb8;
	[tilespmem:$0x1C600] =	vst v63  }
0x59: {  	_ =	swait.ge [sflag:s24], $0x2800  }
0x5a: {  	[sflag:s24] =	ssyncset.done $0x0  }
0x5b: {  	s7 =	sadd.s32 $0x0, s20;
	[sflag:s24] =	ssyncadd.s32 $0xFFFFD800  }
0x5c: {  	[tilespmem:s31], [sflag:$0x7] =	stream.linear.gather [hbm4b:s7+s2], $0x50, $0x38;
	[tilespmem:$0x1C600] =	vst v63  }
0x5d: {  	s12 =	simm.s32 $0xF0  }
0x5e: {  	[tilespmem:s3], [sflag:$0x1] =	stream.indirect.gather [hbm4b:s4+s0], $0x80, s12, s0, $0xb8;
	[tilespmem:$0x1C600] =	vst v63  }
0x5f: {  	_ =	swait.ge [sflag:s25], $0x2800  }
0x60: {  	[sflag:s25] =	ssyncset.done $0x0  }
0x61: {  	s7 =	sadd.s32 $0x0, s19;
	[sflag:s25] =	ssyncadd.s32 $0xFFFFD800  }
0x62: {  	[tilespmem:s5], [sflag:$0x8] =	stream.linear.gather [hbm4b:s7+s2], $0x50, $0x38;
	[tilespmem:$0x1C600] =	vst v63  }
0x63: {  	s12 =	simm.s32 $0x140  }
0x64: {  	[tilespmem:s6], [sflag:$0x2] =	stream.indirect.gather [hbm4b:s4+s0], $0x80, s12, s0, $0xb8;
	[tilespmem:$0x1C600] =	vst v63  }
0x65: {  	_ =	swait.ge [sflag:s8], $0x2800  }
0x66: {  	[sflag:s8] =	ssyncset.done $0x0  }
0x67: {  	[sflag:s8] =	ssyncadd.s32 $0xFFFFD800  }
0x68: {  	_ =	swait.ge [sflag:s9], $0x50  }
0x69: {  	[sflag:s9] =	ssyncset.done $0x0  }
0x6a: {  	[sflag:s9] =	ssyncadd.s32 $0xFFFFFFB0  }
0x6b: {  	[spmem:s1] =	stream.indirect.scatter.add.f32 [tilespmem:s3], [sflag:$0x4], $0x80, s31, s0, $0xb8;
	[tilespmem:$0x1C600] =	vst v63  }
0x6c: {  	_ =	swait.ge [sflag:s26], $0x2800  }
0x6d: {  	[sflag:s26] =	ssyncset.done $0x0  }
0x6e: {  	s7 =	sadd.s32 $0x0, s18;
	[sflag:s26] =	ssyncadd.s32 $0xFFFFD800  }
0x6f: {  	[tilespmem:s11], [sflag:$0x9] =	stream.linear.gather [hbm4b:s7+s2], $0x50, $0x38;
	[tilespmem:$0x1C600] =	vst v63  }
0x70: {  	s12 =	simm.s32 $0x190  }
0x71: {  	[tilespmem:s13], [sflag:$0x3] =	stream.indirect.gather [hbm4b:s4+s0], $0x80, s12, s0, $0xb8;
	[tilespmem:$0x1C600] =	vst v63  }
0x72: {  	_ =	swait.ge [sflag:s14], $0x2800  }
0x73: {  	[sflag:s14] =	ssyncset.done $0x0  }
0x74: {  	[sflag:s14] =	ssyncadd.s32 $0xFFFFD800  }
0x75: {  	_ =	swait.ge [sflag:s15], $0x50  }
0x76: {  	[sflag:s15] =	ssyncset.done $0x0  }
0x77: {  	[sflag:s15] =	ssyncadd.s32 $0xFFFFFFB0  }
0x78: {  	[spmem:s1] =	stream.indirect.scatter.add.f32 [tilespmem:s6], [sflag:$0x5], $0x80, s5, s0, $0xb8;
	[tilespmem:$0x1C600] =	vst v63  }
0x79: {  	_ =	swait.ge [sflag:s16], $0x2800  }
0x7a: {  	[sflag:s16] =	ssyncset.done $0x0  }
0x7b: {  	[sflag:s16] =	ssyncadd.s32 $0xFFFFD800  }
0x7c: {  	_ =	swait.ge [sflag:s17], $0x50  }
0x7d: {  	[sflag:s17] =	ssyncset.done $0x0  }
0x7e: {  	s29 =	simm.s32 $0x280;
	s10 =	simm.s32 $0x1E;
	[sflag:s17] =	ssyncadd.s32 $0xFFFFFFB0  }
.LBB2_2:
0x7f: {  	[spmem:s1] =	stream.indirect.scatter.add.f32 [tilespmem:s13], [sflag:$0x6], $0x80, s11, s0, $0xb8;
	[tilespmem:$0x1C600] =	vst v63  }
0x80: {  	s12 =	smov.u32 s10  }
0x81: {  	p1 =	sne.s32 s10, $0x23A;
	s10 =	sadd.s32 $0x1E, s10;
	_ =	swait.ge [sflag:s24], $0x2800  }
0x82: {  	[sflag:s24] =	ssyncset.done $0x0  }
0x83: {  	s7 =	sadd.s32 s12, s20;
	[sflag:s24] =	ssyncadd.s32 $0xFFFFD800  }
0x84: {  	[tilespmem:s31], [sflag:$0x7] =	stream.linear.gather [hbm4b:s7+s2], $0x50, $0x38;
	[tilespmem:$0x1C600] =	vst v63  }
0x85: {  	s7 =	sadd.s32 $0xFFFFFF60, s29  }
0x86: {  	[tilespmem:s3], [sflag:$0x1] =	stream.indirect.gather [hbm4b:s4+s0], $0x80, s7, s0, $0xb8;
	[tilespmem:$0x1C600] =	vst v63  }
0x87: {  	_ =	swait.ge [sflag:s25], $0x2800  }
0x88: {  	[sflag:s25] =	ssyncset.done $0x0  }
0x89: {  	s7 =	sadd.s32 s12, s19;
	[sflag:s25] =	ssyncadd.s32 $0xFFFFD800  }
0x8a: {  	[tilespmem:s5], [sflag:$0x8] =	stream.linear.gather [hbm4b:s7+s2], $0x50, $0x38;
	[tilespmem:$0x1C600] =	vst v63  }
0x8b: {  	s7 =	sadd.s32 $0xFFFFFFB0, s29  }
0x8c: {  	[tilespmem:s6], [sflag:$0x2] =	stream.indirect.gather [hbm4b:s4+s0], $0x80, s7, s0, $0xb8;
	[tilespmem:$0x1C600] =	vst v63  }
0x8d: {  	_ =	swait.ge [sflag:s8], $0x2800  }
0x8e: {  	[sflag:s8] =	ssyncset.done $0x0  }
0x8f: {  	[sflag:s8] =	ssyncadd.s32 $0xFFFFD800  }
0x90: {  	_ =	swait.ge [sflag:s9], $0x50  }
0x91: {  	[sflag:s9] =	ssyncset.done $0x0  }
0x92: {  	[sflag:s9] =	ssyncadd.s32 $0xFFFFFFB0  }
0x93: {  	[spmem:s1] =	stream.indirect.scatter.add.f32 [tilespmem:s3], [sflag:$0x4], $0x80, s31, s0, $0xb8;
	[tilespmem:$0x1C600] =	vst v63  }
0x94: {  	_ =	swait.ge [sflag:s26], $0x2800  }
0x95: {  	[sflag:s26] =	ssyncset.done $0x0  }
0x96: {  	s7 =	sadd.s32 s12, s18;
	[sflag:s26] =	ssyncadd.s32 $0xFFFFD800  }
0x97: {  	[tilespmem:s11], [sflag:$0x9] =	stream.linear.gather [hbm4b:s7+s2], $0x50, $0x38;
	[tilespmem:$0x1C600] =	vst v63  }
0x98: {  	_ = 	snop  }
0x99: {  	[tilespmem:s13], [sflag:$0x3] =	stream.indirect.gather [hbm4b:s4+s0], $0x80, s29, s0, $0xb8;
	[tilespmem:$0x1C600] =	vst v63  }
0x9a: {  	_ =	swait.ge [sflag:s14], $0x2800  }
0x9b: {  	[sflag:s14] =	ssyncset.done $0x0  }
0x9c: {  	[sflag:s14] =	ssyncadd.s32 $0xFFFFD800  }
0x9d: {  	_ =	swait.ge [sflag:s15], $0x50  }
0x9e: {  	[sflag:s15] =	ssyncset.done $0x0  }
0x9f: {  	[sflag:s15] =	ssyncadd.s32 $0xFFFFFFB0  }
0xa0: {  	[spmem:s1] =	stream.indirect.scatter.add.f32 [tilespmem:s6], [sflag:$0x5], $0x80, s5, s0, $0xb8;
	[tilespmem:$0x1C600] =	vst v63  }
0xa1: {  	_ =	swait.ge [sflag:s16], $0x2800  }
.Ltmp0:
0xa2: {  	[sflag:s16] =	ssyncset.done $0x0;
	(pc) =	sbr.rel @p1 .LBB2_2-.Ltmp0, $4  }
0xa3: {  	[sflag:s16] =	ssyncadd.s32 $0xFFFFD800  }
0xa4: {  	_ =	swait.ge [sflag:s17], $0x50  }
0xa5: {  	[sflag:s17] =	ssyncset.done $0x0  }
0xa6: {  	s29 =	sadd.s32 $0xF0, s29;
	[sflag:s17] =	ssyncadd.s32 $0xFFFFFFB0  }
0xa7: {  	[spmem:s1] =	stream.indirect.scatter.add.f32 [tilespmem:s13], [sflag:$0x6], $0x80, s11, s0, $0xb8;
	[tilespmem:$0x1C600] =	vst v63  }
0xa8: {  	s7 =	simm.s32 $0x0;
	s10 =	rddreg [dreg:$0xc]  }
0xa9: {  	[tilespmem:s7], [sflag:$0xA] =	stream.linear.gather [hbm4b:s10+s7], $0x1360, $0x38;
	[tilespmem:$0x1C600] =	vst v63  }
0xaa: {  	_ =	swait.ge [sflag:s30], $0x1360  }
0xab: {  	[sflag:s30] =	ssyncset.done $0x0  }
0xac: {  	[sflag:s30] =	ssyncadd.s32 $0xFFFFECA0  }
0xad: {  	_ =	swait.ge [sflag:s24], $0x2800  }
0xae: {  	[sflag:s24] =	ssyncset.done $0x0  }
0xaf: {  	s12 =	rddreg [dreg:$0xd];
	[sflag:s24] =	ssyncadd.s32 $0xFFFFD800  }
0xb0: {  	[tilespmem:s31], [sflag:$0x7] =	stream.linear.gather [hbm4b:s12+s7], $0x50, $0x38;
	[tilespmem:$0x1C600] =	vst v63  }
0xb1: {  	_ = 	snop  }
0xb2: {  	[tilespmem:s3], [sflag:$0x1] =	stream.indirect.gather [hbm4b:s4+s0], $0x80, s7, s0, $0xb8;
	[tilespmem:$0x1C600] =	vst v63  }
0xb3: {  	_ =	swait.ge [sflag:s25], $0x2800  }
0xb4: {  	[sflag:s25] =	ssyncset.done $0x0  }
0xb5: {  	s12 =	rddreg [dreg:$0x10];
	[sflag:s25] =	ssyncadd.s32 $0xFFFFD800  }
0xb6: {  	[tilespmem:s5], [sflag:$0x8] =	stream.linear.gather [hbm4b:s12+s7], $0x50, $0x38;
	[tilespmem:$0x1C600] =	vst v63  }
0xb7: {  	_ = 	snop  }
0xb8: {  	[tilespmem:s6], [sflag:$0x2] =	stream.indirect.gather [hbm4b:s4+s0], $0x80, s0, s0, $0xb8;
	[tilespmem:$0x1C600] =	vst v63  }
0xb9: {  	_ =	swait.ge [sflag:s8], $0x2800  }
0xba: {  	[sflag:s8] =	ssyncset.done $0x0  }
0xbb: {  	[sflag:s8] =	ssyncadd.s32 $0xFFFFD800  }
0xbc: {  	_ =	swait.ge [sflag:s9], $0x50  }
0xbd: {  	[sflag:s9] =	ssyncset.done $0x0  }
0xbe: {  	[sflag:s9] =	ssyncadd.s32 $0xFFFFFFB0  }
0xbf: {  	[spmem:s1] =	stream.indirect.scatter.add.f32 [tilespmem:s3], [sflag:$0x4], $0x80, s31, s0, $0xb8;
	[tilespmem:$0x1C600] =	vst v63  }
0xc0: {  	_ =	swait.ge [sflag:s26], $0x2800  }
0xc1: {  	[sflag:s26] =	ssyncset.done $0x0  }
0xc2: {  	s12 =	rddreg [dreg:$0x12];
	[sflag:s26] =	ssyncadd.s32 $0xFFFFD800  }
0xc3: {  	[tilespmem:s11], [sflag:$0x9] =	stream.linear.gather [hbm4b:s12+s7], $0x50, $0x38;
	[tilespmem:$0x1C600] =	vst v63  }
0xc4: {  	s12 =	simm.s32 $0xA0  }
0xc5: {  	[tilespmem:s13], [sflag:$0x3] =	stream.indirect.gather [hbm4b:s4+s0], $0x80, s12, s0, $0xb8;
	[tilespmem:$0x1C600] =	vst v63  }
0xc6: {  	_ =	swait.ge [sflag:s14], $0x2800  }
0xc7: {  	[sflag:s14] =	ssyncset.done $0x0  }
0xc8: {  	[sflag:s14] =	ssyncadd.s32 $0xFFFFD800  }
0xc9: {  	_ =	swait.ge [sflag:s15], $0x50  }
0xca: {  	[sflag:s15] =	ssyncset.done $0x0  }
0xcb: {  	[sflag:s15] =	ssyncadd.s32 $0xFFFFFFB0  }
0xcc: {  	[spmem:s1] =	stream.indirect.scatter.add.f32 [tilespmem:s6], [sflag:$0x5], $0x80, s5, s0, $0xb8;
	[tilespmem:$0x1C600] =	vst v63  }
0xcd: {  	_ =	swait.ge [sflag:s16], $0x2800  }
0xce: {  	[sflag:s16] =	ssyncset.done $0x0  }
0xcf: {  	[sflag:s16] =	ssyncadd.s32 $0xFFFFD800  }
0xd0: {  	_ =	swait.ge [sflag:s17], $0x50  }
0xd1: {  	[sflag:s17] =	ssyncset.done $0x0  }
0xd2: {  	[sflag:s17] =	ssyncadd.s32 $0xFFFFFFB0  }
0xd3: {  	[spmem:s1] =	stream.indirect.scatter.add.f32 [tilespmem:s13], [sflag:$0x6], $0x80, s11, s0, $0xb8;
	[tilespmem:$0x1C600] =	vst v63  }
0xd4: {  	_ =	swait.ge [sflag:s24], $0x2800  }
0xd5: {  	[sflag:s24] =	ssyncset.done $0x0  }
0xd6: {  	s10 =	sadd.s32 $0x0, s23;
	[sflag:s24] =	ssyncadd.s32 $0xFFFFD800  }
0xd7: {  	[tilespmem:s31], [sflag:$0x7] =	stream.linear.gather [hbm4b:s10+s2], $0x50, $0x38;
	[tilespmem:$0x1C600] =	vst v63  }
0xd8: {  	s12 =	simm.s32 $0xF0  }
0xd9: {  	[tilespmem:s3], [sflag:$0x1] =	stream.indirect.gather [hbm4b:s4+s0], $0x80, s12, s0, $0xb8;
	[tilespmem:$0x1C600] =	vst v63  }
0xda: {  	_ =	swait.ge [sflag:s25], $0x2800  }
0xdb: {  	[sflag:s25] =	ssyncset.done $0x0  }
0xdc: {  	s10 =	sadd.s32 $0x0, s22;
	[sflag:s25] =	ssyncadd.s32 $0xFFFFD800  }
0xdd: {  	[tilespmem:s5], [sflag:$0x8] =	stream.linear.gather [hbm4b:s10+s2], $0x50, $0x38;
	[tilespmem:$0x1C600] =	vst v63  }
0xde: {  	s12 =	simm.s32 $0x140  }
0xdf: {  	[tilespmem:s6], [sflag:$0x2] =	stream.indirect.gather [hbm4b:s4+s0], $0x80, s12, s0, $0xb8;
	[tilespmem:$0x1C600] =	vst v63  }
0xe0: {  	_ =	swait.ge [sflag:s8], $0x2800  }
0xe1: {  	[sflag:s8] =	ssyncset.done $0x0  }
0xe2: {  	[sflag:s8] =	ssyncadd.s32 $0xFFFFD800  }
0xe3: {  	_ =	swait.ge [sflag:s9], $0x50  }
0xe4: {  	[sflag:s9] =	ssyncset.done $0x0  }
0xe5: {  	[sflag:s9] =	ssyncadd.s32 $0xFFFFFFB0  }
0xe6: {  	[spmem:s1] =	stream.indirect.scatter.add.f32 [tilespmem:s3], [sflag:$0x4], $0x80, s31, s0, $0xb8;
	[tilespmem:$0x1C600] =	vst v63  }
0xe7: {  	_ =	swait.ge [sflag:s26], $0x2800  }
0xe8: {  	[sflag:s26] =	ssyncset.done $0x0  }
0xe9: {  	s10 =	sadd.s32 $0x0, s21;
	[sflag:s26] =	ssyncadd.s32 $0xFFFFD800  }
0xea: {  	[tilespmem:s11], [sflag:$0x9] =	stream.linear.gather [hbm4b:s10+s2], $0x50, $0x38;
	[tilespmem:$0x1C600] =	vst v63  }
0xeb: {  	s12 =	simm.s32 $0x190  }
0xec: {  	[tilespmem:s13], [sflag:$0x3] =	stream.indirect.gather [hbm4b:s4+s0], $0x80, s12, s0, $0xb8;
	[tilespmem:$0x1C600] =	vst v63  }
0xed: {  	_ =	swait.ge [sflag:s14], $0x2800  }
0xee: {  	[sflag:s14] =	ssyncset.done $0x0  }
0xef: {  	[sflag:s14] =	ssyncadd.s32 $0xFFFFD800  }
0xf0: {  	_ =	swait.ge [sflag:s15], $0x50  }
0xf1: {  	[sflag:s15] =	ssyncset.done $0x0  }
0xf2: {  	[sflag:s15] =	ssyncadd.s32 $0xFFFFFFB0  }
0xf3: {  	[spmem:s1] =	stream.indirect.scatter.add.f32 [tilespmem:s6], [sflag:$0x5], $0x80, s5, s0, $0xb8;
	[tilespmem:$0x1C600] =	vst v63  }
0xf4: {  	_ =	swait.ge [sflag:s16], $0x2800  }
0xf5: {  	[sflag:s16] =	ssyncset.done $0x0  }
0xf6: {  	[sflag:s16] =	ssyncadd.s32 $0xFFFFD800  }
0xf7: {  	_ =	swait.ge [sflag:s17], $0x50  }
0xf8: {  	[sflag:s17] =	ssyncset.done $0x0  }
0xf9: {  	s29 =	simm.s32 $0x280;
	s10 =	simm.s32 $0x1E;
	[sflag:s17] =	ssyncadd.s32 $0xFFFFFFB0  }
.LBB2_4:
0xfa: {  	[spmem:s1] =	stream.indirect.scatter.add.f32 [tilespmem:s13], [sflag:$0x6], $0x80, s11, s0, $0xb8;
	[tilespmem:$0x1C600] =	vst v63  }
0xfb: {  	s7 =	smov.u32 s10  }
0xfc: {  	p1 =	sne.s32 s10, $0x21C;
	s10 =	sadd.s32 $0x1E, s10;
	_ =	swait.ge [sflag:s24], $0x2800  }
0xfd: {  	[sflag:s24] =	ssyncset.done $0x0  }
0xfe: {  	s12 =	sadd.s32 s7, s23;
	[sflag:s24] =	ssyncadd.s32 $0xFFFFD800  }
0xff: {  	[tilespmem:s31], [sflag:$0x7] =	stream.linear.gather [hbm4b:s12+s2], $0x50, $0x38;
	[tilespmem:$0x1C600] =	vst v63  }
0x100: {  	s12 =	sadd.s32 $0xFFFFFF60, s29  }
0x101: {  	[tilespmem:s3], [sflag:$0x1] =	stream.indirect.gather [hbm4b:s4+s0], $0x80, s12, s0, $0xb8;
	[tilespmem:$0x1C600] =	vst v63  }
0x102: {  	_ =	swait.ge [sflag:s25], $0x2800  }
0x103: {  	[sflag:s25] =	ssyncset.done $0x0  }
0x104: {  	s12 =	sadd.s32 s7, s22;
	[sflag:s25] =	ssyncadd.s32 $0xFFFFD800  }
0x105: {  	[tilespmem:s5], [sflag:$0x8] =	stream.linear.gather [hbm4b:s12+s2], $0x50, $0x38;
	[tilespmem:$0x1C600] =	vst v63  }
0x106: {  	s12 =	sadd.s32 $0xFFFFFFB0, s29  }
0x107: {  	[tilespmem:s6], [sflag:$0x2] =	stream.indirect.gather [hbm4b:s4+s0], $0x80, s12, s0, $0xb8;
	[tilespmem:$0x1C600] =	vst v63  }
0x108: {  	_ =	swait.ge [sflag:s8], $0x2800  }
0x109: {  	[sflag:s8] =	ssyncset.done $0x0  }
0x10a: {  	[sflag:s8] =	ssyncadd.s32 $0xFFFFD800  }
0x10b: {  	_ =	swait.ge [sflag:s9], $0x50  }
0x10c: {  	[sflag:s9] =	ssyncset.done $0x0  }
0x10d: {  	[sflag:s9] =	ssyncadd.s32 $0xFFFFFFB0  }
0x10e: {  	[spmem:s1] =	stream.indirect.scatter.add.f32 [tilespmem:s3], [sflag:$0x4], $0x80, s31, s0, $0xb8;
	[tilespmem:$0x1C600] =	vst v63  }
0x10f: {  	_ =	swait.ge [sflag:s26], $0x2800  }
0x110: {  	[sflag:s26] =	ssyncset.done $0x0  }
0x111: {  	s7 =	sadd.s32 s7, s21;
	[sflag:s26] =	ssyncadd.s32 $0xFFFFD800  }
0x112: {  	[tilespmem:s11], [sflag:$0x9] =	stream.linear.gather [hbm4b:s7+s2], $0x50, $0x38;
	[tilespmem:$0x1C600] =	vst v63  }
0x113: {  	_ = 	snop  }
0x114: {  	[tilespmem:s13], [sflag:$0x3] =	stream.indirect.gather [hbm4b:s4+s0], $0x80, s29, s0, $0xb8;
	[tilespmem:$0x1C600] =	vst v63  }
0x115: {  	_ =	swait.ge [sflag:s14], $0x2800  }
0x116: {  	[sflag:s14] =	ssyncset.done $0x0  }
0x117: {  	[sflag:s14] =	ssyncadd.s32 $0xFFFFD800  }
0x118: {  	_ =	swait.ge [sflag:s15], $0x50  }
0x119: {  	[sflag:s15] =	ssyncset.done $0x0  }
0x11a: {  	[sflag:s15] =	ssyncadd.s32 $0xFFFFFFB0  }
0x11b: {  	[spmem:s1] =	stream.indirect.scatter.add.f32 [tilespmem:s6], [sflag:$0x5], $0x80, s5, s0, $0xb8;
	[tilespmem:$0x1C600] =	vst v63  }
0x11c: {  	_ =	swait.ge [sflag:s16], $0x2800  }
.Ltmp1:
0x11d: {  	[sflag:s16] =	ssyncset.done $0x0;
	(pc) =	sbr.rel @p1 .LBB2_4-.Ltmp1, $4  }
0x11e: {  	[sflag:s16] =	ssyncadd.s32 $0xFFFFD800  }
0x11f: {  	_ =	swait.ge [sflag:s17], $0x50  }
0x120: {  	[sflag:s17] =	ssyncset.done $0x0  }
0x121: {  	s29 =	sadd.s32 $0xF0, s29;
	[sflag:s17] =	ssyncadd.s32 $0xFFFFFFB0  }
0x122: {  	[spmem:s1] =	stream.indirect.scatter.add.f32 [tilespmem:s13], [sflag:$0x6], $0x80, s11, s0, $0xb8;
	[tilespmem:$0x1C600] =	vst v63  }
0x123: {  	_ =	swait.ge [sflag:s24], $0x2800  }
0x124: {  	[sflag:s24] =	ssyncset.done $0x0  }
0x125: {  	s7 =	rddreg [dreg:$0x13];
	[sflag:s24] =	ssyncadd.s32 $0xFFFFD800  }
0x126: {  	[tilespmem:s31], [sflag:$0x7] =	stream.linear.gather [hbm4b:s7+s2], $0x50, $0x38;
	[tilespmem:$0x1C600] =	vst v63  }
0x127: {  	s10 =	simm.s32 $0x12C0  }
0x128: {  	[tilespmem:s3], [sflag:$0x1] =	stream.indirect.gather [hbm4b:s4+s0], $0x80, s10, s0, $0xb8;
	[tilespmem:$0x1C600] =	vst v63  }
0x129: {  	_ =	swait.ge [sflag:s8], $0x2800  }
0x12a: {  	[sflag:s8] =	ssyncset.done $0x0  }
0x12b: {  	[sflag:s8] =	ssyncadd.s32 $0xFFFFD800  }
0x12c: {  	_ =	swait.ge [sflag:s9], $0x50  }
0x12d: {  	[sflag:s9] =	ssyncset.done $0x0  }
0x12e: {  	[sflag:s9] =	ssyncadd.s32 $0xFFFFFFB0  }
0x12f: {  	[spmem:s1] =	stream.indirect.scatter.add.f32 [tilespmem:s3], [sflag:$0x4], $0x80, s31, s0, $0xb8;
	[tilespmem:$0x1C600] =	vst v63  }
0x130: {  	_ =	swait.ge [sflag:s25], $0x2800  }
0x131: {  	[sflag:s25] =	ssyncset.done $0x0  }
0x132: {  	s12 =	rddreg [dreg:$0x14];
	[sflag:s25] =	ssyncadd.s32 $0xFFFFD800  }
0x133: {  	[tilespmem:s5], [sflag:$0x8] =	stream.linear.gather [hbm4b:s12+s2], $0x50, $0x38;
	[tilespmem:$0x1C600] =	vst v63  }
0x134: {  	s10 =	simm.s32 $0x1310  }
0x135: {  	[tilespmem:s6], [sflag:$0x2] =	stream.indirect.gather [hbm4b:s4+s0], $0x80, s10, s0, $0xb8;
	[tilespmem:$0x1C600] =	vst v63  }
0x136: {  	_ =	swait.ge [sflag:s14], $0x2800  }
0x137: {  	[sflag:s14] =	ssyncset.done $0x0  }
0x138: {  	[sflag:s14] =	ssyncadd.s32 $0xFFFFD800  }
0x139: {  	_ =	swait.ge [sflag:s15], $0x50  }
0x13a: {  	[sflag:s15] =	ssyncset.done $0x0  }
0x13b: {  	[sflag:s15] =	ssyncadd.s32 $0xFFFFFFB0  }
0x13c: {  	[spmem:s1] =	stream.indirect.scatter.add.f32 [tilespmem:s6], [sflag:$0x5], $0x80, s5, s0, $0xb8;
	[tilespmem:$0x1C600] =	vst v63  }
0x13d: {  	_ =	swait.ge [sflag:s24], $0x2800  }
0x13e: {  	[sflag:s24] =	ssyncset.done $0x0  }
0x13f: {  	[sflag:s24] =	ssyncadd.s32 $0xFFFFD800  }
0x140: {  	_ =	swait.ge [sflag:s25], $0x2800  }
0x141: {  	[sflag:s25] =	ssyncset.done $0x0  }
0x142: {  	[sflag:s25] =	ssyncadd.s32 $0xFFFFD800  }
0x143: {  	_ =	swait.ge [sflag:s26], $0x2800  }
0x144: {  	[sflag:s26] =	ssyncset.done $0x0  }
0x145: {  	[sflag:s26] =	ssyncadd.s32 $0xFFFFD800  }
0x146: {  	[bflag:$0x0] =	sbarrier.arrive $0xFFFF  }
0x147: {  	s29 =	rddreg [dreg:$0x5]  }
0x148: {  	s12 =	rddreg [dreg:$0xe]  }
0x149: {  	s10 =	rddreg [dreg:$0x15]  }
0x14a: {  	[hbm:s12], [sflag:s29] =	dma.local [spmem:s10], $0x1900  }
0x14b: {  	_ =	swait.ge [sflag:s30], $0x1900  }
0x14c: {  	[sflag:s30] =	ssyncset.done $0x0;
	s7 =	rddreg [dreg:$0xf]  }
0x14d: {  	s10 =	rddreg [dreg:$0x16];
	[sflag:s30] =	ssyncadd.s32 $0xFFFFE700  }
0x14e: {  	[hbm:s7], [sflag:s29] =	dma.local @!p0 [spmem:s10], $0xF00  }
0x14f: {  	s7 =	simm.s32 @!p0 $0xA  }
0x150: {  	_ =	swait.ge @!p0 [sflag:s7], $0xF00  }
0x151: {  	s28 =	sadd.s32 $0x1, s28;
	s12 =	rddreg [dreg:$0x11]  }
0x152: {  	p1 =	sne.s32 s28, s12  }
.Ltmp2:
0x153: {  	_ = 	snop;
	(pc) =	sbr.rel @p1 .LBB2_1-.Ltmp2, $3  }
0x154: {  	_ =	sdelay $0x1  }
0x155: {  	[sflag:s7] =	ssyncset.done @!p0 $0x0  }
0x156: {  	[sflag:s7] =	ssyncadd.s32 @!p0 $0xFFFFF100  }
0x157: {  	_ =	sfence.sel $0x180000  }
0x158: {  	[bflag:$0x0] =	sbarrier.arrive $0xFFFF  }
0x159: {  	_ =	strace $0x9000004A  }
0x15a: {  	s0 =	stileid.u32;
	[bflag:$0x2] =	sbarrier.arrive $0xFFFF  }
0x15b: {  	p0 =	sne.s32 s0, $0x0;
	s0 =	rddreg [dreg:$0x2]  }
0x15c: {  	s0 =	sadd.s32 @!p0 $0x100000, s0  }
0x15d: {  	[sflag:s0] =	ssyncadd.tile.s32 @!p0 $0x1;
	_ =	shalt  }
.Lfunc_end2:
_tile_overlayer_lowered:
.L_overlay_start_2:
0x15e: {  	(tag) =	ssettag $0x2  }
0x15f: {  	s0 =	rddreg [dreg:$0x0];
	s2 =	stileid.u32  }
0x160: {  	s1 =	rddreg [dreg:$0x1];
	p0 =	sne.s32 s2, $0x0  }
0x161: {  	s3 =	rddreg [dreg:$0x2];
	[bflag:$0x3] =	sbarrier.arrive $0xFFFF;
	s2 =	simm.s32 @!p0 $0x1C0A  }
0x162: {  	[timem:s3], [sflag:s2] =	dma.local @!p0 [hbm:s0], s1  }
0x163: {  	s0 =	simm.s32 @!p0 $0xA  }
0x164: {  	_ =	swait.ge @!p0 [sflag:s0], s1  }
0x165: {  	s1 =	ssub.s32 @!p0 $0x0, s1;
	[sflag:s0] =	ssyncset.done @!p0 $0x0  }
0x166: {  	[sflag:s0] =	ssyncadd.s32 @!p0 s1  }
0x167: {  	[bflag:$0x3] =	sbarrier.arrive $0xFFFF  }
0x168: {  	_ =	shalt  }

</sc_bundles>
